<compile_context>
chip_gen: v7x
topology: tpu7x:2x2x1
jax: 0.10.2.dev20260603
libtpu: 0.0.44.dev20260713+nightly
codegen_flags: <defaults>
</compile_context>

<pallas_src>
import functools

import jax
import jax.numpy as jnp
from jax import lax
from jax.experimental import pallas as pl
from jax.experimental.pallas import tpu as pltpu
from jax.experimental.pallas import tpu_sc as plsc

N = 10000
E = 320000
D = 128
DE = 16
H = 4
DH = D // H
L = 3
NG = 128
OUT = 5

NP = 10240




def _ale_body(ea_t_ref, aep_ref, out_ref):
    out_ref[...] = jnp.dot(aep_ref[...], ea_t_ref[...],
                           preferred_element_type=jnp.float32)


def _tc_ale(ea_t, aep_pad):
    be = 32000
    grid = E // be
    return pl.pallas_call(
        _ale_body,
        grid=(grid,),
        in_specs=[pl.BlockSpec((16, be), lambda i: (0, i)),
                  pl.BlockSpec((16, 16), lambda i: (0, 0))],
        out_specs=pl.BlockSpec((16, be), lambda i: (0, i)),
        out_shape=jax.ShapeDtypeStruct((16, E), jnp.float32),
    )(ea_t, aep_pad)


def _node0_body(x_t_ref, wt_ref, asd_ref, hw_ref, al_ref):
    hw = jnp.dot(wt_ref[...], x_t_ref[...], preferred_element_type=jnp.float32)
    hw_ref[...] = hw
    al_ref[...] = jnp.dot(asd_ref[...], hw, preferred_element_type=jnp.float32)


def _tc_node0(x_t, w_t, asd):
    return pl.pallas_call(
        _node0_body,
        in_specs=[pl.BlockSpec((D, NP), lambda: (0, 0)),
                  pl.BlockSpec((D, D), lambda: (0, 0)),
                  pl.BlockSpec((8, D), lambda: (0, 0))],
        out_specs=[pl.BlockSpec((D, NP), lambda: (0, 0)),
                   pl.BlockSpec((8, NP), lambda: (0, 0))],
        out_shape=[jax.ShapeDtypeStruct((D, NP), jnp.float32),
                   jax.ShapeDtypeStruct((8, NP), jnp.float32)],
    )(x_t, w_t, asd)


def _node_body(outh_ref, t_ref, bdt_ref, b_ref, wt_ref, asd_ref,
               hw_ref, al_ref):
    pre = (outh_ref[...] + jnp.dot(bdt_ref[...], t_ref[...],
                                   preferred_element_type=jnp.float32)
           + b_ref[...])
    h = jnp.where(pre > 0, pre, jnp.exp(pre) - 1.0)
    hw = jnp.dot(wt_ref[...], h, preferred_element_type=jnp.float32)
    hw_ref[...] = hw
    al_ref[...] = jnp.dot(asd_ref[...], hw, preferred_element_type=jnp.float32)


def _tc_node(outh_t, t_t, bd_t, bvec, w_t, asd):
    return pl.pallas_call(
        _node_body,
        in_specs=[pl.BlockSpec((D, NP), lambda: (0, 0)),
                  pl.BlockSpec((64, NP), lambda: (0, 0)),
                  pl.BlockSpec((D, 64), lambda: (0, 0)),
                  pl.BlockSpec((D, 1), lambda: (0, 0)),
                  pl.BlockSpec((D, D), lambda: (0, 0)),
                  pl.BlockSpec((8, D), lambda: (0, 0))],
        out_specs=[pl.BlockSpec((D, NP), lambda: (0, 0)),
                   pl.BlockSpec((8, NP), lambda: (0, 0))],
        out_shape=[jax.ShapeDtypeStruct((D, NP), jnp.float32),
                   jax.ShapeDtypeStruct((8, NP), jnp.float32)],
    )(outh_t, t_t, bd_t, bvec, w_t, asd)


def _final_body(outh_ref, t_ref, bdt_ref, b_ref, batch_ref, wout_ref,
                bout_ref, act_ref, a1_ref, b1_ref, a2_ref, b2_ref,
                v1a_ref, v1b_ref, vbias_ref, v2_ref, v2b_ref, out_ref):
    pre = (outh_ref[...] + jnp.dot(bdt_ref[...], t_ref[...],
                                   preferred_element_type=jnp.float32)
           + b_ref[...])
    h = jnp.where(pre > 0, pre, jnp.exp(pre) - 1.0)
    gids = jax.lax.broadcasted_iota(jnp.int32, (NG, NP), 0)
    onehot = (batch_ref[...] == gids).astype(jnp.float32)
    pooled = lax.dot_general(h, onehot, (((1,), (1,)), ((), ())),
                             preferred_element_type=jnp.float32)
    counts = jnp.sum(onehot, axis=1)[None, :]
    pooled = pooled / jnp.maximum(counts, 1.0)
    state = jnp.dot(wout_ref[...], pooled,
                    preferred_element_type=jnp.float32) + bout_ref[...]
    ah = jnp.maximum(jnp.dot(a1_ref[...], act_ref[...],
                             preferred_element_type=jnp.float32)
                     + b1_ref[...], 0.0)
    ah = jnp.dot(a2_ref[...], ah,
                 preferred_element_type=jnp.float32) + b2_ref[...]
    v = (jnp.dot(v1a_ref[...], state, preferred_element_type=jnp.float32)
         + jnp.dot(v1b_ref[...], ah, preferred_element_type=jnp.float32)
         + vbias_ref[...])
    v = jnp.maximum(v, 0.0)
    out_ref[...] = jnp.dot(v2_ref[...], v,
                           preferred_element_type=jnp.float32) + v2b_ref[...]


def _tc_final(outh_t, t_t, bd_t, bvec, batch_pad, wout_p, bout_p, act_t,
              a1_p, b1_p, a2_p, b2_p, v1a_p, v1b_p, vbias_p, v2_p, v2b_p):
    full = lambda *s: pl.BlockSpec(s, lambda *_: tuple(0 for _ in s))
    return pl.pallas_call(
        _final_body,
        in_specs=[full(D, NP), full(64, NP), full(D, 64), full(D, 1),
                  full(1, NP), full(8, D), full(8, 1), full(8, NG),
                  full(8, 8), full(8, 1), full(8, 8), full(8, 1),
                  full(8, 8), full(8, 8), full(8, 1), full(8, 8), full(8, 1)],
        out_specs=full(8, NG),
        out_shape=jax.ShapeDtypeStruct((8, NG), jnp.float32),
    )(outh_t, t_t, bd_t, bvec, batch_pad, wout_p, bout_p, act_t,
      a1_p, b1_p, a2_p, b2_p, v1a_p, v1b_p, vbias_p, v2_p, v2b_p)



C1 = 2560
C2 = 2560
NC1 = E // C1
NSEG = NP // 8


def _zero_ref(ref, n):
    z = jnp.zeros((16,), jnp.float32)

    def body(i, _):
        ref[pl.ds(i * 16, 16)] = z
        return 0

    lax.fori_loop(0, n // 16, body, 0)


def _sc1(alsald, ale4, src, dst):
    mesh = plsc.VectorSubcoreMesh(core_axis_name="c", subcore_axis_name="s")

    @functools.partial(
        pl.kernel,
        out_type=[jax.ShapeDtypeStruct((4, 1, E), jnp.float32),
                  jax.ShapeDtypeStruct((4, 1, NP), jnp.float32)],
        mesh=mesh,
        scratch_types=[
            pltpu.VMEM((NP,), jnp.float32),
            pltpu.VMEM((NP,), jnp.float32),
            pltpu.VMEM((NP,), jnp.float32),
            pltpu.VMEM((C1,), jnp.int32),
            pltpu.VMEM((C1,), jnp.int32),
            pltpu.VMEM((C1,), jnp.float32),
            pltpu.VMEM((C1,), jnp.float32),
            pltpu.VMEM((8, NSEG), jnp.float32),
            pltpu.VMEM((NSEG,), jnp.float32),
            pltpu.VMEM_SHARED((16, 1, NP), jnp.float32),
        ],
        compiler_params=pltpu.CompilerParams(needs_layout_passes=False),
    )
    def k(alsald_h, ale_h, src_h, dst_h, ex_h, rd_h,
          als_v, ald_v, den_v, srcb, dstb, aleb, exb, tmp, obuf, shared):
        c = lax.axis_index("c")
        s = lax.axis_index("s")
        head = 2 * c + s // 8
        stripe = s % 8
        pltpu.sync_copy(alsald_h.at[head, 0], als_v)
        pltpu.sync_copy(alsald_h.at[head + 4, 0], ald_v)
        _zero_ref(den_v, NP)

        n_mine = (NC1 - stripe + 7) // 8

        def chunk(m, _):
            base = (stripe + 8 * m) * C1
            pltpu.sync_copy(src_h.at[pl.ds(base, C1)], srcb)
            pltpu.sync_copy(dst_h.at[pl.ds(base, C1)], dstb)
            pltpu.sync_copy(ale_h.at[head, 0, pl.ds(base, C1)], aleb)

            def step(i, _):
                sl = pl.ds(i * 16, 16)
                sv = srcb[sl]
                dv = dstb[sl]
                raw = (plsc.load_gather(als_v, [sv])
                       + plsc.load_gather(ald_v, [dv]) + aleb[sl])
                ex = jnp.exp(jnp.maximum(raw, 0.2 * raw))
                exb[sl] = ex
                plsc.addupdate_scatter(den_v, [dv], ex)
                return 0

            lax.fori_loop(0, C1 // 16, step, 0)
            pltpu.sync_copy(exb, ex_h.at[head, 0, pl.ds(base, C1)])
            return 0

        def chunk_guard(m, _):
            @pl.when(m < n_mine)
            def _():
                chunk(m, 0)
            return 0

        lax.fori_loop(0, (NC1 + 7) // 8, chunk_guard, 0)

        pltpu.sync_copy(den_v, shared.at[s, 0])
        plsc.subcore_barrier()
        g = s // 8
        j = s % 8
        pltpu.sync_copy(shared.at[pl.ds(g * 8, 8), 0, pl.ds(j * NSEG, NSEG)], tmp)

        def merge(i, _):
            sl = pl.ds(i * 16, 16)
            acc = tmp[0, sl]
            for kk in range(1, 8):
                acc = acc + tmp[kk, sl]
            obuf[sl] = 1.0 / (acc + 1e-16)
            return 0

        lax.fori_loop(0, NSEG // 16, merge, 0)
        pltpu.sync_copy(obuf, rd_h.at[head, 0, pl.ds(j * NSEG, NSEG)])

    return k(alsald, ale4, src, dst)


def _sc2(hw_t, ea_t, ex, rd, src, dst):
    mesh = plsc.VectorSubcoreMesh(core_axis_name="c", subcore_axis_name="s")

    @functools.partial(
        pl.kernel,
        out_type=[jax.ShapeDtypeStruct((D, 1, NP), jnp.float32),
                  jax.ShapeDtypeStruct((64, 1, NP), jnp.float32)],
        mesh=mesh,
        scratch_types=(
            [pltpu.VMEM((NP,), jnp.float32)] * 4
            + [pltpu.VMEM((NP,), jnp.float32)] * 4
            + [pltpu.VMEM((NP,), jnp.float32)] * 2
            + [pltpu.VMEM((NP,), jnp.float32)]
            + [pltpu.VMEM((C2,), jnp.int32)] * 2
            + [pltpu.VMEM((C2,), jnp.float32)] * 3
        ),
        compiler_params=pltpu.CompilerParams(needs_layout_passes=False),
    )
    def k(hw_h, ea_h, ex_h, rd_h, src_h, dst_h, out_h, t_h,
          hw0, hw1, hw2, hw3, out0, out1, out2, out3, t0, t1,
          rden, srcb, dstb, exb, ea0b, ea1b):
        c = lax.axis_index("c")
        s = lax.axis_index("s")
        w = 16 * c + s
        head = w // 8
        hws = [hw0, hw1, hw2, hw3]
        outs = [out0, out1, out2, out3]
        for kk in range(4):
            pltpu.sync_copy(hw_h.at[4 * w + kk, 0], hws[kk])
        pltpu.sync_copy(rd_h.at[head, 0], rden)
        for kk in range(4):
            _zero_ref(outs[kk], NP)
        _zero_ref(t0, NP)
        _zero_ref(t1, NP)

        def chunk(kk, _):
            base = kk * C2
            pltpu.sync_copy(src_h.at[pl.ds(base, C2)], srcb)
            pltpu.sync_copy(dst_h.at[pl.ds(base, C2)], dstb)
            pltpu.sync_copy(ex_h.at[head, 0, pl.ds(base, C2)], exb)
            pltpu.sync_copy(ea_h.at[2 * (w % 8), 0, pl.ds(base, C2)], ea0b)
            pltpu.sync_copy(ea_h.at[2 * (w % 8) + 1, 0, pl.ds(base, C2)],
                            ea1b)

            def step(i, _):
                sl = pl.ds(i * 16, 16)
                sv = srcb[sl]
                dv = dstb[sl]
                alpha = exb[sl] * plsc.load_gather(rden, [dv])
                for q in range(4):
                    gv = plsc.load_gather(hws[q], [sv])
                    plsc.addupdate_scatter(outs[q], [dv], alpha * gv)
                plsc.addupdate_scatter(t0, [dv], alpha * ea0b[sl])
                plsc.addupdate_scatter(t1, [dv], alpha * ea1b[sl])
                return 0

            lax.fori_loop(0, C2 // 16, step, 0)
            return 0

        lax.fori_loop(0, E // C2, chunk, 0)
        for kk in range(4):
            pltpu.sync_copy(outs[kk], out_h.at[4 * w + kk, 0])
        pltpu.sync_copy(t0, t_h.at[2 * w, 0])
        pltpu.sync_copy(t1, t_h.at[2 * w + 1, 0])

    return k(hw_t, ea_t, ex, rd, src, dst)


def _edge_phase(src, dst, alsald, ale4, hw_t, ea_t):
    ex, rd = _sc1(alsald.reshape(8, 1, NP), ale4.reshape(4, 1, E), src, dst)
    outh3, t3 = _sc2(hw_t.reshape(D, 1, NP), ea_t.reshape(16, 1, E),
                     ex, rd, src, dst)
    return outh3.reshape(D, NP), t3.reshape(64, NP)




def kernel(x, edge_index, edge_attr, batch, action, W, We, a_s, a_d, a_e, b,
           W_out, b_out, A1, b1, A2, b2, V1, v1, V2, v2):
    src, dst = edge_index[0], edge_index[1]
    x_t = jnp.pad(x, ((0, NP - N), (0, 0))).T
    ea_t = edge_attr.T
    batch_pad = jnp.pad(batch, (0, NP - N), constant_values=NG)

    aep = jnp.einsum('ldhx,lhx->dlh', We.reshape(L, DE, H, DH), a_e)
    aep_pad = jnp.pad(aep.reshape(DE, L * H), ((0, 0), (0, 16 - L * H))).T
    asd_all = []
    bd_all = []
    for l in range(L):
        asd = jnp.zeros((8, D), jnp.float32)
        for h in range(H):
            asd = asd.at[h, h * DH:(h + 1) * DH].set(a_s[l, h])
            asd = asd.at[4 + h, h * DH:(h + 1) * DH].set(a_d[l, h])
        asd_all.append(asd)
        bd = jnp.zeros((D, 64), jnp.float32)
        for h in range(H):
            bd = bd.at[h * DH:(h + 1) * DH, h * DE:(h + 1) * DE].set(
                We[l][:, h * DH:(h + 1) * DH].T)
        bd_all.append(bd)

    ale_all = _tc_ale(ea_t, aep_pad)

    outh_t = t_t = None
    for l in range(L):
        w_t = W[l].T
        if l == 0:
            hw_t, alsald = _tc_node0(x_t, w_t, asd_all[l])
        else:
            hw_t, alsald = _tc_node(outh_t, t_t, bd_all[l - 1],
                                    b[l - 1].reshape(D, 1), w_t, asd_all[l])
        ale4 = ale_all[l * 4:(l + 1) * 4]
        outh_t, t_t = _edge_phase(src, dst, alsald, ale4, hw_t, ea_t)

    pad2 = lambda m, r, c: jnp.pad(m, ((0, r - m.shape[0]), (0, c - m.shape[1])))
    wout_p = pad2(W_out.T, 8, D)
    bout_p = pad2(b_out.reshape(OUT, 1), 8, 1)
    act_t = pad2(action.T, 8, NG)
    a1_p, a2_p = pad2(A1.T, 8, 8), pad2(A2.T, 8, 8)
    b1_p = pad2(b1.reshape(OUT, 1), 8, 1)
    b2_p = pad2(b2.reshape(OUT, 1), 8, 1)
    v1a_p = pad2(V1[:OUT].T, 8, 8)
    v1b_p = pad2(V1[OUT:].T, 8, 8)
    vbias_p = pad2(v1.reshape(OUT, 1), 8, 1)
    v2_p = pad2(V2.T, 8, 8)
    v2b_p = pad2(v2.reshape(1, 1), 8, 1)

    out8 = _tc_final(outh_t, t_t, bd_all[L - 1], b[L - 1].reshape(D, 1),
                     batch_pad.reshape(1, NP), wout_p, bout_p, act_t,
                     a1_p, b1_p, a2_p, b2_p, v1a_p, v1b_p, vbias_p,
                     v2_p, v2b_p)
    return out8[0:1, :].T

# --- scband reference (transcript-rebuilt; emitter-appended) ---
"""Pipeline reference for scband-critic-42829413876110 (READ-ONLY COPY).

The authoritative reference and input builder live on the scoring server;
editing this copy changes nothing except your own understanding.
"""

import jax, jax.numpy as jnp
import numpy as np

N = 10000
E = 320000
D = 128
DE = 16
H = 4
DH = D // H
L = 3
NG = 128
OUT = 5


def setup_inputs(seed: int = 0):
    key = jax.random.key(seed)
    ks = jax.random.split(key, 24)
    inp = {}
    inp['x'] = jax.random.normal(ks[0], (N, D), dtype=jnp.float32)
    inp['edge_index'] = jax.random.randint(ks[1], (2, E), 0, N, dtype=jnp.int32)
    inp['edge_attr'] = jax.random.normal(ks[2], (E, DE), dtype=jnp.float32)
    inp['batch'] = jnp.sort(jax.random.randint(ks[3], (N,), 0, NG, dtype=jnp.int32))
    inp['action'] = jax.random.normal(ks[4], (NG, OUT), dtype=jnp.float32)
    # GAT layer parameters (stacked over propagation_depth layers)
    inp['W'] = 0.1 * jax.random.normal(ks[5], (L, D, D), dtype=jnp.float32)
    inp['We'] = 0.1 * jax.random.normal(ks[6], (L, DE, D), dtype=jnp.float32)
    inp['a_s'] = 0.1 * jax.random.normal(ks[7], (L, H, DH), dtype=jnp.float32)
    inp['a_d'] = 0.1 * jax.random.normal(ks[8], (L, H, DH), dtype=jnp.float32)
    inp['a_e'] = 0.1 * jax.random.normal(ks[9], (L, H, DH), dtype=jnp.float32)
    inp['b'] = jnp.zeros((L, D), dtype=jnp.float32)
    # state head readout to 5 dims
    inp['W_out'] = 0.1 * jax.random.normal(ks[10], (D, OUT), dtype=jnp.float32)
    inp['b_out'] = jnp.zeros((OUT,), dtype=jnp.float32)
    # action head: Linear(5,5) -> ReLU -> Linear(5,5)
    inp['A1'] = 0.5 * jax.random.normal(ks[11], (OUT, OUT), dtype=jnp.float32)
    inp['b1'] = jnp.zeros((OUT,), dtype=jnp.float32)
    inp['A2'] = 0.5 * jax.random.normal(ks[12], (OUT, OUT), dtype=jnp.float32)
    inp['b2'] = jnp.zeros((OUT,), dtype=jnp.float32)
    # value head: Linear(10,5) -> ReLU -> Linear(5,1)
    inp['V1'] = 0.5 * jax.random.normal(ks[13], (2 * OUT, OUT), dtype=jnp.float32)
    inp['v1'] = jnp.zeros((OUT,), dtype=jnp.float32)
    inp['V2'] = 0.5 * jax.random.normal(ks[14], (OUT, 1), dtype=jnp.float32)
    inp['v2'] = jnp.zeros((1,), dtype=jnp.float32)
    return inp


def _gat_layer(h, src, dst, e_attr, W, We, a_s, a_d, a_e, b):
    hW = (h @ W).reshape(N, H, DH)
    eW = (e_attr @ We).reshape(E, H, DH)
    al_s = jnp.sum(hW * a_s[None], axis=-1)   # [N,H]
    al_d = jnp.sum(hW * a_d[None], axis=-1)   # [N,H]
    al_e = jnp.sum(eW * a_e[None], axis=-1)   # [E,H]
    logits = jax.nn.leaky_relu(al_s[src] + al_d[dst] + al_e, 0.2)  # [E,H]
    m = jax.ops.segment_max(logits, dst, num_segments=N)
    m = jax.lax.stop_gradient(jnp.where(jnp.isfinite(m), m, 0.0))
    ex = jnp.exp(logits - m[dst])
    denom = jax.ops.segment_sum(ex, dst, num_segments=N)
    alpha = ex / (denom[dst] + 1e-16)                 # softmax over incoming edges
    msg = alpha[..., None] * (hW[src] + eW)           # [E,H,DH]
    out = jax.ops.segment_sum(msg, dst, num_segments=N).reshape(N, D) + b
    return jax.nn.elu(out)


def reference(x, edge_index, edge_attr, batch, action, W, We, a_s, a_d, a_e, b,
              W_out, b_out, A1, b1, A2, b2, V1, v1, V2, v2):
    src, dst = edge_index[0], edge_index[1]
    h = x
    for l in range(L):
        h = _gat_layer(h, src, dst, edge_attr, W[l], We[l], a_s[l], a_d[l], a_e[l], b[l])
    counts = jax.ops.segment_sum(jnp.ones((N,), jnp.float32), batch, num_segments=NG)
    pooled = jax.ops.segment_sum(h, batch, num_segments=NG) / jnp.maximum(counts, 1.0)[:, None]
    state_head = pooled @ W_out + b_out               # [NG, 5]
    action_head = jax.nn.relu(action @ A1 + b1) @ A2 + b2  # [NG, 5]
    z = jnp.concatenate([state_head, action_head], axis=-1)  # [NG, 10]
    value = jax.nn.relu(z @ V1 + v1) @ V2 + v2        # [NG, 1]
    return value

if __name__ == "__main__":
    import jax
    _d = setup_inputs()
    print(jax.jit(kernel)(*tuple(_d.values())))

</pallas_src>

<mosaic_0001>
#map = affine_map<(d0, d1) -> (0, 0, 0)>
#map1 = affine_map<(d0, d1) -> (0)>
module attributes {stable_mosaic.version = 14 : i64} {
  func.func @k(%arg0: i32, %arg1: i32, %arg2: memref<128x1x10240xf32, #tpu.memory_space<hbm>>, %arg3: memref<16x1x320000xf32, #tpu.memory_space<hbm>>, %arg4: memref<4x1x320000xf32, #tpu.memory_space<hbm>>, %arg5: memref<4x1x10240xf32, #tpu.memory_space<hbm>>, %arg6: memref<320000xi32, #tpu.memory_space<hbm>>, %arg7: memref<320000xi32, #tpu.memory_space<hbm>>, %arg8: memref<128x1x10240xf32, #tpu.memory_space<hbm>>, %arg9: memref<64x1x10240xf32, #tpu.memory_space<hbm>>, %arg10: memref<10240xf32, #tpu.memory_space<vmem>>, %arg11: memref<10240xf32, #tpu.memory_space<vmem>>, %arg12: memref<10240xf32, #tpu.memory_space<vmem>>, %arg13: memref<10240xf32, #tpu.memory_space<vmem>>, %arg14: memref<10240xf32, #tpu.memory_space<vmem>>, %arg15: memref<10240xf32, #tpu.memory_space<vmem>>, %arg16: memref<10240xf32, #tpu.memory_space<vmem>>, %arg17: memref<10240xf32, #tpu.memory_space<vmem>>, %arg18: memref<10240xf32, #tpu.memory_space<vmem>>, %arg19: memref<10240xf32, #tpu.memory_space<vmem>>, %arg20: memref<10240xf32, #tpu.memory_space<vmem>>, %arg21: memref<2560xi32, #tpu.memory_space<vmem>>, %arg22: memref<2560xi32, #tpu.memory_space<vmem>>, %arg23: memref<2560xf32, #tpu.memory_space<vmem>>, %arg24: memref<2560xf32, #tpu.memory_space<vmem>>, %arg25: memref<2560xf32, #tpu.memory_space<vmem>>) attributes {dimension_semantics = [#tpu.dimension_semantics<core_parallel>, #tpu.dimension_semantics<subcore_parallel>], iteration_bounds = array<i64: 2, 16>, scalar_prefetch = 0 : i64, scratch_operands = 16 : i64, tpu.core_type = #tpu.core_type<sc_vector_subcore>, window_params = [{transform_indices = #map}, {transform_indices = #map}, {transform_indices = #map}, {transform_indices = #map}, {transform_indices = #map1}, {transform_indices = #map1}, {transform_indices = #map}, {transform_indices = #map}]} {
    %mul3A = arith.constant 16 : i32
    %mul3A_0 = arith.muli %mul3A, %arg0 : i32
    %add3A = arith.addi %mul3A_0, %arg1 : i32
    %jit3A = arith.constant 8 : i32
    %div3A = arith.divsi %add3A, %jit3A : i32
    %sign3A = arith.constant 0 : i32
    %sign3A_1 = arith.cmpi sgt, %add3A, %sign3A : i32
    %sign3A_2 = arith.extui %sign3A_1 : i1 to i32
    %sign3A_3 = arith.constant 0 : i32
    %sign3A_4 = arith.cmpi slt, %add3A, %sign3A_3 : i32
    %sign3A_5 = arith.extui %sign3A_4 : i1 to i32
    %sign3A_6 = arith.subi %sign3A_2, %sign3A_5 : i32
    %sign3A_7 = arith.constant 0 : i32
    %sign3A_8 = arith.cmpi sgt, %jit3A, %sign3A_7 : i32
    %sign3A_9 = arith.extui %sign3A_8 : i1 to i32
    %sign3A_10 = arith.constant 0 : i32
    %sign3A_11 = arith.cmpi slt, %jit3A, %sign3A_10 : i32
    %sign3A_12 = arith.extui %sign3A_11 : i1 to i32
    %sign3A_13 = arith.subi %sign3A_9, %sign3A_12 : i32
    %ne3A = arith.cmpi ne, %sign3A_6, %sign3A_13 : i32
    %rem3A = arith.remsi %add3A, %jit3A : i32
    %ne3A_14 = arith.constant 0 : i32
    %ne3A_15 = arith.cmpi ne, %rem3A, %ne3A_14 : i32
    %and3A = arith.andi %ne3A, %ne3A_15 : i1
    %sub3A = arith.constant 1 : i32
    %sub3A_16 = arith.subi %div3A, %sub3A : i32
    %select_n3A = arith.select %and3A, %sub3A_16, %div3A : i32
    %mul3A_17 = arith.constant 4 : i32
    %mul3A_18 = arith.muli %mul3A_17, %add3A : i32
    %add3A_19 = arith.constant 0 : i32
    %add3A_20 = arith.addi %mul3A_18, %add3A_19 : i32
    %run_scoped3A = arith.constant 0 : i32
    "tpu.region"() ({
      %run_scoped3A_124 = tpu.sem_alloc : memref<!tpu.dma_semaphore, #tpu.memory_space<semaphore_mem>>
      %dma_start3A = arith.constant 0 : i32
      %dma_start3A_125 = tpu.memref_slice %arg2[%add3A_20, %run_scoped3A, %dma_start3A] : memref<128x1x10240xf32, #tpu.memory_space<hbm>> -> memref<1x1x10240xf32, #tpu.memory_space<hbm>>
      %dma_start3A_126 = tpu.memref_squeeze %dma_start3A_125 : memref<1x1x10240xf32, #tpu.memory_space<hbm>> -> memref<10240xf32, #tpu.memory_space<hbm>>
      %dma_start3A_127 = arith.constant 0 : i32
      %dma_start3A_128 = tpu.memref_slice %arg2[%add3A_20, %run_scoped3A, %dma_start3A_127] : memref<128x1x10240xf32, #tpu.memory_space<hbm>> -> memref<1x1x10240xf32, #tpu.memory_space<hbm>>
      %dma_start3A_129 = tpu.memref_squeeze %dma_start3A_128 : memref<1x1x10240xf32, #tpu.memory_space<hbm>> -> memref<10240xf32, #tpu.memory_space<hbm>>
      tpu.enqueue_dma source(%dma_start3A_129 : memref<10240xf32, #tpu.memory_space<hbm>>) target(%arg10 : memref<10240xf32, #tpu.memory_space<vmem>>) target_semaphore(%run_scoped3A_124 : memref<!tpu.dma_semaphore, #tpu.memory_space<semaphore_mem>>)
      %dma_wait3A = arith.constant 0 : i32
      %dma_wait3A_130 = tpu.memref_slice %arg2[%add3A_20, %run_scoped3A, %dma_wait3A] : memref<128x1x10240xf32, #tpu.memory_space<hbm>> -> memref<1x1x10240xf32, #tpu.memory_space<hbm>>
      %dma_wait3A_131 = tpu.memref_squeeze %dma_wait3A_130 : memref<1x1x10240xf32, #tpu.memory_space<hbm>> -> memref<10240xf32, #tpu.memory_space<hbm>>
      %dma_wait3A_132 = arith.constant 0 : i32
      %dma_wait3A_133 = tpu.memref_slice %arg2[%add3A_20, %run_scoped3A, %dma_wait3A_132] : memref<128x1x10240xf32, #tpu.memory_space<hbm>> -> memref<1x1x10240xf32, #tpu.memory_space<hbm>>
      %dma_wait3A_134 = tpu.memref_squeeze %dma_wait3A_133 : memref<1x1x10240xf32, #tpu.memory_space<hbm>> -> memref<10240xf32, #tpu.memory_space<hbm>>
      tpu.wait_dma2 semaphore(%run_scoped3A_124 : memref<!tpu.dma_semaphore, #tpu.memory_space<semaphore_mem>>) src(%dma_wait3A_134 : memref<10240xf32, #tpu.memory_space<hbm>>) dst(%arg10 : memref<10240xf32, #tpu.memory_space<vmem>>)
      tpu.yield
    }) : () -> ()
    %mul3A_21 = arith.constant 4 : i32
    %mul3A_22 = arith.muli %mul3A_21, %add3A : i32
    %add3A_23 = arith.constant 1 : i32
    %add3A_24 = arith.addi %mul3A_22, %add3A_23 : i32
    %run_scoped3A_25 = arith.constant 0 : i32
    "tpu.region"() ({
      %run_scoped3A_124 = tpu.sem_alloc : memref<!tpu.dma_semaphore, #tpu.memory_space<semaphore_mem>>
      %dma_start3A = arith.constant 0 : i32
      %dma_start3A_125 = tpu.memref_slice %arg2[%add3A_24, %run_scoped3A_25, %dma_start3A] : memref<128x1x10240xf32, #tpu.memory_space<hbm>> -> memref<1x1x10240xf32, #tpu.memory_space<hbm>>
      %dma_start3A_126 = tpu.memref_squeeze %dma_start3A_125 : memref<1x1x10240xf32, #tpu.memory_space<hbm>> -> memref<10240xf32, #tpu.memory_space<hbm>>
      %dma_start3A_127 = arith.constant 0 : i32
      %dma_start3A_128 = tpu.memref_slice %arg2[%add3A_24, %run_scoped3A_25, %dma_start3A_127] : memref<128x1x10240xf32, #tpu.memory_space<hbm>> -> memref<1x1x10240xf32, #tpu.memory_space<hbm>>
      %dma_start3A_129 = tpu.memref_squeeze %dma_start3A_128 : memref<1x1x10240xf32, #tpu.memory_space<hbm>> -> memref<10240xf32, #tpu.memory_space<hbm>>
      tpu.enqueue_dma source(%dma_start3A_129 : memref<10240xf32, #tpu.memory_space<hbm>>) target(%arg11 : memref<10240xf32, #tpu.memory_space<vmem>>) target_semaphore(%run_scoped3A_124 : memref<!tpu.dma_semaphore, #tpu.memory_space<semaphore_mem>>)
      %dma_wait3A = arith.constant 0 : i32
      %dma_wait3A_130 = tpu.memref_slice %arg2[%add3A_24, %run_scoped3A_25, %dma_wait3A] : memref<128x1x10240xf32, #tpu.memory_space<hbm>> -> memref<1x1x10240xf32, #tpu.memory_space<hbm>>
      %dma_wait3A_131 = tpu.memref_squeeze %dma_wait3A_130 : memref<1x1x10240xf32, #tpu.memory_space<hbm>> -> memref<10240xf32, #tpu.memory_space<hbm>>
      %dma_wait3A_132 = arith.constant 0 : i32
      %dma_wait3A_133 = tpu.memref_slice %arg2[%add3A_24, %run_scoped3A_25, %dma_wait3A_132] : memref<128x1x10240xf32, #tpu.memory_space<hbm>> -> memref<1x1x10240xf32, #tpu.memory_space<hbm>>
      %dma_wait3A_134 = tpu.memref_squeeze %dma_wait3A_133 : memref<1x1x10240xf32, #tpu.memory_space<hbm>> -> memref<10240xf32, #tpu.memory_space<hbm>>
      tpu.wait_dma2 semaphore(%run_scoped3A_124 : memref<!tpu.dma_semaphore, #tpu.memory_space<semaphore_mem>>) src(%dma_wait3A_134 : memref<10240xf32, #tpu.memory_space<hbm>>) dst(%arg11 : memref<10240xf32, #tpu.memory_space<vmem>>)
      tpu.yield
    }) : () -> ()
    %mul3A_26 = arith.constant 4 : i32
    %mul3A_27 = arith.muli %mul3A_26, %add3A : i32
    %add3A_28 = arith.constant 2 : i32
    %add3A_29 = arith.addi %mul3A_27, %add3A_28 : i32
    %run_scoped3A_30 = arith.constant 0 : i32
    "tpu.region"() ({
      %run_scoped3A_124 = tpu.sem_alloc : memref<!tpu.dma_semaphore, #tpu.memory_space<semaphore_mem>>
      %dma_start3A = arith.constant 0 : i32
      %dma_start3A_125 = tpu.memref_slice %arg2[%add3A_29, %run_scoped3A_30, %dma_start3A] : memref<128x1x10240xf32, #tpu.memory_space<hbm>> -> memref<1x1x10240xf32, #tpu.memory_space<hbm>>
      %dma_start3A_126 = tpu.memref_squeeze %dma_start3A_125 : memref<1x1x10240xf32, #tpu.memory_space<hbm>> -> memref<10240xf32, #tpu.memory_space<hbm>>
      %dma_start3A_127 = arith.constant 0 : i32
      %dma_start3A_128 = tpu.memref_slice %arg2[%add3A_29, %run_scoped3A_30, %dma_start3A_127] : memref<128x1x10240xf32, #tpu.memory_space<hbm>> -> memref<1x1x10240xf32, #tpu.memory_space<hbm>>
      %dma_start3A_129 = tpu.memref_squeeze %dma_start3A_128 : memref<1x1x10240xf32, #tpu.memory_space<hbm>> -> memref<10240xf32, #tpu.memory_space<hbm>>
      tpu.enqueue_dma source(%dma_start3A_129 : memref<10240xf32, #tpu.memory_space<hbm>>) target(%arg12 : memref<10240xf32, #tpu.memory_space<vmem>>) target_semaphore(%run_scoped3A_124 : memref<!tpu.dma_semaphore, #tpu.memory_space<semaphore_mem>>)
      %dma_wait3A = arith.constant 0 : i32
      %dma_wait3A_130 = tpu.memref_slice %arg2[%add3A_29, %run_scoped3A_30, %dma_wait3A] : memref<128x1x10240xf32, #tpu.memory_space<hbm>> -> memref<1x1x10240xf32, #tpu.memory_space<hbm>>
      %dma_wait3A_131 = tpu.memref_squeeze %dma_wait3A_130 : memref<1x1x10240xf32, #tpu.memory_space<hbm>> -> memref<10240xf32, #tpu.memory_space<hbm>>
      %dma_wait3A_132 = arith.constant 0 : i32
      %dma_wait3A_133 = tpu.memref_slice %arg2[%add3A_29, %run_scoped3A_30, %dma_wait3A_132] : memref<128x1x10240xf32, #tpu.memory_space<hbm>> -> memref<1x1x10240xf32, #tpu.memory_space<hbm>>
      %dma_wait3A_134 = tpu.memref_squeeze %dma_wait3A_133 : memref<1x1x10240xf32, #tpu.memory_space<hbm>> -> memref<10240xf32, #tpu.memory_space<hbm>>
      tpu.wait_dma2 semaphore(%run_scoped3A_124 : memref<!tpu.dma_semaphore, #tpu.memory_space<semaphore_mem>>) src(%dma_wait3A_134 : memref<10240xf32, #tpu.memory_space<hbm>>) dst(%arg12 : memref<10240xf32, #tpu.memory_space<vmem>>)
      tpu.yield
    }) : () -> ()
    %mul3A_31 = arith.constant 4 : i32
    %mul3A_32 = arith.muli %mul3A_31, %add3A : i32
    %add3A_33 = arith.constant 3 : i32
    %add3A_34 = arith.addi %mul3A_32, %add3A_33 : i32
    %run_scoped3A_35 = arith.constant 0 : i32
    "tpu.region"() ({
      %run_scoped3A_124 = tpu.sem_alloc : memref<!tpu.dma_semaphore, #tpu.memory_space<semaphore_mem>>
      %dma_start3A = arith.constant 0 : i32
      %dma_start3A_125 = tpu.memref_slice %arg2[%add3A_34, %run_scoped3A_35, %dma_start3A] : memref<128x1x10240xf32, #tpu.memory_space<hbm>> -> memref<1x1x10240xf32, #tpu.memory_space<hbm>>
      %dma_start3A_126 = tpu.memref_squeeze %dma_start3A_125 : memref<1x1x10240xf32, #tpu.memory_space<hbm>> -> memref<10240xf32, #tpu.memory_space<hbm>>
      %dma_start3A_127 = arith.constant 0 : i32
      %dma_start3A_128 = tpu.memref_slice %arg2[%add3A_34, %run_scoped3A_35, %dma_start3A_127] : memref<128x1x10240xf32, #tpu.memory_space<hbm>> -> memref<1x1x10240xf32, #tpu.memory_space<hbm>>
      %dma_start3A_129 = tpu.memref_squeeze %dma_start3A_128 : memref<1x1x10240xf32, #tpu.memory_space<hbm>> -> memref<10240xf32, #tpu.memory_space<hbm>>
      tpu.enqueue_dma source(%dma_start3A_129 : memref<10240xf32, #tpu.memory_space<hbm>>) target(%arg13 : memref<10240xf32, #tpu.memory_space<vmem>>) target_semaphore(%run_scoped3A_124 : memref<!tpu.dma_semaphore, #tpu.memory_space<semaphore_mem>>)
      %dma_wait3A = arith.constant 0 : i32
      %dma_wait3A_130 = tpu.memref_slice %arg2[%add3A_34, %run_scoped3A_35, %dma_wait3A] : memref<128x1x10240xf32, #tpu.memory_space<hbm>> -> memref<1x1x10240xf32, #tpu.memory_space<hbm>>
      %dma_wait3A_131 = tpu.memref_squeeze %dma_wait3A_130 : memref<1x1x10240xf32, #tpu.memory_space<hbm>> -> memref<10240xf32, #tpu.memory_space<hbm>>
      %dma_wait3A_132 = arith.constant 0 : i32
      %dma_wait3A_133 = tpu.memref_slice %arg2[%add3A_34, %run_scoped3A_35, %dma_wait3A_132] : memref<128x1x10240xf32, #tpu.memory_space<hbm>> -> memref<1x1x10240xf32, #tpu.memory_space<hbm>>
      %dma_wait3A_134 = tpu.memref_squeeze %dma_wait3A_133 : memref<1x1x10240xf32, #tpu.memory_space<hbm>> -> memref<10240xf32, #tpu.memory_space<hbm>>
      tpu.wait_dma2 semaphore(%run_scoped3A_124 : memref<!tpu.dma_semaphore, #tpu.memory_space<semaphore_mem>>) src(%dma_wait3A_134 : memref<10240xf32, #tpu.memory_space<hbm>>) dst(%arg13 : memref<10240xf32, #tpu.memory_space<vmem>>)
      tpu.yield
    }) : () -> ()
    %run_scoped3A_36 = arith.constant 0 : i32
    "tpu.region"() ({
      %run_scoped3A_124 = tpu.sem_alloc : memref<!tpu.dma_semaphore, #tpu.memory_space<semaphore_mem>>
      %dma_start3A = arith.constant 0 : i32
      %dma_start3A_125 = tpu.memref_slice %arg5[%select_n3A, %run_scoped3A_36, %dma_start3A] : memref<4x1x10240xf32, #tpu.memory_space<hbm>> -> memref<1x1x10240xf32, #tpu.memory_space<hbm>>
      %dma_start3A_126 = tpu.memref_squeeze %dma_start3A_125 : memref<1x1x10240xf32, #tpu.memory_space<hbm>> -> memref<10240xf32, #tpu.memory_space<hbm>>
      %dma_start3A_127 = arith.constant 0 : i32
      %dma_start3A_128 = tpu.memref_slice %arg5[%select_n3A, %run_scoped3A_36, %dma_start3A_127] : memref<4x1x10240xf32, #tpu.memory_space<hbm>> -> memref<1x1x10240xf32, #tpu.memory_space<hbm>>
      %dma_start3A_129 = tpu.memref_squeeze %dma_start3A_128 : memref<1x1x10240xf32, #tpu.memory_space<hbm>> -> memref<10240xf32, #tpu.memory_space<hbm>>
      tpu.enqueue_dma source(%dma_start3A_129 : memref<10240xf32, #tpu.memory_space<hbm>>) target(%arg20 : memref<10240xf32, #tpu.memory_space<vmem>>) target_semaphore(%run_scoped3A_124 : memref<!tpu.dma_semaphore, #tpu.memory_space<semaphore_mem>>)
      %dma_wait3A = arith.constant 0 : i32
      %dma_wait3A_130 = tpu.memref_slice %arg5[%select_n3A, %run_scoped3A_36, %dma_wait3A] : memref<4x1x10240xf32, #tpu.memory_space<hbm>> -> memref<1x1x10240xf32, #tpu.memory_space<hbm>>
      %dma_wait3A_131 = tpu.memref_squeeze %dma_wait3A_130 : memref<1x1x10240xf32, #tpu.memory_space<hbm>> -> memref<10240xf32, #tpu.memory_space<hbm>>
      %dma_wait3A_132 = arith.constant 0 : i32
      %dma_wait3A_133 = tpu.memref_slice %arg5[%select_n3A, %run_scoped3A_36, %dma_wait3A_132] : memref<4x1x10240xf32, #tpu.memory_space<hbm>> -> memref<1x1x10240xf32, #tpu.memory_space<hbm>>
      %dma_wait3A_134 = tpu.memref_squeeze %dma_wait3A_133 : memref<1x1x10240xf32, #tpu.memory_space<hbm>> -> memref<10240xf32, #tpu.memory_space<hbm>>
      tpu.wait_dma2 semaphore(%run_scoped3A_124 : memref<!tpu.dma_semaphore, #tpu.memory_space<semaphore_mem>>) src(%dma_wait3A_134 : memref<10240xf32, #tpu.memory_space<hbm>>) dst(%arg20 : memref<10240xf32, #tpu.memory_space<vmem>>)
      tpu.yield
    }) : () -> ()
    %broadcast_in_dim3A = arith.constant 0.000000e+00 : f32
    %broadcast_in_dim3A_37 = vector.broadcast %broadcast_in_dim3A : f32 to vector<16xf32>
    %scan3A = arith.constant 0 : i32
    %scan3A_38 = arith.constant 0 : i32
    %scan3A_39 = arith.constant 640 : i32
    %scan3A_40 = arith.addi %scan3A_38, %scan3A_39 : i32
    %scan3A_41 = arith.constant 1 : i32
    %scan3A_42 = scf.for %scan3A_124 = %scan3A_38 to %scan3A_40 step %scan3A_41 iter_args(%scan3A_125 = %scan3A) -> (i32)  : i32 {
      %mul3A_126 = arith.constant 16 : i32
      %mul3A_127 = arith.muli %scan3A_124, %mul3A_126 : i32
      %swap3A = arith.index_cast %mul3A_127 : i32 to index
      %swap3A_128 = tpu.vector_load %arg14[%swap3A] {strides = array<i32>} : memref<10240xf32, #tpu.memory_space<vmem>>, vector<16xf32>,
      tpu.vector_store %arg14[%swap3A], %broadcast_in_dim3A_37 {strides = array<i32>} : memref<10240xf32, #tpu.memory_space<vmem>>, vector<16xf32>,
      %scan3A_129 = arith.constant 0 : i32
      scf.yield %scan3A_129 : i32
    }
    %scan3A_43 = arith.constant 640 : i32
    %broadcast_in_dim3A_44 = arith.constant 0.000000e+00 : f32
    %broadcast_in_dim3A_45 = vector.broadcast %broadcast_in_dim3A_44 : f32 to vector<16xf32>
    %scan3A_46 = arith.constant 0 : i32
    %scan3A_47 = arith.constant 0 : i32
    %scan3A_48 = arith.constant 640 : i32
    %scan3A_49 = arith.addi %scan3A_47, %scan3A_48 : i32
    %scan3A_50 = arith.constant 1 : i32
    %scan3A_51 = scf.for %scan3A_124 = %scan3A_47 to %scan3A_49 step %scan3A_50 iter_args(%scan3A_125 = %scan3A_46) -> (i32)  : i32 {
      %mul3A_126 = arith.constant 16 : i32
      %mul3A_127 = arith.muli %scan3A_124, %mul3A_126 : i32
      %swap3A = arith.index_cast %mul3A_127 : i32 to index
      %swap3A_128 = tpu.vector_load %arg15[%swap3A] {strides = array<i32>} : memref<10240xf32, #tpu.memory_space<vmem>>, vector<16xf32>,
      tpu.vector_store %arg15[%swap3A], %broadcast_in_dim3A_45 {strides = array<i32>} : memref<10240xf32, #tpu.memory_space<vmem>>, vector<16xf32>,
      %scan3A_129 = arith.constant 0 : i32
      scf.yield %scan3A_129 : i32
    }
    %scan3A_52 = arith.constant 640 : i32
    %broadcast_in_dim3A_53 = arith.constant 0.000000e+00 : f32
    %broadcast_in_dim3A_54 = vector.broadcast %broadcast_in_dim3A_53 : f32 to vector<16xf32>
    %scan3A_55 = arith.constant 0 : i32
    %scan3A_56 = arith.constant 0 : i32
    %scan3A_57 = arith.constant 640 : i32
    %scan3A_58 = arith.addi %scan3A_56, %scan3A_57 : i32
    %scan3A_59 = arith.constant 1 : i32
    %scan3A_60 = scf.for %scan3A_124 = %scan3A_56 to %scan3A_58 step %scan3A_59 iter_args(%scan3A_125 = %scan3A_55) -> (i32)  : i32 {
      %mul3A_126 = arith.constant 16 : i32
      %mul3A_127 = arith.muli %scan3A_124, %mul3A_126 : i32
      %swap3A = arith.index_cast %mul3A_127 : i32 to index
      %swap3A_128 = tpu.vector_load %arg16[%swap3A] {strides = array<i32>} : memref<10240xf32, #tpu.memory_space<vmem>>, vector<16xf32>,
      tpu.vector_store %arg16[%swap3A], %broadcast_in_dim3A_54 {strides = array<i32>} : memref<10240xf32, #tpu.memory_space<vmem>>, vector<16xf32>,
      %scan3A_129 = arith.constant 0 : i32
      scf.yield %scan3A_129 : i32
    }
    %scan3A_61 = arith.constant 640 : i32
    %broadcast_in_dim3A_62 = arith.constant 0.000000e+00 : f32
    %broadcast_in_dim3A_63 = vector.broadcast %broadcast_in_dim3A_62 : f32 to vector<16xf32>
    %scan3A_64 = arith.constant 0 : i32
    %scan3A_65 = arith.constant 0 : i32
    %scan3A_66 = arith.constant 640 : i32
    %scan3A_67 = arith.addi %scan3A_65, %scan3A_66 : i32
    %scan3A_68 = arith.constant 1 : i32
    %scan3A_69 = scf.for %scan3A_124 = %scan3A_65 to %scan3A_67 step %scan3A_68 iter_args(%scan3A_125 = %scan3A_64) -> (i32)  : i32 {
      %mul3A_126 = arith.constant 16 : i32
      %mul3A_127 = arith.muli %scan3A_124, %mul3A_126 : i32
      %swap3A = arith.index_cast %mul3A_127 : i32 to index
      %swap3A_128 = tpu.vector_load %arg17[%swap3A] {strides = array<i32>} : memref<10240xf32, #tpu.memory_space<vmem>>, vector<16xf32>,
      tpu.vector_store %arg17[%swap3A], %broadcast_in_dim3A_63 {strides = array<i32>} : memref<10240xf32, #tpu.memory_space<vmem>>, vector<16xf32>,
      %scan3A_129 = arith.constant 0 : i32
      scf.yield %scan3A_129 : i32
    }
    %scan3A_70 = arith.constant 640 : i32
    %broadcast_in_dim3A_71 = arith.constant 0.000000e+00 : f32
    %broadcast_in_dim3A_72 = vector.broadcast %broadcast_in_dim3A_71 : f32 to vector<16xf32>
    %scan3A_73 = arith.constant 0 : i32
    %scan3A_74 = arith.constant 0 : i32
    %scan3A_75 = arith.constant 640 : i32
    %scan3A_76 = arith.addi %scan3A_74, %scan3A_75 : i32
    %scan3A_77 = arith.constant 1 : i32
    %scan3A_78 = scf.for %scan3A_124 = %scan3A_74 to %scan3A_76 step %scan3A_77 iter_args(%scan3A_125 = %scan3A_73) -> (i32)  : i32 {
      %mul3A_126 = arith.constant 16 : i32
      %mul3A_127 = arith.muli %scan3A_124, %mul3A_126 : i32
      %swap3A = arith.index_cast %mul3A_127 : i32 to index
      %swap3A_128 = tpu.vector_load %arg18[%swap3A] {strides = array<i32>} : memref<10240xf32, #tpu.memory_space<vmem>>, vector<16xf32>,
      tpu.vector_store %arg18[%swap3A], %broadcast_in_dim3A_72 {strides = array<i32>} : memref<10240xf32, #tpu.memory_space<vmem>>, vector<16xf32>,
      %scan3A_129 = arith.constant 0 : i32
      scf.yield %scan3A_129 : i32
    }
    %scan3A_79 = arith.constant 640 : i32
    %broadcast_in_dim3A_80 = arith.constant 0.000000e+00 : f32
    %broadcast_in_dim3A_81 = vector.broadcast %broadcast_in_dim3A_80 : f32 to vector<16xf32>
    %scan3A_82 = arith.constant 0 : i32
    %scan3A_83 = arith.constant 0 : i32
    %scan3A_84 = arith.constant 640 : i32
    %scan3A_85 = arith.addi %scan3A_83, %scan3A_84 : i32
    %scan3A_86 = arith.constant 1 : i32
    %scan3A_87 = scf.for %scan3A_124 = %scan3A_83 to %scan3A_85 step %scan3A_86 iter_args(%scan3A_125 = %scan3A_82) -> (i32)  : i32 {
      %mul3A_126 = arith.constant 16 : i32
      %mul3A_127 = arith.muli %scan3A_124, %mul3A_126 : i32
      %swap3A = arith.index_cast %mul3A_127 : i32 to index
      %swap3A_128 = tpu.vector_load %arg19[%swap3A] {strides = array<i32>} : memref<10240xf32, #tpu.memory_space<vmem>>, vector<16xf32>,
      tpu.vector_store %arg19[%swap3A], %broadcast_in_dim3A_81 {strides = array<i32>} : memref<10240xf32, #tpu.memory_space<vmem>>, vector<16xf32>,
      %scan3A_129 = arith.constant 0 : i32
      scf.yield %scan3A_129 : i32
    }
    %scan3A_88 = arith.constant 640 : i32
    %scan3A_89 = arith.constant 0 : i32
    %scan3A_90 = arith.constant 0 : i32
    %scan3A_91 = arith.constant 125 : i32
    %scan3A_92 = arith.addi %scan3A_90, %scan3A_91 : i32
    %scan3A_93 = arith.constant 1 : i32
    %scan3A_94 = scf.for %scan3A_124 = %scan3A_90 to %scan3A_92 step %scan3A_93 iter_args(%scan3A_125 = %scan3A_89) -> (i32)  : i32 {
      %mul3A_126 = arith.constant 2560 : i32
      %mul3A_127 = arith.muli %scan3A_124, %mul3A_126 : i32
      "tpu.region"() ({
        %run_scoped3A_175 = tpu.sem_alloc : memref<!tpu.dma_semaphore, #tpu.memory_space<semaphore_mem>>
        %dma_start3A = tpu.memref_slice %arg6[%mul3A_127] : memref<320000xi32, #tpu.memory_space<hbm>> -> memref<2560xi32, #tpu.memory_space<hbm>>
        %dma_start3A_176 = tpu.memref_slice %arg6[%mul3A_127] : memref<320000xi32, #tpu.memory_space<hbm>> -> memref<2560xi32, #tpu.memory_space<hbm>>
        tpu.enqueue_dma source(%dma_start3A_176 : memref<2560xi32, #tpu.memory_space<hbm>>) target(%arg21 : memref<2560xi32, #tpu.memory_space<vmem>>) target_semaphore(%run_scoped3A_175 : memref<!tpu.dma_semaphore, #tpu.memory_space<semaphore_mem>>)
        %dma_wait3A = tpu.memref_slice %arg6[%mul3A_127] : memref<320000xi32, #tpu.memory_space<hbm>> -> memref<2560xi32, #tpu.memory_space<hbm>>
        %dma_wait3A_177 = tpu.memref_slice %arg6[%mul3A_127] : memref<320000xi32, #tpu.memory_space<hbm>> -> memref<2560xi32, #tpu.memory_space<hbm>>
        tpu.wait_dma2 semaphore(%run_scoped3A_175 : memref<!tpu.dma_semaphore, #tpu.memory_space<semaphore_mem>>) src(%dma_wait3A_177 : memref<2560xi32, #tpu.memory_space<hbm>>) dst(%arg21 : memref<2560xi32, #tpu.memory_space<vmem>>)
        tpu.yield
      }) : () -> ()
      "tpu.region"() ({
        %run_scoped3A_175 = tpu.sem_alloc : memref<!tpu.dma_semaphore, #tpu.memory_space<semaphore_mem>>
        %dma_start3A = tpu.memref_slice %arg7[%mul3A_127] : memref<320000xi32, #tpu.memory_space<hbm>> -> memref<2560xi32, #tpu.memory_space<hbm>>
        %dma_start3A_176 = tpu.memref_slice %arg7[%mul3A_127] : memref<320000xi32, #tpu.memory_space<hbm>> -> memref<2560xi32, #tpu.memory_space<hbm>>
        tpu.enqueue_dma source(%dma_start3A_176 : memref<2560xi32, #tpu.memory_space<hbm>>) target(%arg22 : memref<2560xi32, #tpu.memory_space<vmem>>) target_semaphore(%run_scoped3A_175 : memref<!tpu.dma_semaphore, #tpu.memory_space<semaphore_mem>>)
        %dma_wait3A = tpu.memref_slice %arg7[%mul3A_127] : memref<320000xi32, #tpu.memory_space<hbm>> -> memref<2560xi32, #tpu.memory_space<hbm>>
        %dma_wait3A_177 = tpu.memref_slice %arg7[%mul3A_127] : memref<320000xi32, #tpu.memory_space<hbm>> -> memref<2560xi32, #tpu.memory_space<hbm>>
        tpu.wait_dma2 semaphore(%run_scoped3A_175 : memref<!tpu.dma_semaphore, #tpu.memory_space<semaphore_mem>>) src(%dma_wait3A_177 : memref<2560xi32, #tpu.memory_space<hbm>>) dst(%arg22 : memref<2560xi32, #tpu.memory_space<vmem>>)
        tpu.yield
      }) : () -> ()
      %run_scoped3A_128 = arith.constant 0 : i32
      "tpu.region"() ({
        %run_scoped3A_175 = tpu.sem_alloc : memref<!tpu.dma_semaphore, #tpu.memory_space<semaphore_mem>>
        %dma_start3A = tpu.memref_slice %arg4[%select_n3A, %run_scoped3A_128, %mul3A_127] : memref<4x1x320000xf32, #tpu.memory_space<hbm>> -> memref<1x1x2560xf32, #tpu.memory_space<hbm>>
        %dma_start3A_176 = tpu.memref_squeeze %dma_start3A : memref<1x1x2560xf32, #tpu.memory_space<hbm>> -> memref<2560xf32, #tpu.memory_space<hbm>>
        %dma_start3A_177 = tpu.memref_slice %arg4[%select_n3A, %run_scoped3A_128, %mul3A_127] : memref<4x1x320000xf32, #tpu.memory_space<hbm>> -> memref<1x1x2560xf32, #tpu.memory_space<hbm>>
        %dma_start3A_178 = tpu.memref_squeeze %dma_start3A_177 : memref<1x1x2560xf32, #tpu.memory_space<hbm>> -> memref<2560xf32, #tpu.memory_space<hbm>>
        tpu.enqueue_dma source(%dma_start3A_178 : memref<2560xf32, #tpu.memory_space<hbm>>) target(%arg23 : memref<2560xf32, #tpu.memory_space<vmem>>) target_semaphore(%run_scoped3A_175 : memref<!tpu.dma_semaphore, #tpu.memory_space<semaphore_mem>>)
        %dma_wait3A = tpu.memref_slice %arg4[%select_n3A, %run_scoped3A_128, %mul3A_127] : memref<4x1x320000xf32, #tpu.memory_space<hbm>> -> memref<1x1x2560xf32, #tpu.memory_space<hbm>>
        %dma_wait3A_179 = tpu.memref_squeeze %dma_wait3A : memref<1x1x2560xf32, #tpu.memory_space<hbm>> -> memref<2560xf32, #tpu.memory_space<hbm>>
        %dma_wait3A_180 = tpu.memref_slice %arg4[%select_n3A, %run_scoped3A_128, %mul3A_127] : memref<4x1x320000xf32, #tpu.memory_space<hbm>> -> memref<1x1x2560xf32, #tpu.memory_space<hbm>>
        %dma_wait3A_181 = tpu.memref_squeeze %dma_wait3A_180 : memref<1x1x2560xf32, #tpu.memory_space<hbm>> -> memref<2560xf32, #tpu.memory_space<hbm>>
        tpu.wait_dma2 semaphore(%run_scoped3A_175 : memref<!tpu.dma_semaphore, #tpu.memory_space<semaphore_mem>>) src(%dma_wait3A_181 : memref<2560xf32, #tpu.memory_space<hbm>>) dst(%arg23 : memref<2560xf32, #tpu.memory_space<vmem>>)
        tpu.yield
      }) : () -> ()
      %jit3A_129 = arith.constant 8 : i32
      %eq3A = arith.constant 0 : i32
      %eq3A_130 = arith.cmpi eq, %jit3A_129, %eq3A : i32
      %jit3A_131 = arith.constant 1 : i32
      %select_n3A_132 = arith.select %eq3A_130, %jit3A_131, %jit3A_129 : i32
      %rem3A_133 = arith.remsi %add3A, %select_n3A_132 : i32
      %ne3A_134 = arith.constant 0 : i32
      %ne3A_135 = arith.cmpi ne, %rem3A_133, %ne3A_134 : i32
      %lt3A = arith.constant 0 : i32
      %lt3A_136 = arith.cmpi slt, %rem3A_133, %lt3A : i32
      %lt3A_137 = arith.constant 0 : i32
      %lt3A_138 = arith.cmpi slt, %select_n3A_132, %lt3A_137 : i32
      %ne3A_139 = arith.xori %lt3A_136, %lt3A_138 : i1
      %and3A_140 = arith.andi %ne3A_139, %ne3A_135 : i1
      %add3A_141 = arith.addi %rem3A_133, %select_n3A_132 : i32
      %select_n3A_142 = arith.select %and3A_140, %add3A_141, %rem3A_133 : i32
      %mul3A_143 = arith.constant 2 : i32
      %mul3A_144 = arith.muli %mul3A_143, %select_n3A_142 : i32
      %run_scoped3A_145 = arith.constant 0 : i32
      "tpu.region"() ({
        %run_scoped3A_175 = tpu.sem_alloc : memref<!tpu.dma_semaphore, #tpu.memory_space<semaphore_mem>>
        %dma_start3A = tpu.memref_slice %arg3[%mul3A_144, %run_scoped3A_145, %mul3A_127] : memref<16x1x320000xf32, #tpu.memory_space<hbm>> -> memref<1x1x2560xf32, #tpu.memory_space<hbm>>
        %dma_start3A_176 = tpu.memref_squeeze %dma_start3A : memref<1x1x2560xf32, #tpu.memory_space<hbm>> -> memref<2560xf32, #tpu.memory_space<hbm>>
        %dma_start3A_177 = tpu.memref_slice %arg3[%mul3A_144, %run_scoped3A_145, %mul3A_127] : memref<16x1x320000xf32, #tpu.memory_space<hbm>> -> memref<1x1x2560xf32, #tpu.memory_space<hbm>>
        %dma_start3A_178 = tpu.memref_squeeze %dma_start3A_177 : memref<1x1x2560xf32, #tpu.memory_space<hbm>> -> memref<2560xf32, #tpu.memory_space<hbm>>
        tpu.enqueue_dma source(%dma_start3A_178 : memref<2560xf32, #tpu.memory_space<hbm>>) target(%arg24 : memref<2560xf32, #tpu.memory_space<vmem>>) target_semaphore(%run_scoped3A_175 : memref<!tpu.dma_semaphore, #tpu.memory_space<semaphore_mem>>)
        %dma_wait3A = tpu.memref_slice %arg3[%mul3A_144, %run_scoped3A_145, %mul3A_127] : memref<16x1x320000xf32, #tpu.memory_space<hbm>> -> memref<1x1x2560xf32, #tpu.memory_space<hbm>>
        %dma_wait3A_179 = tpu.memref_squeeze %dma_wait3A : memref<1x1x2560xf32, #tpu.memory_space<hbm>> -> memref<2560xf32, #tpu.memory_space<hbm>>
        %dma_wait3A_180 = tpu.memref_slice %arg3[%mul3A_144, %run_scoped3A_145, %mul3A_127] : memref<16x1x320000xf32, #tpu.memory_space<hbm>> -> memref<1x1x2560xf32, #tpu.memory_space<hbm>>
        %dma_wait3A_181 = tpu.memref_squeeze %dma_wait3A_180 : memref<1x1x2560xf32, #tpu.memory_space<hbm>> -> memref<2560xf32, #tpu.memory_space<hbm>>
        tpu.wait_dma2 semaphore(%run_scoped3A_175 : memref<!tpu.dma_semaphore, #tpu.memory_space<semaphore_mem>>) src(%dma_wait3A_181 : memref<2560xf32, #tpu.memory_space<hbm>>) dst(%arg24 : memref<2560xf32, #tpu.memory_space<vmem>>)
        tpu.yield
      }) : () -> ()
      %jit3A_146 = arith.constant 8 : i32
      %eq3A_147 = arith.constant 0 : i32
      %eq3A_148 = arith.cmpi eq, %jit3A_146, %eq3A_147 : i32
      %jit3A_149 = arith.constant 1 : i32
      %select_n3A_150 = arith.select %eq3A_148, %jit3A_149, %jit3A_146 : i32
      %rem3A_151 = arith.remsi %add3A, %select_n3A_150 : i32
      %ne3A_152 = arith.constant 0 : i32
      %ne3A_153 = arith.cmpi ne, %rem3A_151, %ne3A_152 : i32
      %lt3A_154 = arith.constant 0 : i32
      %lt3A_155 = arith.cmpi slt, %rem3A_151, %lt3A_154 : i32
      %lt3A_156 = arith.constant 0 : i32
      %lt3A_157 = arith.cmpi slt, %select_n3A_150, %lt3A_156 : i32
      %ne3A_158 = arith.xori %lt3A_155, %lt3A_157 : i1
      %and3A_159 = arith.andi %ne3A_158, %ne3A_153 : i1
      %add3A_160 = arith.addi %rem3A_151, %select_n3A_150 : i32
      %select_n3A_161 = arith.select %and3A_159, %add3A_160, %rem3A_151 : i32
      %mul3A_162 = arith.constant 2 : i32
      %mul3A_163 = arith.muli %mul3A_162, %select_n3A_161 : i32
      %add3A_164 = arith.constant 1 : i32
      %add3A_165 = arith.addi %mul3A_163, %add3A_164 : i32
      %run_scoped3A_166 = arith.constant 0 : i32
      "tpu.region"() ({
        %run_scoped3A_175 = tpu.sem_alloc : memref<!tpu.dma_semaphore, #tpu.memory_space<semaphore_mem>>
        %dma_start3A = tpu.memref_slice %arg3[%add3A_165, %run_scoped3A_166, %mul3A_127] : memref<16x1x320000xf32, #tpu.memory_space<hbm>> -> memref<1x1x2560xf32, #tpu.memory_space<hbm>>
        %dma_start3A_176 = tpu.memref_squeeze %dma_start3A : memref<1x1x2560xf32, #tpu.memory_space<hbm>> -> memref<2560xf32, #tpu.memory_space<hbm>>
        %dma_start3A_177 = tpu.memref_slice %arg3[%add3A_165, %run_scoped3A_166, %mul3A_127] : memref<16x1x320000xf32, #tpu.memory_space<hbm>> -> memref<1x1x2560xf32, #tpu.memory_space<hbm>>
        %dma_start3A_178 = tpu.memref_squeeze %dma_start3A_177 : memref<1x1x2560xf32, #tpu.memory_space<hbm>> -> memref<2560xf32, #tpu.memory_space<hbm>>
        tpu.enqueue_dma source(%dma_start3A_178 : memref<2560xf32, #tpu.memory_space<hbm>>) target(%arg25 : memref<2560xf32, #tpu.memory_space<vmem>>) target_semaphore(%run_scoped3A_175 : memref<!tpu.dma_semaphore, #tpu.memory_space<semaphore_mem>>)
        %dma_wait3A = tpu.memref_slice %arg3[%add3A_165, %run_scoped3A_166, %mul3A_127] : memref<16x1x320000xf32, #tpu.memory_space<hbm>> -> memref<1x1x2560xf32, #tpu.memory_space<hbm>>
        %dma_wait3A_179 = tpu.memref_squeeze %dma_wait3A : memref<1x1x2560xf32, #tpu.memory_space<hbm>> -> memref<2560xf32, #tpu.memory_space<hbm>>
        %dma_wait3A_180 = tpu.memref_slice %arg3[%add3A_165, %run_scoped3A_166, %mul3A_127] : memref<16x1x320000xf32, #tpu.memory_space<hbm>> -> memref<1x1x2560xf32, #tpu.memory_space<hbm>>
        %dma_wait3A_181 = tpu.memref_squeeze %dma_wait3A_180 : memref<1x1x2560xf32, #tpu.memory_space<hbm>> -> memref<2560xf32, #tpu.memory_space<hbm>>
        tpu.wait_dma2 semaphore(%run_scoped3A_175 : memref<!tpu.dma_semaphore, #tpu.memory_space<semaphore_mem>>) src(%dma_wait3A_181 : memref<2560xf32, #tpu.memory_space<hbm>>) dst(%arg25 : memref<2560xf32, #tpu.memory_space<vmem>>)
        tpu.yield
      }) : () -> ()
      %scan3A_167 = arith.constant 0 : i32
      %scan3A_168 = arith.constant 0 : i32
      %scan3A_169 = arith.constant 160 : i32
      %scan3A_170 = arith.addi %scan3A_168, %scan3A_169 : i32
      %scan3A_171 = arith.constant 1 : i32
      %scan3A_172 = scf.for %scan3A_175 = %scan3A_168 to %scan3A_170 step %scan3A_171 iter_args(%scan3A_176 = %scan3A_167) -> (i32)  : i32 {
        %mul3A_177 = arith.constant 16 : i32
        %mul3A_178 = arith.muli %scan3A_175, %mul3A_177 : i32
        %get3A = arith.index_cast %mul3A_178 : i32 to index
        %get3A_179 = tpu.vector_load %arg21[%get3A] {strides = array<i32>} : memref<2560xi32, #tpu.memory_space<vmem>>, vector<16xi32>,
        %get3A_180 = arith.index_cast %mul3A_178 : i32 to index
        %get3A_181 = tpu.vector_load %arg22[%get3A_180] {strides = array<i32>} : memref<2560xi32, #tpu.memory_space<vmem>>, vector<16xi32>,
        %get3A_182 = arith.index_cast %mul3A_178 : i32 to index
        %get3A_183 = tpu.vector_load %arg23[%get3A_182] {strides = array<i32>} : memref<2560xf32, #tpu.memory_space<vmem>>, vector<16xf32>,
        %gather3A = tpu.vector_load_idx %arg20[%get3A_181] : memref<10240xf32, #tpu.memory_space<vmem>>[vector<16xi32>], vector<16xf32>,
        %mul3A_184 = arith.mulf %get3A_183, %gather3A : vector<16xf32>
        %gather3A_185 = tpu.vector_load_idx %arg10[%get3A_179] : memref<10240xf32, #tpu.memory_space<vmem>>[vector<16xi32>], vector<16xf32>,
        %mul3A_186 = arith.mulf %mul3A_184, %gather3A_185 : vector<16xf32>
        tpu.vector_store_idx %arg14[%get3A_181], %mul3A_186 {add = true} : memref<10240xf32, #tpu.memory_space<vmem>>[vector<16xi32>], vector<16xf32>,
        %gather3A_187 = tpu.vector_load_idx %arg11[%get3A_179] : memref<10240xf32, #tpu.memory_space<vmem>>[vector<16xi32>], vector<16xf32>,
        %mul3A_188 = arith.mulf %mul3A_184, %gather3A_187 : vector<16xf32>
        tpu.vector_store_idx %arg15[%get3A_181], %mul3A_188 {add = true} : memref<10240xf32, #tpu.memory_space<vmem>>[vector<16xi32>], vector<16xf32>,
        %gather3A_189 = tpu.vector_load_idx %arg12[%get3A_179] : memref<10240xf32, #tpu.memory_space<vmem>>[vector<16xi32>], vector<16xf32>,
        %mul3A_190 = arith.mulf %mul3A_184, %gather3A_189 : vector<16xf32>
        tpu.vector_store_idx %arg16[%get3A_181], %mul3A_190 {add = true} : memref<10240xf32, #tpu.memory_space<vmem>>[vector<16xi32>], vector<16xf32>,
        %gather3A_191 = tpu.vector_load_idx %arg13[%get3A_179] : memref<10240xf32, #tpu.memory_space<vmem>>[vector<16xi32>], vector<16xf32>,
        %mul3A_192 = arith.mulf %mul3A_184, %gather3A_191 : vector<16xf32>
        tpu.vector_store_idx %arg17[%get3A_181], %mul3A_192 {add = true} : memref<10240xf32, #tpu.memory_space<vmem>>[vector<16xi32>], vector<16xf32>,
        %get3A_193 = arith.index_cast %mul3A_178 : i32 to index
        %get3A_194 = tpu.vector_load %arg24[%get3A_193] {strides = array<i32>} : memref<2560xf32, #tpu.memory_space<vmem>>, vector<16xf32>,
        %mul3A_195 = arith.mulf %mul3A_184, %get3A_194 : vector<16xf32>
        tpu.vector_store_idx %arg18[%get3A_181], %mul3A_195 {add = true} : memref<10240xf32, #tpu.memory_space<vmem>>[vector<16xi32>], vector<16xf32>,
        %get3A_196 = arith.index_cast %mul3A_178 : i32 to index
        %get3A_197 = tpu.vector_load %arg25[%get3A_196] {strides = array<i32>} : memref<2560xf32, #tpu.memory_space<vmem>>, vector<16xf32>,
        %mul3A_198 = arith.mulf %mul3A_184, %get3A_197 : vector<16xf32>
        tpu.vector_store_idx %arg19[%get3A_181], %mul3A_198 {add = true} : memref<10240xf32, #tpu.memory_space<vmem>>[vector<16xi32>], vector<16xf32>,
        %scan3A_199 = arith.constant 0 : i32
        scf.yield %scan3A_199 : i32
      }
      %scan3A_173 = arith.constant 160 : i32
      %scan3A_174 = arith.constant 0 : i32
      scf.yield %scan3A_174 : i32
    }
    %scan3A_95 = arith.constant 125 : i32
    %mul3A_96 = arith.constant 4 : i32
    %mul3A_97 = arith.muli %mul3A_96, %add3A : i32
    %add3A_98 = arith.constant 0 : i32
    %add3A_99 = arith.addi %mul3A_97, %add3A_98 : i32
    %run_scoped3A_100 = arith.constant 0 : i32
    "tpu.region"() ({
      %run_scoped3A_124 = tpu.sem_alloc : memref<!tpu.dma_semaphore, #tpu.memory_space<semaphore_mem>>
      %dma_start3A = arith.constant 0 : i32
      %dma_start3A_125 = tpu.memref_slice %arg8[%add3A_99, %run_scoped3A_100, %dma_start3A] : memref<128x1x10240xf32, #tpu.memory_space<hbm>> -> memref<1x1x10240xf32, #tpu.memory_space<hbm>>
      %dma_start3A_126 = tpu.memref_squeeze %dma_start3A_125 : memref<1x1x10240xf32, #tpu.memory_space<hbm>> -> memref<10240xf32, #tpu.memory_space<hbm>>
      %dma_start3A_127 = arith.constant 0 : i32
      %dma_start3A_128 = tpu.memref_slice %arg8[%add3A_99, %run_scoped3A_100, %dma_start3A_127] : memref<128x1x10240xf32, #tpu.memory_space<hbm>> -> memref<1x1x10240xf32, #tpu.memory_space<hbm>>
      %dma_start3A_129 = tpu.memref_squeeze %dma_start3A_128 : memref<1x1x10240xf32, #tpu.memory_space<hbm>> -> memref<10240xf32, #tpu.memory_space<hbm>>
      tpu.enqueue_dma source(%arg14 : memref<10240xf32, #tpu.memory_space<vmem>>) target(%dma_start3A_129 : memref<10240xf32, #tpu.memory_space<hbm>>) target_semaphore(%run_scoped3A_124 : memref<!tpu.dma_semaphore, #tpu.memory_space<semaphore_mem>>)
      %dma_wait3A = arith.constant 0 : i32
      %dma_wait3A_130 = tpu.memref_slice %arg8[%add3A_99, %run_scoped3A_100, %dma_wait3A] : memref<128x1x10240xf32, #tpu.memory_space<hbm>> -> memref<1x1x10240xf32, #tpu.memory_space<hbm>>
      %dma_wait3A_131 = tpu.memref_squeeze %dma_wait3A_130 : memref<1x1x10240xf32, #tpu.memory_space<hbm>> -> memref<10240xf32, #tpu.memory_space<hbm>>
      %dma_wait3A_132 = arith.constant 0 : i32
      %dma_wait3A_133 = tpu.memref_slice %arg8[%add3A_99, %run_scoped3A_100, %dma_wait3A_132] : memref<128x1x10240xf32, #tpu.memory_space<hbm>> -> memref<1x1x10240xf32, #tpu.memory_space<hbm>>
      %dma_wait3A_134 = tpu.memref_squeeze %dma_wait3A_133 : memref<1x1x10240xf32, #tpu.memory_space<hbm>> -> memref<10240xf32, #tpu.memory_space<hbm>>
      tpu.wait_dma2 semaphore(%run_scoped3A_124 : memref<!tpu.dma_semaphore, #tpu.memory_space<semaphore_mem>>) src(%arg14 : memref<10240xf32, #tpu.memory_space<vmem>>) dst(%dma_wait3A_134 : memref<10240xf32, #tpu.memory_space<hbm>>)
      tpu.yield
    }) : () -> ()
    %mul3A_101 = arith.constant 4 : i32
    %mul3A_102 = arith.muli %mul3A_101, %add3A : i32
    %add3A_103 = arith.constant 1 : i32
    %add3A_104 = arith.addi %mul3A_102, %add3A_103 : i32
    %run_scoped3A_105 = arith.constant 0 : i32
    "tpu.region"() ({
      %run_scoped3A_124 = tpu.sem_alloc : memref<!tpu.dma_semaphore, #tpu.memory_space<semaphore_mem>>
      %dma_start3A = arith.constant 0 : i32
      %dma_start3A_125 = tpu.memref_slice %arg8[%add3A_104, %run_scoped3A_105, %dma_start3A] : memref<128x1x10240xf32, #tpu.memory_space<hbm>> -> memref<1x1x10240xf32, #tpu.memory_space<hbm>>
      %dma_start3A_126 = tpu.memref_squeeze %dma_start3A_125 : memref<1x1x10240xf32, #tpu.memory_space<hbm>> -> memref<10240xf32, #tpu.memory_space<hbm>>
      %dma_start3A_127 = arith.constant 0 : i32
      %dma_start3A_128 = tpu.memref_slice %arg8[%add3A_104, %run_scoped3A_105, %dma_start3A_127] : memref<128x1x10240xf32, #tpu.memory_space<hbm>> -> memref<1x1x10240xf32, #tpu.memory_space<hbm>>
      %dma_start3A_129 = tpu.memref_squeeze %dma_start3A_128 : memref<1x1x10240xf32, #tpu.memory_space<hbm>> -> memref<10240xf32, #tpu.memory_space<hbm>>
      tpu.enqueue_dma source(%arg15 : memref<10240xf32, #tpu.memory_space<vmem>>) target(%dma_start3A_129 : memref<10240xf32, #tpu.memory_space<hbm>>) target_semaphore(%run_scoped3A_124 : memref<!tpu.dma_semaphore, #tpu.memory_space<semaphore_mem>>)
      %dma_wait3A = arith.constant 0 : i32
      %dma_wait3A_130 = tpu.memref_slice %arg8[%add3A_104, %run_scoped3A_105, %dma_wait3A] : memref<128x1x10240xf32, #tpu.memory_space<hbm>> -> memref<1x1x10240xf32, #tpu.memory_space<hbm>>
      %dma_wait3A_131 = tpu.memref_squeeze %dma_wait3A_130 : memref<1x1x10240xf32, #tpu.memory_space<hbm>> -> memref<10240xf32, #tpu.memory_space<hbm>>
      %dma_wait3A_132 = arith.constant 0 : i32
      %dma_wait3A_133 = tpu.memref_slice %arg8[%add3A_104, %run_scoped3A_105, %dma_wait3A_132] : memref<128x1x10240xf32, #tpu.memory_space<hbm>> -> memref<1x1x10240xf32, #tpu.memory_space<hbm>>
      %dma_wait3A_134 = tpu.memref_squeeze %dma_wait3A_133 : memref<1x1x10240xf32, #tpu.memory_space<hbm>> -> memref<10240xf32, #tpu.memory_space<hbm>>
      tpu.wait_dma2 semaphore(%run_scoped3A_124 : memref<!tpu.dma_semaphore, #tpu.memory_space<semaphore_mem>>) src(%arg15 : memref<10240xf32, #tpu.memory_space<vmem>>) dst(%dma_wait3A_134 : memref<10240xf32, #tpu.memory_space<hbm>>)
      tpu.yield
    }) : () -> ()
    %mul3A_106 = arith.constant 4 : i32
    %mul3A_107 = arith.muli %mul3A_106, %add3A : i32
    %add3A_108 = arith.constant 2 : i32
    %add3A_109 = arith.addi %mul3A_107, %add3A_108 : i32
    %run_scoped3A_110 = arith.constant 0 : i32
    "tpu.region"() ({
      %run_scoped3A_124 = tpu.sem_alloc : memref<!tpu.dma_semaphore, #tpu.memory_space<semaphore_mem>>
      %dma_start3A = arith.constant 0 : i32
      %dma_start3A_125 = tpu.memref_slice %arg8[%add3A_109, %run_scoped3A_110, %dma_start3A] : memref<128x1x10240xf32, #tpu.memory_space<hbm>> -> memref<1x1x10240xf32, #tpu.memory_space<hbm>>
      %dma_start3A_126 = tpu.memref_squeeze %dma_start3A_125 : memref<1x1x10240xf32, #tpu.memory_space<hbm>> -> memref<10240xf32, #tpu.memory_space<hbm>>
      %dma_start3A_127 = arith.constant 0 : i32
      %dma_start3A_128 = tpu.memref_slice %arg8[%add3A_109, %run_scoped3A_110, %dma_start3A_127] : memref<128x1x10240xf32, #tpu.memory_space<hbm>> -> memref<1x1x10240xf32, #tpu.memory_space<hbm>>
      %dma_start3A_129 = tpu.memref_squeeze %dma_start3A_128 : memref<1x1x10240xf32, #tpu.memory_space<hbm>> -> memref<10240xf32, #tpu.memory_space<hbm>>
      tpu.enqueue_dma source(%arg16 : memref<10240xf32, #tpu.memory_space<vmem>>) target(%dma_start3A_129 : memref<10240xf32, #tpu.memory_space<hbm>>) target_semaphore(%run_scoped3A_124 : memref<!tpu.dma_semaphore, #tpu.memory_space<semaphore_mem>>)
      %dma_wait3A = arith.constant 0 : i32
      %dma_wait3A_130 = tpu.memref_slice %arg8[%add3A_109, %run_scoped3A_110, %dma_wait3A] : memref<128x1x10240xf32, #tpu.memory_space<hbm>> -> memref<1x1x10240xf32, #tpu.memory_space<hbm>>
      %dma_wait3A_131 = tpu.memref_squeeze %dma_wait3A_130 : memref<1x1x10240xf32, #tpu.memory_space<hbm>> -> memref<10240xf32, #tpu.memory_space<hbm>>
      %dma_wait3A_132 = arith.constant 0 : i32
      %dma_wait3A_133 = tpu.memref_slice %arg8[%add3A_109, %run_scoped3A_110, %dma_wait3A_132] : memref<128x1x10240xf32, #tpu.memory_space<hbm>> -> memref<1x1x10240xf32, #tpu.memory_space<hbm>>
      %dma_wait3A_134 = tpu.memref_squeeze %dma_wait3A_133 : memref<1x1x10240xf32, #tpu.memory_space<hbm>> -> memref<10240xf32, #tpu.memory_space<hbm>>
      tpu.wait_dma2 semaphore(%run_scoped3A_124 : memref<!tpu.dma_semaphore, #tpu.memory_space<semaphore_mem>>) src(%arg16 : memref<10240xf32, #tpu.memory_space<vmem>>) dst(%dma_wait3A_134 : memref<10240xf32, #tpu.memory_space<hbm>>)
      tpu.yield
    }) : () -> ()
    %mul3A_111 = arith.constant 4 : i32
    %mul3A_112 = arith.muli %mul3A_111, %add3A : i32
    %add3A_113 = arith.constant 3 : i32
    %add3A_114 = arith.addi %mul3A_112, %add3A_113 : i32
    %run_scoped3A_115 = arith.constant 0 : i32
    "tpu.region"() ({
      %run_scoped3A_124 = tpu.sem_alloc : memref<!tpu.dma_semaphore, #tpu.memory_space<semaphore_mem>>
      %dma_start3A = arith.constant 0 : i32
      %dma_start3A_125 = tpu.memref_slice %arg8[%add3A_114, %run_scoped3A_115, %dma_start3A] : memref<128x1x10240xf32, #tpu.memory_space<hbm>> -> memref<1x1x10240xf32, #tpu.memory_space<hbm>>
      %dma_start3A_126 = tpu.memref_squeeze %dma_start3A_125 : memref<1x1x10240xf32, #tpu.memory_space<hbm>> -> memref<10240xf32, #tpu.memory_space<hbm>>
      %dma_start3A_127 = arith.constant 0 : i32
      %dma_start3A_128 = tpu.memref_slice %arg8[%add3A_114, %run_scoped3A_115, %dma_start3A_127] : memref<128x1x10240xf32, #tpu.memory_space<hbm>> -> memref<1x1x10240xf32, #tpu.memory_space<hbm>>
      %dma_start3A_129 = tpu.memref_squeeze %dma_start3A_128 : memref<1x1x10240xf32, #tpu.memory_space<hbm>> -> memref<10240xf32, #tpu.memory_space<hbm>>
      tpu.enqueue_dma source(%arg17 : memref<10240xf32, #tpu.memory_space<vmem>>) target(%dma_start3A_129 : memref<10240xf32, #tpu.memory_space<hbm>>) target_semaphore(%run_scoped3A_124 : memref<!tpu.dma_semaphore, #tpu.memory_space<semaphore_mem>>)
      %dma_wait3A = arith.constant 0 : i32
      %dma_wait3A_130 = tpu.memref_slice %arg8[%add3A_114, %run_scoped3A_115, %dma_wait3A] : memref<128x1x10240xf32, #tpu.memory_space<hbm>> -> memref<1x1x10240xf32, #tpu.memory_space<hbm>>
      %dma_wait3A_131 = tpu.memref_squeeze %dma_wait3A_130 : memref<1x1x10240xf32, #tpu.memory_space<hbm>> -> memref<10240xf32, #tpu.memory_space<hbm>>
      %dma_wait3A_132 = arith.constant 0 : i32
      %dma_wait3A_133 = tpu.memref_slice %arg8[%add3A_114, %run_scoped3A_115, %dma_wait3A_132] : memref<128x1x10240xf32, #tpu.memory_space<hbm>> -> memref<1x1x10240xf32, #tpu.memory_space<hbm>>
      %dma_wait3A_134 = tpu.memref_squeeze %dma_wait3A_133 : memref<1x1x10240xf32, #tpu.memory_space<hbm>> -> memref<10240xf32, #tpu.memory_space<hbm>>
      tpu.wait_dma2 semaphore(%run_scoped3A_124 : memref<!tpu.dma_semaphore, #tpu.memory_space<semaphore_mem>>) src(%arg17 : memref<10240xf32, #tpu.memory_space<vmem>>) dst(%dma_wait3A_134 : memref<10240xf32, #tpu.memory_space<hbm>>)
      tpu.yield
    }) : () -> ()
    %mul3A_116 = arith.constant 2 : i32
    %mul3A_117 = arith.muli %mul3A_116, %add3A : i32
    %run_scoped3A_118 = arith.constant 0 : i32
    "tpu.region"() ({
      %run_scoped3A_124 = tpu.sem_alloc : memref<!tpu.dma_semaphore, #tpu.memory_space<semaphore_mem>>
      %dma_start3A = arith.constant 0 : i32
      %dma_start3A_125 = tpu.memref_slice %arg9[%mul3A_117, %run_scoped3A_118, %dma_start3A] : memref<64x1x10240xf32, #tpu.memory_space<hbm>> -> memref<1x1x10240xf32, #tpu.memory_space<hbm>>
      %dma_start3A_126 = tpu.memref_squeeze %dma_start3A_125 : memref<1x1x10240xf32, #tpu.memory_space<hbm>> -> memref<10240xf32, #tpu.memory_space<hbm>>
      %dma_start3A_127 = arith.constant 0 : i32
      %dma_start3A_128 = tpu.memref_slice %arg9[%mul3A_117, %run_scoped3A_118, %dma_start3A_127] : memref<64x1x10240xf32, #tpu.memory_space<hbm>> -> memref<1x1x10240xf32, #tpu.memory_space<hbm>>
      %dma_start3A_129 = tpu.memref_squeeze %dma_start3A_128 : memref<1x1x10240xf32, #tpu.memory_space<hbm>> -> memref<10240xf32, #tpu.memory_space<hbm>>
      tpu.enqueue_dma source(%arg18 : memref<10240xf32, #tpu.memory_space<vmem>>) target(%dma_start3A_129 : memref<10240xf32, #tpu.memory_space<hbm>>) target_semaphore(%run_scoped3A_124 : memref<!tpu.dma_semaphore, #tpu.memory_space<semaphore_mem>>)
      %dma_wait3A = arith.constant 0 : i32
      %dma_wait3A_130 = tpu.memref_slice %arg9[%mul3A_117, %run_scoped3A_118, %dma_wait3A] : memref<64x1x10240xf32, #tpu.memory_space<hbm>> -> memref<1x1x10240xf32, #tpu.memory_space<hbm>>
      %dma_wait3A_131 = tpu.memref_squeeze %dma_wait3A_130 : memref<1x1x10240xf32, #tpu.memory_space<hbm>> -> memref<10240xf32, #tpu.memory_space<hbm>>
      %dma_wait3A_132 = arith.constant 0 : i32
      %dma_wait3A_133 = tpu.memref_slice %arg9[%mul3A_117, %run_scoped3A_118, %dma_wait3A_132] : memref<64x1x10240xf32, #tpu.memory_space<hbm>> -> memref<1x1x10240xf32, #tpu.memory_space<hbm>>
      %dma_wait3A_134 = tpu.memref_squeeze %dma_wait3A_133 : memref<1x1x10240xf32, #tpu.memory_space<hbm>> -> memref<10240xf32, #tpu.memory_space<hbm>>
      tpu.wait_dma2 semaphore(%run_scoped3A_124 : memref<!tpu.dma_semaphore, #tpu.memory_space<semaphore_mem>>) src(%arg18 : memref<10240xf32, #tpu.memory_space<vmem>>) dst(%dma_wait3A_134 : memref<10240xf32, #tpu.memory_space<hbm>>)
      tpu.yield
    }) : () -> ()
    %mul3A_119 = arith.constant 2 : i32
    %mul3A_120 = arith.muli %mul3A_119, %add3A : i32
    %add3A_121 = arith.constant 1 : i32
    %add3A_122 = arith.addi %mul3A_120, %add3A_121 : i32
    %run_scoped3A_123 = arith.constant 0 : i32
    "tpu.region"() ({
      %run_scoped3A_124 = tpu.sem_alloc : memref<!tpu.dma_semaphore, #tpu.memory_space<semaphore_mem>>
      %dma_start3A = arith.constant 0 : i32
      %dma_start3A_125 = tpu.memref_slice %arg9[%add3A_122, %run_scoped3A_123, %dma_start3A] : memref<64x1x10240xf32, #tpu.memory_space<hbm>> -> memref<1x1x10240xf32, #tpu.memory_space<hbm>>
      %dma_start3A_126 = tpu.memref_squeeze %dma_start3A_125 : memref<1x1x10240xf32, #tpu.memory_space<hbm>> -> memref<10240xf32, #tpu.memory_space<hbm>>
      %dma_start3A_127 = arith.constant 0 : i32
      %dma_start3A_128 = tpu.memref_slice %arg9[%add3A_122, %run_scoped3A_123, %dma_start3A_127] : memref<64x1x10240xf32, #tpu.memory_space<hbm>> -> memref<1x1x10240xf32, #tpu.memory_space<hbm>>
      %dma_start3A_129 = tpu.memref_squeeze %dma_start3A_128 : memref<1x1x10240xf32, #tpu.memory_space<hbm>> -> memref<10240xf32, #tpu.memory_space<hbm>>
      tpu.enqueue_dma source(%arg19 : memref<10240xf32, #tpu.memory_space<vmem>>) target(%dma_start3A_129 : memref<10240xf32, #tpu.memory_space<hbm>>) target_semaphore(%run_scoped3A_124 : memref<!tpu.dma_semaphore, #tpu.memory_space<semaphore_mem>>)
      %dma_wait3A = arith.constant 0 : i32
      %dma_wait3A_130 = tpu.memref_slice %arg9[%add3A_122, %run_scoped3A_123, %dma_wait3A] : memref<64x1x10240xf32, #tpu.memory_space<hbm>> -> memref<1x1x10240xf32, #tpu.memory_space<hbm>>
      %dma_wait3A_131 = tpu.memref_squeeze %dma_wait3A_130 : memref<1x1x10240xf32, #tpu.memory_space<hbm>> -> memref<10240xf32, #tpu.memory_space<hbm>>
      %dma_wait3A_132 = arith.constant 0 : i32
      %dma_wait3A_133 = tpu.memref_slice %arg9[%add3A_122, %run_scoped3A_123, %dma_wait3A_132] : memref<64x1x10240xf32, #tpu.memory_space<hbm>> -> memref<1x1x10240xf32, #tpu.memory_space<hbm>>
      %dma_wait3A_134 = tpu.memref_squeeze %dma_wait3A_133 : memref<1x1x10240xf32, #tpu.memory_space<hbm>> -> memref<10240xf32, #tpu.memory_space<hbm>>
      tpu.wait_dma2 semaphore(%run_scoped3A_124 : memref<!tpu.dma_semaphore, #tpu.memory_space<semaphore_mem>>) src(%arg19 : memref<10240xf32, #tpu.memory_space<vmem>>) dst(%dma_wait3A_134 : memref<10240xf32, #tpu.memory_space<hbm>>)
      tpu.yield
    }) : () -> ()
    return
  }
}

#map = affine_map<(d0, d1) -> (0, 0, 0)>
#map1 = affine_map<(d0, d1) -> (0)>
module attributes {stable_mosaic.version = 14 : i64} {
  func.func @k(%arg0: i32, %arg1: i32, %arg2: memref<128x1x10240xf32, #tpu.memory_space<hbm>>, %arg3: memref<16x1x320000xf32, #tpu.memory_space<hbm>>, %arg4: memref<4x1x320000xf32, #tpu.memory_space<hbm>>, %arg5: memref<4x1x10240xf32, #tpu.memory_space<hbm>>, %arg6: memref<320000xi32, #tpu.memory_space<hbm>>, %arg7: memref<320000xi32, #tpu.memory_space<hbm>>, %arg8: memref<128x1x10240xf32, #tpu.memory_space<hbm>>, %arg9: memref<64x1x10240xf32, #tpu.memory_space<hbm>>, %arg10: memref<10240xf32, #tpu.memory_space<vmem>>, %arg11: memref<10240xf32, #tpu.memory_space<vmem>>, %arg12: memref<10240xf32, #tpu.memory_space<vmem>>, %arg13: memref<10240xf32, #tpu.memory_space<vmem>>, %arg14: memref<10240xf32, #tpu.memory_space<vmem>>, %arg15: memref<10240xf32, #tpu.memory_space<vmem>>, %arg16: memref<10240xf32, #tpu.memory_space<vmem>>, %arg17: memref<10240xf32, #tpu.memory_space<vmem>>, %arg18: memref<10240xf32, #tpu.memory_space<vmem>>, %arg19: memref<10240xf32, #tpu.memory_space<vmem>>, %arg20: memref<10240xf32, #tpu.memory_space<vmem>>, %arg21: memref<2560xi32, #tpu.memory_space<vmem>>, %arg22: memref<2560xi32, #tpu.memory_space<vmem>>, %arg23: memref<2560xf32, #tpu.memory_space<vmem>>, %arg24: memref<2560xf32, #tpu.memory_space<vmem>>, %arg25: memref<2560xf32, #tpu.memory_space<vmem>>) attributes {dimension_semantics = [#tpu.dimension_semantics<core_parallel>, #tpu.dimension_semantics<subcore_parallel>], iteration_bounds = array<i64: 2, 16>, scalar_prefetch = 0 : i64, scratch_operands = 16 : i64, tpu.core_type = #tpu.core_type<sc_vector_subcore>, window_params = [{transform_indices = #map}, {transform_indices = #map}, {transform_indices = #map}, {transform_indices = #map}, {transform_indices = #map1}, {transform_indices = #map1}, {transform_indices = #map}, {transform_indices = #map}]} {
    %mul3A = arith.constant 16 : i32
    %mul3A_0 = arith.muli %mul3A, %arg0 : i32
    %add3A = arith.addi %mul3A_0, %arg1 : i32
    %jit3A = arith.constant 8 : i32
    %div3A = arith.divsi %add3A, %jit3A : i32
    %sign3A = arith.constant 0 : i32
    %sign3A_1 = arith.cmpi sgt, %add3A, %sign3A : i32
    %sign3A_2 = arith.extui %sign3A_1 : i1 to i32
    %sign3A_3 = arith.constant 0 : i32
    %sign3A_4 = arith.cmpi slt, %add3A, %sign3A_3 : i32
    %sign3A_5 = arith.extui %sign3A_4 : i1 to i32
    %sign3A_6 = arith.subi %sign3A_2, %sign3A_5 : i32
    %sign3A_7 = arith.constant 0 : i32
    %sign3A_8 = arith.cmpi sgt, %jit3A, %sign3A_7 : i32
    %sign3A_9 = arith.extui %sign3A_8 : i1 to i32
    %sign3A_10 = arith.constant 0 : i32
    %sign3A_11 = arith.cmpi slt, %jit3A, %sign3A_10 : i32
    %sign3A_12 = arith.extui %sign3A_11 : i1 to i32
    %sign3A_13 = arith.subi %sign3A_9, %sign3A_12 : i32
    %ne3A = arith.cmpi ne, %sign3A_6, %sign3A_13 : i32
    %rem3A = arith.remsi %add3A, %jit3A : i32
    %ne3A_14 = arith.constant 0 : i32
    %ne3A_15 = arith.cmpi ne, %rem3A, %ne3A_14 : i32
    %and3A = arith.andi %ne3A, %ne3A_15 : i1
    %sub3A = arith.constant 1 : i32
    %sub3A_16 = arith.subi %div3A, %sub3A : i32
    %select_n3A = arith.select %and3A, %sub3A_16, %div3A : i32
    %mul3A_17 = arith.constant 4 : i32
    %mul3A_18 = arith.muli %mul3A_17, %add3A : i32
    %add3A_19 = arith.constant 0 : i32
    %add3A_20 = arith.addi %mul3A_18, %add3A_19 : i32
    %run_scoped3A = arith.constant 0 : i32
    "tpu.region"() ({
      %run_scoped3A_124 = tpu.sem_alloc : memref<!tpu.dma_semaphore, #tpu.memory_space<semaphore_mem>>
      %dma_start3A = arith.constant 0 : i32
      %dma_start3A_125 = tpu.memref_slice %arg2[%add3A_20, %run_scoped3A, %dma_start3A] : memref<128x1x10240xf32, #tpu.memory_space<hbm>> -> memref<1x1x10240xf32, #tpu.memory_space<hbm>>
      %dma_start3A_126 = tpu.memref_squeeze %dma_start3A_125 : memref<1x1x10240xf32, #tpu.memory_space<hbm>> -> memref<10240xf32, #tpu.memory_space<hbm>>
      %dma_start3A_127 = arith.constant 0 : i32
      %dma_start3A_128 = tpu.memref_slice %arg2[%add3A_20, %run_scoped3A, %dma_start3A_127] : memref<128x1x10240xf32, #tpu.memory_space<hbm>> -> memref<1x1x10240xf32, #tpu.memory_space<hbm>>
      %dma_start3A_129 = tpu.memref_squeeze %dma_start3A_128 : memref<1x1x10240xf32, #tpu.memory_space<hbm>> -> memref<10240xf32, #tpu.memory_space<hbm>>
      tpu.enqueue_dma source(%dma_start3A_129 : memref<10240xf32, #tpu.memory_space<hbm>>) target(%arg10 : memref<10240xf32, #tpu.memory_space<vmem>>) target_semaphore(%run_scoped3A_124 : memref<!tpu.dma_semaphore, #tpu.memory_space<semaphore_mem>>)
      %dma_wait3A = arith.constant 0 : i32
      %dma_wait3A_130 = tpu.memref_slice %arg2[%add3A_20, %run_scoped3A, %dma_wait3A] : memref<128x1x10240xf32, #tpu.memory_space<hbm>> -> memref<1x1x10240xf32, #tpu.memory_space<hbm>>
      %dma_wait3A_131 = tpu.memref_squeeze %dma_wait3A_130 : memref<1x1x10240xf32, #tpu.memory_space<hbm>> -> memref<10240xf32, #tpu.memory_space<hbm>>
      %dma_wait3A_132 = arith.constant 0 : i32
      %dma_wait3A_133 = tpu.memref_slice %arg2[%add3A_20, %run_scoped3A, %dma_wait3A_132] : memref<128x1x10240xf32, #tpu.memory_space<hbm>> -> memref<1x1x10240xf32, #tpu.memory_space<hbm>>
      %dma_wait3A_134 = tpu.memref_squeeze %dma_wait3A_133 : memref<1x1x10240xf32, #tpu.memory_space<hbm>> -> memref<10240xf32, #tpu.memory_space<hbm>>
      tpu.wait_dma2 semaphore(%run_scoped3A_124 : memref<!tpu.dma_semaphore, #tpu.memory_space<semaphore_mem>>) src(%dma_wait3A_134 : memref<10240xf32, #tpu.memory_space<hbm>>) dst(%arg10 : memref<10240xf32, #tpu.memory_space<vmem>>)
      tpu.yield
    }) : () -> ()
    %mul3A_21 = arith.constant 4 : i32
    %mul3A_22 = arith.muli %mul3A_21, %add3A : i32
    %add3A_23 = arith.constant 1 : i32
    %add3A_24 = arith.addi %mul3A_22, %add3A_23 : i32
    %run_scoped3A_25 = arith.constant 0 : i32
    "tpu.region"() ({
      %run_scoped3A_124 = tpu.sem_alloc : memref<!tpu.dma_semaphore, #tpu.memory_space<semaphore_mem>>
      %dma_start3A = arith.constant 0 : i32
      %dma_start3A_125 = tpu.memref_slice %arg2[%add3A_24, %run_scoped3A_25, %dma_start3A] : memref<128x1x10240xf32, #tpu.memory_space<hbm>> -> memref<1x1x10240xf32, #tpu.memory_space<hbm>>
      %dma_start3A_126 = tpu.memref_squeeze %dma_start3A_125 : memref<1x1x10240xf32, #tpu.memory_space<hbm>> -> memref<10240xf32, #tpu.memory_space<hbm>>
      %dma_start3A_127 = arith.constant 0 : i32
      %dma_start3A_128 = tpu.memref_slice %arg2[%add3A_24, %run_scoped3A_25, %dma_start3A_127] : memref<128x1x10240xf32, #tpu.memory_space<hbm>> -> memref<1x1x10240xf32, #tpu.memory_space<hbm>>
      %dma_start3A_129 = tpu.memref_squeeze %dma_start3A_128 : memref<1x1x10240xf32, #tpu.memory_space<hbm>> -> memref<10240xf32, #tpu.memory_space<hbm>>
      tpu.enqueue_dma source(%dma_start3A_129 : memref<10240xf32, #tpu.memory_space<hbm>>) target(%arg11 : memref<10240xf32, #tpu.memory_space<vmem>>) target_semaphore(%run_scoped3A_124 : memref<!tpu.dma_semaphore, #tpu.memory_space<semaphore_mem>>)
      %dma_wait3A = arith.constant 0 : i32
      %dma_wait3A_130 = tpu.memref_slice %arg2[%add3A_24, %run_scoped3A_25, %dma_wait3A] : memref<128x1x10240xf32, #tpu.memory_space<hbm>> -> memref<1x1x10240xf32, #tpu.memory_space<hbm>>
      %dma_wait3A_131 = tpu.memref_squeeze %dma_wait3A_130 : memref<1x1x10240xf32, #tpu.memory_space<hbm>> -> memref<10240xf32, #tpu.memory_space<hbm>>
      %dma_wait3A_132 = arith.constant 0 : i32
      %dma_wait3A_133 = tpu.memref_slice %arg2[%add3A_24, %run_scoped3A_25, %dma_wait3A_132] : memref<128x1x10240xf32, #tpu.memory_space<hbm>> -> memref<1x1x10240xf32, #tpu.memory_space<hbm>>
      %dma_wait3A_134 = tpu.memref_squeeze %dma_wait3A_133 : memref<1x1x10240xf32, #tpu.memory_space<hbm>> -> memref<10240xf32, #tpu.memory_space<hbm>>
      tpu.wait_dma2 semaphore(%run_scoped3A_124 : memref<!tpu.dma_semaphore, #tpu.memory_space<semaphore_mem>>) src(%dma_wait3A_134 : memref<10240xf32, #tpu.memory_space<hbm>>) dst(%arg11 : memref<10240xf32, #tpu.memory_space<vmem>>)
      tpu.yield
    }) : () -> ()
    %mul3A_26 = arith.constant 4 : i32
    %mul3A_27 = arith.muli %mul3A_26, %add3A : i32
    %add3A_28 = arith.constant 2 : i32
    %add3A_29 = arith.addi %mul3A_27, %add3A_28 : i32
    %run_scoped3A_30 = arith.constant 0 : i32
    "tpu.region"() ({
      %run_scoped3A_124 = tpu.sem_alloc : memref<!tpu.dma_semaphore, #tpu.memory_space<semaphore_mem>>
      %dma_start3A = arith.constant 0 : i32
      %dma_start3A_125 = tpu.memref_slice %arg2[%add3A_29, %run_scoped3A_30, %dma_start3A] : memref<128x1x10240xf32, #tpu.memory_space<hbm>> -> memref<1x1x10240xf32, #tpu.memory_space<hbm>>
      %dma_start3A_126 = tpu.memref_squeeze %dma_start3A_125 : memref<1x1x10240xf32, #tpu.memory_space<hbm>> -> memref<10240xf32, #tpu.memory_space<hbm>>
      %dma_start3A_127 = arith.constant 0 : i32
      %dma_start3A_128 = tpu.memref_slice %arg2[%add3A_29, %run_scoped3A_30, %dma_start3A_127] : memref<128x1x10240xf32, #tpu.memory_space<hbm>> -> memref<1x1x10240xf32, #tpu.memory_space<hbm>>
      %dma_start3A_129 = tpu.memref_squeeze %dma_start3A_128 : memref<1x1x10240xf32, #tpu.memory_space<hbm>> -> memref<10240xf32, #tpu.memory_space<hbm>>
      tpu.enqueue_dma source(%dma_start3A_129 : memref<10240xf32, #tpu.memory_space<hbm>>) target(%arg12 : memref<10240xf32, #tpu.memory_space<vmem>>) target_semaphore(%run_scoped3A_124 : memref<!tpu.dma_semaphore, #tpu.memory_space<semaphore_mem>>)
      %dma_wait3A = arith.constant 0 : i32
      %dma_wait3A_130 = tpu.memref_slice %arg2[%add3A_29, %run_scoped3A_30, %dma_wait3A] : memref<128x1x10240xf32, #tpu.memory_space<hbm>> -> memref<1x1x10240xf32, #tpu.memory_space<hbm>>
      %dma_wait3A_131 = tpu.memref_squeeze %dma_wait3A_130 : memref<1x1x10240xf32, #tpu.memory_space<hbm>> -> memref<10240xf32, #tpu.memory_space<hbm>>
      %dma_wait3A_132 = arith.constant 0 : i32
      %dma_wait3A_133 = tpu.memref_slice %arg2[%add3A_29, %run_scoped3A_30, %dma_wait3A_132] : memref<128x1x10240xf32, #tpu.memory_space<hbm>> -> memref<1x1x10240xf32, #tpu.memory_space<hbm>>
      %dma_wait3A_134 = tpu.memref_squeeze %dma_wait3A_133 : memref<1x1x10240xf32, #tpu.memory_space<hbm>> -> memref<10240xf32, #tpu.memory_space<hbm>>
      tpu.wait_dma2 semaphore(%run_scoped3A_124 : memref<!tpu.dma_semaphore, #tpu.memory_space<semaphore_mem>>) src(%dma_wait3A_134 : memref<10240xf32, #tpu.memory_space<hbm>>) dst(%arg12 : memref<10240xf32, #tpu.memory_space<vmem>>)
      tpu.yield
    }) : () -> ()
    %mul3A_31 = arith.constant 4 : i32
    %mul3A_32 = arith.muli %mul3A_31, %add3A : i32
    %add3A_33 = arith.constant 3 : i32
    %add3A_34 = arith.addi %mul3A_32, %add3A_33 : i32
    %run_scoped3A_35 = arith.constant 0 : i32
    "tpu.region"() ({
      %run_scoped3A_124 = tpu.sem_alloc : memref<!tpu.dma_semaphore, #tpu.memory_space<semaphore_mem>>
      %dma_start3A = arith.constant 0 : i32
      %dma_start3A_125 = tpu.memref_slice %arg2[%add3A_34, %run_scoped3A_35, %dma_start3A] : memref<128x1x10240xf32, #tpu.memory_space<hbm>> -> memref<1x1x10240xf32, #tpu.memory_space<hbm>>
      %dma_start3A_126 = tpu.memref_squeeze %dma_start3A_125 : memref<1x1x10240xf32, #tpu.memory_space<hbm>> -> memref<10240xf32, #tpu.memory_space<hbm>>
      %dma_start3A_127 = arith.constant 0 : i32
      %dma_start3A_128 = tpu.memref_slice %arg2[%add3A_34, %run_scoped3A_35, %dma_start3A_127] : memref<128x1x10240xf32, #tpu.memory_space<hbm>> -> memref<1x1x10240xf32, #tpu.memory_space<hbm>>
      %dma_start3A_129 = tpu.memref_squeeze %dma_start3A_128 : memref<1x1x10240xf32, #tpu.memory_space<hbm>> -> memref<10240xf32, #tpu.memory_space<hbm>>
      tpu.enqueue_dma source(%dma_start3A_129 : memref<10240xf32, #tpu.memory_space<hbm>>) target(%arg13 : memref<10240xf32, #tpu.memory_space<vmem>>) target_semaphore(%run_scoped3A_124 : memref<!tpu.dma_semaphore, #tpu.memory_space<semaphore_mem>>)
      %dma_wait3A = arith.constant 0 : i32
      %dma_wait3A_130 = tpu.memref_slice %arg2[%add3A_34, %run_scoped3A_35, %dma_wait3A] : memref<128x1x10240xf32, #tpu.memory_space<hbm>> -> memref<1x1x10240xf32, #tpu.memory_space<hbm>>
      %dma_wait3A_131 = tpu.memref_squeeze %dma_wait3A_130 : memref<1x1x10240xf32, #tpu.memory_space<hbm>> -> memref<10240xf32, #tpu.memory_space<hbm>>
      %dma_wait3A_132 = arith.constant 0 : i32
      %dma_wait3A_133 = tpu.memref_slice %arg2[%add3A_34, %run_scoped3A_35, %dma_wait3A_132] : memref<128x1x10240xf32, #tpu.memory_space<hbm>> -> memref<1x1x10240xf32, #tpu.memory_space<hbm>>
      %dma_wait3A_134 = tpu.memref_squeeze %dma_wait3A_133 : memref<1x1x10240xf32, #tpu.memory_space<hbm>> -> memref<10240xf32, #tpu.memory_space<hbm>>
      tpu.wait_dma2 semaphore(%run_scoped3A_124 : memref<!tpu.dma_semaphore, #tpu.memory_space<semaphore_mem>>) src(%dma_wait3A_134 : memref<10240xf32, #tpu.memory_space<hbm>>) dst(%arg13 : memref<10240xf32, #tpu.memory_space<vmem>>)
      tpu.yield
    }) : () -> ()
    %run_scoped3A_36 = arith.constant 0 : i32
    "tpu.region"() ({
      %run_scoped3A_124 = tpu.sem_alloc : memref<!tpu.dma_semaphore, #tpu.memory_space<semaphore_mem>>
      %dma_start3A = arith.constant 0 : i32
      %dma_start3A_125 = tpu.memref_slice %arg5[%select_n3A, %run_scoped3A_36, %dma_start3A] : memref<4x1x10240xf32, #tpu.memory_space<hbm>> -> memref<1x1x10240xf32, #tpu.memory_space<hbm>>
      %dma_start3A_126 = tpu.memref_squeeze %dma_start3A_125 : memref<1x1x10240xf32, #tpu.memory_space<hbm>> -> memref<10240xf32, #tpu.memory_space<hbm>>
      %dma_start3A_127 = arith.constant 0 : i32
      %dma_start3A_128 = tpu.memref_slice %arg5[%select_n3A, %run_scoped3A_36, %dma_start3A_127] : memref<4x1x10240xf32, #tpu.memory_space<hbm>> -> memref<1x1x10240xf32, #tpu.memory_space<hbm>>
      %dma_start3A_129 = tpu.memref_squeeze %dma_start3A_128 : memref<1x1x10240xf32, #tpu.memory_space<hbm>> -> memref<10240xf32, #tpu.memory_space<hbm>>
      tpu.enqueue_dma source(%dma_start3A_129 : memref<10240xf32, #tpu.memory_space<hbm>>) target(%arg20 : memref<10240xf32, #tpu.memory_space<vmem>>) target_semaphore(%run_scoped3A_124 : memref<!tpu.dma_semaphore, #tpu.memory_space<semaphore_mem>>)
      %dma_wait3A = arith.constant 0 : i32
      %dma_wait3A_130 = tpu.memref_slice %arg5[%select_n3A, %run_scoped3A_36, %dma_wait3A] : memref<4x1x10240xf32, #tpu.memory_space<hbm>> -> memref<1x1x10240xf32, #tpu.memory_space<hbm>>
      %dma_wait3A_131 = tpu.memref_squeeze %dma_wait3A_130 : memref<1x1x10240xf32, #tpu.memory_space<hbm>> -> memref<10240xf32, #tpu.memory_space<hbm>>
      %dma_wait3A_132 = arith.constant 0 : i32
      %dma_wait3A_133 = tpu.memref_slice %arg5[%select_n3A, %run_scoped3A_36, %dma_wait3A_132] : memref<4x1x10240xf32, #tpu.memory_space<hbm>> -> memref<1x1x10240xf32, #tpu.memory_space<hbm>>
      %dma_wait3A_134 = tpu.memref_squeeze %dma_wait3A_133 : memref<1x1x10240xf32, #tpu.memory_space<hbm>> -> memref<10240xf32, #tpu.memory_space<hbm>>
      tpu.wait_dma2 semaphore(%run_scoped3A_124 : memref<!tpu.dma_semaphore, #tpu.memory_space<semaphore_mem>>) src(%dma_wait3A_134 : memref<10240xf32, #tpu.memory_space<hbm>>) dst(%arg20 : memref<10240xf32, #tpu.memory_space<vmem>>)
      tpu.yield
    }) : () -> ()
    %broadcast_in_dim3A = arith.constant 0.000000e+00 : f32
    %broadcast_in_dim3A_37 = vector.broadcast %broadcast_in_dim3A : f32 to vector<16xf32>
    %scan3A = arith.constant 0 : i32
    %scan3A_38 = arith.constant 0 : i32
    %scan3A_39 = arith.constant 640 : i32
    %scan3A_40 = arith.addi %scan3A_38, %scan3A_39 : i32
    %scan3A_41 = arith.constant 1 : i32
    %scan3A_42 = scf.for %scan3A_124 = %scan3A_38 to %scan3A_40 step %scan3A_41 iter_args(%scan3A_125 = %scan3A) -> (i32)  : i32 {
      %mul3A_126 = arith.constant 16 : i32
      %mul3A_127 = arith.muli %scan3A_124, %mul3A_126 : i32
      %swap3A = arith.index_cast %mul3A_127 : i32 to index
      %swap3A_128 = tpu.vector_load %arg14[%swap3A] {strides = array<i32>} : memref<10240xf32, #tpu.memory_space<vmem>>, vector<16xf32>,
      tpu.vector_store %arg14[%swap3A], %broadcast_in_dim3A_37 {strides = array<i32>} : memref<10240xf32, #tpu.memory_space<vmem>>, vector<16xf32>,
      %scan3A_129 = arith.constant 0 : i32
      scf.yield %scan3A_129 : i32
    }
    %scan3A_43 = arith.constant 640 : i32
    %broadcast_in_dim3A_44 = arith.constant 0.000000e+00 : f32
    %broadcast_in_dim3A_45 = vector.broadcast %broadcast_in_dim3A_44 : f32 to vector<16xf32>
    %scan3A_46 = arith.constant 0 : i32
    %scan3A_47 = arith.constant 0 : i32
    %scan3A_48 = arith.constant 640 : i32
    %scan3A_49 = arith.addi %scan3A_47, %scan3A_48 : i32
    %scan3A_50 = arith.constant 1 : i32
    %scan3A_51 = scf.for %scan3A_124 = %scan3A_47 to %scan3A_49 step %scan3A_50 iter_args(%scan3A_125 = %scan3A_46) -> (i32)  : i32 {
      %mul3A_126 = arith.constant 16 : i32
      %mul3A_127 = arith.muli %scan3A_124, %mul3A_126 : i32
      %swap3A = arith.index_cast %mul3A_127 : i32 to index
      %swap3A_128 = tpu.vector_load %arg15[%swap3A] {strides = array<i32>} : memref<10240xf32, #tpu.memory_space<vmem>>, vector<16xf32>,
      tpu.vector_store %arg15[%swap3A], %broadcast_in_dim3A_45 {strides = array<i32>} : memref<10240xf32, #tpu.memory_space<vmem>>, vector<16xf32>,
      %scan3A_129 = arith.constant 0 : i32
      scf.yield %scan3A_129 : i32
    }
    %scan3A_52 = arith.constant 640 : i32
    %broadcast_in_dim3A_53 = arith.constant 0.000000e+00 : f32
    %broadcast_in_dim3A_54 = vector.broadcast %broadcast_in_dim3A_53 : f32 to vector<16xf32>
    %scan3A_55 = arith.constant 0 : i32
    %scan3A_56 = arith.constant 0 : i32
    %scan3A_57 = arith.constant 640 : i32
    %scan3A_58 = arith.addi %scan3A_56, %scan3A_57 : i32
    %scan3A_59 = arith.constant 1 : i32
    %scan3A_60 = scf.for %scan3A_124 = %scan3A_56 to %scan3A_58 step %scan3A_59 iter_args(%scan3A_125 = %scan3A_55) -> (i32)  : i32 {
      %mul3A_126 = arith.constant 16 : i32
      %mul3A_127 = arith.muli %scan3A_124, %mul3A_126 : i32
      %swap3A = arith.index_cast %mul3A_127 : i32 to index
      %swap3A_128 = tpu.vector_load %arg16[%swap3A] {strides = array<i32>} : memref<10240xf32, #tpu.memory_space<vmem>>, vector<16xf32>,
      tpu.vector_store %arg16[%swap3A], %broadcast_in_dim3A_54 {strides = array<i32>} : memref<10240xf32, #tpu.memory_space<vmem>>, vector<16xf32>,
      %scan3A_129 = arith.constant 0 : i32
      scf.yield %scan3A_129 : i32
    }
    %scan3A_61 = arith.constant 640 : i32
    %broadcast_in_dim3A_62 = arith.constant 0.000000e+00 : f32
    %broadcast_in_dim3A_63 = vector.broadcast %broadcast_in_dim3A_62 : f32 to vector<16xf32>
    %scan3A_64 = arith.constant 0 : i32
    %scan3A_65 = arith.constant 0 : i32
    %scan3A_66 = arith.constant 640 : i32
    %scan3A_67 = arith.addi %scan3A_65, %scan3A_66 : i32
    %scan3A_68 = arith.constant 1 : i32
    %scan3A_69 = scf.for %scan3A_124 = %scan3A_65 to %scan3A_67 step %scan3A_68 iter_args(%scan3A_125 = %scan3A_64) -> (i32)  : i32 {
      %mul3A_126 = arith.constant 16 : i32
      %mul3A_127 = arith.muli %scan3A_124, %mul3A_126 : i32
      %swap3A = arith.index_cast %mul3A_127 : i32 to index
      %swap3A_128 = tpu.vector_load %arg17[%swap3A] {strides = array<i32>} : memref<10240xf32, #tpu.memory_space<vmem>>, vector<16xf32>,
      tpu.vector_store %arg17[%swap3A], %broadcast_in_dim3A_63 {strides = array<i32>} : memref<10240xf32, #tpu.memory_space<vmem>>, vector<16xf32>,
      %scan3A_129 = arith.constant 0 : i32
      scf.yield %scan3A_129 : i32
    }
    %scan3A_70 = arith.constant 640 : i32
    %broadcast_in_dim3A_71 = arith.constant 0.000000e+00 : f32
    %broadcast_in_dim3A_72 = vector.broadcast %broadcast_in_dim3A_71 : f32 to vector<16xf32>
    %scan3A_73 = arith.constant 0 : i32
    %scan3A_74 = arith.constant 0 : i32
    %scan3A_75 = arith.constant 640 : i32
    %scan3A_76 = arith.addi %scan3A_74, %scan3A_75 : i32
    %scan3A_77 = arith.constant 1 : i32
    %scan3A_78 = scf.for %scan3A_124 = %scan3A_74 to %scan3A_76 step %scan3A_77 iter_args(%scan3A_125 = %scan3A_73) -> (i32)  : i32 {
      %mul3A_126 = arith.constant 16 : i32
      %mul3A_127 = arith.muli %scan3A_124, %mul3A_126 : i32
      %swap3A = arith.index_cast %mul3A_127 : i32 to index
      %swap3A_128 = tpu.vector_load %arg18[%swap3A] {strides = array<i32>} : memref<10240xf32, #tpu.memory_space<vmem>>, vector<16xf32>,
      tpu.vector_store %arg18[%swap3A], %broadcast_in_dim3A_72 {strides = array<i32>} : memref<10240xf32, #tpu.memory_space<vmem>>, vector<16xf32>,
      %scan3A_129 = arith.constant 0 : i32
      scf.yield %scan3A_129 : i32
    }
    %scan3A_79 = arith.constant 640 : i32
    %broadcast_in_dim3A_80 = arith.constant 0.000000e+00 : f32
    %broadcast_in_dim3A_81 = vector.broadcast %broadcast_in_dim3A_80 : f32 to vector<16xf32>
    %scan3A_82 = arith.constant 0 : i32
    %scan3A_83 = arith.constant 0 : i32
    %scan3A_84 = arith.constant 640 : i32
    %scan3A_85 = arith.addi %scan3A_83, %scan3A_84 : i32
    %scan3A_86 = arith.constant 1 : i32
    %scan3A_87 = scf.for %scan3A_124 = %scan3A_83 to %scan3A_85 step %scan3A_86 iter_args(%scan3A_125 = %scan3A_82) -> (i32)  : i32 {
      %mul3A_126 = arith.constant 16 : i32
      %mul3A_127 = arith.muli %scan3A_124, %mul3A_126 : i32
      %swap3A = arith.index_cast %mul3A_127 : i32 to index
      %swap3A_128 = tpu.vector_load %arg19[%swap3A] {strides = array<i32>} : memref<10240xf32, #tpu.memory_space<vmem>>, vector<16xf32>,
      tpu.vector_store %arg19[%swap3A], %broadcast_in_dim3A_81 {strides = array<i32>} : memref<10240xf32, #tpu.memory_space<vmem>>, vector<16xf32>,
      %scan3A_129 = arith.constant 0 : i32
      scf.yield %scan3A_129 : i32
    }
    %scan3A_88 = arith.constant 640 : i32
    %scan3A_89 = arith.constant 0 : i32
    %scan3A_90 = arith.constant 0 : i32
    %scan3A_91 = arith.constant 125 : i32
    %scan3A_92 = arith.addi %scan3A_90, %scan3A_91 : i32
    %scan3A_93 = arith.constant 1 : i32
    %scan3A_94 = scf.for %scan3A_124 = %scan3A_90 to %scan3A_92 step %scan3A_93 iter_args(%scan3A_125 = %scan3A_89) -> (i32)  : i32 {
      %mul3A_126 = arith.constant 2560 : i32
      %mul3A_127 = arith.muli %scan3A_124, %mul3A_126 : i32
      "tpu.region"() ({
        %run_scoped3A_175 = tpu.sem_alloc : memref<!tpu.dma_semaphore, #tpu.memory_space<semaphore_mem>>
        %dma_start3A = tpu.memref_slice %arg6[%mul3A_127] : memref<320000xi32, #tpu.memory_space<hbm>> -> memref<2560xi32, #tpu.memory_space<hbm>>
        %dma_start3A_176 = tpu.memref_slice %arg6[%mul3A_127] : memref<320000xi32, #tpu.memory_space<hbm>> -> memref<2560xi32, #tpu.memory_space<hbm>>
        tpu.enqueue_dma source(%dma_start3A_176 : memref<2560xi32, #tpu.memory_space<hbm>>) target(%arg21 : memref<2560xi32, #tpu.memory_space<vmem>>) target_semaphore(%run_scoped3A_175 : memref<!tpu.dma_semaphore, #tpu.memory_space<semaphore_mem>>)
        %dma_wait3A = tpu.memref_slice %arg6[%mul3A_127] : memref<320000xi32, #tpu.memory_space<hbm>> -> memref<2560xi32, #tpu.memory_space<hbm>>
        %dma_wait3A_177 = tpu.memref_slice %arg6[%mul3A_127] : memref<320000xi32, #tpu.memory_space<hbm>> -> memref<2560xi32, #tpu.memory_space<hbm>>
        tpu.wait_dma2 semaphore(%run_scoped3A_175 : memref<!tpu.dma_semaphore, #tpu.memory_space<semaphore_mem>>) src(%dma_wait3A_177 : memref<2560xi32, #tpu.memory_space<hbm>>) dst(%arg21 : memref<2560xi32, #tpu.memory_space<vmem>>)
        tpu.yield
      }) : () -> ()
      "tpu.region"() ({
        %run_scoped3A_175 = tpu.sem_alloc : memref<!tpu.dma_semaphore, #tpu.memory_space<semaphore_mem>>
        %dma_start3A = tpu.memref_slice %arg7[%mul3A_127] : memref<320000xi32, #tpu.memory_space<hbm>> -> memref<2560xi32, #tpu.memory_space<hbm>>
        %dma_start3A_176 = tpu.memref_slice %arg7[%mul3A_127] : memref<320000xi32, #tpu.memory_space<hbm>> -> memref<2560xi32, #tpu.memory_space<hbm>>
        tpu.enqueue_dma source(%dma_start3A_176 : memref<2560xi32, #tpu.memory_space<hbm>>) target(%arg22 : memref<2560xi32, #tpu.memory_space<vmem>>) target_semaphore(%run_scoped3A_175 : memref<!tpu.dma_semaphore, #tpu.memory_space<semaphore_mem>>)
        %dma_wait3A = tpu.memref_slice %arg7[%mul3A_127] : memref<320000xi32, #tpu.memory_space<hbm>> -> memref<2560xi32, #tpu.memory_space<hbm>>
        %dma_wait3A_177 = tpu.memref_slice %arg7[%mul3A_127] : memref<320000xi32, #tpu.memory_space<hbm>> -> memref<2560xi32, #tpu.memory_space<hbm>>
        tpu.wait_dma2 semaphore(%run_scoped3A_175 : memref<!tpu.dma_semaphore, #tpu.memory_space<semaphore_mem>>) src(%dma_wait3A_177 : memref<2560xi32, #tpu.memory_space<hbm>>) dst(%arg22 : memref<2560xi32, #tpu.memory_space<vmem>>)
        tpu.yield
      }) : () -> ()
      %run_scoped3A_128 = arith.constant 0 : i32
      "tpu.region"() ({
        %run_scoped3A_175 = tpu.sem_alloc : memref<!tpu.dma_semaphore, #tpu.memory_space<semaphore_mem>>
        %dma_start3A = tpu.memref_slice %arg4[%select_n3A, %run_scoped3A_128, %mul3A_127] : memref<4x1x320000xf32, #tpu.memory_space<hbm>> -> memref<1x1x2560xf32, #tpu.memory_space<hbm>>
        %dma_start3A_176 = tpu.memref_squeeze %dma_start3A : memref<1x1x2560xf32, #tpu.memory_space<hbm>> -> memref<2560xf32, #tpu.memory_space<hbm>>
        %dma_start3A_177 = tpu.memref_slice %arg4[%select_n3A, %run_scoped3A_128, %mul3A_127] : memref<4x1x320000xf32, #tpu.memory_space<hbm>> -> memref<1x1x2560xf32, #tpu.memory_space<hbm>>
        %dma_start3A_178 = tpu.memref_squeeze %dma_start3A_177 : memref<1x1x2560xf32, #tpu.memory_space<hbm>> -> memref<2560xf32, #tpu.memory_space<hbm>>
        tpu.enqueue_dma source(%dma_start3A_178 : memref<2560xf32, #tpu.memory_space<hbm>>) target(%arg23 : memref<2560xf32, #tpu.memory_space<vmem>>) target_semaphore(%run_scoped3A_175 : memref<!tpu.dma_semaphore, #tpu.memory_space<semaphore_mem>>)
        %dma_wait3A = tpu.memref_slice %arg4[%select_n3A, %run_scoped3A_128, %mul3A_127] : memref<4x1x320000xf32, #tpu.memory_space<hbm>> -> memref<1x1x2560xf32, #tpu.memory_space<hbm>>
        %dma_wait3A_179 = tpu.memref_squeeze %dma_wait3A : memref<1x1x2560xf32, #tpu.memory_space<hbm>> -> memref<2560xf32, #tpu.memory_space<hbm>>
        %dma_wait3A_180 = tpu.memref_slice %arg4[%select_n3A, %run_scoped3A_128, %mul3A_127] : memref<4x1x320000xf32, #tpu.memory_space<hbm>> -> memref<1x1x2560xf32, #tpu.memory_space<hbm>>
        %dma_wait3A_181 = tpu.memref_squeeze %dma_wait3A_180 : memref<1x1x2560xf32, #tpu.memory_space<hbm>> -> memref<2560xf32, #tpu.memory_space<hbm>>
        tpu.wait_dma2 semaphore(%run_scoped3A_175 : memref<!tpu.dma_semaphore, #tpu.memory_space<semaphore_mem>>) src(%dma_wait3A_181 : memref<2560xf32, #tpu.memory_space<hbm>>) dst(%arg23 : memref<2560xf32, #tpu.memory_space<vmem>>)
        tpu.yield
      }) : () -> ()
      %jit3A_129 = arith.constant 8 : i32
      %eq3A = arith.constant 0 : i32
      %eq3A_130 = arith.cmpi eq, %jit3A_129, %eq3A : i32
      %jit3A_131 = arith.constant 1 : i32
      %select_n3A_132 = arith.select %eq3A_130, %jit3A_131, %jit3A_129 : i32
      %rem3A_133 = arith.remsi %add3A, %select_n3A_132 : i32
      %ne3A_134 = arith.constant 0 : i32
      %ne3A_135 = arith.cmpi ne, %rem3A_133, %ne3A_134 : i32
      %lt3A = arith.constant 0 : i32
      %lt3A_136 = arith.cmpi slt, %rem3A_133, %lt3A : i32
      %lt3A_137 = arith.constant 0 : i32
      %lt3A_138 = arith.cmpi slt, %select_n3A_132, %lt3A_137 : i32
      %ne3A_139 = arith.xori %lt3A_136, %lt3A_138 : i1
      %and3A_140 = arith.andi %ne3A_139, %ne3A_135 : i1
      %add3A_141 = arith.addi %rem3A_133, %select_n3A_132 : i32
      %select_n3A_142 = arith.select %and3A_140, %add3A_141, %rem3A_133 : i32
      %mul3A_143 = arith.constant 2 : i32
      %mul3A_144 = arith.muli %mul3A_143, %select_n3A_142 : i32
      %run_scoped3A_145 = arith.constant 0 : i32
      "tpu.region"() ({
        %run_scoped3A_175 = tpu.sem_alloc : memref<!tpu.dma_semaphore, #tpu.memory_space<semaphore_mem>>
        %dma_start3A = tpu.memref_slice %arg3[%mul3A_144, %run_scoped3A_145, %mul3A_127] : memref<16x1x320000xf32, #tpu.memory_space<hbm>> -> memref<1x1x2560xf32, #tpu.memory_space<hbm>>
        %dma_start3A_176 = tpu.memref_squeeze %dma_start3A : memref<1x1x2560xf32, #tpu.memory_space<hbm>> -> memref<2560xf32, #tpu.memory_space<hbm>>
        %dma_start3A_177 = tpu.memref_slice %arg3[%mul3A_144, %run_scoped3A_145, %mul3A_127] : memref<16x1x320000xf32, #tpu.memory_space<hbm>> -> memref<1x1x2560xf32, #tpu.memory_space<hbm>>
        %dma_start3A_178 = tpu.memref_squeeze %dma_start3A_177 : memref<1x1x2560xf32, #tpu.memory_space<hbm>> -> memref<2560xf32, #tpu.memory_space<hbm>>
        tpu.enqueue_dma source(%dma_start3A_178 : memref<2560xf32, #tpu.memory_space<hbm>>) target(%arg24 : memref<2560xf32, #tpu.memory_space<vmem>>) target_semaphore(%run_scoped3A_175 : memref<!tpu.dma_semaphore, #tpu.memory_space<semaphore_mem>>)
        %dma_wait3A = tpu.memref_slice %arg3[%mul3A_144, %run_scoped3A_145, %mul3A_127] : memref<16x1x320000xf32, #tpu.memory_space<hbm>> -> memref<1x1x2560xf32, #tpu.memory_space<hbm>>
        %dma_wait3A_179 = tpu.memref_squeeze %dma_wait3A : memref<1x1x2560xf32, #tpu.memory_space<hbm>> -> memref<2560xf32, #tpu.memory_space<hbm>>
        %dma_wait3A_180 = tpu.memref_slice %arg3[%mul3A_144, %run_scoped3A_145, %mul3A_127] : memref<16x1x320000xf32, #tpu.memory_space<hbm>> -> memref<1x1x2560xf32, #tpu.memory_space<hbm>>
        %dma_wait3A_181 = tpu.memref_squeeze %dma_wait3A_180 : memref<1x1x2560xf32, #tpu.memory_space<hbm>> -> memref<2560xf32, #tpu.memory_space<hbm>>
        tpu.wait_dma2 semaphore(%run_scoped3A_175 : memref<!tpu.dma_semaphore, #tpu.memory_space<semaphore_mem>>) src(%dma_wait3A_181 : memref<2560xf32, #tpu.memory_space<hbm>>) dst(%arg24 : memref<2560xf32, #tpu.memory_space<vmem>>)
        tpu.yield
      }) : () -> ()
      %jit3A_146 = arith.constant 8 : i32
      %eq3A_147 = arith.constant 0 : i32
      %eq3A_148 = arith.cmpi eq, %jit3A_146, %eq3A_147 : i32
      %jit3A_149 = arith.constant 1 : i32
      %select_n3A_150 = arith.select %eq3A_148, %jit3A_149, %jit3A_146 : i32
      %rem3A_151 = arith.remsi %add3A, %select_n3A_150 : i32
      %ne3A_152 = arith.constant 0 : i32
      %ne3A_153 = arith.cmpi ne, %rem3A_151, %ne3A_152 : i32
      %lt3A_154 = arith.constant 0 : i32
      %lt3A_155 = arith.cmpi slt, %rem3A_151, %lt3A_154 : i32
      %lt3A_156 = arith.constant 0 : i32
      %lt3A_157 = arith.cmpi slt, %select_n3A_150, %lt3A_156 : i32
      %ne3A_158 = arith.xori %lt3A_155, %lt3A_157 : i1
      %and3A_159 = arith.andi %ne3A_158, %ne3A_153 : i1
      %add3A_160 = arith.addi %rem3A_151, %select_n3A_150 : i32
      %select_n3A_161 = arith.select %and3A_159, %add3A_160, %rem3A_151 : i32
      %mul3A_162 = arith.constant 2 : i32
      %mul3A_163 = arith.muli %mul3A_162, %select_n3A_161 : i32
      %add3A_164 = arith.constant 1 : i32
      %add3A_165 = arith.addi %mul3A_163, %add3A_164 : i32
      %run_scoped3A_166 = arith.constant 0 : i32
      "tpu.region"() ({
        %run_scoped3A_175 = tpu.sem_alloc : memref<!tpu.dma_semaphore, #tpu.memory_space<semaphore_mem>>
        %dma_start3A = tpu.memref_slice %arg3[%add3A_165, %run_scoped3A_166, %mul3A_127] : memref<16x1x320000xf32, #tpu.memory_space<hbm>> -> memref<1x1x2560xf32, #tpu.memory_space<hbm>>
        %dma_start3A_176 = tpu.memref_squeeze %dma_start3A : memref<1x1x2560xf32, #tpu.memory_space<hbm>> -> memref<2560xf32, #tpu.memory_space<hbm>>
        %dma_start3A_177 = tpu.memref_slice %arg3[%add3A_165, %run_scoped3A_166, %mul3A_127] : memref<16x1x320000xf32, #tpu.memory_space<hbm>> -> memref<1x1x2560xf32, #tpu.memory_space<hbm>>
        %dma_start3A_178 = tpu.memref_squeeze %dma_start3A_177 : memref<1x1x2560xf32, #tpu.memory_space<hbm>> -> memref<2560xf32, #tpu.memory_space<hbm>>
        tpu.enqueue_dma source(%dma_start3A_178 : memref<2560xf32, #tpu.memory_space<hbm>>) target(%arg25 : memref<2560xf32, #tpu.memory_space<vmem>>) target_semaphore(%run_scoped3A_175 : memref<!tpu.dma_semaphore, #tpu.memory_space<semaphore_mem>>)
        %dma_wait3A = tpu.memref_slice %arg3[%add3A_165, %run_scoped3A_166, %mul3A_127] : memref<16x1x320000xf32, #tpu.memory_space<hbm>> -> memref<1x1x2560xf32, #tpu.memory_space<hbm>>
        %dma_wait3A_179 = tpu.memref_squeeze %dma_wait3A : memref<1x1x2560xf32, #tpu.memory_space<hbm>> -> memref<2560xf32, #tpu.memory_space<hbm>>
        %dma_wait3A_180 = tpu.memref_slice %arg3[%add3A_165, %run_scoped3A_166, %mul3A_127] : memref<16x1x320000xf32, #tpu.memory_space<hbm>> -> memref<1x1x2560xf32, #tpu.memory_space<hbm>>
        %dma_wait3A_181 = tpu.memref_squeeze %dma_wait3A_180 : memref<1x1x2560xf32, #tpu.memory_space<hbm>> -> memref<2560xf32, #tpu.memory_space<hbm>>
        tpu.wait_dma2 semaphore(%run_scoped3A_175 : memref<!tpu.dma_semaphore, #tpu.memory_space<semaphore_mem>>) src(%dma_wait3A_181 : memref<2560xf32, #tpu.memory_space<hbm>>) dst(%arg25 : memref<2560xf32, #tpu.memory_space<vmem>>)
        tpu.yield
      }) : () -> ()
      %scan3A_167 = arith.constant 0 : i32
      %scan3A_168 = arith.constant 0 : i32
      %scan3A_169 = arith.constant 160 : i32
      %scan3A_170 = arith.addi %scan3A_168, %scan3A_169 : i32
      %scan3A_171 = arith.constant 1 : i32
      %scan3A_172 = scf.for %scan3A_175 = %scan3A_168 to %scan3A_170 step %scan3A_171 iter_args(%scan3A_176 = %scan3A_167) -> (i32)  : i32 {
        %mul3A_177 = arith.constant 16 : i32
        %mul3A_178 = arith.muli %scan3A_175, %mul3A_177 : i32
        %get3A = arith.index_cast %mul3A_178 : i32 to index
        %get3A_179 = tpu.vector_load %arg21[%get3A] {strides = array<i32>} : memref<2560xi32, #tpu.memory_space<vmem>>, vector<16xi32>,
        %get3A_180 = arith.index_cast %mul3A_178 : i32 to index
        %get3A_181 = tpu.vector_load %arg22[%get3A_180] {strides = array<i32>} : memref<2560xi32, #tpu.memory_space<vmem>>, vector<16xi32>,
        %get3A_182 = arith.index_cast %mul3A_178 : i32 to index
        %get3A_183 = tpu.vector_load %arg23[%get3A_182] {strides = array<i32>} : memref<2560xf32, #tpu.memory_space<vmem>>, vector<16xf32>,
        %gather3A = tpu.vector_load_idx %arg20[%get3A_181] : memref<10240xf32, #tpu.memory_space<vmem>>[vector<16xi32>], vector<16xf32>,
        %mul3A_184 = arith.mulf %get3A_183, %gather3A : vector<16xf32>
        %gather3A_185 = tpu.vector_load_idx %arg10[%get3A_179] : memref<10240xf32, #tpu.memory_space<vmem>>[vector<16xi32>], vector<16xf32>,
        %mul3A_186 = arith.mulf %mul3A_184, %gather3A_185 : vector<16xf32>
        tpu.vector_store_idx %arg14[%get3A_181], %mul3A_186 {add = true} : memref<10240xf32, #tpu.memory_space<vmem>>[vector<16xi32>], vector<16xf32>,
        %gather3A_187 = tpu.vector_load_idx %arg11[%get3A_179] : memref<10240xf32, #tpu.memory_space<vmem>>[vector<16xi32>], vector<16xf32>,
        %mul3A_188 = arith.mulf %mul3A_184, %gather3A_187 : vector<16xf32>
        tpu.vector_store_idx %arg15[%get3A_181], %mul3A_188 {add = true} : memref<10240xf32, #tpu.memory_space<vmem>>[vector<16xi32>], vector<16xf32>,
        %gather3A_189 = tpu.vector_load_idx %arg12[%get3A_179] : memref<10240xf32, #tpu.memory_space<vmem>>[vector<16xi32>], vector<16xf32>,
        %mul3A_190 = arith.mulf %mul3A_184, %gather3A_189 : vector<16xf32>
        tpu.vector_store_idx %arg16[%get3A_181], %mul3A_190 {add = true} : memref<10240xf32, #tpu.memory_space<vmem>>[vector<16xi32>], vector<16xf32>,
        %gather3A_191 = tpu.vector_load_idx %arg13[%get3A_179] : memref<10240xf32, #tpu.memory_space<vmem>>[vector<16xi32>], vector<16xf32>,
        %mul3A_192 = arith.mulf %mul3A_184, %gather3A_191 : vector<16xf32>
        tpu.vector_store_idx %arg17[%get3A_181], %mul3A_192 {add = true} : memref<10240xf32, #tpu.memory_space<vmem>>[vector<16xi32>], vector<16xf32>,
        %get3A_193 = arith.index_cast %mul3A_178 : i32 to index
        %get3A_194 = tpu.vector_load %arg24[%get3A_193] {strides = array<i32>} : memref<2560xf32, #tpu.memory_space<vmem>>, vector<16xf32>,
        %mul3A_195 = arith.mulf %mul3A_184, %get3A_194 : vector<16xf32>
        tpu.vector_store_idx %arg18[%get3A_181], %mul3A_195 {add = true} : memref<10240xf32, #tpu.memory_space<vmem>>[vector<16xi32>], vector<16xf32>,
        %get3A_196 = arith.index_cast %mul3A_178 : i32 to index
        %get3A_197 = tpu.vector_load %arg25[%get3A_196] {strides = array<i32>} : memref<2560xf32, #tpu.memory_space<vmem>>, vector<16xf32>,
        %mul3A_198 = arith.mulf %mul3A_184, %get3A_197 : vector<16xf32>
        tpu.vector_store_idx %arg19[%get3A_181], %mul3A_198 {add = true} : memref<10240xf32, #tpu.memory_space<vmem>>[vector<16xi32>], vector<16xf32>,
        %scan3A_199 = arith.constant 0 : i32
        scf.yield %scan3A_199 : i32
      }
      %scan3A_173 = arith.constant 160 : i32
      %scan3A_174 = arith.constant 0 : i32
      scf.yield %scan3A_174 : i32
    }
    %scan3A_95 = arith.constant 125 : i32
    %mul3A_96 = arith.constant 4 : i32
    %mul3A_97 = arith.muli %mul3A_96, %add3A : i32
    %add3A_98 = arith.constant 0 : i32
    %add3A_99 = arith.addi %mul3A_97, %add3A_98 : i32
    %run_scoped3A_100 = arith.constant 0 : i32
    "tpu.region"() ({
      %run_scoped3A_124 = tpu.sem_alloc : memref<!tpu.dma_semaphore, #tpu.memory_space<semaphore_mem>>
      %dma_start3A = arith.constant 0 : i32
      %dma_start3A_125 = tpu.memref_slice %arg8[%add3A_99, %run_scoped3A_100, %dma_start3A] : memref<128x1x10240xf32, #tpu.memory_space<hbm>> -> memref<1x1x10240xf32, #tpu.memory_space<hbm>>
      %dma_start3A_126 = tpu.memref_squeeze %dma_start3A_125 : memref<1x1x10240xf32, #tpu.memory_space<hbm>> -> memref<10240xf32, #tpu.memory_space<hbm>>
      %dma_start3A_127 = arith.constant 0 : i32
      %dma_start3A_128 = tpu.memref_slice %arg8[%add3A_99, %run_scoped3A_100, %dma_start3A_127] : memref<128x1x10240xf32, #tpu.memory_space<hbm>> -> memref<1x1x10240xf32, #tpu.memory_space<hbm>>
      %dma_start3A_129 = tpu.memref_squeeze %dma_start3A_128 : memref<1x1x10240xf32, #tpu.memory_space<hbm>> -> memref<10240xf32, #tpu.memory_space<hbm>>
      tpu.enqueue_dma source(%arg14 : memref<10240xf32, #tpu.memory_space<vmem>>) target(%dma_start3A_129 : memref<10240xf32, #tpu.memory_space<hbm>>) target_semaphore(%run_scoped3A_124 : memref<!tpu.dma_semaphore, #tpu.memory_space<semaphore_mem>>)
      %dma_wait3A = arith.constant 0 : i32
      %dma_wait3A_130 = tpu.memref_slice %arg8[%add3A_99, %run_scoped3A_100, %dma_wait3A] : memref<128x1x10240xf32, #tpu.memory_space<hbm>> -> memref<1x1x10240xf32, #tpu.memory_space<hbm>>
      %dma_wait3A_131 = tpu.memref_squeeze %dma_wait3A_130 : memref<1x1x10240xf32, #tpu.memory_space<hbm>> -> memref<10240xf32, #tpu.memory_space<hbm>>
      %dma_wait3A_132 = arith.constant 0 : i32
      %dma_wait3A_133 = tpu.memref_slice %arg8[%add3A_99, %run_scoped3A_100, %dma_wait3A_132] : memref<128x1x10240xf32, #tpu.memory_space<hbm>> -> memref<1x1x10240xf32, #tpu.memory_space<hbm>>
      %dma_wait3A_134 = tpu.memref_squeeze %dma_wait3A_133 : memref<1x1x10240xf32, #tpu.memory_space<hbm>> -> memref<10240xf32, #tpu.memory_space<hbm>>
      tpu.wait_dma2 semaphore(%run_scoped3A_124 : memref<!tpu.dma_semaphore, #tpu.memory_space<semaphore_mem>>) src(%arg14 : memref<10240xf32, #tpu.memory_space<vmem>>) dst(%dma_wait3A_134 : memref<10240xf32, #tpu.memory_space<hbm>>)
      tpu.yield
    }) : () -> ()
    %mul3A_101 = arith.constant 4 : i32
    %mul3A_102 = arith.muli %mul3A_101, %add3A : i32
    %add3A_103 = arith.constant 1 : i32
    %add3A_104 = arith.addi %mul3A_102, %add3A_103 : i32
    %run_scoped3A_105 = arith.constant 0 : i32
    "tpu.region"() ({
      %run_scoped3A_124 = tpu.sem_alloc : memref<!tpu.dma_semaphore, #tpu.memory_space<semaphore_mem>>
      %dma_start3A = arith.constant 0 : i32
      %dma_start3A_125 = tpu.memref_slice %arg8[%add3A_104, %run_scoped3A_105, %dma_start3A] : memref<128x1x10240xf32, #tpu.memory_space<hbm>> -> memref<1x1x10240xf32, #tpu.memory_space<hbm>>
      %dma_start3A_126 = tpu.memref_squeeze %dma_start3A_125 : memref<1x1x10240xf32, #tpu.memory_space<hbm>> -> memref<10240xf32, #tpu.memory_space<hbm>>
      %dma_start3A_127 = arith.constant 0 : i32
      %dma_start3A_128 = tpu.memref_slice %arg8[%add3A_104, %run_scoped3A_105, %dma_start3A_127] : memref<128x1x10240xf32, #tpu.memory_space<hbm>> -> memref<1x1x10240xf32, #tpu.memory_space<hbm>>
      %dma_start3A_129 = tpu.memref_squeeze %dma_start3A_128 : memref<1x1x10240xf32, #tpu.memory_space<hbm>> -> memref<10240xf32, #tpu.memory_space<hbm>>
      tpu.enqueue_dma source(%arg15 : memref<10240xf32, #tpu.memory_space<vmem>>) target(%dma_start3A_129 : memref<10240xf32, #tpu.memory_space<hbm>>) target_semaphore(%run_scoped3A_124 : memref<!tpu.dma_semaphore, #tpu.memory_space<semaphore_mem>>)
      %dma_wait3A = arith.constant 0 : i32
      %dma_wait3A_130 = tpu.memref_slice %arg8[%add3A_104, %run_scoped3A_105, %dma_wait3A] : memref<128x1x10240xf32, #tpu.memory_space<hbm>> -> memref<1x1x10240xf32, #tpu.memory_space<hbm>>
      %dma_wait3A_131 = tpu.memref_squeeze %dma_wait3A_130 : memref<1x1x10240xf32, #tpu.memory_space<hbm>> -> memref<10240xf32, #tpu.memory_space<hbm>>
      %dma_wait3A_132 = arith.constant 0 : i32
      %dma_wait3A_133 = tpu.memref_slice %arg8[%add3A_104, %run_scoped3A_105, %dma_wait3A_132] : memref<128x1x10240xf32, #tpu.memory_space<hbm>> -> memref<1x1x10240xf32, #tpu.memory_space<hbm>>
      %dma_wait3A_134 = tpu.memref_squeeze %dma_wait3A_133 : memref<1x1x10240xf32, #tpu.memory_space<hbm>> -> memref<10240xf32, #tpu.memory_space<hbm>>
      tpu.wait_dma2 semaphore(%run_scoped3A_124 : memref<!tpu.dma_semaphore, #tpu.memory_space<semaphore_mem>>) src(%arg15 : memref<10240xf32, #tpu.memory_space<vmem>>) dst(%dma_wait3A_134 : memref<10240xf32, #tpu.memory_space<hbm>>)
      tpu.yield
    }) : () -> ()
    %mul3A_106 = arith.constant 4 : i32
    %mul3A_107 = arith.muli %mul3A_106, %add3A : i32
    %add3A_108 = arith.constant 2 : i32
    %add3A_109 = arith.addi %mul3A_107, %add3A_108 : i32
    %run_scoped3A_110 = arith.constant 0 : i32
    "tpu.region"() ({
      %run_scoped3A_124 = tpu.sem_alloc : memref<!tpu.dma_semaphore, #tpu.memory_space<semaphore_mem>>
      %dma_start3A = arith.constant 0 : i32
      %dma_start3A_125 = tpu.memref_slice %arg8[%add3A_109, %run_scoped3A_110, %dma_start3A] : memref<128x1x10240xf32, #tpu.memory_space<hbm>> -> memref<1x1x10240xf32, #tpu.memory_space<hbm>>
      %dma_start3A_126 = tpu.memref_squeeze %dma_start3A_125 : memref<1x1x10240xf32, #tpu.memory_space<hbm>> -> memref<10240xf32, #tpu.memory_space<hbm>>
      %dma_start3A_127 = arith.constant 0 : i32
      %dma_start3A_128 = tpu.memref_slice %arg8[%add3A_109, %run_scoped3A_110, %dma_start3A_127] : memref<128x1x10240xf32, #tpu.memory_space<hbm>> -> memref<1x1x10240xf32, #tpu.memory_space<hbm>>
      %dma_start3A_129 = tpu.memref_squeeze %dma_start3A_128 : memref<1x1x10240xf32, #tpu.memory_space<hbm>> -> memref<10240xf32, #tpu.memory_space<hbm>>
      tpu.enqueue_dma source(%arg16 : memref<10240xf32, #tpu.memory_space<vmem>>) target(%dma_start3A_129 : memref<10240xf32, #tpu.memory_space<hbm>>) target_semaphore(%run_scoped3A_124 : memref<!tpu.dma_semaphore, #tpu.memory_space<semaphore_mem>>)
      %dma_wait3A = arith.constant 0 : i32
      %dma_wait3A_130 = tpu.memref_slice %arg8[%add3A_109, %run_scoped3A_110, %dma_wait3A] : memref<128x1x10240xf32, #tpu.memory_space<hbm>> -> memref<1x1x10240xf32, #tpu.memory_space<hbm>>
      %dma_wait3A_131 = tpu.memref_squeeze %dma_wait3A_130 : memref<1x1x10240xf32, #tpu.memory_space<hbm>> -> memref<10240xf32, #tpu.memory_space<hbm>>
      %dma_wait3A_132 = arith.constant 0 : i32
      %dma_wait3A_133 = tpu.memref_slice %arg8[%add3A_109, %run_scoped3A_110, %dma_wait3A_132] : memref<128x1x10240xf32, #tpu.memory_space<hbm>> -> memref<1x1x10240xf32, #tpu.memory_space<hbm>>
      %dma_wait3A_134 = tpu.memref_squeeze %dma_wait3A_133 : memref<1x1x10240xf32, #tpu.memory_space<hbm>> -> memref<10240xf32, #tpu.memory_space<hbm>>
      tpu.wait_dma2 semaphore(%run_scoped3A_124 : memref<!tpu.dma_semaphore, #tpu.memory_space<semaphore_mem>>) src(%arg16 : memref<10240xf32, #tpu.memory_space<vmem>>) dst(%dma_wait3A_134 : memref<10240xf32, #tpu.memory_space<hbm>>)
      tpu.yield
    }) : () -> ()
    %mul3A_111 = arith.constant 4 : i32
    %mul3A_112 = arith.muli %mul3A_111, %add3A : i32
    %add3A_113 = arith.constant 3 : i32
    %add3A_114 = arith.addi %mul3A_112, %add3A_113 : i32
    %run_scoped3A_115 = arith.constant 0 : i32
    "tpu.region"() ({
      %run_scoped3A_124 = tpu.sem_alloc : memref<!tpu.dma_semaphore, #tpu.memory_space<semaphore_mem>>
      %dma_start3A = arith.constant 0 : i32
      %dma_start3A_125 = tpu.memref_slice %arg8[%add3A_114, %run_scoped3A_115, %dma_start3A] : memref<128x1x10240xf32, #tpu.memory_space<hbm>> -> memref<1x1x10240xf32, #tpu.memory_space<hbm>>
      %dma_start3A_126 = tpu.memref_squeeze %dma_start3A_125 : memref<1x1x10240xf32, #tpu.memory_space<hbm>> -> memref<10240xf32, #tpu.memory_space<hbm>>
      %dma_start3A_127 = arith.constant 0 : i32
      %dma_start3A_128 = tpu.memref_slice %arg8[%add3A_114, %run_scoped3A_115, %dma_start3A_127] : memref<128x1x10240xf32, #tpu.memory_space<hbm>> -> memref<1x1x10240xf32, #tpu.memory_space<hbm>>
      %dma_start3A_129 = tpu.memref_squeeze %dma_start3A_128 : memref<1x1x10240xf32, #tpu.memory_space<hbm>> -> memref<10240xf32, #tpu.memory_space<hbm>>
      tpu.enqueue_dma source(%arg17 : memref<10240xf32, #tpu.memory_space<vmem>>) target(%dma_start3A_129 : memref<10240xf32, #tpu.memory_space<hbm>>) target_semaphore(%run_scoped3A_124 : memref<!tpu.dma_semaphore, #tpu.memory_space<semaphore_mem>>)
      %dma_wait3A = arith.constant 0 : i32
      %dma_wait3A_130 = tpu.memref_slice %arg8[%add3A_114, %run_scoped3A_115, %dma_wait3A] : memref<128x1x10240xf32, #tpu.memory_space<hbm>> -> memref<1x1x10240xf32, #tpu.memory_space<hbm>>
      %dma_wait3A_131 = tpu.memref_squeeze %dma_wait3A_130 : memref<1x1x10240xf32, #tpu.memory_space<hbm>> -> memref<10240xf32, #tpu.memory_space<hbm>>
      %dma_wait3A_132 = arith.constant 0 : i32
      %dma_wait3A_133 = tpu.memref_slice %arg8[%add3A_114, %run_scoped3A_115, %dma_wait3A_132] : memref<128x1x10240xf32, #tpu.memory_space<hbm>> -> memref<1x1x10240xf32, #tpu.memory_space<hbm>>
      %dma_wait3A_134 = tpu.memref_squeeze %dma_wait3A_133 : memref<1x1x10240xf32, #tpu.memory_space<hbm>> -> memref<10240xf32, #tpu.memory_space<hbm>>
      tpu.wait_dma2 semaphore(%run_scoped3A_124 : memref<!tpu.dma_semaphore, #tpu.memory_space<semaphore_mem>>) src(%arg17 : memref<10240xf32, #tpu.memory_space<vmem>>) dst(%dma_wait3A_134 : memref<10240xf32, #tpu.memory_space<hbm>>)
      tpu.yield
    }) : () -> ()
    %mul3A_116 = arith.constant 2 : i32
    %mul3A_117 = arith.muli %mul3A_116, %add3A : i32
    %run_scoped3A_118 = arith.constant 0 : i32
    "tpu.region"() ({
      %run_scoped3A_124 = tpu.sem_alloc : memref<!tpu.dma_semaphore, #tpu.memory_space<semaphore_mem>>
      %dma_start3A = arith.constant 0 : i32
      %dma_start3A_125 = tpu.memref_slice %arg9[%mul3A_117, %run_scoped3A_118, %dma_start3A] : memref<64x1x10240xf32, #tpu.memory_space<hbm>> -> memref<1x1x10240xf32, #tpu.memory_space<hbm>>
      %dma_start3A_126 = tpu.memref_squeeze %dma_start3A_125 : memref<1x1x10240xf32, #tpu.memory_space<hbm>> -> memref<10240xf32, #tpu.memory_space<hbm>>
      %dma_start3A_127 = arith.constant 0 : i32
      %dma_start3A_128 = tpu.memref_slice %arg9[%mul3A_117, %run_scoped3A_118, %dma_start3A_127] : memref<64x1x10240xf32, #tpu.memory_space<hbm>> -> memref<1x1x10240xf32, #tpu.memory_space<hbm>>
      %dma_start3A_129 = tpu.memref_squeeze %dma_start3A_128 : memref<1x1x10240xf32, #tpu.memory_space<hbm>> -> memref<10240xf32, #tpu.memory_space<hbm>>
      tpu.enqueue_dma source(%arg18 : memref<10240xf32, #tpu.memory_space<vmem>>) target(%dma_start3A_129 : memref<10240xf32, #tpu.memory_space<hbm>>) target_semaphore(%run_scoped3A_124 : memref<!tpu.dma_semaphore, #tpu.memory_space<semaphore_mem>>)
      %dma_wait3A = arith.constant 0 : i32
      %dma_wait3A_130 = tpu.memref_slice %arg9[%mul3A_117, %run_scoped3A_118, %dma_wait3A] : memref<64x1x10240xf32, #tpu.memory_space<hbm>> -> memref<1x1x10240xf32, #tpu.memory_space<hbm>>
      %dma_wait3A_131 = tpu.memref_squeeze %dma_wait3A_130 : memref<1x1x10240xf32, #tpu.memory_space<hbm>> -> memref<10240xf32, #tpu.memory_space<hbm>>
      %dma_wait3A_132 = arith.constant 0 : i32
      %dma_wait3A_133 = tpu.memref_slice %arg9[%mul3A_117, %run_scoped3A_118, %dma_wait3A_132] : memref<64x1x10240xf32, #tpu.memory_space<hbm>> -> memref<1x1x10240xf32, #tpu.memory_space<hbm>>
      %dma_wait3A_134 = tpu.memref_squeeze %dma_wait3A_133 : memref<1x1x10240xf32, #tpu.memory_space<hbm>> -> memref<10240xf32, #tpu.memory_space<hbm>>
      tpu.wait_dma2 semaphore(%run_scoped3A_124 : memref<!tpu.dma_semaphore, #tpu.memory_space<semaphore_mem>>) src(%arg18 : memref<10240xf32, #tpu.memory_space<vmem>>) dst(%dma_wait3A_134 : memref<10240xf32, #tpu.memory_space<hbm>>)
      tpu.yield
    }) : () -> ()
    %mul3A_119 = arith.constant 2 : i32
    %mul3A_120 = arith.muli %mul3A_119, %add3A : i32
    %add3A_121 = arith.constant 1 : i32
    %add3A_122 = arith.addi %mul3A_120, %add3A_121 : i32
    %run_scoped3A_123 = arith.constant 0 : i32
    "tpu.region"() ({
      %run_scoped3A_124 = tpu.sem_alloc : memref<!tpu.dma_semaphore, #tpu.memory_space<semaphore_mem>>
      %dma_start3A = arith.constant 0 : i32
      %dma_start3A_125 = tpu.memref_slice %arg9[%add3A_122, %run_scoped3A_123, %dma_start3A] : memref<64x1x10240xf32, #tpu.memory_space<hbm>> -> memref<1x1x10240xf32, #tpu.memory_space<hbm>>
      %dma_start3A_126 = tpu.memref_squeeze %dma_start3A_125 : memref<1x1x10240xf32, #tpu.memory_space<hbm>> -> memref<10240xf32, #tpu.memory_space<hbm>>
      %dma_start3A_127 = arith.constant 0 : i32
      %dma_start3A_128 = tpu.memref_slice %arg9[%add3A_122, %run_scoped3A_123, %dma_start3A_127] : memref<64x1x10240xf32, #tpu.memory_space<hbm>> -> memref<1x1x10240xf32, #tpu.memory_space<hbm>>
      %dma_start3A_129 = tpu.memref_squeeze %dma_start3A_128 : memref<1x1x10240xf32, #tpu.memory_space<hbm>> -> memref<10240xf32, #tpu.memory_space<hbm>>
      tpu.enqueue_dma source(%arg19 : memref<10240xf32, #tpu.memory_space<vmem>>) target(%dma_start3A_129 : memref<10240xf32, #tpu.memory_space<hbm>>) target_semaphore(%run_scoped3A_124 : memref<!tpu.dma_semaphore, #tpu.memory_space<semaphore_mem>>)
      %dma_wait3A = arith.constant 0 : i32
      %dma_wait3A_130 = tpu.memref_slice %arg9[%add3A_122, %run_scoped3A_123, %dma_wait3A] : memref<64x1x10240xf32, #tpu.memory_space<hbm>> -> memref<1x1x10240xf32, #tpu.memory_space<hbm>>
      %dma_wait3A_131 = tpu.memref_squeeze %dma_wait3A_130 : memref<1x1x10240xf32, #tpu.memory_space<hbm>> -> memref<10240xf32, #tpu.memory_space<hbm>>
      %dma_wait3A_132 = arith.constant 0 : i32
      %dma_wait3A_133 = tpu.memref_slice %arg9[%add3A_122, %run_scoped3A_123, %dma_wait3A_132] : memref<64x1x10240xf32, #tpu.memory_space<hbm>> -> memref<1x1x10240xf32, #tpu.memory_space<hbm>>
      %dma_wait3A_134 = tpu.memref_squeeze %dma_wait3A_133 : memref<1x1x10240xf32, #tpu.memory_space<hbm>> -> memref<10240xf32, #tpu.memory_space<hbm>>
      tpu.wait_dma2 semaphore(%run_scoped3A_124 : memref<!tpu.dma_semaphore, #tpu.memory_space<semaphore_mem>>) src(%arg19 : memref<10240xf32, #tpu.memory_space<vmem>>) dst(%dma_wait3A_134 : memref<10240xf32, #tpu.memory_space<hbm>>)
      tpu.yield
    }) : () -> ()
    return
  }
}

#map = affine_map<(d0, d1) -> (0, 0, 0)>
#map1 = affine_map<(d0, d1) -> (0)>
module attributes {stable_mosaic.version = 14 : i64} {
  func.func @k(%arg0: i32, %arg1: i32, %arg2: memref<8x1x10240xf32, #tpu.memory_space<hbm>>, %arg3: memref<4x1x320000xf32, #tpu.memory_space<hbm>>, %arg4: memref<320000xi32, #tpu.memory_space<hbm>>, %arg5: memref<320000xi32, #tpu.memory_space<hbm>>, %arg6: memref<4x1x320000xf32, #tpu.memory_space<hbm>>, %arg7: memref<4x1x10240xf32, #tpu.memory_space<hbm>>, %arg8: memref<10240xf32, #tpu.memory_space<vmem>>, %arg9: memref<10240xf32, #tpu.memory_space<vmem>>, %arg10: memref<10240xf32, #tpu.memory_space<vmem>>, %arg11: memref<2560xi32, #tpu.memory_space<vmem>>, %arg12: memref<2560xi32, #tpu.memory_space<vmem>>, %arg13: memref<2560xf32, #tpu.memory_space<vmem>>, %arg14: memref<2560xf32, #tpu.memory_space<vmem>>, %arg15: memref<8x1280xf32, #tpu.memory_space<vmem>>, %arg16: memref<1280xf32, #tpu.memory_space<vmem>>, %arg17: memref<16x1x10240xf32, #tpu.memory_space<vmem_shared>>) attributes {dimension_semantics = [#tpu.dimension_semantics<core_parallel>, #tpu.dimension_semantics<subcore_parallel>], iteration_bounds = array<i64: 2, 16>, scalar_prefetch = 0 : i64, scratch_operands = 10 : i64, tpu.core_type = #tpu.core_type<sc_vector_subcore>, window_params = [{transform_indices = #map}, {transform_indices = #map}, {transform_indices = #map1}, {transform_indices = #map1}, {transform_indices = #map}, {transform_indices = #map}]} {
    %mul3A = arith.constant 2 : i32
    %mul3A_0 = arith.muli %mul3A, %arg0 : i32
    %jit3A = arith.constant 8 : i32
    %div3A = arith.divsi %arg1, %jit3A : i32
    %sign3A = arith.constant 0 : i32
    %sign3A_1 = arith.cmpi sgt, %arg1, %sign3A : i32
    %sign3A_2 = arith.extui %sign3A_1 : i1 to i32
    %sign3A_3 = arith.constant 0 : i32
    %sign3A_4 = arith.cmpi slt, %arg1, %sign3A_3 : i32
    %sign3A_5 = arith.extui %sign3A_4 : i1 to i32
    %sign3A_6 = arith.subi %sign3A_2, %sign3A_5 : i32
    %sign3A_7 = arith.constant 0 : i32
    %sign3A_8 = arith.cmpi sgt, %jit3A, %sign3A_7 : i32
    %sign3A_9 = arith.extui %sign3A_8 : i1 to i32
    %sign3A_10 = arith.constant 0 : i32
    %sign3A_11 = arith.cmpi slt, %jit3A, %sign3A_10 : i32
    %sign3A_12 = arith.extui %sign3A_11 : i1 to i32
    %sign3A_13 = arith.subi %sign3A_9, %sign3A_12 : i32
    %ne3A = arith.cmpi ne, %sign3A_6, %sign3A_13 : i32
    %rem3A = arith.remsi %arg1, %jit3A : i32
    %ne3A_14 = arith.constant 0 : i32
    %ne3A_15 = arith.cmpi ne, %rem3A, %ne3A_14 : i32
    %and3A = arith.andi %ne3A, %ne3A_15 : i1
    %sub3A = arith.constant 1 : i32
    %sub3A_16 = arith.subi %div3A, %sub3A : i32
    %select_n3A = arith.select %and3A, %sub3A_16, %div3A : i32
    %add3A = arith.addi %mul3A_0, %select_n3A : i32
    %jit3A_17 = arith.constant 8 : i32
    %eq3A = arith.constant 0 : i32
    %eq3A_18 = arith.cmpi eq, %jit3A_17, %eq3A : i32
    %jit3A_19 = arith.constant 1 : i32
    %select_n3A_20 = arith.select %eq3A_18, %jit3A_19, %jit3A_17 : i32
    %rem3A_21 = arith.remsi %arg1, %select_n3A_20 : i32
    %ne3A_22 = arith.constant 0 : i32
    %ne3A_23 = arith.cmpi ne, %rem3A_21, %ne3A_22 : i32
    %lt3A = arith.constant 0 : i32
    %lt3A_24 = arith.cmpi slt, %rem3A_21, %lt3A : i32
    %lt3A_25 = arith.constant 0 : i32
    %lt3A_26 = arith.cmpi slt, %select_n3A_20, %lt3A_25 : i32
    %ne3A_27 = arith.xori %lt3A_24, %lt3A_26 : i1
    %and3A_28 = arith.andi %ne3A_27, %ne3A_23 : i1
    %add3A_29 = arith.addi %rem3A_21, %select_n3A_20 : i32
    %select_n3A_30 = arith.select %and3A_28, %add3A_29, %rem3A_21 : i32
    %run_scoped3A = arith.constant 0 : i32
    "tpu.region"() ({
      %run_scoped3A_132 = tpu.sem_alloc : memref<!tpu.dma_semaphore, #tpu.memory_space<semaphore_mem>>
      %dma_start3A = arith.constant 0 : i32
      %dma_start3A_133 = tpu.memref_slice %arg2[%add3A, %run_scoped3A, %dma_start3A] : memref<8x1x10240xf32, #tpu.memory_space<hbm>> -> memref<1x1x10240xf32, #tpu.memory_space<hbm>>
      %dma_start3A_134 = tpu.memref_squeeze %dma_start3A_133 : memref<1x1x10240xf32, #tpu.memory_space<hbm>> -> memref<10240xf32, #tpu.memory_space<hbm>>
      %dma_start3A_135 = arith.constant 0 : i32
      %dma_start3A_136 = tpu.memref_slice %arg2[%add3A, %run_scoped3A, %dma_start3A_135] : memref<8x1x10240xf32, #tpu.memory_space<hbm>> -> memref<1x1x10240xf32, #tpu.memory_space<hbm>>
      %dma_start3A_137 = tpu.memref_squeeze %dma_start3A_136 : memref<1x1x10240xf32, #tpu.memory_space<hbm>> -> memref<10240xf32, #tpu.memory_space<hbm>>
      tpu.enqueue_dma source(%dma_start3A_137 : memref<10240xf32, #tpu.memory_space<hbm>>) target(%arg8 : memref<10240xf32, #tpu.memory_space<vmem>>) target_semaphore(%run_scoped3A_132 : memref<!tpu.dma_semaphore, #tpu.memory_space<semaphore_mem>>)
      %dma_wait3A = arith.constant 0 : i32
      %dma_wait3A_138 = tpu.memref_slice %arg2[%add3A, %run_scoped3A, %dma_wait3A] : memref<8x1x10240xf32, #tpu.memory_space<hbm>> -> memref<1x1x10240xf32, #tpu.memory_space<hbm>>
      %dma_wait3A_139 = tpu.memref_squeeze %dma_wait3A_138 : memref<1x1x10240xf32, #tpu.memory_space<hbm>> -> memref<10240xf32, #tpu.memory_space<hbm>>
      %dma_wait3A_140 = arith.constant 0 : i32
      %dma_wait3A_141 = tpu.memref_slice %arg2[%add3A, %run_scoped3A, %dma_wait3A_140] : memref<8x1x10240xf32, #tpu.memory_space<hbm>> -> memref<1x1x10240xf32, #tpu.memory_space<hbm>>
      %dma_wait3A_142 = tpu.memref_squeeze %dma_wait3A_141 : memref<1x1x10240xf32, #tpu.memory_space<hbm>> -> memref<10240xf32, #tpu.memory_space<hbm>>
      tpu.wait_dma2 semaphore(%run_scoped3A_132 : memref<!tpu.dma_semaphore, #tpu.memory_space<semaphore_mem>>) src(%dma_wait3A_142 : memref<10240xf32, #tpu.memory_space<hbm>>) dst(%arg8 : memref<10240xf32, #tpu.memory_space<vmem>>)
      tpu.yield
    }) : () -> ()
    %add3A_31 = arith.constant 4 : i32
    %add3A_32 = arith.addi %add3A, %add3A_31 : i32
    %run_scoped3A_33 = arith.constant 0 : i32
    "tpu.region"() ({
      %run_scoped3A_132 = tpu.sem_alloc : memref<!tpu.dma_semaphore, #tpu.memory_space<semaphore_mem>>
      %dma_start3A = arith.constant 0 : i32
      %dma_start3A_133 = tpu.memref_slice %arg2[%add3A_32, %run_scoped3A_33, %dma_start3A] : memref<8x1x10240xf32, #tpu.memory_space<hbm>> -> memref<1x1x10240xf32, #tpu.memory_space<hbm>>
      %dma_start3A_134 = tpu.memref_squeeze %dma_start3A_133 : memref<1x1x10240xf32, #tpu.memory_space<hbm>> -> memref<10240xf32, #tpu.memory_space<hbm>>
      %dma_start3A_135 = arith.constant 0 : i32
      %dma_start3A_136 = tpu.memref_slice %arg2[%add3A_32, %run_scoped3A_33, %dma_start3A_135] : memref<8x1x10240xf32, #tpu.memory_space<hbm>> -> memref<1x1x10240xf32, #tpu.memory_space<hbm>>
      %dma_start3A_137 = tpu.memref_squeeze %dma_start3A_136 : memref<1x1x10240xf32, #tpu.memory_space<hbm>> -> memref<10240xf32, #tpu.memory_space<hbm>>
      tpu.enqueue_dma source(%dma_start3A_137 : memref<10240xf32, #tpu.memory_space<hbm>>) target(%arg9 : memref<10240xf32, #tpu.memory_space<vmem>>) target_semaphore(%run_scoped3A_132 : memref<!tpu.dma_semaphore, #tpu.memory_space<semaphore_mem>>)
      %dma_wait3A = arith.constant 0 : i32
      %dma_wait3A_138 = tpu.memref_slice %arg2[%add3A_32, %run_scoped3A_33, %dma_wait3A] : memref<8x1x10240xf32, #tpu.memory_space<hbm>> -> memref<1x1x10240xf32, #tpu.memory_space<hbm>>
      %dma_wait3A_139 = tpu.memref_squeeze %dma_wait3A_138 : memref<1x1x10240xf32, #tpu.memory_space<hbm>> -> memref<10240xf32, #tpu.memory_space<hbm>>
      %dma_wait3A_140 = arith.constant 0 : i32
      %dma_wait3A_141 = tpu.memref_slice %arg2[%add3A_32, %run_scoped3A_33, %dma_wait3A_140] : memref<8x1x10240xf32, #tpu.memory_space<hbm>> -> memref<1x1x10240xf32, #tpu.memory_space<hbm>>
      %dma_wait3A_142 = tpu.memref_squeeze %dma_wait3A_141 : memref<1x1x10240xf32, #tpu.memory_space<hbm>> -> memref<10240xf32, #tpu.memory_space<hbm>>
      tpu.wait_dma2 semaphore(%run_scoped3A_132 : memref<!tpu.dma_semaphore, #tpu.memory_space<semaphore_mem>>) src(%dma_wait3A_142 : memref<10240xf32, #tpu.memory_space<hbm>>) dst(%arg9 : memref<10240xf32, #tpu.memory_space<vmem>>)
      tpu.yield
    }) : () -> ()
    %broadcast_in_dim3A = arith.constant 0.000000e+00 : f32
    %broadcast_in_dim3A_34 = vector.broadcast %broadcast_in_dim3A : f32 to vector<16xf32>
    %scan3A = arith.constant 0 : i32
    %scan3A_35 = arith.constant 0 : i32
    %scan3A_36 = arith.constant 640 : i32
    %scan3A_37 = arith.addi %scan3A_35, %scan3A_36 : i32
    %scan3A_38 = arith.constant 1 : i32
    %scan3A_39 = scf.for %scan3A_132 = %scan3A_35 to %scan3A_37 step %scan3A_38 iter_args(%scan3A_133 = %scan3A) -> (i32)  : i32 {
      %mul3A_134 = arith.constant 16 : i32
      %mul3A_135 = arith.muli %scan3A_132, %mul3A_134 : i32
      %swap3A = arith.index_cast %mul3A_135 : i32 to index
      %swap3A_136 = tpu.vector_load %arg10[%swap3A] {strides = array<i32>} : memref<10240xf32, #tpu.memory_space<vmem>>, vector<16xf32>,
      tpu.vector_store %arg10[%swap3A], %broadcast_in_dim3A_34 {strides = array<i32>} : memref<10240xf32, #tpu.memory_space<vmem>>, vector<16xf32>,
      %scan3A_137 = arith.constant 0 : i32
      scf.yield %scan3A_137 : i32
    }
    %scan3A_40 = arith.constant 640 : i32
    %sub3A_41 = arith.constant 125 : i32
    %sub3A_42 = arith.subi %sub3A_41, %select_n3A_30 : i32
    %add3A_43 = arith.constant 7 : i32
    %add3A_44 = arith.addi %sub3A_42, %add3A_43 : i32
    %jit3A_45 = arith.constant 8 : i32
    %div3A_46 = arith.divsi %add3A_44, %jit3A_45 : i32
    %sign3A_47 = arith.constant 0 : i32
    %sign3A_48 = arith.cmpi sgt, %add3A_44, %sign3A_47 : i32
    %sign3A_49 = arith.extui %sign3A_48 : i1 to i32
    %sign3A_50 = arith.constant 0 : i32
    %sign3A_51 = arith.cmpi slt, %add3A_44, %sign3A_50 : i32
    %sign3A_52 = arith.extui %sign3A_51 : i1 to i32
    %sign3A_53 = arith.subi %sign3A_49, %sign3A_52 : i32
    %sign3A_54 = arith.constant 0 : i32
    %sign3A_55 = arith.cmpi sgt, %jit3A_45, %sign3A_54 : i32
    %sign3A_56 = arith.extui %sign3A_55 : i1 to i32
    %sign3A_57 = arith.constant 0 : i32
    %sign3A_58 = arith.cmpi slt, %jit3A_45, %sign3A_57 : i32
    %sign3A_59 = arith.extui %sign3A_58 : i1 to i32
    %sign3A_60 = arith.subi %sign3A_56, %sign3A_59 : i32
    %ne3A_61 = arith.cmpi ne, %sign3A_53, %sign3A_60 : i32
    %rem3A_62 = arith.remsi %add3A_44, %jit3A_45 : i32
    %ne3A_63 = arith.constant 0 : i32
    %ne3A_64 = arith.cmpi ne, %rem3A_62, %ne3A_63 : i32
    %and3A_65 = arith.andi %ne3A_61, %ne3A_64 : i1
    %sub3A_66 = arith.constant 1 : i32
    %sub3A_67 = arith.subi %div3A_46, %sub3A_66 : i32
    %select_n3A_68 = arith.select %and3A_65, %sub3A_67, %div3A_46 : i32
    %scan3A_69 = arith.constant 0 : i32
    %scan3A_70 = arith.constant 0 : i32
    %scan3A_71 = arith.constant 16 : i32
    %scan3A_72 = arith.addi %scan3A_70, %scan3A_71 : i32
    %scan3A_73 = arith.constant 1 : i32
    %scan3A_74 = scf.for %scan3A_132 = %scan3A_70 to %scan3A_72 step %scan3A_73 iter_args(%scan3A_133 = %scan3A_69) -> (i32)  : i32 {
      %lt3A_134 = arith.cmpi slt, %scan3A_132, %select_n3A_68 : i32
      %convert_element_type3A = arith.extui %lt3A_134 : i1 to i32
      %cond3A = arith.constant 0 : i32
      %cond3A_135 = arith.cmpi ne, %convert_element_type3A, %cond3A : i32
      scf.if %cond3A_135 {
        %mul3A_137 = arith.constant 8 : i32
        %mul3A_138 = arith.muli %mul3A_137, %scan3A_132 : i32
        %add3A_139 = arith.addi %select_n3A_30, %mul3A_138 : i32
        %mul3A_140 = arith.constant 2560 : i32
        %mul3A_141 = arith.muli %add3A_139, %mul3A_140 : i32
        "tpu.region"() ({
          %run_scoped3A_151 = tpu.sem_alloc : memref<!tpu.dma_semaphore, #tpu.memory_space<semaphore_mem>>
          %dma_start3A = tpu.memref_slice %arg4[%mul3A_141] : memref<320000xi32, #tpu.memory_space<hbm>> -> memref<2560xi32, #tpu.memory_space<hbm>>
          %dma_start3A_152 = tpu.memref_slice %arg4[%mul3A_141] : memref<320000xi32, #tpu.memory_space<hbm>> -> memref<2560xi32, #tpu.memory_space<hbm>>
          tpu.enqueue_dma source(%dma_start3A_152 : memref<2560xi32, #tpu.memory_space<hbm>>) target(%arg11 : memref<2560xi32, #tpu.memory_space<vmem>>) target_semaphore(%run_scoped3A_151 : memref<!tpu.dma_semaphore, #tpu.memory_space<semaphore_mem>>)
          %dma_wait3A = tpu.memref_slice %arg4[%mul3A_141] : memref<320000xi32, #tpu.memory_space<hbm>> -> memref<2560xi32, #tpu.memory_space<hbm>>
          %dma_wait3A_153 = tpu.memref_slice %arg4[%mul3A_141] : memref<320000xi32, #tpu.memory_space<hbm>> -> memref<2560xi32, #tpu.memory_space<hbm>>
          tpu.wait_dma2 semaphore(%run_scoped3A_151 : memref<!tpu.dma_semaphore, #tpu.memory_space<semaphore_mem>>) src(%dma_wait3A_153 : memref<2560xi32, #tpu.memory_space<hbm>>) dst(%arg11 : memref<2560xi32, #tpu.memory_space<vmem>>)
          tpu.yield
        }) : () -> ()
        "tpu.region"() ({
          %run_scoped3A_151 = tpu.sem_alloc : memref<!tpu.dma_semaphore, #tpu.memory_space<semaphore_mem>>
          %dma_start3A = tpu.memref_slice %arg5[%mul3A_141] : memref<320000xi32, #tpu.memory_space<hbm>> -> memref<2560xi32, #tpu.memory_space<hbm>>
          %dma_start3A_152 = tpu.memref_slice %arg5[%mul3A_141] : memref<320000xi32, #tpu.memory_space<hbm>> -> memref<2560xi32, #tpu.memory_space<hbm>>
          tpu.enqueue_dma source(%dma_start3A_152 : memref<2560xi32, #tpu.memory_space<hbm>>) target(%arg12 : memref<2560xi32, #tpu.memory_space<vmem>>) target_semaphore(%run_scoped3A_151 : memref<!tpu.dma_semaphore, #tpu.memory_space<semaphore_mem>>)
          %dma_wait3A = tpu.memref_slice %arg5[%mul3A_141] : memref<320000xi32, #tpu.memory_space<hbm>> -> memref<2560xi32, #tpu.memory_space<hbm>>
          %dma_wait3A_153 = tpu.memref_slice %arg5[%mul3A_141] : memref<320000xi32, #tpu.memory_space<hbm>> -> memref<2560xi32, #tpu.memory_space<hbm>>
          tpu.wait_dma2 semaphore(%run_scoped3A_151 : memref<!tpu.dma_semaphore, #tpu.memory_space<semaphore_mem>>) src(%dma_wait3A_153 : memref<2560xi32, #tpu.memory_space<hbm>>) dst(%arg12 : memref<2560xi32, #tpu.memory_space<vmem>>)
          tpu.yield
        }) : () -> ()
        %run_scoped3A_142 = arith.constant 0 : i32
        "tpu.region"() ({
          %run_scoped3A_151 = tpu.sem_alloc : memref<!tpu.dma_semaphore, #tpu.memory_space<semaphore_mem>>
          %dma_start3A = tpu.memref_slice %arg3[%add3A, %run_scoped3A_142, %mul3A_141] : memref<4x1x320000xf32, #tpu.memory_space<hbm>> -> memref<1x1x2560xf32, #tpu.memory_space<hbm>>
          %dma_start3A_152 = tpu.memref_squeeze %dma_start3A : memref<1x1x2560xf32, #tpu.memory_space<hbm>> -> memref<2560xf32, #tpu.memory_space<hbm>>
          %dma_start3A_153 = tpu.memref_slice %arg3[%add3A, %run_scoped3A_142, %mul3A_141] : memref<4x1x320000xf32, #tpu.memory_space<hbm>> -> memref<1x1x2560xf32, #tpu.memory_space<hbm>>
          %dma_start3A_154 = tpu.memref_squeeze %dma_start3A_153 : memref<1x1x2560xf32, #tpu.memory_space<hbm>> -> memref<2560xf32, #tpu.memory_space<hbm>>
          tpu.enqueue_dma source(%dma_start3A_154 : memref<2560xf32, #tpu.memory_space<hbm>>) target(%arg13 : memref<2560xf32, #tpu.memory_space<vmem>>) target_semaphore(%run_scoped3A_151 : memref<!tpu.dma_semaphore, #tpu.memory_space<semaphore_mem>>)
          %dma_wait3A = tpu.memref_slice %arg3[%add3A, %run_scoped3A_142, %mul3A_141] : memref<4x1x320000xf32, #tpu.memory_space<hbm>> -> memref<1x1x2560xf32, #tpu.memory_space<hbm>>
          %dma_wait3A_155 = tpu.memref_squeeze %dma_wait3A : memref<1x1x2560xf32, #tpu.memory_space<hbm>> -> memref<2560xf32, #tpu.memory_space<hbm>>
          %dma_wait3A_156 = tpu.memref_slice %arg3[%add3A, %run_scoped3A_142, %mul3A_141] : memref<4x1x320000xf32, #tpu.memory_space<hbm>> -> memref<1x1x2560xf32, #tpu.memory_space<hbm>>
          %dma_wait3A_157 = tpu.memref_squeeze %dma_wait3A_156 : memref<1x1x2560xf32, #tpu.memory_space<hbm>> -> memref<2560xf32, #tpu.memory_space<hbm>>
          tpu.wait_dma2 semaphore(%run_scoped3A_151 : memref<!tpu.dma_semaphore, #tpu.memory_space<semaphore_mem>>) src(%dma_wait3A_157 : memref<2560xf32, #tpu.memory_space<hbm>>) dst(%arg13 : memref<2560xf32, #tpu.memory_space<vmem>>)
          tpu.yield
        }) : () -> ()
        %scan3A_143 = arith.constant 0 : i32
        %scan3A_144 = arith.constant 0 : i32
        %scan3A_145 = arith.constant 160 : i32
        %scan3A_146 = arith.addi %scan3A_144, %scan3A_145 : i32
        %scan3A_147 = arith.constant 1 : i32
        %scan3A_148 = scf.for %scan3A_151 = %scan3A_144 to %scan3A_146 step %scan3A_147 iter_args(%scan3A_152 = %scan3A_143) -> (i32)  : i32 {
          %mul3A_153 = arith.constant 16 : i32
          %mul3A_154 = arith.muli %scan3A_151, %mul3A_153 : i32
          %get3A = arith.index_cast %mul3A_154 : i32 to index
          %get3A_155 = tpu.vector_load %arg11[%get3A] {strides = array<i32>} : memref<2560xi32, #tpu.memory_space<vmem>>, vector<16xi32>,
          %get3A_156 = arith.index_cast %mul3A_154 : i32 to index
          %get3A_157 = tpu.vector_load %arg12[%get3A_156] {strides = array<i32>} : memref<2560xi32, #tpu.memory_space<vmem>>, vector<16xi32>,
          %gather3A = tpu.vector_load_idx %arg8[%get3A_155] : memref<10240xf32, #tpu.memory_space<vmem>>[vector<16xi32>], vector<16xf32>,
          %gather3A_158 = tpu.vector_load_idx %arg9[%get3A_157] : memref<10240xf32, #tpu.memory_space<vmem>>[vector<16xi32>], vector<16xf32>,
          %add3A_159 = arith.addf %gather3A, %gather3A_158 : vector<16xf32>
          %get3A_160 = arith.index_cast %mul3A_154 : i32 to index
          %get3A_161 = tpu.vector_load %arg13[%get3A_160] {strides = array<i32>} : memref<2560xf32, #tpu.memory_space<vmem>>, vector<16xf32>,
          %add3A_162 = arith.addf %add3A_159, %get3A_161 : vector<16xf32>
          %mul3A_163 = arith.constant 2.000000e-01 : f32
          %mul3A_164 = vector.broadcast %mul3A_163 : f32 to vector<16xf32>
          %mul3A_165 = arith.mulf %mul3A_164, %add3A_162 : vector<16xf32>
          %max3A = arith.maximumf %add3A_162, %mul3A_165 : vector<16xf32>
          %exp3A = math.exp %max3A : vector<16xf32>
          %swap3A = arith.index_cast %mul3A_154 : i32 to index
          %swap3A_166 = tpu.vector_load %arg14[%swap3A] {strides = array<i32>} : memref<2560xf32, #tpu.memory_space<vmem>>, vector<16xf32>,
          tpu.vector_store %arg14[%swap3A], %exp3A {strides = array<i32>} : memref<2560xf32, #tpu.memory_space<vmem>>, vector<16xf32>,
          tpu.vector_store_idx %arg10[%get3A_157], %exp3A {add = true} : memref<10240xf32, #tpu.memory_space<vmem>>[vector<16xi32>], vector<16xf32>,
          %scan3A_167 = arith.constant 0 : i32
          scf.yield %scan3A_167 : i32
        }
        %scan3A_149 = arith.constant 160 : i32
        %run_scoped3A_150 = arith.constant 0 : i32
        "tpu.region"() ({
          %run_scoped3A_151 = tpu.sem_alloc : memref<!tpu.dma_semaphore, #tpu.memory_space<semaphore_mem>>
          %dma_start3A = tpu.memref_slice %arg6[%add3A, %run_scoped3A_150, %mul3A_141] : memref<4x1x320000xf32, #tpu.memory_space<hbm>> -> memref<1x1x2560xf32, #tpu.memory_space<hbm>>
          %dma_start3A_152 = tpu.memref_squeeze %dma_start3A : memref<1x1x2560xf32, #tpu.memory_space<hbm>> -> memref<2560xf32, #tpu.memory_space<hbm>>
          %dma_start3A_153 = tpu.memref_slice %arg6[%add3A, %run_scoped3A_150, %mul3A_141] : memref<4x1x320000xf32, #tpu.memory_space<hbm>> -> memref<1x1x2560xf32, #tpu.memory_space<hbm>>
          %dma_start3A_154 = tpu.memref_squeeze %dma_start3A_153 : memref<1x1x2560xf32, #tpu.memory_space<hbm>> -> memref<2560xf32, #tpu.memory_space<hbm>>
          tpu.enqueue_dma source(%arg14 : memref<2560xf32, #tpu.memory_space<vmem>>) target(%dma_start3A_154 : memref<2560xf32, #tpu.memory_space<hbm>>) target_semaphore(%run_scoped3A_151 : memref<!tpu.dma_semaphore, #tpu.memory_space<semaphore_mem>>)
          %dma_wait3A = tpu.memref_slice %arg6[%add3A, %run_scoped3A_150, %mul3A_141] : memref<4x1x320000xf32, #tpu.memory_space<hbm>> -> memref<1x1x2560xf32, #tpu.memory_space<hbm>>
          %dma_wait3A_155 = tpu.memref_squeeze %dma_wait3A : memref<1x1x2560xf32, #tpu.memory_space<hbm>> -> memref<2560xf32, #tpu.memory_space<hbm>>
          %dma_wait3A_156 = tpu.memref_slice %arg6[%add3A, %run_scoped3A_150, %mul3A_141] : memref<4x1x320000xf32, #tpu.memory_space<hbm>> -> memref<1x1x2560xf32, #tpu.memory_space<hbm>>
          %dma_wait3A_157 = tpu.memref_squeeze %dma_wait3A_156 : memref<1x1x2560xf32, #tpu.memory_space<hbm>> -> memref<2560xf32, #tpu.memory_space<hbm>>
          tpu.wait_dma2 semaphore(%run_scoped3A_151 : memref<!tpu.dma_semaphore, #tpu.memory_space<semaphore_mem>>) src(%arg14 : memref<2560xf32, #tpu.memory_space<vmem>>) dst(%dma_wait3A_157 : memref<2560xf32, #tpu.memory_space<hbm>>)
          tpu.yield
        }) : () -> ()
      } else {
      }
      %scan3A_136 = arith.constant 0 : i32
      scf.yield %scan3A_136 : i32
    }
    %scan3A_75 = arith.constant 16 : i32
    %run_scoped3A_76 = arith.constant 0 : i32
    "tpu.region"() ({
      %run_scoped3A_132 = tpu.sem_alloc : memref<!tpu.dma_semaphore, #tpu.memory_space<semaphore_mem>>
      %dma_start3A = arith.constant 0 : i32
      %dma_start3A_133 = tpu.memref_slice %arg17[%arg1, %run_scoped3A_76, %dma_start3A] : memref<16x1x10240xf32, #tpu.memory_space<vmem_shared>> -> memref<1x1x10240xf32, #tpu.memory_space<vmem_shared>>
      %dma_start3A_134 = tpu.memref_squeeze %dma_start3A_133 : memref<1x1x10240xf32, #tpu.memory_space<vmem_shared>> -> memref<10240xf32, #tpu.memory_space<vmem_shared>>
      %dma_start3A_135 = arith.constant 0 : i32
      %dma_start3A_136 = tpu.memref_slice %arg17[%arg1, %run_scoped3A_76, %dma_start3A_135] : memref<16x1x10240xf32, #tpu.memory_space<vmem_shared>> -> memref<1x1x10240xf32, #tpu.memory_space<vmem_shared>>
      %dma_start3A_137 = tpu.memref_squeeze %dma_start3A_136 : memref<1x1x10240xf32, #tpu.memory_space<vmem_shared>> -> memref<10240xf32, #tpu.memory_space<vmem_shared>>
      tpu.enqueue_dma source(%arg10 : memref<10240xf32, #tpu.memory_space<vmem>>) target(%dma_start3A_137 : memref<10240xf32, #tpu.memory_space<vmem_shared>>) target_semaphore(%run_scoped3A_132 : memref<!tpu.dma_semaphore, #tpu.memory_space<semaphore_mem>>)
      %dma_wait3A = arith.constant 0 : i32
      %dma_wait3A_138 = tpu.memref_slice %arg17[%arg1, %run_scoped3A_76, %dma_wait3A] : memref<16x1x10240xf32, #tpu.memory_space<vmem_shared>> -> memref<1x1x10240xf32, #tpu.memory_space<vmem_shared>>
      %dma_wait3A_139 = tpu.memref_squeeze %dma_wait3A_138 : memref<1x1x10240xf32, #tpu.memory_space<vmem_shared>> -> memref<10240xf32, #tpu.memory_space<vmem_shared>>
      %dma_wait3A_140 = arith.constant 0 : i32
      %dma_wait3A_141 = tpu.memref_slice %arg17[%arg1, %run_scoped3A_76, %dma_wait3A_140] : memref<16x1x10240xf32, #tpu.memory_space<vmem_shared>> -> memref<1x1x10240xf32, #tpu.memory_space<vmem_shared>>
      %dma_wait3A_142 = tpu.memref_squeeze %dma_wait3A_141 : memref<1x1x10240xf32, #tpu.memory_space<vmem_shared>> -> memref<10240xf32, #tpu.memory_space<vmem_shared>>
      tpu.wait_dma2 semaphore(%run_scoped3A_132 : memref<!tpu.dma_semaphore, #tpu.memory_space<semaphore_mem>>) src(%arg10 : memref<10240xf32, #tpu.memory_space<vmem>>) dst(%dma_wait3A_142 : memref<10240xf32, #tpu.memory_space<vmem_shared>>)
      tpu.yield
    }) : () -> ()
    %barrier3A = arith.constant 0 : index
    tpu.barrier barrier_id(%barrier3A)
    %jit3A_77 = arith.constant 8 : i32
    %div3A_78 = arith.divsi %arg1, %jit3A_77 : i32
    %sign3A_79 = arith.constant 0 : i32
    %sign3A_80 = arith.cmpi sgt, %arg1, %sign3A_79 : i32
    %sign3A_81 = arith.extui %sign3A_80 : i1 to i32
    %sign3A_82 = arith.constant 0 : i32
    %sign3A_83 = arith.cmpi slt, %arg1, %sign3A_82 : i32
    %sign3A_84 = arith.extui %sign3A_83 : i1 to i32
    %sign3A_85 = arith.subi %sign3A_81, %sign3A_84 : i32
    %sign3A_86 = arith.constant 0 : i32
    %sign3A_87 = arith.cmpi sgt, %jit3A_77, %sign3A_86 : i32
    %sign3A_88 = arith.extui %sign3A_87 : i1 to i32
    %sign3A_89 = arith.constant 0 : i32
    %sign3A_90 = arith.cmpi slt, %jit3A_77, %sign3A_89 : i32
    %sign3A_91 = arith.extui %sign3A_90 : i1 to i32
    %sign3A_92 = arith.subi %sign3A_88, %sign3A_91 : i32
    %ne3A_93 = arith.cmpi ne, %sign3A_85, %sign3A_92 : i32
    %rem3A_94 = arith.remsi %arg1, %jit3A_77 : i32
    %ne3A_95 = arith.constant 0 : i32
    %ne3A_96 = arith.cmpi ne, %rem3A_94, %ne3A_95 : i32
    %and3A_97 = arith.andi %ne3A_93, %ne3A_96 : i1
    %sub3A_98 = arith.constant 1 : i32
    %sub3A_99 = arith.subi %div3A_78, %sub3A_98 : i32
    %select_n3A_100 = arith.select %and3A_97, %sub3A_99, %div3A_78 : i32
    %jit3A_101 = arith.constant 8 : i32
    %eq3A_102 = arith.constant 0 : i32
    %eq3A_103 = arith.cmpi eq, %jit3A_101, %eq3A_102 : i32
    %jit3A_104 = arith.constant 1 : i32
    %select_n3A_105 = arith.select %eq3A_103, %jit3A_104, %jit3A_101 : i32
    %rem3A_106 = arith.remsi %arg1, %select_n3A_105 : i32
    %ne3A_107 = arith.constant 0 : i32
    %ne3A_108 = arith.cmpi ne, %rem3A_106, %ne3A_107 : i32
    %lt3A_109 = arith.constant 0 : i32
    %lt3A_110 = arith.cmpi slt, %rem3A_106, %lt3A_109 : i32
    %lt3A_111 = arith.constant 0 : i32
    %lt3A_112 = arith.cmpi slt, %select_n3A_105, %lt3A_111 : i32
    %ne3A_113 = arith.xori %lt3A_110, %lt3A_112 : i1
    %and3A_114 = arith.andi %ne3A_113, %ne3A_108 : i1
    %add3A_115 = arith.addi %rem3A_106, %select_n3A_105 : i32
    %select_n3A_116 = arith.select %and3A_114, %add3A_115, %rem3A_106 : i32
    %mul3A_117 = arith.constant 8 : i32
    %mul3A_118 = arith.muli %select_n3A_100, %mul3A_117 : i32
    %mul3A_119 = arith.constant 1280 : i32
    %mul3A_120 = arith.muli %select_n3A_116, %mul3A_119 : i32
    %run_scoped3A_121 = arith.constant 0 : i32
    "tpu.region"() ({
      %run_scoped3A_132 = tpu.sem_alloc : memref<!tpu.dma_semaphore, #tpu.memory_space<semaphore_mem>>
      %dma_start3A = tpu.memref_slice %arg17[%mul3A_118, %run_scoped3A_121, %mul3A_120] : memref<16x1x10240xf32, #tpu.memory_space<vmem_shared>> -> memref<8x1x1280xf32, #tpu.memory_space<vmem_shared>>
      %dma_start3A_133 = tpu.memref_squeeze %dma_start3A : memref<8x1x1280xf32, #tpu.memory_space<vmem_shared>> -> memref<8x1280xf32, #tpu.memory_space<vmem_shared>>
      %dma_start3A_134 = tpu.memref_slice %arg17[%mul3A_118, %run_scoped3A_121, %mul3A_120] : memref<16x1x10240xf32, #tpu.memory_space<vmem_shared>> -> memref<8x1x1280xf32, #tpu.memory_space<vmem_shared>>
      %dma_start3A_135 = tpu.memref_squeeze %dma_start3A_134 : memref<8x1x1280xf32, #tpu.memory_space<vmem_shared>> -> memref<8x1280xf32, #tpu.memory_space<vmem_shared>>
      tpu.enqueue_dma source(%dma_start3A_135 : memref<8x1280xf32, #tpu.memory_space<vmem_shared>>) target(%arg15 : memref<8x1280xf32, #tpu.memory_space<vmem>>) target_semaphore(%run_scoped3A_132 : memref<!tpu.dma_semaphore, #tpu.memory_space<semaphore_mem>>)
      %dma_wait3A = tpu.memref_slice %arg17[%mul3A_118, %run_scoped3A_121, %mul3A_120] : memref<16x1x10240xf32, #tpu.memory_space<vmem_shared>> -> memref<8x1x1280xf32, #tpu.memory_space<vmem_shared>>
      %dma_wait3A_136 = tpu.memref_squeeze %dma_wait3A : memref<8x1x1280xf32, #tpu.memory_space<vmem_shared>> -> memref<8x1280xf32, #tpu.memory_space<vmem_shared>>
      %dma_wait3A_137 = tpu.memref_slice %arg17[%mul3A_118, %run_scoped3A_121, %mul3A_120] : memref<16x1x10240xf32, #tpu.memory_space<vmem_shared>> -> memref<8x1x1280xf32, #tpu.memory_space<vmem_shared>>
      %dma_wait3A_138 = tpu.memref_squeeze %dma_wait3A_137 : memref<8x1x1280xf32, #tpu.memory_space<vmem_shared>> -> memref<8x1280xf32, #tpu.memory_space<vmem_shared>>
      tpu.wait_dma2 semaphore(%run_scoped3A_132 : memref<!tpu.dma_semaphore, #tpu.memory_space<semaphore_mem>>) src(%dma_wait3A_138 : memref<8x1280xf32, #tpu.memory_space<vmem_shared>>) dst(%arg15 : memref<8x1280xf32, #tpu.memory_space<vmem>>)
      tpu.yield
    }) : () -> ()
    %scan3A_122 = arith.constant 0 : i32
    %scan3A_123 = arith.constant 0 : i32
    %scan3A_124 = arith.constant 80 : i32
    %scan3A_125 = arith.addi %scan3A_123, %scan3A_124 : i32
    %scan3A_126 = arith.constant 1 : i32
    %scan3A_127 = scf.for %scan3A_132 = %scan3A_123 to %scan3A_125 step %scan3A_126 iter_args(%scan3A_133 = %scan3A_122) -> (i32)  : i32 {
      %mul3A_134 = arith.constant 16 : i32
      %mul3A_135 = arith.muli %scan3A_132, %mul3A_134 : i32
      %get3A = arith.constant 0 : i32
      %get3A_136 = arith.index_cast %get3A : i32 to index
      %get3A_137 = arith.index_cast %mul3A_135 : i32 to index
      %get3A_138 = tpu.vector_load %arg15[%get3A_136, %get3A_137] {strides = array<i32>} : memref<8x1280xf32, #tpu.memory_space<vmem>>, vector<16xf32>,
      %get3A_139 = arith.constant 1 : i32
      %get3A_140 = arith.index_cast %get3A_139 : i32 to index
      %get3A_141 = arith.index_cast %mul3A_135 : i32 to index
      %get3A_142 = tpu.vector_load %arg15[%get3A_140, %get3A_141] {strides = array<i32>} : memref<8x1280xf32, #tpu.memory_space<vmem>>, vector<16xf32>,
      %add3A_143 = arith.addf %get3A_138, %get3A_142 : vector<16xf32>
      %get3A_144 = arith.constant 2 : i32
      %get3A_145 = arith.index_cast %get3A_144 : i32 to index
      %get3A_146 = arith.index_cast %mul3A_135 : i32 to index
      %get3A_147 = tpu.vector_load %arg15[%get3A_145, %get3A_146] {strides = array<i32>} : memref<8x1280xf32, #tpu.memory_space<vmem>>, vector<16xf32>,
      %add3A_148 = arith.addf %add3A_143, %get3A_147 : vector<16xf32>
      %get3A_149 = arith.constant 3 : i32
      %get3A_150 = arith.index_cast %get3A_149 : i32 to index
      %get3A_151 = arith.index_cast %mul3A_135 : i32 to index
      %get3A_152 = tpu.vector_load %arg15[%get3A_150, %get3A_151] {strides = array<i32>} : memref<8x1280xf32, #tpu.memory_space<vmem>>, vector<16xf32>,
      %add3A_153 = arith.addf %add3A_148, %get3A_152 : vector<16xf32>
      %get3A_154 = arith.constant 4 : i32
      %get3A_155 = arith.index_cast %get3A_154 : i32 to index
      %get3A_156 = arith.index_cast %mul3A_135 : i32 to index
      %get3A_157 = tpu.vector_load %arg15[%get3A_155, %get3A_156] {strides = array<i32>} : memref<8x1280xf32, #tpu.memory_space<vmem>>, vector<16xf32>,
      %add3A_158 = arith.addf %add3A_153, %get3A_157 : vector<16xf32>
      %get3A_159 = arith.constant 5 : i32
      %get3A_160 = arith.index_cast %get3A_159 : i32 to index
      %get3A_161 = arith.index_cast %mul3A_135 : i32 to index
      %get3A_162 = tpu.vector_load %arg15[%get3A_160, %get3A_161] {strides = array<i32>} : memref<8x1280xf32, #tpu.memory_space<vmem>>, vector<16xf32>,
      %add3A_163 = arith.addf %add3A_158, %get3A_162 : vector<16xf32>
      %get3A_164 = arith.constant 6 : i32
      %get3A_165 = arith.index_cast %get3A_164 : i32 to index
      %get3A_166 = arith.index_cast %mul3A_135 : i32 to index
      %get3A_167 = tpu.vector_load %arg15[%get3A_165, %get3A_166] {strides = array<i32>} : memref<8x1280xf32, #tpu.memory_space<vmem>>, vector<16xf32>,
      %add3A_168 = arith.addf %add3A_163, %get3A_167 : vector<16xf32>
      %get3A_169 = arith.constant 7 : i32
      %get3A_170 = arith.index_cast %get3A_169 : i32 to index
      %get3A_171 = arith.index_cast %mul3A_135 : i32 to index
      %get3A_172 = tpu.vector_load %arg15[%get3A_170, %get3A_171] {strides = array<i32>} : memref<8x1280xf32, #tpu.memory_space<vmem>>, vector<16xf32>,
      %add3A_173 = arith.addf %add3A_168, %get3A_172 : vector<16xf32>
      %add3A_174 = arith.constant 1.000000e-16 : f32
      %add3A_175 = vector.broadcast %add3A_174 : f32 to vector<16xf32>
      %add3A_176 = arith.addf %add3A_173, %add3A_175 : vector<16xf32>
      %div3A_177 = arith.constant 1.000000e+00 : f32
      %div3A_178 = vector.broadcast %div3A_177 : f32 to vector<16xf32>
      %div3A_179 = arith.divf %div3A_178, %add3A_176 : vector<16xf32>
      %swap3A = arith.index_cast %mul3A_135 : i32 to index
      %swap3A_180 = tpu.vector_load %arg16[%swap3A] {strides = array<i32>} : memref<1280xf32, #tpu.memory_space<vmem>>, vector<16xf32>,
      tpu.vector_store %arg16[%swap3A], %div3A_179 {strides = array<i32>} : memref<1280xf32, #tpu.memory_space<vmem>>, vector<16xf32>,
      %scan3A_181 = arith.constant 0 : i32
      scf.yield %scan3A_181 : i32
    }
    %scan3A_128 = arith.constant 80 : i32
    %mul3A_129 = arith.constant 1280 : i32
    %mul3A_130 = arith.muli %select_n3A_116, %mul3A_129 : i32
    %run_scoped3A_131 = arith.constant 0 : i32
    "tpu.region"() ({
      %run_scoped3A_132 = tpu.sem_alloc : memref<!tpu.dma_semaphore, #tpu.memory_space<semaphore_mem>>
      %dma_start3A = tpu.memref_slice %arg7[%add3A, %run_scoped3A_131, %mul3A_130] : memref<4x1x10240xf32, #tpu.memory_space<hbm>> -> memref<1x1x1280xf32, #tpu.memory_space<hbm>>
      %dma_start3A_133 = tpu.memref_squeeze %dma_start3A : memref<1x1x1280xf32, #tpu.memory_space<hbm>> -> memref<1280xf32, #tpu.memory_space<hbm>>
      %dma_start3A_134 = tpu.memref_slice %arg7[%add3A, %run_scoped3A_131, %mul3A_130] : memref<4x1x10240xf32, #tpu.memory_space<hbm>> -> memref<1x1x1280xf32, #tpu.memory_space<hbm>>
      %dma_start3A_135 = tpu.memref_squeeze %dma_start3A_134 : memref<1x1x1280xf32, #tpu.memory_space<hbm>> -> memref<1280xf32, #tpu.memory_space<hbm>>
      tpu.enqueue_dma source(%arg16 : memref<1280xf32, #tpu.memory_space<vmem>>) target(%dma_start3A_135 : memref<1280xf32, #tpu.memory_space<hbm>>) target_semaphore(%run_scoped3A_132 : memref<!tpu.dma_semaphore, #tpu.memory_space<semaphore_mem>>)
      %dma_wait3A = tpu.memref_slice %arg7[%add3A, %run_scoped3A_131, %mul3A_130] : memref<4x1x10240xf32, #tpu.memory_space<hbm>> -> memref<1x1x1280xf32, #tpu.memory_space<hbm>>
      %dma_wait3A_136 = tpu.memref_squeeze %dma_wait3A : memref<1x1x1280xf32, #tpu.memory_space<hbm>> -> memref<1280xf32, #tpu.memory_space<hbm>>
      %dma_wait3A_137 = tpu.memref_slice %arg7[%add3A, %run_scoped3A_131, %mul3A_130] : memref<4x1x10240xf32, #tpu.memory_space<hbm>> -> memref<1x1x1280xf32, #tpu.memory_space<hbm>>
      %dma_wait3A_138 = tpu.memref_squeeze %dma_wait3A_137 : memref<1x1x1280xf32, #tpu.memory_space<hbm>> -> memref<1280xf32, #tpu.memory_space<hbm>>
      tpu.wait_dma2 semaphore(%run_scoped3A_132 : memref<!tpu.dma_semaphore, #tpu.memory_space<semaphore_mem>>) src(%arg16 : memref<1280xf32, #tpu.memory_space<vmem>>) dst(%dma_wait3A_138 : memref<1280xf32, #tpu.memory_space<hbm>>)
      tpu.yield
    }) : () -> ()
    return
  }
}

#map = affine_map<(d0, d1) -> (0, 0, 0)>
#map1 = affine_map<(d0, d1) -> (0)>
module attributes {stable_mosaic.version = 14 : i64} {
  func.func @k(%arg0: i32, %arg1: i32, %arg2: memref<8x1x10240xf32, #tpu.memory_space<hbm>>, %arg3: memref<4x1x320000xf32, #tpu.memory_space<hbm>>, %arg4: memref<320000xi32, #tpu.memory_space<hbm>>, %arg5: memref<320000xi32, #tpu.memory_space<hbm>>, %arg6: memref<4x1x320000xf32, #tpu.memory_space<hbm>>, %arg7: memref<4x1x10240xf32, #tpu.memory_space<hbm>>, %arg8: memref<10240xf32, #tpu.memory_space<vmem>>, %arg9: memref<10240xf32, #tpu.memory_space<vmem>>, %arg10: memref<10240xf32, #tpu.memory_space<vmem>>, %arg11: memref<2560xi32, #tpu.memory_space<vmem>>, %arg12: memref<2560xi32, #tpu.memory_space<vmem>>, %arg13: memref<2560xf32, #tpu.memory_space<vmem>>, %arg14: memref<2560xf32, #tpu.memory_space<vmem>>, %arg15: memref<8x1280xf32, #tpu.memory_space<vmem>>, %arg16: memref<1280xf32, #tpu.memory_space<vmem>>, %arg17: memref<16x1x10240xf32, #tpu.memory_space<vmem_shared>>) attributes {dimension_semantics = [#tpu.dimension_semantics<core_parallel>, #tpu.dimension_semantics<subcore_parallel>], iteration_bounds = array<i64: 2, 16>, scalar_prefetch = 0 : i64, scratch_operands = 10 : i64, tpu.core_type = #tpu.core_type<sc_vector_subcore>, window_params = [{transform_indices = #map}, {transform_indices = #map}, {transform_indices = #map1}, {transform_indices = #map1}, {transform_indices = #map}, {transform_indices = #map}]} {
    %mul3A = arith.constant 2 : i32
    %mul3A_0 = arith.muli %mul3A, %arg0 : i32
    %jit3A = arith.constant 8 : i32
    %div3A = arith.divsi %arg1, %jit3A : i32
    %sign3A = arith.constant 0 : i32
    %sign3A_1 = arith.cmpi sgt, %arg1, %sign3A : i32
    %sign3A_2 = arith.extui %sign3A_1 : i1 to i32
    %sign3A_3 = arith.constant 0 : i32
    %sign3A_4 = arith.cmpi slt, %arg1, %sign3A_3 : i32
    %sign3A_5 = arith.extui %sign3A_4 : i1 to i32
    %sign3A_6 = arith.subi %sign3A_2, %sign3A_5 : i32
    %sign3A_7 = arith.constant 0 : i32
    %sign3A_8 = arith.cmpi sgt, %jit3A, %sign3A_7 : i32
    %sign3A_9 = arith.extui %sign3A_8 : i1 to i32
    %sign3A_10 = arith.constant 0 : i32
    %sign3A_11 = arith.cmpi slt, %jit3A, %sign3A_10 : i32
    %sign3A_12 = arith.extui %sign3A_11 : i1 to i32
    %sign3A_13 = arith.subi %sign3A_9, %sign3A_12 : i32
    %ne3A = arith.cmpi ne, %sign3A_6, %sign3A_13 : i32
    %rem3A = arith.remsi %arg1, %jit3A : i32
    %ne3A_14 = arith.constant 0 : i32
    %ne3A_15 = arith.cmpi ne, %rem3A, %ne3A_14 : i32
    %and3A = arith.andi %ne3A, %ne3A_15 : i1
    %sub3A = arith.constant 1 : i32
    %sub3A_16 = arith.subi %div3A, %sub3A : i32
    %select_n3A = arith.select %and3A, %sub3A_16, %div3A : i32
    %add3A = arith.addi %mul3A_0, %select_n3A : i32
    %jit3A_17 = arith.constant 8 : i32
    %eq3A = arith.constant 0 : i32
    %eq3A_18 = arith.cmpi eq, %jit3A_17, %eq3A : i32
    %jit3A_19 = arith.constant 1 : i32
    %select_n3A_20 = arith.select %eq3A_18, %jit3A_19, %jit3A_17 : i32
    %rem3A_21 = arith.remsi %arg1, %select_n3A_20 : i32
    %ne3A_22 = arith.constant 0 : i32
    %ne3A_23 = arith.cmpi ne, %rem3A_21, %ne3A_22 : i32
    %lt3A = arith.constant 0 : i32
    %lt3A_24 = arith.cmpi slt, %rem3A_21, %lt3A : i32
    %lt3A_25 = arith.constant 0 : i32
    %lt3A_26 = arith.cmpi slt, %select_n3A_20, %lt3A_25 : i32
    %ne3A_27 = arith.xori %lt3A_24, %lt3A_26 : i1
    %and3A_28 = arith.andi %ne3A_27, %ne3A_23 : i1
    %add3A_29 = arith.addi %rem3A_21, %select_n3A_20 : i32
    %select_n3A_30 = arith.select %and3A_28, %add3A_29, %rem3A_21 : i32
    %run_scoped3A = arith.constant 0 : i32
    "tpu.region"() ({
      %run_scoped3A_132 = tpu.sem_alloc : memref<!tpu.dma_semaphore, #tpu.memory_space<semaphore_mem>>
      %dma_start3A = arith.constant 0 : i32
      %dma_start3A_133 = tpu.memref_slice %arg2[%add3A, %run_scoped3A, %dma_start3A] : memref<8x1x10240xf32, #tpu.memory_space<hbm>> -> memref<1x1x10240xf32, #tpu.memory_space<hbm>>
      %dma_start3A_134 = tpu.memref_squeeze %dma_start3A_133 : memref<1x1x10240xf32, #tpu.memory_space<hbm>> -> memref<10240xf32, #tpu.memory_space<hbm>>
      %dma_start3A_135 = arith.constant 0 : i32
      %dma_start3A_136 = tpu.memref_slice %arg2[%add3A, %run_scoped3A, %dma_start3A_135] : memref<8x1x10240xf32, #tpu.memory_space<hbm>> -> memref<1x1x10240xf32, #tpu.memory_space<hbm>>
      %dma_start3A_137 = tpu.memref_squeeze %dma_start3A_136 : memref<1x1x10240xf32, #tpu.memory_space<hbm>> -> memref<10240xf32, #tpu.memory_space<hbm>>
      tpu.enqueue_dma source(%dma_start3A_137 : memref<10240xf32, #tpu.memory_space<hbm>>) target(%arg8 : memref<10240xf32, #tpu.memory_space<vmem>>) target_semaphore(%run_scoped3A_132 : memref<!tpu.dma_semaphore, #tpu.memory_space<semaphore_mem>>)
      %dma_wait3A = arith.constant 0 : i32
      %dma_wait3A_138 = tpu.memref_slice %arg2[%add3A, %run_scoped3A, %dma_wait3A] : memref<8x1x10240xf32, #tpu.memory_space<hbm>> -> memref<1x1x10240xf32, #tpu.memory_space<hbm>>
      %dma_wait3A_139 = tpu.memref_squeeze %dma_wait3A_138 : memref<1x1x10240xf32, #tpu.memory_space<hbm>> -> memref<10240xf32, #tpu.memory_space<hbm>>
      %dma_wait3A_140 = arith.constant 0 : i32
      %dma_wait3A_141 = tpu.memref_slice %arg2[%add3A, %run_scoped3A, %dma_wait3A_140] : memref<8x1x10240xf32, #tpu.memory_space<hbm>> -> memref<1x1x10240xf32, #tpu.memory_space<hbm>>
      %dma_wait3A_142 = tpu.memref_squeeze %dma_wait3A_141 : memref<1x1x10240xf32, #tpu.memory_space<hbm>> -> memref<10240xf32, #tpu.memory_space<hbm>>
      tpu.wait_dma2 semaphore(%run_scoped3A_132 : memref<!tpu.dma_semaphore, #tpu.memory_space<semaphore_mem>>) src(%dma_wait3A_142 : memref<10240xf32, #tpu.memory_space<hbm>>) dst(%arg8 : memref<10240xf32, #tpu.memory_space<vmem>>)
      tpu.yield
    }) : () -> ()
    %add3A_31 = arith.constant 4 : i32
    %add3A_32 = arith.addi %add3A, %add3A_31 : i32
    %run_scoped3A_33 = arith.constant 0 : i32
    "tpu.region"() ({
      %run_scoped3A_132 = tpu.sem_alloc : memref<!tpu.dma_semaphore, #tpu.memory_space<semaphore_mem>>
      %dma_start3A = arith.constant 0 : i32
      %dma_start3A_133 = tpu.memref_slice %arg2[%add3A_32, %run_scoped3A_33, %dma_start3A] : memref<8x1x10240xf32, #tpu.memory_space<hbm>> -> memref<1x1x10240xf32, #tpu.memory_space<hbm>>
      %dma_start3A_134 = tpu.memref_squeeze %dma_start3A_133 : memref<1x1x10240xf32, #tpu.memory_space<hbm>> -> memref<10240xf32, #tpu.memory_space<hbm>>
      %dma_start3A_135 = arith.constant 0 : i32
      %dma_start3A_136 = tpu.memref_slice %arg2[%add3A_32, %run_scoped3A_33, %dma_start3A_135] : memref<8x1x10240xf32, #tpu.memory_space<hbm>> -> memref<1x1x10240xf32, #tpu.memory_space<hbm>>
      %dma_start3A_137 = tpu.memref_squeeze %dma_start3A_136 : memref<1x1x10240xf32, #tpu.memory_space<hbm>> -> memref<10240xf32, #tpu.memory_space<hbm>>
      tpu.enqueue_dma source(%dma_start3A_137 : memref<10240xf32, #tpu.memory_space<hbm>>) target(%arg9 : memref<10240xf32, #tpu.memory_space<vmem>>) target_semaphore(%run_scoped3A_132 : memref<!tpu.dma_semaphore, #tpu.memory_space<semaphore_mem>>)
      %dma_wait3A = arith.constant 0 : i32
      %dma_wait3A_138 = tpu.memref_slice %arg2[%add3A_32, %run_scoped3A_33, %dma_wait3A] : memref<8x1x10240xf32, #tpu.memory_space<hbm>> -> memref<1x1x10240xf32, #tpu.memory_space<hbm>>
      %dma_wait3A_139 = tpu.memref_squeeze %dma_wait3A_138 : memref<1x1x10240xf32, #tpu.memory_space<hbm>> -> memref<10240xf32, #tpu.memory_space<hbm>>
      %dma_wait3A_140 = arith.constant 0 : i32
      %dma_wait3A_141 = tpu.memref_slice %arg2[%add3A_32, %run_scoped3A_33, %dma_wait3A_140] : memref<8x1x10240xf32, #tpu.memory_space<hbm>> -> memref<1x1x10240xf32, #tpu.memory_space<hbm>>
      %dma_wait3A_142 = tpu.memref_squeeze %dma_wait3A_141 : memref<1x1x10240xf32, #tpu.memory_space<hbm>> -> memref<10240xf32, #tpu.memory_space<hbm>>
      tpu.wait_dma2 semaphore(%run_scoped3A_132 : memref<!tpu.dma_semaphore, #tpu.memory_space<semaphore_mem>>) src(%dma_wait3A_142 : memref<10240xf32, #tpu.memory_space<hbm>>) dst(%arg9 : memref<10240xf32, #tpu.memory_space<vmem>>)
      tpu.yield
    }) : () -> ()
    %broadcast_in_dim3A = arith.constant 0.000000e+00 : f32
    %broadcast_in_dim3A_34 = vector.broadcast %broadcast_in_dim3A : f32 to vector<16xf32>
    %scan3A = arith.constant 0 : i32
    %scan3A_35 = arith.constant 0 : i32
    %scan3A_36 = arith.constant 640 : i32
    %scan3A_37 = arith.addi %scan3A_35, %scan3A_36 : i32
    %scan3A_38 = arith.constant 1 : i32
    %scan3A_39 = scf.for %scan3A_132 = %scan3A_35 to %scan3A_37 step %scan3A_38 iter_args(%scan3A_133 = %scan3A) -> (i32)  : i32 {
      %mul3A_134 = arith.constant 16 : i32
      %mul3A_135 = arith.muli %scan3A_132, %mul3A_134 : i32
      %swap3A = arith.index_cast %mul3A_135 : i32 to index
      %swap3A_136 = tpu.vector_load %arg10[%swap3A] {strides = array<i32>} : memref<10240xf32, #tpu.memory_space<vmem>>, vector<16xf32>,
      tpu.vector_store %arg10[%swap3A], %broadcast_in_dim3A_34 {strides = array<i32>} : memref<10240xf32, #tpu.memory_space<vmem>>, vector<16xf32>,
      %scan3A_137 = arith.constant 0 : i32
      scf.yield %scan3A_137 : i32
    }
    %scan3A_40 = arith.constant 640 : i32
    %sub3A_41 = arith.constant 125 : i32
    %sub3A_42 = arith.subi %sub3A_41, %select_n3A_30 : i32
    %add3A_43 = arith.constant 7 : i32
    %add3A_44 = arith.addi %sub3A_42, %add3A_43 : i32
    %jit3A_45 = arith.constant 8 : i32
    %div3A_46 = arith.divsi %add3A_44, %jit3A_45 : i32
    %sign3A_47 = arith.constant 0 : i32
    %sign3A_48 = arith.cmpi sgt, %add3A_44, %sign3A_47 : i32
    %sign3A_49 = arith.extui %sign3A_48 : i1 to i32
    %sign3A_50 = arith.constant 0 : i32
    %sign3A_51 = arith.cmpi slt, %add3A_44, %sign3A_50 : i32
    %sign3A_52 = arith.extui %sign3A_51 : i1 to i32
    %sign3A_53 = arith.subi %sign3A_49, %sign3A_52 : i32
    %sign3A_54 = arith.constant 0 : i32
    %sign3A_55 = arith.cmpi sgt, %jit3A_45, %sign3A_54 : i32
    %sign3A_56 = arith.extui %sign3A_55 : i1 to i32
    %sign3A_57 = arith.constant 0 : i32
    %sign3A_58 = arith.cmpi slt, %jit3A_45, %sign3A_57 : i32
    %sign3A_59 = arith.extui %sign3A_58 : i1 to i32
    %sign3A_60 = arith.subi %sign3A_56, %sign3A_59 : i32
    %ne3A_61 = arith.cmpi ne, %sign3A_53, %sign3A_60 : i32
    %rem3A_62 = arith.remsi %add3A_44, %jit3A_45 : i32
    %ne3A_63 = arith.constant 0 : i32
    %ne3A_64 = arith.cmpi ne, %rem3A_62, %ne3A_63 : i32
    %and3A_65 = arith.andi %ne3A_61, %ne3A_64 : i1
    %sub3A_66 = arith.constant 1 : i32
    %sub3A_67 = arith.subi %div3A_46, %sub3A_66 : i32
    %select_n3A_68 = arith.select %and3A_65, %sub3A_67, %div3A_46 : i32
    %scan3A_69 = arith.constant 0 : i32
    %scan3A_70 = arith.constant 0 : i32
    %scan3A_71 = arith.constant 16 : i32
    %scan3A_72 = arith.addi %scan3A_70, %scan3A_71 : i32
    %scan3A_73 = arith.constant 1 : i32
    %scan3A_74 = scf.for %scan3A_132 = %scan3A_70 to %scan3A_72 step %scan3A_73 iter_args(%scan3A_133 = %scan3A_69) -> (i32)  : i32 {
      %lt3A_134 = arith.cmpi slt, %scan3A_132, %select_n3A_68 : i32
      %convert_element_type3A = arith.extui %lt3A_134 : i1 to i32
      %cond3A = arith.constant 0 : i32
      %cond3A_135 = arith.cmpi ne, %convert_element_type3A, %cond3A : i32
      scf.if %cond3A_135 {
        %mul3A_137 = arith.constant 8 : i32
        %mul3A_138 = arith.muli %mul3A_137, %scan3A_132 : i32
        %add3A_139 = arith.addi %select_n3A_30, %mul3A_138 : i32
        %mul3A_140 = arith.constant 2560 : i32
        %mul3A_141 = arith.muli %add3A_139, %mul3A_140 : i32
        "tpu.region"() ({
          %run_scoped3A_151 = tpu.sem_alloc : memref<!tpu.dma_semaphore, #tpu.memory_space<semaphore_mem>>
          %dma_start3A = tpu.memref_slice %arg4[%mul3A_141] : memref<320000xi32, #tpu.memory_space<hbm>> -> memref<2560xi32, #tpu.memory_space<hbm>>
          %dma_start3A_152 = tpu.memref_slice %arg4[%mul3A_141] : memref<320000xi32, #tpu.memory_space<hbm>> -> memref<2560xi32, #tpu.memory_space<hbm>>
          tpu.enqueue_dma source(%dma_start3A_152 : memref<2560xi32, #tpu.memory_space<hbm>>) target(%arg11 : memref<2560xi32, #tpu.memory_space<vmem>>) target_semaphore(%run_scoped3A_151 : memref<!tpu.dma_semaphore, #tpu.memory_space<semaphore_mem>>)
          %dma_wait3A = tpu.memref_slice %arg4[%mul3A_141] : memref<320000xi32, #tpu.memory_space<hbm>> -> memref<2560xi32, #tpu.memory_space<hbm>>
          %dma_wait3A_153 = tpu.memref_slice %arg4[%mul3A_141] : memref<320000xi32, #tpu.memory_space<hbm>> -> memref<2560xi32, #tpu.memory_space<hbm>>
          tpu.wait_dma2 semaphore(%run_scoped3A_151 : memref<!tpu.dma_semaphore, #tpu.memory_space<semaphore_mem>>) src(%dma_wait3A_153 : memref<2560xi32, #tpu.memory_space<hbm>>) dst(%arg11 : memref<2560xi32, #tpu.memory_space<vmem>>)
          tpu.yield
        }) : () -> ()
        "tpu.region"() ({
          %run_scoped3A_151 = tpu.sem_alloc : memref<!tpu.dma_semaphore, #tpu.memory_space<semaphore_mem>>
          %dma_start3A = tpu.memref_slice %arg5[%mul3A_141] : memref<320000xi32, #tpu.memory_space<hbm>> -> memref<2560xi32, #tpu.memory_space<hbm>>
          %dma_start3A_152 = tpu.memref_slice %arg5[%mul3A_141] : memref<320000xi32, #tpu.memory_space<hbm>> -> memref<2560xi32, #tpu.memory_space<hbm>>
          tpu.enqueue_dma source(%dma_start3A_152 : memref<2560xi32, #tpu.memory_space<hbm>>) target(%arg12 : memref<2560xi32, #tpu.memory_space<vmem>>) target_semaphore(%run_scoped3A_151 : memref<!tpu.dma_semaphore, #tpu.memory_space<semaphore_mem>>)
          %dma_wait3A = tpu.memref_slice %arg5[%mul3A_141] : memref<320000xi32, #tpu.memory_space<hbm>> -> memref<2560xi32, #tpu.memory_space<hbm>>
          %dma_wait3A_153 = tpu.memref_slice %arg5[%mul3A_141] : memref<320000xi32, #tpu.memory_space<hbm>> -> memref<2560xi32, #tpu.memory_space<hbm>>
          tpu.wait_dma2 semaphore(%run_scoped3A_151 : memref<!tpu.dma_semaphore, #tpu.memory_space<semaphore_mem>>) src(%dma_wait3A_153 : memref<2560xi32, #tpu.memory_space<hbm>>) dst(%arg12 : memref<2560xi32, #tpu.memory_space<vmem>>)
          tpu.yield
        }) : () -> ()
        %run_scoped3A_142 = arith.constant 0 : i32
        "tpu.region"() ({
          %run_scoped3A_151 = tpu.sem_alloc : memref<!tpu.dma_semaphore, #tpu.memory_space<semaphore_mem>>
          %dma_start3A = tpu.memref_slice %arg3[%add3A, %run_scoped3A_142, %mul3A_141] : memref<4x1x320000xf32, #tpu.memory_space<hbm>> -> memref<1x1x2560xf32, #tpu.memory_space<hbm>>
          %dma_start3A_152 = tpu.memref_squeeze %dma_start3A : memref<1x1x2560xf32, #tpu.memory_space<hbm>> -> memref<2560xf32, #tpu.memory_space<hbm>>
          %dma_start3A_153 = tpu.memref_slice %arg3[%add3A, %run_scoped3A_142, %mul3A_141] : memref<4x1x320000xf32, #tpu.memory_space<hbm>> -> memref<1x1x2560xf32, #tpu.memory_space<hbm>>
          %dma_start3A_154 = tpu.memref_squeeze %dma_start3A_153 : memref<1x1x2560xf32, #tpu.memory_space<hbm>> -> memref<2560xf32, #tpu.memory_space<hbm>>
          tpu.enqueue_dma source(%dma_start3A_154 : memref<2560xf32, #tpu.memory_space<hbm>>) target(%arg13 : memref<2560xf32, #tpu.memory_space<vmem>>) target_semaphore(%run_scoped3A_151 : memref<!tpu.dma_semaphore, #tpu.memory_space<semaphore_mem>>)
          %dma_wait3A = tpu.memref_slice %arg3[%add3A, %run_scoped3A_142, %mul3A_141] : memref<4x1x320000xf32, #tpu.memory_space<hbm>> -> memref<1x1x2560xf32, #tpu.memory_space<hbm>>
          %dma_wait3A_155 = tpu.memref_squeeze %dma_wait3A : memref<1x1x2560xf32, #tpu.memory_space<hbm>> -> memref<2560xf32, #tpu.memory_space<hbm>>
          %dma_wait3A_156 = tpu.memref_slice %arg3[%add3A, %run_scoped3A_142, %mul3A_141] : memref<4x1x320000xf32, #tpu.memory_space<hbm>> -> memref<1x1x2560xf32, #tpu.memory_space<hbm>>
          %dma_wait3A_157 = tpu.memref_squeeze %dma_wait3A_156 : memref<1x1x2560xf32, #tpu.memory_space<hbm>> -> memref<2560xf32, #tpu.memory_space<hbm>>
          tpu.wait_dma2 semaphore(%run_scoped3A_151 : memref<!tpu.dma_semaphore, #tpu.memory_space<semaphore_mem>>) src(%dma_wait3A_157 : memref<2560xf32, #tpu.memory_space<hbm>>) dst(%arg13 : memref<2560xf32, #tpu.memory_space<vmem>>)
          tpu.yield
        }) : () -> ()
        %scan3A_143 = arith.constant 0 : i32
        %scan3A_144 = arith.constant 0 : i32
        %scan3A_145 = arith.constant 160 : i32
        %scan3A_146 = arith.addi %scan3A_144, %scan3A_145 : i32
        %scan3A_147 = arith.constant 1 : i32
        %scan3A_148 = scf.for %scan3A_151 = %scan3A_144 to %scan3A_146 step %scan3A_147 iter_args(%scan3A_152 = %scan3A_143) -> (i32)  : i32 {
          %mul3A_153 = arith.constant 16 : i32
          %mul3A_154 = arith.muli %scan3A_151, %mul3A_153 : i32
          %get3A = arith.index_cast %mul3A_154 : i32 to index
          %get3A_155 = tpu.vector_load %arg11[%get3A] {strides = array<i32>} : memref<2560xi32, #tpu.memory_space<vmem>>, vector<16xi32>,
          %get3A_156 = arith.index_cast %mul3A_154 : i32 to index
          %get3A_157 = tpu.vector_load %arg12[%get3A_156] {strides = array<i32>} : memref<2560xi32, #tpu.memory_space<vmem>>, vector<16xi32>,
          %gather3A = tpu.vector_load_idx %arg8[%get3A_155] : memref<10240xf32, #tpu.memory_space<vmem>>[vector<16xi32>], vector<16xf32>,
          %gather3A_158 = tpu.vector_load_idx %arg9[%get3A_157] : memref<10240xf32, #tpu.memory_space<vmem>>[vector<16xi32>], vector<16xf32>,
          %add3A_159 = arith.addf %gather3A, %gather3A_158 : vector<16xf32>
          %get3A_160 = arith.index_cast %mul3A_154 : i32 to index
          %get3A_161 = tpu.vector_load %arg13[%get3A_160] {strides = array<i32>} : memref<2560xf32, #tpu.memory_space<vmem>>, vector<16xf32>,
          %add3A_162 = arith.addf %add3A_159, %get3A_161 : vector<16xf32>
          %mul3A_163 = arith.constant 2.000000e-01 : f32
          %mul3A_164 = vector.broadcast %mul3A_163 : f32 to vector<16xf32>
          %mul3A_165 = arith.mulf %mul3A_164, %add3A_162 : vector<16xf32>
          %max3A = arith.maximumf %add3A_162, %mul3A_165 : vector<16xf32>
          %exp3A = math.exp %max3A : vector<16xf32>
          %swap3A = arith.index_cast %mul3A_154 : i32 to index
          %swap3A_166 = tpu.vector_load %arg14[%swap3A] {strides = array<i32>} : memref<2560xf32, #tpu.memory_space<vmem>>, vector<16xf32>,
          tpu.vector_store %arg14[%swap3A], %exp3A {strides = array<i32>} : memref<2560xf32, #tpu.memory_space<vmem>>, vector<16xf32>,
          tpu.vector_store_idx %arg10[%get3A_157], %exp3A {add = true} : memref<10240xf32, #tpu.memory_space<vmem>>[vector<16xi32>], vector<16xf32>,
          %scan3A_167 = arith.constant 0 : i32
          scf.yield %scan3A_167 : i32
        }
        %scan3A_149 = arith.constant 160 : i32
        %run_scoped3A_150 = arith.constant 0 : i32
        "tpu.region"() ({
          %run_scoped3A_151 = tpu.sem_alloc : memref<!tpu.dma_semaphore, #tpu.memory_space<semaphore_mem>>
          %dma_start3A = tpu.memref_slice %arg6[%add3A, %run_scoped3A_150, %mul3A_141] : memref<4x1x320000xf32, #tpu.memory_space<hbm>> -> memref<1x1x2560xf32, #tpu.memory_space<hbm>>
          %dma_start3A_152 = tpu.memref_squeeze %dma_start3A : memref<1x1x2560xf32, #tpu.memory_space<hbm>> -> memref<2560xf32, #tpu.memory_space<hbm>>
          %dma_start3A_153 = tpu.memref_slice %arg6[%add3A, %run_scoped3A_150, %mul3A_141] : memref<4x1x320000xf32, #tpu.memory_space<hbm>> -> memref<1x1x2560xf32, #tpu.memory_space<hbm>>
          %dma_start3A_154 = tpu.memref_squeeze %dma_start3A_153 : memref<1x1x2560xf32, #tpu.memory_space<hbm>> -> memref<2560xf32, #tpu.memory_space<hbm>>
          tpu.enqueue_dma source(%arg14 : memref<2560xf32, #tpu.memory_space<vmem>>) target(%dma_start3A_154 : memref<2560xf32, #tpu.memory_space<hbm>>) target_semaphore(%run_scoped3A_151 : memref<!tpu.dma_semaphore, #tpu.memory_space<semaphore_mem>>)
          %dma_wait3A = tpu.memref_slice %arg6[%add3A, %run_scoped3A_150, %mul3A_141] : memref<4x1x320000xf32, #tpu.memory_space<hbm>> -> memref<1x1x2560xf32, #tpu.memory_space<hbm>>
          %dma_wait3A_155 = tpu.memref_squeeze %dma_wait3A : memref<1x1x2560xf32, #tpu.memory_space<hbm>> -> memref<2560xf32, #tpu.memory_space<hbm>>
          %dma_wait3A_156 = tpu.memref_slice %arg6[%add3A, %run_scoped3A_150, %mul3A_141] : memref<4x1x320000xf32, #tpu.memory_space<hbm>> -> memref<1x1x2560xf32, #tpu.memory_space<hbm>>
          %dma_wait3A_157 = tpu.memref_squeeze %dma_wait3A_156 : memref<1x1x2560xf32, #tpu.memory_space<hbm>> -> memref<2560xf32, #tpu.memory_space<hbm>>
          tpu.wait_dma2 semaphore(%run_scoped3A_151 : memref<!tpu.dma_semaphore, #tpu.memory_space<semaphore_mem>>) src(%arg14 : memref<2560xf32, #tpu.memory_space<vmem>>) dst(%dma_wait3A_157 : memref<2560xf32, #tpu.memory_space<hbm>>)
          tpu.yield
        }) : () -> ()
      } else {
      }
      %scan3A_136 = arith.constant 0 : i32
      scf.yield %scan3A_136 : i32
    }
    %scan3A_75 = arith.constant 16 : i32
    %run_scoped3A_76 = arith.constant 0 : i32
    "tpu.region"() ({
      %run_scoped3A_132 = tpu.sem_alloc : memref<!tpu.dma_semaphore, #tpu.memory_space<semaphore_mem>>
      %dma_start3A = arith.constant 0 : i32
      %dma_start3A_133 = tpu.memref_slice %arg17[%arg1, %run_scoped3A_76, %dma_start3A] : memref<16x1x10240xf32, #tpu.memory_space<vmem_shared>> -> memref<1x1x10240xf32, #tpu.memory_space<vmem_shared>>
      %dma_start3A_134 = tpu.memref_squeeze %dma_start3A_133 : memref<1x1x10240xf32, #tpu.memory_space<vmem_shared>> -> memref<10240xf32, #tpu.memory_space<vmem_shared>>
      %dma_start3A_135 = arith.constant 0 : i32
      %dma_start3A_136 = tpu.memref_slice %arg17[%arg1, %run_scoped3A_76, %dma_start3A_135] : memref<16x1x10240xf32, #tpu.memory_space<vmem_shared>> -> memref<1x1x10240xf32, #tpu.memory_space<vmem_shared>>
      %dma_start3A_137 = tpu.memref_squeeze %dma_start3A_136 : memref<1x1x10240xf32, #tpu.memory_space<vmem_shared>> -> memref<10240xf32, #tpu.memory_space<vmem_shared>>
      tpu.enqueue_dma source(%arg10 : memref<10240xf32, #tpu.memory_space<vmem>>) target(%dma_start3A_137 : memref<10240xf32, #tpu.memory_space<vmem_shared>>) target_semaphore(%run_scoped3A_132 : memref<!tpu.dma_semaphore, #tpu.memory_space<semaphore_mem>>)
      %dma_wait3A = arith.constant 0 : i32
      %dma_wait3A_138 = tpu.memref_slice %arg17[%arg1, %run_scoped3A_76, %dma_wait3A] : memref<16x1x10240xf32, #tpu.memory_space<vmem_shared>> -> memref<1x1x10240xf32, #tpu.memory_space<vmem_shared>>
      %dma_wait3A_139 = tpu.memref_squeeze %dma_wait3A_138 : memref<1x1x10240xf32, #tpu.memory_space<vmem_shared>> -> memref<10240xf32, #tpu.memory_space<vmem_shared>>
      %dma_wait3A_140 = arith.constant 0 : i32
      %dma_wait3A_141 = tpu.memref_slice %arg17[%arg1, %run_scoped3A_76, %dma_wait3A_140] : memref<16x1x10240xf32, #tpu.memory_space<vmem_shared>> -> memref<1x1x10240xf32, #tpu.memory_space<vmem_shared>>
      %dma_wait3A_142 = tpu.memref_squeeze %dma_wait3A_141 : memref<1x1x10240xf32, #tpu.memory_space<vmem_shared>> -> memref<10240xf32, #tpu.memory_space<vmem_shared>>
      tpu.wait_dma2 semaphore(%run_scoped3A_132 : memref<!tpu.dma_semaphore, #tpu.memory_space<semaphore_mem>>) src(%arg10 : memref<10240xf32, #tpu.memory_space<vmem>>) dst(%dma_wait3A_142 : memref<10240xf32, #tpu.memory_space<vmem_shared>>)
      tpu.yield
    }) : () -> ()
    %barrier3A = arith.constant 0 : index
    tpu.barrier barrier_id(%barrier3A)
    %jit3A_77 = arith.constant 8 : i32
    %div3A_78 = arith.divsi %arg1, %jit3A_77 : i32
    %sign3A_79 = arith.constant 0 : i32
    %sign3A_80 = arith.cmpi sgt, %arg1, %sign3A_79 : i32
    %sign3A_81 = arith.extui %sign3A_80 : i1 to i32
    %sign3A_82 = arith.constant 0 : i32
    %sign3A_83 = arith.cmpi slt, %arg1, %sign3A_82 : i32
    %sign3A_84 = arith.extui %sign3A_83 : i1 to i32
    %sign3A_85 = arith.subi %sign3A_81, %sign3A_84 : i32
    %sign3A_86 = arith.constant 0 : i32
    %sign3A_87 = arith.cmpi sgt, %jit3A_77, %sign3A_86 : i32
    %sign3A_88 = arith.extui %sign3A_87 : i1 to i32
    %sign3A_89 = arith.constant 0 : i32
    %sign3A_90 = arith.cmpi slt, %jit3A_77, %sign3A_89 : i32
    %sign3A_91 = arith.extui %sign3A_90 : i1 to i32
    %sign3A_92 = arith.subi %sign3A_88, %sign3A_91 : i32
    %ne3A_93 = arith.cmpi ne, %sign3A_85, %sign3A_92 : i32
    %rem3A_94 = arith.remsi %arg1, %jit3A_77 : i32
    %ne3A_95 = arith.constant 0 : i32
    %ne3A_96 = arith.cmpi ne, %rem3A_94, %ne3A_95 : i32
    %and3A_97 = arith.andi %ne3A_93, %ne3A_96 : i1
    %sub3A_98 = arith.constant 1 : i32
    %sub3A_99 = arith.subi %div3A_78, %sub3A_98 : i32
    %select_n3A_100 = arith.select %and3A_97, %sub3A_99, %div3A_78 : i32
    %jit3A_101 = arith.constant 8 : i32
    %eq3A_102 = arith.constant 0 : i32
    %eq3A_103 = arith.cmpi eq, %jit3A_101, %eq3A_102 : i32
    %jit3A_104 = arith.constant 1 : i32
    %select_n3A_105 = arith.select %eq3A_103, %jit3A_104, %jit3A_101 : i32
    %rem3A_106 = arith.remsi %arg1, %select_n3A_105 : i32
    %ne3A_107 = arith.constant 0 : i32
    %ne3A_108 = arith.cmpi ne, %rem3A_106, %ne3A_107 : i32
    %lt3A_109 = arith.constant 0 : i32
    %lt3A_110 = arith.cmpi slt, %rem3A_106, %lt3A_109 : i32
    %lt3A_111 = arith.constant 0 : i32
    %lt3A_112 = arith.cmpi slt, %select_n3A_105, %lt3A_111 : i32
    %ne3A_113 = arith.xori %lt3A_110, %lt3A_112 : i1
    %and3A_114 = arith.andi %ne3A_113, %ne3A_108 : i1
    %add3A_115 = arith.addi %rem3A_106, %select_n3A_105 : i32
    %select_n3A_116 = arith.select %and3A_114, %add3A_115, %rem3A_106 : i32
    %mul3A_117 = arith.constant 8 : i32
    %mul3A_118 = arith.muli %select_n3A_100, %mul3A_117 : i32
    %mul3A_119 = arith.constant 1280 : i32
    %mul3A_120 = arith.muli %select_n3A_116, %mul3A_119 : i32
    %run_scoped3A_121 = arith.constant 0 : i32
    "tpu.region"() ({
      %run_scoped3A_132 = tpu.sem_alloc : memref<!tpu.dma_semaphore, #tpu.memory_space<semaphore_mem>>
      %dma_start3A = tpu.memref_slice %arg17[%mul3A_118, %run_scoped3A_121, %mul3A_120] : memref<16x1x10240xf32, #tpu.memory_space<vmem_shared>> -> memref<8x1x1280xf32, #tpu.memory_space<vmem_shared>>
      %dma_start3A_133 = tpu.memref_squeeze %dma_start3A : memref<8x1x1280xf32, #tpu.memory_space<vmem_shared>> -> memref<8x1280xf32, #tpu.memory_space<vmem_shared>>
      %dma_start3A_134 = tpu.memref_slice %arg17[%mul3A_118, %run_scoped3A_121, %mul3A_120] : memref<16x1x10240xf32, #tpu.memory_space<vmem_shared>> -> memref<8x1x1280xf32, #tpu.memory_space<vmem_shared>>
      %dma_start3A_135 = tpu.memref_squeeze %dma_start3A_134 : memref<8x1x1280xf32, #tpu.memory_space<vmem_shared>> -> memref<8x1280xf32, #tpu.memory_space<vmem_shared>>
      tpu.enqueue_dma source(%dma_start3A_135 : memref<8x1280xf32, #tpu.memory_space<vmem_shared>>) target(%arg15 : memref<8x1280xf32, #tpu.memory_space<vmem>>) target_semaphore(%run_scoped3A_132 : memref<!tpu.dma_semaphore, #tpu.memory_space<semaphore_mem>>)
      %dma_wait3A = tpu.memref_slice %arg17[%mul3A_118, %run_scoped3A_121, %mul3A_120] : memref<16x1x10240xf32, #tpu.memory_space<vmem_shared>> -> memref<8x1x1280xf32, #tpu.memory_space<vmem_shared>>
      %dma_wait3A_136 = tpu.memref_squeeze %dma_wait3A : memref<8x1x1280xf32, #tpu.memory_space<vmem_shared>> -> memref<8x1280xf32, #tpu.memory_space<vmem_shared>>
      %dma_wait3A_137 = tpu.memref_slice %arg17[%mul3A_118, %run_scoped3A_121, %mul3A_120] : memref<16x1x10240xf32, #tpu.memory_space<vmem_shared>> -> memref<8x1x1280xf32, #tpu.memory_space<vmem_shared>>
      %dma_wait3A_138 = tpu.memref_squeeze %dma_wait3A_137 : memref<8x1x1280xf32, #tpu.memory_space<vmem_shared>> -> memref<8x1280xf32, #tpu.memory_space<vmem_shared>>
      tpu.wait_dma2 semaphore(%run_scoped3A_132 : memref<!tpu.dma_semaphore, #tpu.memory_space<semaphore_mem>>) src(%dma_wait3A_138 : memref<8x1280xf32, #tpu.memory_space<vmem_shared>>) dst(%arg15 : memref<8x1280xf32, #tpu.memory_space<vmem>>)
      tpu.yield
    }) : () -> ()
    %scan3A_122 = arith.constant 0 : i32
    %scan3A_123 = arith.constant 0 : i32
    %scan3A_124 = arith.constant 80 : i32
    %scan3A_125 = arith.addi %scan3A_123, %scan3A_124 : i32
    %scan3A_126 = arith.constant 1 : i32
    %scan3A_127 = scf.for %scan3A_132 = %scan3A_123 to %scan3A_125 step %scan3A_126 iter_args(%scan3A_133 = %scan3A_122) -> (i32)  : i32 {
      %mul3A_134 = arith.constant 16 : i32
      %mul3A_135 = arith.muli %scan3A_132, %mul3A_134 : i32
      %get3A = arith.constant 0 : i32
      %get3A_136 = arith.index_cast %get3A : i32 to index
      %get3A_137 = arith.index_cast %mul3A_135 : i32 to index
      %get3A_138 = tpu.vector_load %arg15[%get3A_136, %get3A_137] {strides = array<i32>} : memref<8x1280xf32, #tpu.memory_space<vmem>>, vector<16xf32>,
      %get3A_139 = arith.constant 1 : i32
      %get3A_140 = arith.index_cast %get3A_139 : i32 to index
      %get3A_141 = arith.index_cast %mul3A_135 : i32 to index
      %get3A_142 = tpu.vector_load %arg15[%get3A_140, %get3A_141] {strides = array<i32>} : memref<8x1280xf32, #tpu.memory_space<vmem>>, vector<16xf32>,
      %add3A_143 = arith.addf %get3A_138, %get3A_142 : vector<16xf32>
      %get3A_144 = arith.constant 2 : i32
      %get3A_145 = arith.index_cast %get3A_144 : i32 to index
      %get3A_146 = arith.index_cast %mul3A_135 : i32 to index
      %get3A_147 = tpu.vector_load %arg15[%get3A_145, %get3A_146] {strides = array<i32>} : memref<8x1280xf32, #tpu.memory_space<vmem>>, vector<16xf32>,
      %add3A_148 = arith.addf %add3A_143, %get3A_147 : vector<16xf32>
      %get3A_149 = arith.constant 3 : i32
      %get3A_150 = arith.index_cast %get3A_149 : i32 to index
      %get3A_151 = arith.index_cast %mul3A_135 : i32 to index
      %get3A_152 = tpu.vector_load %arg15[%get3A_150, %get3A_151] {strides = array<i32>} : memref<8x1280xf32, #tpu.memory_space<vmem>>, vector<16xf32>,
      %add3A_153 = arith.addf %add3A_148, %get3A_152 : vector<16xf32>
      %get3A_154 = arith.constant 4 : i32
      %get3A_155 = arith.index_cast %get3A_154 : i32 to index
      %get3A_156 = arith.index_cast %mul3A_135 : i32 to index
      %get3A_157 = tpu.vector_load %arg15[%get3A_155, %get3A_156] {strides = array<i32>} : memref<8x1280xf32, #tpu.memory_space<vmem>>, vector<16xf32>,
      %add3A_158 = arith.addf %add3A_153, %get3A_157 : vector<16xf32>
      %get3A_159 = arith.constant 5 : i32
      %get3A_160 = arith.index_cast %get3A_159 : i32 to index
      %get3A_161 = arith.index_cast %mul3A_135 : i32 to index
      %get3A_162 = tpu.vector_load %arg15[%get3A_160, %get3A_161] {strides = array<i32>} : memref<8x1280xf32, #tpu.memory_space<vmem>>, vector<16xf32>,
      %add3A_163 = arith.addf %add3A_158, %get3A_162 : vector<16xf32>
      %get3A_164 = arith.constant 6 : i32
      %get3A_165 = arith.index_cast %get3A_164 : i32 to index
      %get3A_166 = arith.index_cast %mul3A_135 : i32 to index
      %get3A_167 = tpu.vector_load %arg15[%get3A_165, %get3A_166] {strides = array<i32>} : memref<8x1280xf32, #tpu.memory_space<vmem>>, vector<16xf32>,
      %add3A_168 = arith.addf %add3A_163, %get3A_167 : vector<16xf32>
      %get3A_169 = arith.constant 7 : i32
      %get3A_170 = arith.index_cast %get3A_169 : i32 to index
      %get3A_171 = arith.index_cast %mul3A_135 : i32 to index
      %get3A_172 = tpu.vector_load %arg15[%get3A_170, %get3A_171] {strides = array<i32>} : memref<8x1280xf32, #tpu.memory_space<vmem>>, vector<16xf32>,
      %add3A_173 = arith.addf %add3A_168, %get3A_172 : vector<16xf32>
      %add3A_174 = arith.constant 1.000000e-16 : f32
      %add3A_175 = vector.broadcast %add3A_174 : f32 to vector<16xf32>
      %add3A_176 = arith.addf %add3A_173, %add3A_175 : vector<16xf32>
      %div3A_177 = arith.constant 1.000000e+00 : f32
      %div3A_178 = vector.broadcast %div3A_177 : f32 to vector<16xf32>
      %div3A_179 = arith.divf %div3A_178, %add3A_176 : vector<16xf32>
      %swap3A = arith.index_cast %mul3A_135 : i32 to index
      %swap3A_180 = tpu.vector_load %arg16[%swap3A] {strides = array<i32>} : memref<1280xf32, #tpu.memory_space<vmem>>, vector<16xf32>,
      tpu.vector_store %arg16[%swap3A], %div3A_179 {strides = array<i32>} : memref<1280xf32, #tpu.memory_space<vmem>>, vector<16xf32>,
      %scan3A_181 = arith.constant 0 : i32
      scf.yield %scan3A_181 : i32
    }
    %scan3A_128 = arith.constant 80 : i32
    %mul3A_129 = arith.constant 1280 : i32
    %mul3A_130 = arith.muli %select_n3A_116, %mul3A_129 : i32
    %run_scoped3A_131 = arith.constant 0 : i32
    "tpu.region"() ({
      %run_scoped3A_132 = tpu.sem_alloc : memref<!tpu.dma_semaphore, #tpu.memory_space<semaphore_mem>>
      %dma_start3A = tpu.memref_slice %arg7[%add3A, %run_scoped3A_131, %mul3A_130] : memref<4x1x10240xf32, #tpu.memory_space<hbm>> -> memref<1x1x1280xf32, #tpu.memory_space<hbm>>
      %dma_start3A_133 = tpu.memref_squeeze %dma_start3A : memref<1x1x1280xf32, #tpu.memory_space<hbm>> -> memref<1280xf32, #tpu.memory_space<hbm>>
      %dma_start3A_134 = tpu.memref_slice %arg7[%add3A, %run_scoped3A_131, %mul3A_130] : memref<4x1x10240xf32, #tpu.memory_space<hbm>> -> memref<1x1x1280xf32, #tpu.memory_space<hbm>>
      %dma_start3A_135 = tpu.memref_squeeze %dma_start3A_134 : memref<1x1x1280xf32, #tpu.memory_space<hbm>> -> memref<1280xf32, #tpu.memory_space<hbm>>
      tpu.enqueue_dma source(%arg16 : memref<1280xf32, #tpu.memory_space<vmem>>) target(%dma_start3A_135 : memref<1280xf32, #tpu.memory_space<hbm>>) target_semaphore(%run_scoped3A_132 : memref<!tpu.dma_semaphore, #tpu.memory_space<semaphore_mem>>)
      %dma_wait3A = tpu.memref_slice %arg7[%add3A, %run_scoped3A_131, %mul3A_130] : memref<4x1x10240xf32, #tpu.memory_space<hbm>> -> memref<1x1x1280xf32, #tpu.memory_space<hbm>>
      %dma_wait3A_136 = tpu.memref_squeeze %dma_wait3A : memref<1x1x1280xf32, #tpu.memory_space<hbm>> -> memref<1280xf32, #tpu.memory_space<hbm>>
      %dma_wait3A_137 = tpu.memref_slice %arg7[%add3A, %run_scoped3A_131, %mul3A_130] : memref<4x1x10240xf32, #tpu.memory_space<hbm>> -> memref<1x1x1280xf32, #tpu.memory_space<hbm>>
      %dma_wait3A_138 = tpu.memref_squeeze %dma_wait3A_137 : memref<1x1x1280xf32, #tpu.memory_space<hbm>> -> memref<1280xf32, #tpu.memory_space<hbm>>
      tpu.wait_dma2 semaphore(%run_scoped3A_132 : memref<!tpu.dma_semaphore, #tpu.memory_space<semaphore_mem>>) src(%arg16 : memref<1280xf32, #tpu.memory_space<vmem>>) dst(%dma_wait3A_138 : memref<1280xf32, #tpu.memory_space<hbm>>)
      tpu.yield
    }) : () -> ()
    return
  }
}

#map = affine_map<(d0, d1) -> (0, 0, 0)>
#map1 = affine_map<(d0, d1) -> (0)>
module attributes {stable_mosaic.version = 14 : i64} {
  func.func @k(%arg0: i32, %arg1: i32, %arg2: memref<8x1x10240xf32, #tpu.memory_space<hbm>>, %arg3: memref<4x1x320000xf32, #tpu.memory_space<hbm>>, %arg4: memref<320000xi32, #tpu.memory_space<hbm>>, %arg5: memref<320000xi32, #tpu.memory_space<hbm>>, %arg6: memref<4x1x320000xf32, #tpu.memory_space<hbm>>, %arg7: memref<4x1x10240xf32, #tpu.memory_space<hbm>>, %arg8: memref<10240xf32, #tpu.memory_space<vmem>>, %arg9: memref<10240xf32, #tpu.memory_space<vmem>>, %arg10: memref<10240xf32, #tpu.memory_space<vmem>>, %arg11: memref<2560xi32, #tpu.memory_space<vmem>>, %arg12: memref<2560xi32, #tpu.memory_space<vmem>>, %arg13: memref<2560xf32, #tpu.memory_space<vmem>>, %arg14: memref<2560xf32, #tpu.memory_space<vmem>>, %arg15: memref<8x1280xf32, #tpu.memory_space<vmem>>, %arg16: memref<1280xf32, #tpu.memory_space<vmem>>, %arg17: memref<16x1x10240xf32, #tpu.memory_space<vmem_shared>>) attributes {dimension_semantics = [#tpu.dimension_semantics<core_parallel>, #tpu.dimension_semantics<subcore_parallel>], iteration_bounds = array<i64: 2, 16>, scalar_prefetch = 0 : i64, scratch_operands = 10 : i64, tpu.core_type = #tpu.core_type<sc_vector_subcore>, window_params = [{transform_indices = #map}, {transform_indices = #map}, {transform_indices = #map1}, {transform_indices = #map1}, {transform_indices = #map}, {transform_indices = #map}]} {
    %mul3A = arith.constant 2 : i32
    %mul3A_0 = arith.muli %mul3A, %arg0 : i32
    %jit3A = arith.constant 8 : i32
    %div3A = arith.divsi %arg1, %jit3A : i32
    %sign3A = arith.constant 0 : i32
    %sign3A_1 = arith.cmpi sgt, %arg1, %sign3A : i32
    %sign3A_2 = arith.extui %sign3A_1 : i1 to i32
    %sign3A_3 = arith.constant 0 : i32
    %sign3A_4 = arith.cmpi slt, %arg1, %sign3A_3 : i32
    %sign3A_5 = arith.extui %sign3A_4 : i1 to i32
    %sign3A_6 = arith.subi %sign3A_2, %sign3A_5 : i32
    %sign3A_7 = arith.constant 0 : i32
    %sign3A_8 = arith.cmpi sgt, %jit3A, %sign3A_7 : i32
    %sign3A_9 = arith.extui %sign3A_8 : i1 to i32
    %sign3A_10 = arith.constant 0 : i32
    %sign3A_11 = arith.cmpi slt, %jit3A, %sign3A_10 : i32
    %sign3A_12 = arith.extui %sign3A_11 : i1 to i32
    %sign3A_13 = arith.subi %sign3A_9, %sign3A_12 : i32
    %ne3A = arith.cmpi ne, %sign3A_6, %sign3A_13 : i32
    %rem3A = arith.remsi %arg1, %jit3A : i32
    %ne3A_14 = arith.constant 0 : i32
    %ne3A_15 = arith.cmpi ne, %rem3A, %ne3A_14 : i32
    %and3A = arith.andi %ne3A, %ne3A_15 : i1
    %sub3A = arith.constant 1 : i32
    %sub3A_16 = arith.subi %div3A, %sub3A : i32
    %select_n3A = arith.select %and3A, %sub3A_16, %div3A : i32
    %add3A = arith.addi %mul3A_0, %select_n3A : i32
    %jit3A_17 = arith.constant 8 : i32
    %eq3A = arith.constant 0 : i32
    %eq3A_18 = arith.cmpi eq, %jit3A_17, %eq3A : i32
    %jit3A_19 = arith.constant 1 : i32
    %select_n3A_20 = arith.select %eq3A_18, %jit3A_19, %jit3A_17 : i32
    %rem3A_21 = arith.remsi %arg1, %select_n3A_20 : i32
    %ne3A_22 = arith.constant 0 : i32
    %ne3A_23 = arith.cmpi ne, %rem3A_21, %ne3A_22 : i32
    %lt3A = arith.constant 0 : i32
    %lt3A_24 = arith.cmpi slt, %rem3A_21, %lt3A : i32
    %lt3A_25 = arith.constant 0 : i32
    %lt3A_26 = arith.cmpi slt, %select_n3A_20, %lt3A_25 : i32
    %ne3A_27 = arith.xori %lt3A_24, %lt3A_26 : i1
    %and3A_28 = arith.andi %ne3A_27, %ne3A_23 : i1
    %add3A_29 = arith.addi %rem3A_21, %select_n3A_20 : i32
    %select_n3A_30 = arith.select %and3A_28, %add3A_29, %rem3A_21 : i32
    %run_scoped3A = arith.constant 0 : i32
    "tpu.region"() ({
      %run_scoped3A_132 = tpu.sem_alloc : memref<!tpu.dma_semaphore, #tpu.memory_space<semaphore_mem>>
      %dma_start3A = arith.constant 0 : i32
      %dma_start3A_133 = tpu.memref_slice %arg2[%add3A, %run_scoped3A, %dma_start3A] : memref<8x1x10240xf32, #tpu.memory_space<hbm>> -> memref<1x1x10240xf32, #tpu.memory_space<hbm>>
      %dma_start3A_134 = tpu.memref_squeeze %dma_start3A_133 : memref<1x1x10240xf32, #tpu.memory_space<hbm>> -> memref<10240xf32, #tpu.memory_space<hbm>>
      %dma_start3A_135 = arith.constant 0 : i32
      %dma_start3A_136 = tpu.memref_slice %arg2[%add3A, %run_scoped3A, %dma_start3A_135] : memref<8x1x10240xf32, #tpu.memory_space<hbm>> -> memref<1x1x10240xf32, #tpu.memory_space<hbm>>
      %dma_start3A_137 = tpu.memref_squeeze %dma_start3A_136 : memref<1x1x10240xf32, #tpu.memory_space<hbm>> -> memref<10240xf32, #tpu.memory_space<hbm>>
      tpu.enqueue_dma source(%dma_start3A_137 : memref<10240xf32, #tpu.memory_space<hbm>>) target(%arg8 : memref<10240xf32, #tpu.memory_space<vmem>>) target_semaphore(%run_scoped3A_132 : memref<!tpu.dma_semaphore, #tpu.memory_space<semaphore_mem>>)
      %dma_wait3A = arith.constant 0 : i32
      %dma_wait3A_138 = tpu.memref_slice %arg2[%add3A, %run_scoped3A, %dma_wait3A] : memref<8x1x10240xf32, #tpu.memory_space<hbm>> -> memref<1x1x10240xf32, #tpu.memory_space<hbm>>
      %dma_wait3A_139 = tpu.memref_squeeze %dma_wait3A_138 : memref<1x1x10240xf32, #tpu.memory_space<hbm>> -> memref<10240xf32, #tpu.memory_space<hbm>>
      %dma_wait3A_140 = arith.constant 0 : i32
      %dma_wait3A_141 = tpu.memref_slice %arg2[%add3A, %run_scoped3A, %dma_wait3A_140] : memref<8x1x10240xf32, #tpu.memory_space<hbm>> -> memref<1x1x10240xf32, #tpu.memory_space<hbm>>
      %dma_wait3A_142 = tpu.memref_squeeze %dma_wait3A_141 : memref<1x1x10240xf32, #tpu.memory_space<hbm>> -> memref<10240xf32, #tpu.memory_space<hbm>>
      tpu.wait_dma2 semaphore(%run_scoped3A_132 : memref<!tpu.dma_semaphore, #tpu.memory_space<semaphore_mem>>) src(%dma_wait3A_142 : memref<10240xf32, #tpu.memory_space<hbm>>) dst(%arg8 : memref<10240xf32, #tpu.memory_space<vmem>>)
      tpu.yield
    }) : () -> ()
    %add3A_31 = arith.constant 4 : i32
    %add3A_32 = arith.addi %add3A, %add3A_31 : i32
    %run_scoped3A_33 = arith.constant 0 : i32
    "tpu.region"() ({
      %run_scoped3A_132 = tpu.sem_alloc : memref<!tpu.dma_semaphore, #tpu.memory_space<semaphore_mem>>
      %dma_start3A = arith.constant 0 : i32
      %dma_start3A_133 = tpu.memref_slice %arg2[%add3A_32, %run_scoped3A_33, %dma_start3A] : memref<8x1x10240xf32, #tpu.memory_space<hbm>> -> memref<1x1x10240xf32, #tpu.memory_space<hbm>>
      %dma_start3A_134 = tpu.memref_squeeze %dma_start3A_133 : memref<1x1x10240xf32, #tpu.memory_space<hbm>> -> memref<10240xf32, #tpu.memory_space<hbm>>
      %dma_start3A_135 = arith.constant 0 : i32
      %dma_start3A_136 = tpu.memref_slice %arg2[%add3A_32, %run_scoped3A_33, %dma_start3A_135] : memref<8x1x10240xf32, #tpu.memory_space<hbm>> -> memref<1x1x10240xf32, #tpu.memory_space<hbm>>
      %dma_start3A_137 = tpu.memref_squeeze %dma_start3A_136 : memref<1x1x10240xf32, #tpu.memory_space<hbm>> -> memref<10240xf32, #tpu.memory_space<hbm>>
      tpu.enqueue_dma source(%dma_start3A_137 : memref<10240xf32, #tpu.memory_space<hbm>>) target(%arg9 : memref<10240xf32, #tpu.memory_space<vmem>>) target_semaphore(%run_scoped3A_132 : memref<!tpu.dma_semaphore, #tpu.memory_space<semaphore_mem>>)
      %dma_wait3A = arith.constant 0 : i32
      %dma_wait3A_138 = tpu.memref_slice %arg2[%add3A_32, %run_scoped3A_33, %dma_wait3A] : memref<8x1x10240xf32, #tpu.memory_space<hbm>> -> memref<1x1x10240xf32, #tpu.memory_space<hbm>>
      %dma_wait3A_139 = tpu.memref_squeeze %dma_wait3A_138 : memref<1x1x10240xf32, #tpu.memory_space<hbm>> -> memref<10240xf32, #tpu.memory_space<hbm>>
      %dma_wait3A_140 = arith.constant 0 : i32
      %dma_wait3A_141 = tpu.memref_slice %arg2[%add3A_32, %run_scoped3A_33, %dma_wait3A_140] : memref<8x1x10240xf32, #tpu.memory_space<hbm>> -> memref<1x1x10240xf32, #tpu.memory_space<hbm>>
      %dma_wait3A_142 = tpu.memref_squeeze %dma_wait3A_141 : memref<1x1x10240xf32, #tpu.memory_space<hbm>> -> memref<10240xf32, #tpu.memory_space<hbm>>
      tpu.wait_dma2 semaphore(%run_scoped3A_132 : memref<!tpu.dma_semaphore, #tpu.memory_space<semaphore_mem>>) src(%dma_wait3A_142 : memref<10240xf32, #tpu.memory_space<hbm>>) dst(%arg9 : memref<10240xf32, #tpu.memory_space<vmem>>)
      tpu.yield
    }) : () -> ()
    %broadcast_in_dim3A = arith.constant 0.000000e+00 : f32
    %broadcast_in_dim3A_34 = vector.broadcast %broadcast_in_dim3A : f32 to vector<16xf32>
    %scan3A = arith.constant 0 : i32
    %scan3A_35 = arith.constant 0 : i32
    %scan3A_36 = arith.constant 640 : i32
    %scan3A_37 = arith.addi %scan3A_35, %scan3A_36 : i32
    %scan3A_38 = arith.constant 1 : i32
    %scan3A_39 = scf.for %scan3A_132 = %scan3A_35 to %scan3A_37 step %scan3A_38 iter_args(%scan3A_133 = %scan3A) -> (i32)  : i32 {
      %mul3A_134 = arith.constant 16 : i32
      %mul3A_135 = arith.muli %scan3A_132, %mul3A_134 : i32
      %swap3A = arith.index_cast %mul3A_135 : i32 to index
      %swap3A_136 = tpu.vector_load %arg10[%swap3A] {strides = array<i32>} : memref<10240xf32, #tpu.memory_space<vmem>>, vector<16xf32>,
      tpu.vector_store %arg10[%swap3A], %broadcast_in_dim3A_34 {strides = array<i32>} : memref<10240xf32, #tpu.memory_space<vmem>>, vector<16xf32>,
      %scan3A_137 = arith.constant 0 : i32
      scf.yield %scan3A_137 : i32
    }
    %scan3A_40 = arith.constant 640 : i32
    %sub3A_41 = arith.constant 125 : i32
    %sub3A_42 = arith.subi %sub3A_41, %select_n3A_30 : i32
    %add3A_43 = arith.constant 7 : i32
    %add3A_44 = arith.addi %sub3A_42, %add3A_43 : i32
    %jit3A_45 = arith.constant 8 : i32
    %div3A_46 = arith.divsi %add3A_44, %jit3A_45 : i32
    %sign3A_47 = arith.constant 0 : i32
    %sign3A_48 = arith.cmpi sgt, %add3A_44, %sign3A_47 : i32
    %sign3A_49 = arith.extui %sign3A_48 : i1 to i32
    %sign3A_50 = arith.constant 0 : i32
    %sign3A_51 = arith.cmpi slt, %add3A_44, %sign3A_50 : i32
    %sign3A_52 = arith.extui %sign3A_51 : i1 to i32
    %sign3A_53 = arith.subi %sign3A_49, %sign3A_52 : i32
    %sign3A_54 = arith.constant 0 : i32
    %sign3A_55 = arith.cmpi sgt, %jit3A_45, %sign3A_54 : i32
    %sign3A_56 = arith.extui %sign3A_55 : i1 to i32
    %sign3A_57 = arith.constant 0 : i32
    %sign3A_58 = arith.cmpi slt, %jit3A_45, %sign3A_57 : i32
    %sign3A_59 = arith.extui %sign3A_58 : i1 to i32
    %sign3A_60 = arith.subi %sign3A_56, %sign3A_59 : i32
    %ne3A_61 = arith.cmpi ne, %sign3A_53, %sign3A_60 : i32
    %rem3A_62 = arith.remsi %add3A_44, %jit3A_45 : i32
    %ne3A_63 = arith.constant 0 : i32
    %ne3A_64 = arith.cmpi ne, %rem3A_62, %ne3A_63 : i32
    %and3A_65 = arith.andi %ne3A_61, %ne3A_64 : i1
    %sub3A_66 = arith.constant 1 : i32
    %sub3A_67 = arith.subi %div3A_46, %sub3A_66 : i32
    %select_n3A_68 = arith.select %and3A_65, %sub3A_67, %div3A_46 : i32
    %scan3A_69 = arith.constant 0 : i32
    %scan3A_70 = arith.constant 0 : i32
    %scan3A_71 = arith.constant 16 : i32
    %scan3A_72 = arith.addi %scan3A_70, %scan3A_71 : i32
    %scan3A_73 = arith.constant 1 : i32
    %scan3A_74 = scf.for %scan3A_132 = %scan3A_70 to %scan3A_72 step %scan3A_73 iter_args(%scan3A_133 = %scan3A_69) -> (i32)  : i32 {
      %lt3A_134 = arith.cmpi slt, %scan3A_132, %select_n3A_68 : i32
      %convert_element_type3A = arith.extui %lt3A_134 : i1 to i32
      %cond3A = arith.constant 0 : i32
      %cond3A_135 = arith.cmpi ne, %convert_element_type3A, %cond3A : i32
      scf.if %cond3A_135 {
        %mul3A_137 = arith.constant 8 : i32
        %mul3A_138 = arith.muli %mul3A_137, %scan3A_132 : i32
        %add3A_139 = arith.addi %select_n3A_30, %mul3A_138 : i32
        %mul3A_140 = arith.constant 2560 : i32
        %mul3A_141 = arith.muli %add3A_139, %mul3A_140 : i32
        "tpu.region"() ({
          %run_scoped3A_151 = tpu.sem_alloc : memref<!tpu.dma_semaphore, #tpu.memory_space<semaphore_mem>>
          %dma_start3A = tpu.memref_slice %arg4[%mul3A_141] : memref<320000xi32, #tpu.memory_space<hbm>> -> memref<2560xi32, #tpu.memory_space<hbm>>
          %dma_start3A_152 = tpu.memref_slice %arg4[%mul3A_141] : memref<320000xi32, #tpu.memory_space<hbm>> -> memref<2560xi32, #tpu.memory_space<hbm>>
          tpu.enqueue_dma source(%dma_start3A_152 : memref<2560xi32, #tpu.memory_space<hbm>>) target(%arg11 : memref<2560xi32, #tpu.memory_space<vmem>>) target_semaphore(%run_scoped3A_151 : memref<!tpu.dma_semaphore, #tpu.memory_space<semaphore_mem>>)
          %dma_wait3A = tpu.memref_slice %arg4[%mul3A_141] : memref<320000xi32, #tpu.memory_space<hbm>> -> memref<2560xi32, #tpu.memory_space<hbm>>
          %dma_wait3A_153 = tpu.memref_slice %arg4[%mul3A_141] : memref<320000xi32, #tpu.memory_space<hbm>> -> memref<2560xi32, #tpu.memory_space<hbm>>
          tpu.wait_dma2 semaphore(%run_scoped3A_151 : memref<!tpu.dma_semaphore, #tpu.memory_space<semaphore_mem>>) src(%dma_wait3A_153 : memref<2560xi32, #tpu.memory_space<hbm>>) dst(%arg11 : memref<2560xi32, #tpu.memory_space<vmem>>)
          tpu.yield
        }) : () -> ()
        "tpu.region"() ({
          %run_scoped3A_151 = tpu.sem_alloc : memref<!tpu.dma_semaphore, #tpu.memory_space<semaphore_mem>>
          %dma_start3A = tpu.memref_slice %arg5[%mul3A_141] : memref<320000xi32, #tpu.memory_space<hbm>> -> memref<2560xi32, #tpu.memory_space<hbm>>
          %dma_start3A_152 = tpu.memref_slice %arg5[%mul3A_141] : memref<320000xi32, #tpu.memory_space<hbm>> -> memref<2560xi32, #tpu.memory_space<hbm>>
          tpu.enqueue_dma source(%dma_start3A_152 : memref<2560xi32, #tpu.memory_space<hbm>>) target(%arg12 : memref<2560xi32, #tpu.memory_space<vmem>>) target_semaphore(%run_scoped3A_151 : memref<!tpu.dma_semaphore, #tpu.memory_space<semaphore_mem>>)
          %dma_wait3A = tpu.memref_slice %arg5[%mul3A_141] : memref<320000xi32, #tpu.memory_space<hbm>> -> memref<2560xi32, #tpu.memory_space<hbm>>
          %dma_wait3A_153 = tpu.memref_slice %arg5[%mul3A_141] : memref<320000xi32, #tpu.memory_space<hbm>> -> memref<2560xi32, #tpu.memory_space<hbm>>
          tpu.wait_dma2 semaphore(%run_scoped3A_151 : memref<!tpu.dma_semaphore, #tpu.memory_space<semaphore_mem>>) src(%dma_wait3A_153 : memref<2560xi32, #tpu.memory_space<hbm>>) dst(%arg12 : memref<2560xi32, #tpu.memory_space<vmem>>)
          tpu.yield
        }) : () -> ()
        %run_scoped3A_142 = arith.constant 0 : i32
        "tpu.region"() ({
          %run_scoped3A_151 = tpu.sem_alloc : memref<!tpu.dma_semaphore, #tpu.memory_space<semaphore_mem>>
          %dma_start3A = tpu.memref_slice %arg3[%add3A, %run_scoped3A_142, %mul3A_141] : memref<4x1x320000xf32, #tpu.memory_space<hbm>> -> memref<1x1x2560xf32, #tpu.memory_space<hbm>>
          %dma_start3A_152 = tpu.memref_squeeze %dma_start3A : memref<1x1x2560xf32, #tpu.memory_space<hbm>> -> memref<2560xf32, #tpu.memory_space<hbm>>
          %dma_start3A_153 = tpu.memref_slice %arg3[%add3A, %run_scoped3A_142, %mul3A_141] : memref<4x1x320000xf32, #tpu.memory_space<hbm>> -> memref<1x1x2560xf32, #tpu.memory_space<hbm>>
          %dma_start3A_154 = tpu.memref_squeeze %dma_start3A_153 : memref<1x1x2560xf32, #tpu.memory_space<hbm>> -> memref<2560xf32, #tpu.memory_space<hbm>>
          tpu.enqueue_dma source(%dma_start3A_154 : memref<2560xf32, #tpu.memory_space<hbm>>) target(%arg13 : memref<2560xf32, #tpu.memory_space<vmem>>) target_semaphore(%run_scoped3A_151 : memref<!tpu.dma_semaphore, #tpu.memory_space<semaphore_mem>>)
          %dma_wait3A = tpu.memref_slice %arg3[%add3A, %run_scoped3A_142, %mul3A_141] : memref<4x1x320000xf32, #tpu.memory_space<hbm>> -> memref<1x1x2560xf32, #tpu.memory_space<hbm>>
          %dma_wait3A_155 = tpu.memref_squeeze %dma_wait3A : memref<1x1x2560xf32, #tpu.memory_space<hbm>> -> memref<2560xf32, #tpu.memory_space<hbm>>
          %dma_wait3A_156 = tpu.memref_slice %arg3[%add3A, %run_scoped3A_142, %mul3A_141] : memref<4x1x320000xf32, #tpu.memory_space<hbm>> -> memref<1x1x2560xf32, #tpu.memory_space<hbm>>
          %dma_wait3A_157 = tpu.memref_squeeze %dma_wait3A_156 : memref<1x1x2560xf32, #tpu.memory_space<hbm>> -> memref<2560xf32, #tpu.memory_space<hbm>>
          tpu.wait_dma2 semaphore(%run_scoped3A_151 : memref<!tpu.dma_semaphore, #tpu.memory_space<semaphore_mem>>) src(%dma_wait3A_157 : memref<2560xf32, #tpu.memory_space<hbm>>) dst(%arg13 : memref<2560xf32, #tpu.memory_space<vmem>>)
          tpu.yield
        }) : () -> ()
        %scan3A_143 = arith.constant 0 : i32
        %scan3A_144 = arith.constant 0 : i32
        %scan3A_145 = arith.constant 160 : i32
        %scan3A_146 = arith.addi %scan3A_144, %scan3A_145 : i32
        %scan3A_147 = arith.constant 1 : i32
        %scan3A_148 = scf.for %scan3A_151 = %scan3A_144 to %scan3A_146 step %scan3A_147 iter_args(%scan3A_152 = %scan3A_143) -> (i32)  : i32 {
          %mul3A_153 = arith.constant 16 : i32
          %mul3A_154 = arith.muli %scan3A_151, %mul3A_153 : i32
          %get3A = arith.index_cast %mul3A_154 : i32 to index
          %get3A_155 = tpu.vector_load %arg11[%get3A] {strides = array<i32>} : memref<2560xi32, #tpu.memory_space<vmem>>, vector<16xi32>,
          %get3A_156 = arith.index_cast %mul3A_154 : i32 to index
          %get3A_157 = tpu.vector_load %arg12[%get3A_156] {strides = array<i32>} : memref<2560xi32, #tpu.memory_space<vmem>>, vector<16xi32>,
          %gather3A = tpu.vector_load_idx %arg8[%get3A_155] : memref<10240xf32, #tpu.memory_space<vmem>>[vector<16xi32>], vector<16xf32>,
          %gather3A_158 = tpu.vector_load_idx %arg9[%get3A_157] : memref<10240xf32, #tpu.memory_space<vmem>>[vector<16xi32>], vector<16xf32>,
          %add3A_159 = arith.addf %gather3A, %gather3A_158 : vector<16xf32>
          %get3A_160 = arith.index_cast %mul3A_154 : i32 to index
          %get3A_161 = tpu.vector_load %arg13[%get3A_160] {strides = array<i32>} : memref<2560xf32, #tpu.memory_space<vmem>>, vector<16xf32>,
          %add3A_162 = arith.addf %add3A_159, %get3A_161 : vector<16xf32>
          %mul3A_163 = arith.constant 2.000000e-01 : f32
          %mul3A_164 = vector.broadcast %mul3A_163 : f32 to vector<16xf32>
          %mul3A_165 = arith.mulf %mul3A_164, %add3A_162 : vector<16xf32>
          %max3A = arith.maximumf %add3A_162, %mul3A_165 : vector<16xf32>
          %exp3A = math.exp %max3A : vector<16xf32>
          %swap3A = arith.index_cast %mul3A_154 : i32 to index
          %swap3A_166 = tpu.vector_load %arg14[%swap3A] {strides = array<i32>} : memref<2560xf32, #tpu.memory_space<vmem>>, vector<16xf32>,
          tpu.vector_store %arg14[%swap3A], %exp3A {strides = array<i32>} : memref<2560xf32, #tpu.memory_space<vmem>>, vector<16xf32>,
          tpu.vector_store_idx %arg10[%get3A_157], %exp3A {add = true} : memref<10240xf32, #tpu.memory_space<vmem>>[vector<16xi32>], vector<16xf32>,
          %scan3A_167 = arith.constant 0 : i32
          scf.yield %scan3A_167 : i32
        }
        %scan3A_149 = arith.constant 160 : i32
        %run_scoped3A_150 = arith.constant 0 : i32
        "tpu.region"() ({
          %run_scoped3A_151 = tpu.sem_alloc : memref<!tpu.dma_semaphore, #tpu.memory_space<semaphore_mem>>
          %dma_start3A = tpu.memref_slice %arg6[%add3A, %run_scoped3A_150, %mul3A_141] : memref<4x1x320000xf32, #tpu.memory_space<hbm>> -> memref<1x1x2560xf32, #tpu.memory_space<hbm>>
          %dma_start3A_152 = tpu.memref_squeeze %dma_start3A : memref<1x1x2560xf32, #tpu.memory_space<hbm>> -> memref<2560xf32, #tpu.memory_space<hbm>>
          %dma_start3A_153 = tpu.memref_slice %arg6[%add3A, %run_scoped3A_150, %mul3A_141] : memref<4x1x320000xf32, #tpu.memory_space<hbm>> -> memref<1x1x2560xf32, #tpu.memory_space<hbm>>
          %dma_start3A_154 = tpu.memref_squeeze %dma_start3A_153 : memref<1x1x2560xf32, #tpu.memory_space<hbm>> -> memref<2560xf32, #tpu.memory_space<hbm>>
          tpu.enqueue_dma source(%arg14 : memref<2560xf32, #tpu.memory_space<vmem>>) target(%dma_start3A_154 : memref<2560xf32, #tpu.memory_space<hbm>>) target_semaphore(%run_scoped3A_151 : memref<!tpu.dma_semaphore, #tpu.memory_space<semaphore_mem>>)
          %dma_wait3A = tpu.memref_slice %arg6[%add3A, %run_scoped3A_150, %mul3A_141] : memref<4x1x320000xf32, #tpu.memory_space<hbm>> -> memref<1x1x2560xf32, #tpu.memory_space<hbm>>
          %dma_wait3A_155 = tpu.memref_squeeze %dma_wait3A : memref<1x1x2560xf32, #tpu.memory_space<hbm>> -> memref<2560xf32, #tpu.memory_space<hbm>>
          %dma_wait3A_156 = tpu.memref_slice %arg6[%add3A, %run_scoped3A_150, %mul3A_141] : memref<4x1x320000xf32, #tpu.memory_space<hbm>> -> memref<1x1x2560xf32, #tpu.memory_space<hbm>>
          %dma_wait3A_157 = tpu.memref_squeeze %dma_wait3A_156 : memref<1x1x2560xf32, #tpu.memory_space<hbm>> -> memref<2560xf32, #tpu.memory_space<hbm>>
          tpu.wait_dma2 semaphore(%run_scoped3A_151 : memref<!tpu.dma_semaphore, #tpu.memory_space<semaphore_mem>>) src(%arg14 : memref<2560xf32, #tpu.memory_space<vmem>>) dst(%dma_wait3A_157 : memref<2560xf32, #tpu.memory_space<hbm>>)
          tpu.yield
        }) : () -> ()
      } else {
      }
      %scan3A_136 = arith.constant 0 : i32
      scf.yield %scan3A_136 : i32
    }
    %scan3A_75 = arith.constant 16 : i32
    %run_scoped3A_76 = arith.constant 0 : i32
    "tpu.region"() ({
      %run_scoped3A_132 = tpu.sem_alloc : memref<!tpu.dma_semaphore, #tpu.memory_space<semaphore_mem>>
      %dma_start3A = arith.constant 0 : i32
      %dma_start3A_133 = tpu.memref_slice %arg17[%arg1, %run_scoped3A_76, %dma_start3A] : memref<16x1x10240xf32, #tpu.memory_space<vmem_shared>> -> memref<1x1x10240xf32, #tpu.memory_space<vmem_shared>>
      %dma_start3A_134 = tpu.memref_squeeze %dma_start3A_133 : memref<1x1x10240xf32, #tpu.memory_space<vmem_shared>> -> memref<10240xf32, #tpu.memory_space<vmem_shared>>
      %dma_start3A_135 = arith.constant 0 : i32
      %dma_start3A_136 = tpu.memref_slice %arg17[%arg1, %run_scoped3A_76, %dma_start3A_135] : memref<16x1x10240xf32, #tpu.memory_space<vmem_shared>> -> memref<1x1x10240xf32, #tpu.memory_space<vmem_shared>>
      %dma_start3A_137 = tpu.memref_squeeze %dma_start3A_136 : memref<1x1x10240xf32, #tpu.memory_space<vmem_shared>> -> memref<10240xf32, #tpu.memory_space<vmem_shared>>
      tpu.enqueue_dma source(%arg10 : memref<10240xf32, #tpu.memory_space<vmem>>) target(%dma_start3A_137 : memref<10240xf32, #tpu.memory_space<vmem_shared>>) target_semaphore(%run_scoped3A_132 : memref<!tpu.dma_semaphore, #tpu.memory_space<semaphore_mem>>)
      %dma_wait3A = arith.constant 0 : i32
      %dma_wait3A_138 = tpu.memref_slice %arg17[%arg1, %run_scoped3A_76, %dma_wait3A] : memref<16x1x10240xf32, #tpu.memory_space<vmem_shared>> -> memref<1x1x10240xf32, #tpu.memory_space<vmem_shared>>
      %dma_wait3A_139 = tpu.memref_squeeze %dma_wait3A_138 : memref<1x1x10240xf32, #tpu.memory_space<vmem_shared>> -> memref<10240xf32, #tpu.memory_space<vmem_shared>>
      %dma_wait3A_140 = arith.constant 0 : i32
      %dma_wait3A_141 = tpu.memref_slice %arg17[%arg1, %run_scoped3A_76, %dma_wait3A_140] : memref<16x1x10240xf32, #tpu.memory_space<vmem_shared>> -> memref<1x1x10240xf32, #tpu.memory_space<vmem_shared>>
      %dma_wait3A_142 = tpu.memref_squeeze %dma_wait3A_141 : memref<1x1x10240xf32, #tpu.memory_space<vmem_shared>> -> memref<10240xf32, #tpu.memory_space<vmem_shared>>
      tpu.wait_dma2 semaphore(%run_scoped3A_132 : memref<!tpu.dma_semaphore, #tpu.memory_space<semaphore_mem>>) src(%arg10 : memref<10240xf32, #tpu.memory_space<vmem>>) dst(%dma_wait3A_142 : memref<10240xf32, #tpu.memory_space<vmem_shared>>)
      tpu.yield
    }) : () -> ()
    %barrier3A = arith.constant 0 : index
    tpu.barrier barrier_id(%barrier3A)
    %jit3A_77 = arith.constant 8 : i32
    %div3A_78 = arith.divsi %arg1, %jit3A_77 : i32
    %sign3A_79 = arith.constant 0 : i32
    %sign3A_80 = arith.cmpi sgt, %arg1, %sign3A_79 : i32
    %sign3A_81 = arith.extui %sign3A_80 : i1 to i32
    %sign3A_82 = arith.constant 0 : i32
    %sign3A_83 = arith.cmpi slt, %arg1, %sign3A_82 : i32
    %sign3A_84 = arith.extui %sign3A_83 : i1 to i32
    %sign3A_85 = arith.subi %sign3A_81, %sign3A_84 : i32
    %sign3A_86 = arith.constant 0 : i32
    %sign3A_87 = arith.cmpi sgt, %jit3A_77, %sign3A_86 : i32
    %sign3A_88 = arith.extui %sign3A_87 : i1 to i32
    %sign3A_89 = arith.constant 0 : i32
    %sign3A_90 = arith.cmpi slt, %jit3A_77, %sign3A_89 : i32
    %sign3A_91 = arith.extui %sign3A_90 : i1 to i32
    %sign3A_92 = arith.subi %sign3A_88, %sign3A_91 : i32
    %ne3A_93 = arith.cmpi ne, %sign3A_85, %sign3A_92 : i32
    %rem3A_94 = arith.remsi %arg1, %jit3A_77 : i32
    %ne3A_95 = arith.constant 0 : i32
    %ne3A_96 = arith.cmpi ne, %rem3A_94, %ne3A_95 : i32
    %and3A_97 = arith.andi %ne3A_93, %ne3A_96 : i1
    %sub3A_98 = arith.constant 1 : i32
    %sub3A_99 = arith.subi %div3A_78, %sub3A_98 : i32
    %select_n3A_100 = arith.select %and3A_97, %sub3A_99, %div3A_78 : i32
    %jit3A_101 = arith.constant 8 : i32
    %eq3A_102 = arith.constant 0 : i32
    %eq3A_103 = arith.cmpi eq, %jit3A_101, %eq3A_102 : i32
    %jit3A_104 = arith.constant 1 : i32
    %select_n3A_105 = arith.select %eq3A_103, %jit3A_104, %jit3A_101 : i32
    %rem3A_106 = arith.remsi %arg1, %select_n3A_105 : i32
    %ne3A_107 = arith.constant 0 : i32
    %ne3A_108 = arith.cmpi ne, %rem3A_106, %ne3A_107 : i32
    %lt3A_109 = arith.constant 0 : i32
    %lt3A_110 = arith.cmpi slt, %rem3A_106, %lt3A_109 : i32
    %lt3A_111 = arith.constant 0 : i32
    %lt3A_112 = arith.cmpi slt, %select_n3A_105, %lt3A_111 : i32
    %ne3A_113 = arith.xori %lt3A_110, %lt3A_112 : i1
    %and3A_114 = arith.andi %ne3A_113, %ne3A_108 : i1
    %add3A_115 = arith.addi %rem3A_106, %select_n3A_105 : i32
    %select_n3A_116 = arith.select %and3A_114, %add3A_115, %rem3A_106 : i32
    %mul3A_117 = arith.constant 8 : i32
    %mul3A_118 = arith.muli %select_n3A_100, %mul3A_117 : i32
    %mul3A_119 = arith.constant 1280 : i32
    %mul3A_120 = arith.muli %select_n3A_116, %mul3A_119 : i32
    %run_scoped3A_121 = arith.constant 0 : i32
    "tpu.region"() ({
      %run_scoped3A_132 = tpu.sem_alloc : memref<!tpu.dma_semaphore, #tpu.memory_space<semaphore_mem>>
      %dma_start3A = tpu.memref_slice %arg17[%mul3A_118, %run_scoped3A_121, %mul3A_120] : memref<16x1x10240xf32, #tpu.memory_space<vmem_shared>> -> memref<8x1x1280xf32, #tpu.memory_space<vmem_shared>>
      %dma_start3A_133 = tpu.memref_squeeze %dma_start3A : memref<8x1x1280xf32, #tpu.memory_space<vmem_shared>> -> memref<8x1280xf32, #tpu.memory_space<vmem_shared>>
      %dma_start3A_134 = tpu.memref_slice %arg17[%mul3A_118, %run_scoped3A_121, %mul3A_120] : memref<16x1x10240xf32, #tpu.memory_space<vmem_shared>> -> memref<8x1x1280xf32, #tpu.memory_space<vmem_shared>>
      %dma_start3A_135 = tpu.memref_squeeze %dma_start3A_134 : memref<8x1x1280xf32, #tpu.memory_space<vmem_shared>> -> memref<8x1280xf32, #tpu.memory_space<vmem_shared>>
      tpu.enqueue_dma source(%dma_start3A_135 : memref<8x1280xf32, #tpu.memory_space<vmem_shared>>) target(%arg15 : memref<8x1280xf32, #tpu.memory_space<vmem>>) target_semaphore(%run_scoped3A_132 : memref<!tpu.dma_semaphore, #tpu.memory_space<semaphore_mem>>)
      %dma_wait3A = tpu.memref_slice %arg17[%mul3A_118, %run_scoped3A_121, %mul3A_120] : memref<16x1x10240xf32, #tpu.memory_space<vmem_shared>> -> memref<8x1x1280xf32, #tpu.memory_space<vmem_shared>>
      %dma_wait3A_136 = tpu.memref_squeeze %dma_wait3A : memref<8x1x1280xf32, #tpu.memory_space<vmem_shared>> -> memref<8x1280xf32, #tpu.memory_space<vmem_shared>>
      %dma_wait3A_137 = tpu.memref_slice %arg17[%mul3A_118, %run_scoped3A_121, %mul3A_120] : memref<16x1x10240xf32, #tpu.memory_space<vmem_shared>> -> memref<8x1x1280xf32, #tpu.memory_space<vmem_shared>>
      %dma_wait3A_138 = tpu.memref_squeeze %dma_wait3A_137 : memref<8x1x1280xf32, #tpu.memory_space<vmem_shared>> -> memref<8x1280xf32, #tpu.memory_space<vmem_shared>>
      tpu.wait_dma2 semaphore(%run_scoped3A_132 : memref<!tpu.dma_semaphore, #tpu.memory_space<semaphore_mem>>) src(%dma_wait3A_138 : memref<8x1280xf32, #tpu.memory_space<vmem_shared>>) dst(%arg15 : memref<8x1280xf32, #tpu.memory_space<vmem>>)
      tpu.yield
    }) : () -> ()
    %scan3A_122 = arith.constant 0 : i32
    %scan3A_123 = arith.constant 0 : i32
    %scan3A_124 = arith.constant 80 : i32
    %scan3A_125 = arith.addi %scan3A_123, %scan3A_124 : i32
    %scan3A_126 = arith.constant 1 : i32
    %scan3A_127 = scf.for %scan3A_132 = %scan3A_123 to %scan3A_125 step %scan3A_126 iter_args(%scan3A_133 = %scan3A_122) -> (i32)  : i32 {
      %mul3A_134 = arith.constant 16 : i32
      %mul3A_135 = arith.muli %scan3A_132, %mul3A_134 : i32
      %get3A = arith.constant 0 : i32
      %get3A_136 = arith.index_cast %get3A : i32 to index
      %get3A_137 = arith.index_cast %mul3A_135 : i32 to index
      %get3A_138 = tpu.vector_load %arg15[%get3A_136, %get3A_137] {strides = array<i32>} : memref<8x1280xf32, #tpu.memory_space<vmem>>, vector<16xf32>,
      %get3A_139 = arith.constant 1 : i32
      %get3A_140 = arith.index_cast %get3A_139 : i32 to index
      %get3A_141 = arith.index_cast %mul3A_135 : i32 to index
      %get3A_142 = tpu.vector_load %arg15[%get3A_140, %get3A_141] {strides = array<i32>} : memref<8x1280xf32, #tpu.memory_space<vmem>>, vector<16xf32>,
      %add3A_143 = arith.addf %get3A_138, %get3A_142 : vector<16xf32>
      %get3A_144 = arith.constant 2 : i32
      %get3A_145 = arith.index_cast %get3A_144 : i32 to index
      %get3A_146 = arith.index_cast %mul3A_135 : i32 to index
      %get3A_147 = tpu.vector_load %arg15[%get3A_145, %get3A_146] {strides = array<i32>} : memref<8x1280xf32, #tpu.memory_space<vmem>>, vector<16xf32>,
      %add3A_148 = arith.addf %add3A_143, %get3A_147 : vector<16xf32>
      %get3A_149 = arith.constant 3 : i32
      %get3A_150 = arith.index_cast %get3A_149 : i32 to index
      %get3A_151 = arith.index_cast %mul3A_135 : i32 to index
      %get3A_152 = tpu.vector_load %arg15[%get3A_150, %get3A_151] {strides = array<i32>} : memref<8x1280xf32, #tpu.memory_space<vmem>>, vector<16xf32>,
      %add3A_153 = arith.addf %add3A_148, %get3A_152 : vector<16xf32>
      %get3A_154 = arith.constant 4 : i32
      %get3A_155 = arith.index_cast %get3A_154 : i32 to index
      %get3A_156 = arith.index_cast %mul3A_135 : i32 to index
      %get3A_157 = tpu.vector_load %arg15[%get3A_155, %get3A_156] {strides = array<i32>} : memref<8x1280xf32, #tpu.memory_space<vmem>>, vector<16xf32>,
      %add3A_158 = arith.addf %add3A_153, %get3A_157 : vector<16xf32>
      %get3A_159 = arith.constant 5 : i32
      %get3A_160 = arith.index_cast %get3A_159 : i32 to index
      %get3A_161 = arith.index_cast %mul3A_135 : i32 to index
      %get3A_162 = tpu.vector_load %arg15[%get3A_160, %get3A_161] {strides = array<i32>} : memref<8x1280xf32, #tpu.memory_space<vmem>>, vector<16xf32>,
      %add3A_163 = arith.addf %add3A_158, %get3A_162 : vector<16xf32>
      %get3A_164 = arith.constant 6 : i32
      %get3A_165 = arith.index_cast %get3A_164 : i32 to index
      %get3A_166 = arith.index_cast %mul3A_135 : i32 to index
      %get3A_167 = tpu.vector_load %arg15[%get3A_165, %get3A_166] {strides = array<i32>} : memref<8x1280xf32, #tpu.memory_space<vmem>>, vector<16xf32>,
      %add3A_168 = arith.addf %add3A_163, %get3A_167 : vector<16xf32>
      %get3A_169 = arith.constant 7 : i32
      %get3A_170 = arith.index_cast %get3A_169 : i32 to index
      %get3A_171 = arith.index_cast %mul3A_135 : i32 to index
      %get3A_172 = tpu.vector_load %arg15[%get3A_170, %get3A_171] {strides = array<i32>} : memref<8x1280xf32, #tpu.memory_space<vmem>>, vector<16xf32>,
      %add3A_173 = arith.addf %add3A_168, %get3A_172 : vector<16xf32>
      %add3A_174 = arith.constant 1.000000e-16 : f32
      %add3A_175 = vector.broadcast %add3A_174 : f32 to vector<16xf32>
      %add3A_176 = arith.addf %add3A_173, %add3A_175 : vector<16xf32>
      %div3A_177 = arith.constant 1.000000e+00 : f32
      %div3A_178 = vector.broadcast %div3A_177 : f32 to vector<16xf32>
      %div3A_179 = arith.divf %div3A_178, %add3A_176 : vector<16xf32>
      %swap3A = arith.index_cast %mul3A_135 : i32 to index
      %swap3A_180 = tpu.vector_load %arg16[%swap3A] {strides = array<i32>} : memref<1280xf32, #tpu.memory_space<vmem>>, vector<16xf32>,
      tpu.vector_store %arg16[%swap3A], %div3A_179 {strides = array<i32>} : memref<1280xf32, #tpu.memory_space<vmem>>, vector<16xf32>,
      %scan3A_181 = arith.constant 0 : i32
      scf.yield %scan3A_181 : i32
    }
    %scan3A_128 = arith.constant 80 : i32
    %mul3A_129 = arith.constant 1280 : i32
    %mul3A_130 = arith.muli %select_n3A_116, %mul3A_129 : i32
    %run_scoped3A_131 = arith.constant 0 : i32
    "tpu.region"() ({
      %run_scoped3A_132 = tpu.sem_alloc : memref<!tpu.dma_semaphore, #tpu.memory_space<semaphore_mem>>
      %dma_start3A = tpu.memref_slice %arg7[%add3A, %run_scoped3A_131, %mul3A_130] : memref<4x1x10240xf32, #tpu.memory_space<hbm>> -> memref<1x1x1280xf32, #tpu.memory_space<hbm>>
      %dma_start3A_133 = tpu.memref_squeeze %dma_start3A : memref<1x1x1280xf32, #tpu.memory_space<hbm>> -> memref<1280xf32, #tpu.memory_space<hbm>>
      %dma_start3A_134 = tpu.memref_slice %arg7[%add3A, %run_scoped3A_131, %mul3A_130] : memref<4x1x10240xf32, #tpu.memory_space<hbm>> -> memref<1x1x1280xf32, #tpu.memory_space<hbm>>
      %dma_start3A_135 = tpu.memref_squeeze %dma_start3A_134 : memref<1x1x1280xf32, #tpu.memory_space<hbm>> -> memref<1280xf32, #tpu.memory_space<hbm>>
      tpu.enqueue_dma source(%arg16 : memref<1280xf32, #tpu.memory_space<vmem>>) target(%dma_start3A_135 : memref<1280xf32, #tpu.memory_space<hbm>>) target_semaphore(%run_scoped3A_132 : memref<!tpu.dma_semaphore, #tpu.memory_space<semaphore_mem>>)
      %dma_wait3A = tpu.memref_slice %arg7[%add3A, %run_scoped3A_131, %mul3A_130] : memref<4x1x10240xf32, #tpu.memory_space<hbm>> -> memref<1x1x1280xf32, #tpu.memory_space<hbm>>
      %dma_wait3A_136 = tpu.memref_squeeze %dma_wait3A : memref<1x1x1280xf32, #tpu.memory_space<hbm>> -> memref<1280xf32, #tpu.memory_space<hbm>>
      %dma_wait3A_137 = tpu.memref_slice %arg7[%add3A, %run_scoped3A_131, %mul3A_130] : memref<4x1x10240xf32, #tpu.memory_space<hbm>> -> memref<1x1x1280xf32, #tpu.memory_space<hbm>>
      %dma_wait3A_138 = tpu.memref_squeeze %dma_wait3A_137 : memref<1x1x1280xf32, #tpu.memory_space<hbm>> -> memref<1280xf32, #tpu.memory_space<hbm>>
      tpu.wait_dma2 semaphore(%run_scoped3A_132 : memref<!tpu.dma_semaphore, #tpu.memory_space<semaphore_mem>>) src(%arg16 : memref<1280xf32, #tpu.memory_space<vmem>>) dst(%dma_wait3A_138 : memref<1280xf32, #tpu.memory_space<hbm>>)
      tpu.yield
    }) : () -> ()
    return
  }
}

#map = affine_map<(d0, d1) -> (0, 0, 0)>
#map1 = affine_map<(d0, d1) -> (0)>
module attributes {stable_mosaic.version = 14 : i64} {
  func.func @k(%arg0: i32, %arg1: i32, %arg2: memref<128x1x10240xf32, #tpu.memory_space<hbm>>, %arg3: memref<16x1x320000xf32, #tpu.memory_space<hbm>>, %arg4: memref<4x1x320000xf32, #tpu.memory_space<hbm>>, %arg5: memref<4x1x10240xf32, #tpu.memory_space<hbm>>, %arg6: memref<320000xi32, #tpu.memory_space<hbm>>, %arg7: memref<320000xi32, #tpu.memory_space<hbm>>, %arg8: memref<128x1x10240xf32, #tpu.memory_space<hbm>>, %arg9: memref<64x1x10240xf32, #tpu.memory_space<hbm>>, %arg10: memref<10240xf32, #tpu.memory_space<vmem>>, %arg11: memref<10240xf32, #tpu.memory_space<vmem>>, %arg12: memref<10240xf32, #tpu.memory_space<vmem>>, %arg13: memref<10240xf32, #tpu.memory_space<vmem>>, %arg14: memref<10240xf32, #tpu.memory_space<vmem>>, %arg15: memref<10240xf32, #tpu.memory_space<vmem>>, %arg16: memref<10240xf32, #tpu.memory_space<vmem>>, %arg17: memref<10240xf32, #tpu.memory_space<vmem>>, %arg18: memref<10240xf32, #tpu.memory_space<vmem>>, %arg19: memref<10240xf32, #tpu.memory_space<vmem>>, %arg20: memref<10240xf32, #tpu.memory_space<vmem>>, %arg21: memref<2560xi32, #tpu.memory_space<vmem>>, %arg22: memref<2560xi32, #tpu.memory_space<vmem>>, %arg23: memref<2560xf32, #tpu.memory_space<vmem>>, %arg24: memref<2560xf32, #tpu.memory_space<vmem>>, %arg25: memref<2560xf32, #tpu.memory_space<vmem>>) attributes {dimension_semantics = [#tpu.dimension_semantics<core_parallel>, #tpu.dimension_semantics<subcore_parallel>], iteration_bounds = array<i64: 2, 16>, scalar_prefetch = 0 : i64, scratch_operands = 16 : i64, tpu.core_type = #tpu.core_type<sc_vector_subcore>, window_params = [{transform_indices = #map}, {transform_indices = #map}, {transform_indices = #map}, {transform_indices = #map}, {transform_indices = #map1}, {transform_indices = #map1}, {transform_indices = #map}, {transform_indices = #map}]} {
    %mul3A = arith.constant 16 : i32
    %mul3A_0 = arith.muli %mul3A, %arg0 : i32
    %add3A = arith.addi %mul3A_0, %arg1 : i32
    %jit3A = arith.constant 8 : i32
    %div3A = arith.divsi %add3A, %jit3A : i32
    %sign3A = arith.constant 0 : i32
    %sign3A_1 = arith.cmpi sgt, %add3A, %sign3A : i32
    %sign3A_2 = arith.extui %sign3A_1 : i1 to i32
    %sign3A_3 = arith.constant 0 : i32
    %sign3A_4 = arith.cmpi slt, %add3A, %sign3A_3 : i32
    %sign3A_5 = arith.extui %sign3A_4 : i1 to i32
    %sign3A_6 = arith.subi %sign3A_2, %sign3A_5 : i32
    %sign3A_7 = arith.constant 0 : i32
    %sign3A_8 = arith.cmpi sgt, %jit3A, %sign3A_7 : i32
    %sign3A_9 = arith.extui %sign3A_8 : i1 to i32
    %sign3A_10 = arith.constant 0 : i32
    %sign3A_11 = arith.cmpi slt, %jit3A, %sign3A_10 : i32
    %sign3A_12 = arith.extui %sign3A_11 : i1 to i32
    %sign3A_13 = arith.subi %sign3A_9, %sign3A_12 : i32
    %ne3A = arith.cmpi ne, %sign3A_6, %sign3A_13 : i32
    %rem3A = arith.remsi %add3A, %jit3A : i32
    %ne3A_14 = arith.constant 0 : i32
    %ne3A_15 = arith.cmpi ne, %rem3A, %ne3A_14 : i32
    %and3A = arith.andi %ne3A, %ne3A_15 : i1
    %sub3A = arith.constant 1 : i32
    %sub3A_16 = arith.subi %div3A, %sub3A : i32
    %select_n3A = arith.select %and3A, %sub3A_16, %div3A : i32
    %mul3A_17 = arith.constant 4 : i32
    %mul3A_18 = arith.muli %mul3A_17, %add3A : i32
    %add3A_19 = arith.constant 0 : i32
    %add3A_20 = arith.addi %mul3A_18, %add3A_19 : i32
    %run_scoped3A = arith.constant 0 : i32
    "tpu.region"() ({
      %run_scoped3A_124 = tpu.sem_alloc : memref<!tpu.dma_semaphore, #tpu.memory_space<semaphore_mem>>
      %dma_start3A = arith.constant 0 : i32
      %dma_start3A_125 = tpu.memref_slice %arg2[%add3A_20, %run_scoped3A, %dma_start3A] : memref<128x1x10240xf32, #tpu.memory_space<hbm>> -> memref<1x1x10240xf32, #tpu.memory_space<hbm>>
      %dma_start3A_126 = tpu.memref_squeeze %dma_start3A_125 : memref<1x1x10240xf32, #tpu.memory_space<hbm>> -> memref<10240xf32, #tpu.memory_space<hbm>>
      %dma_start3A_127 = arith.constant 0 : i32
      %dma_start3A_128 = tpu.memref_slice %arg2[%add3A_20, %run_scoped3A, %dma_start3A_127] : memref<128x1x10240xf32, #tpu.memory_space<hbm>> -> memref<1x1x10240xf32, #tpu.memory_space<hbm>>
      %dma_start3A_129 = tpu.memref_squeeze %dma_start3A_128 : memref<1x1x10240xf32, #tpu.memory_space<hbm>> -> memref<10240xf32, #tpu.memory_space<hbm>>
      tpu.enqueue_dma source(%dma_start3A_129 : memref<10240xf32, #tpu.memory_space<hbm>>) target(%arg10 : memref<10240xf32, #tpu.memory_space<vmem>>) target_semaphore(%run_scoped3A_124 : memref<!tpu.dma_semaphore, #tpu.memory_space<semaphore_mem>>)
      %dma_wait3A = arith.constant 0 : i32
      %dma_wait3A_130 = tpu.memref_slice %arg2[%add3A_20, %run_scoped3A, %dma_wait3A] : memref<128x1x10240xf32, #tpu.memory_space<hbm>> -> memref<1x1x10240xf32, #tpu.memory_space<hbm>>
      %dma_wait3A_131 = tpu.memref_squeeze %dma_wait3A_130 : memref<1x1x10240xf32, #tpu.memory_space<hbm>> -> memref<10240xf32, #tpu.memory_space<hbm>>
      %dma_wait3A_132 = arith.constant 0 : i32
      %dma_wait3A_133 = tpu.memref_slice %arg2[%add3A_20, %run_scoped3A, %dma_wait3A_132] : memref<128x1x10240xf32, #tpu.memory_space<hbm>> -> memref<1x1x10240xf32, #tpu.memory_space<hbm>>
      %dma_wait3A_134 = tpu.memref_squeeze %dma_wait3A_133 : memref<1x1x10240xf32, #tpu.memory_space<hbm>> -> memref<10240xf32, #tpu.memory_space<hbm>>
      tpu.wait_dma2 semaphore(%run_scoped3A_124 : memref<!tpu.dma_semaphore, #tpu.memory_space<semaphore_mem>>) src(%dma_wait3A_134 : memref<10240xf32, #tpu.memory_space<hbm>>) dst(%arg10 : memref<10240xf32, #tpu.memory_space<vmem>>)
      tpu.yield
    }) : () -> ()
    %mul3A_21 = arith.constant 4 : i32
    %mul3A_22 = arith.muli %mul3A_21, %add3A : i32
    %add3A_23 = arith.constant 1 : i32
    %add3A_24 = arith.addi %mul3A_22, %add3A_23 : i32
    %run_scoped3A_25 = arith.constant 0 : i32
    "tpu.region"() ({
      %run_scoped3A_124 = tpu.sem_alloc : memref<!tpu.dma_semaphore, #tpu.memory_space<semaphore_mem>>
      %dma_start3A = arith.constant 0 : i32
      %dma_start3A_125 = tpu.memref_slice %arg2[%add3A_24, %run_scoped3A_25, %dma_start3A] : memref<128x1x10240xf32, #tpu.memory_space<hbm>> -> memref<1x1x10240xf32, #tpu.memory_space<hbm>>
      %dma_start3A_126 = tpu.memref_squeeze %dma_start3A_125 : memref<1x1x10240xf32, #tpu.memory_space<hbm>> -> memref<10240xf32, #tpu.memory_space<hbm>>
      %dma_start3A_127 = arith.constant 0 : i32
      %dma_start3A_128 = tpu.memref_slice %arg2[%add3A_24, %run_scoped3A_25, %dma_start3A_127] : memref<128x1x10240xf32, #tpu.memory_space<hbm>> -> memref<1x1x10240xf32, #tpu.memory_space<hbm>>
      %dma_start3A_129 = tpu.memref_squeeze %dma_start3A_128 : memref<1x1x10240xf32, #tpu.memory_space<hbm>> -> memref<10240xf32, #tpu.memory_space<hbm>>
      tpu.enqueue_dma source(%dma_start3A_129 : memref<10240xf32, #tpu.memory_space<hbm>>) target(%arg11 : memref<10240xf32, #tpu.memory_space<vmem>>) target_semaphore(%run_scoped3A_124 : memref<!tpu.dma_semaphore, #tpu.memory_space<semaphore_mem>>)
      %dma_wait3A = arith.constant 0 : i32
      %dma_wait3A_130 = tpu.memref_slice %arg2[%add3A_24, %run_scoped3A_25, %dma_wait3A] : memref<128x1x10240xf32, #tpu.memory_space<hbm>> -> memref<1x1x10240xf32, #tpu.memory_space<hbm>>
      %dma_wait3A_131 = tpu.memref_squeeze %dma_wait3A_130 : memref<1x1x10240xf32, #tpu.memory_space<hbm>> -> memref<10240xf32, #tpu.memory_space<hbm>>
      %dma_wait3A_132 = arith.constant 0 : i32
      %dma_wait3A_133 = tpu.memref_slice %arg2[%add3A_24, %run_scoped3A_25, %dma_wait3A_132] : memref<128x1x10240xf32, #tpu.memory_space<hbm>> -> memref<1x1x10240xf32, #tpu.memory_space<hbm>>
      %dma_wait3A_134 = tpu.memref_squeeze %dma_wait3A_133 : memref<1x1x10240xf32, #tpu.memory_space<hbm>> -> memref<10240xf32, #tpu.memory_space<hbm>>
      tpu.wait_dma2 semaphore(%run_scoped3A_124 : memref<!tpu.dma_semaphore, #tpu.memory_space<semaphore_mem>>) src(%dma_wait3A_134 : memref<10240xf32, #tpu.memory_space<hbm>>) dst(%arg11 : memref<10240xf32, #tpu.memory_space<vmem>>)
      tpu.yield
    }) : () -> ()
    %mul3A_26 = arith.constant 4 : i32
    %mul3A_27 = arith.muli %mul3A_26, %add3A : i32
    %add3A_28 = arith.constant 2 : i32
    %add3A_29 = arith.addi %mul3A_27, %add3A_28 : i32
    %run_scoped3A_30 = arith.constant 0 : i32
    "tpu.region"() ({
      %run_scoped3A_124 = tpu.sem_alloc : memref<!tpu.dma_semaphore, #tpu.memory_space<semaphore_mem>>
      %dma_start3A = arith.constant 0 : i32
      %dma_start3A_125 = tpu.memref_slice %arg2[%add3A_29, %run_scoped3A_30, %dma_start3A] : memref<128x1x10240xf32, #tpu.memory_space<hbm>> -> memref<1x1x10240xf32, #tpu.memory_space<hbm>>
      %dma_start3A_126 = tpu.memref_squeeze %dma_start3A_125 : memref<1x1x10240xf32, #tpu.memory_space<hbm>> -> memref<10240xf32, #tpu.memory_space<hbm>>
      %dma_start3A_127 = arith.constant 0 : i32
      %dma_start3A_128 = tpu.memref_slice %arg2[%add3A_29, %run_scoped3A_30, %dma_start3A_127] : memref<128x1x10240xf32, #tpu.memory_space<hbm>> -> memref<1x1x10240xf32, #tpu.memory_space<hbm>>
      %dma_start3A_129 = tpu.memref_squeeze %dma_start3A_128 : memref<1x1x10240xf32, #tpu.memory_space<hbm>> -> memref<10240xf32, #tpu.memory_space<hbm>>
      tpu.enqueue_dma source(%dma_start3A_129 : memref<10240xf32, #tpu.memory_space<hbm>>) target(%arg12 : memref<10240xf32, #tpu.memory_space<vmem>>) target_semaphore(%run_scoped3A_124 : memref<!tpu.dma_semaphore, #tpu.memory_space<semaphore_mem>>)
      %dma_wait3A = arith.constant 0 : i32
      %dma_wait3A_130 = tpu.memref_slice %arg2[%add3A_29, %run_scoped3A_30, %dma_wait3A] : memref<128x1x10240xf32, #tpu.memory_space<hbm>> -> memref<1x1x10240xf32, #tpu.memory_space<hbm>>
      %dma_wait3A_131 = tpu.memref_squeeze %dma_wait3A_130 : memref<1x1x10240xf32, #tpu.memory_space<hbm>> -> memref<10240xf32, #tpu.memory_space<hbm>>
      %dma_wait3A_132 = arith.constant 0 : i32
      %dma_wait3A_133 = tpu.memref_slice %arg2[%add3A_29, %run_scoped3A_30, %dma_wait3A_132] : memref<128x1x10240xf32, #tpu.memory_space<hbm>> -> memref<1x1x10240xf32, #tpu.memory_space<hbm>>
      %dma_wait3A_134 = tpu.memref_squeeze %dma_wait3A_133 : memref<1x1x10240xf32, #tpu.memory_space<hbm>> -> memref<10240xf32, #tpu.memory_space<hbm>>
      tpu.wait_dma2 semaphore(%run_scoped3A_124 : memref<!tpu.dma_semaphore, #tpu.memory_space<semaphore_mem>>) src(%dma_wait3A_134 : memref<10240xf32, #tpu.memory_space<hbm>>) dst(%arg12 : memref<10240xf32, #tpu.memory_space<vmem>>)
      tpu.yield
    }) : () -> ()
    %mul3A_31 = arith.constant 4 : i32
    %mul3A_32 = arith.muli %mul3A_31, %add3A : i32
    %add3A_33 = arith.constant 3 : i32
    %add3A_34 = arith.addi %mul3A_32, %add3A_33 : i32
    %run_scoped3A_35 = arith.constant 0 : i32
    "tpu.region"() ({
      %run_scoped3A_124 = tpu.sem_alloc : memref<!tpu.dma_semaphore, #tpu.memory_space<semaphore_mem>>
      %dma_start3A = arith.constant 0 : i32
      %dma_start3A_125 = tpu.memref_slice %arg2[%add3A_34, %run_scoped3A_35, %dma_start3A] : memref<128x1x10240xf32, #tpu.memory_space<hbm>> -> memref<1x1x10240xf32, #tpu.memory_space<hbm>>
      %dma_start3A_126 = tpu.memref_squeeze %dma_start3A_125 : memref<1x1x10240xf32, #tpu.memory_space<hbm>> -> memref<10240xf32, #tpu.memory_space<hbm>>
      %dma_start3A_127 = arith.constant 0 : i32
      %dma_start3A_128 = tpu.memref_slice %arg2[%add3A_34, %run_scoped3A_35, %dma_start3A_127] : memref<128x1x10240xf32, #tpu.memory_space<hbm>> -> memref<1x1x10240xf32, #tpu.memory_space<hbm>>
      %dma_start3A_129 = tpu.memref_squeeze %dma_start3A_128 : memref<1x1x10240xf32, #tpu.memory_space<hbm>> -> memref<10240xf32, #tpu.memory_space<hbm>>
      tpu.enqueue_dma source(%dma_start3A_129 : memref<10240xf32, #tpu.memory_space<hbm>>) target(%arg13 : memref<10240xf32, #tpu.memory_space<vmem>>) target_semaphore(%run_scoped3A_124 : memref<!tpu.dma_semaphore, #tpu.memory_space<semaphore_mem>>)
      %dma_wait3A = arith.constant 0 : i32
      %dma_wait3A_130 = tpu.memref_slice %arg2[%add3A_34, %run_scoped3A_35, %dma_wait3A] : memref<128x1x10240xf32, #tpu.memory_space<hbm>> -> memref<1x1x10240xf32, #tpu.memory_space<hbm>>
      %dma_wait3A_131 = tpu.memref_squeeze %dma_wait3A_130 : memref<1x1x10240xf32, #tpu.memory_space<hbm>> -> memref<10240xf32, #tpu.memory_space<hbm>>
      %dma_wait3A_132 = arith.constant 0 : i32
      %dma_wait3A_133 = tpu.memref_slice %arg2[%add3A_34, %run_scoped3A_35, %dma_wait3A_132] : memref<128x1x10240xf32, #tpu.memory_space<hbm>> -> memref<1x1x10240xf32, #tpu.memory_space<hbm>>
      %dma_wait3A_134 = tpu.memref_squeeze %dma_wait3A_133 : memref<1x1x10240xf32, #tpu.memory_space<hbm>> -> memref<10240xf32, #tpu.memory_space<hbm>>
      tpu.wait_dma2 semaphore(%run_scoped3A_124 : memref<!tpu.dma_semaphore, #tpu.memory_space<semaphore_mem>>) src(%dma_wait3A_134 : memref<10240xf32, #tpu.memory_space<hbm>>) dst(%arg13 : memref<10240xf32, #tpu.memory_space<vmem>>)
      tpu.yield
    }) : () -> ()
    %run_scoped3A_36 = arith.constant 0 : i32
    "tpu.region"() ({
      %run_scoped3A_124 = tpu.sem_alloc : memref<!tpu.dma_semaphore, #tpu.memory_space<semaphore_mem>>
      %dma_start3A = arith.constant 0 : i32
      %dma_start3A_125 = tpu.memref_slice %arg5[%select_n3A, %run_scoped3A_36, %dma_start3A] : memref<4x1x10240xf32, #tpu.memory_space<hbm>> -> memref<1x1x10240xf32, #tpu.memory_space<hbm>>
      %dma_start3A_126 = tpu.memref_squeeze %dma_start3A_125 : memref<1x1x10240xf32, #tpu.memory_space<hbm>> -> memref<10240xf32, #tpu.memory_space<hbm>>
      %dma_start3A_127 = arith.constant 0 : i32
      %dma_start3A_128 = tpu.memref_slice %arg5[%select_n3A, %run_scoped3A_36, %dma_start3A_127] : memref<4x1x10240xf32, #tpu.memory_space<hbm>> -> memref<1x1x10240xf32, #tpu.memory_space<hbm>>
      %dma_start3A_129 = tpu.memref_squeeze %dma_start3A_128 : memref<1x1x10240xf32, #tpu.memory_space<hbm>> -> memref<10240xf32, #tpu.memory_space<hbm>>
      tpu.enqueue_dma source(%dma_start3A_129 : memref<10240xf32, #tpu.memory_space<hbm>>) target(%arg20 : memref<10240xf32, #tpu.memory_space<vmem>>) target_semaphore(%run_scoped3A_124 : memref<!tpu.dma_semaphore, #tpu.memory_space<semaphore_mem>>)
      %dma_wait3A = arith.constant 0 : i32
      %dma_wait3A_130 = tpu.memref_slice %arg5[%select_n3A, %run_scoped3A_36, %dma_wait3A] : memref<4x1x10240xf32, #tpu.memory_space<hbm>> -> memref<1x1x10240xf32, #tpu.memory_space<hbm>>
      %dma_wait3A_131 = tpu.memref_squeeze %dma_wait3A_130 : memref<1x1x10240xf32, #tpu.memory_space<hbm>> -> memref<10240xf32, #tpu.memory_space<hbm>>
      %dma_wait3A_132 = arith.constant 0 : i32
      %dma_wait3A_133 = tpu.memref_slice %arg5[%select_n3A, %run_scoped3A_36, %dma_wait3A_132] : memref<4x1x10240xf32, #tpu.memory_space<hbm>> -> memref<1x1x10240xf32, #tpu.memory_space<hbm>>
      %dma_wait3A_134 = tpu.memref_squeeze %dma_wait3A_133 : memref<1x1x10240xf32, #tpu.memory_space<hbm>> -> memref<10240xf32, #tpu.memory_space<hbm>>
      tpu.wait_dma2 semaphore(%run_scoped3A_124 : memref<!tpu.dma_semaphore, #tpu.memory_space<semaphore_mem>>) src(%dma_wait3A_134 : memref<10240xf32, #tpu.memory_space<hbm>>) dst(%arg20 : memref<10240xf32, #tpu.memory_space<vmem>>)
      tpu.yield
    }) : () -> ()
    %broadcast_in_dim3A = arith.constant 0.000000e+00 : f32
    %broadcast_in_dim3A_37 = vector.broadcast %broadcast_in_dim3A : f32 to vector<16xf32>
    %scan3A = arith.constant 0 : i32
    %scan3A_38 = arith.constant 0 : i32
    %scan3A_39 = arith.constant 640 : i32
    %scan3A_40 = arith.addi %scan3A_38, %scan3A_39 : i32
    %scan3A_41 = arith.constant 1 : i32
    %scan3A_42 = scf.for %scan3A_124 = %scan3A_38 to %scan3A_40 step %scan3A_41 iter_args(%scan3A_125 = %scan3A) -> (i32)  : i32 {
      %mul3A_126 = arith.constant 16 : i32
      %mul3A_127 = arith.muli %scan3A_124, %mul3A_126 : i32
      %swap3A = arith.index_cast %mul3A_127 : i32 to index
      %swap3A_128 = tpu.vector_load %arg14[%swap3A] {strides = array<i32>} : memref<10240xf32, #tpu.memory_space<vmem>>, vector<16xf32>,
      tpu.vector_store %arg14[%swap3A], %broadcast_in_dim3A_37 {strides = array<i32>} : memref<10240xf32, #tpu.memory_space<vmem>>, vector<16xf32>,
      %scan3A_129 = arith.constant 0 : i32
      scf.yield %scan3A_129 : i32
    }
    %scan3A_43 = arith.constant 640 : i32
    %broadcast_in_dim3A_44 = arith.constant 0.000000e+00 : f32
    %broadcast_in_dim3A_45 = vector.broadcast %broadcast_in_dim3A_44 : f32 to vector<16xf32>
    %scan3A_46 = arith.constant 0 : i32
    %scan3A_47 = arith.constant 0 : i32
    %scan3A_48 = arith.constant 640 : i32
    %scan3A_49 = arith.addi %scan3A_47, %scan3A_48 : i32
    %scan3A_50 = arith.constant 1 : i32
    %scan3A_51 = scf.for %scan3A_124 = %scan3A_47 to %scan3A_49 step %scan3A_50 iter_args(%scan3A_125 = %scan3A_46) -> (i32)  : i32 {
      %mul3A_126 = arith.constant 16 : i32
      %mul3A_127 = arith.muli %scan3A_124, %mul3A_126 : i32
      %swap3A = arith.index_cast %mul3A_127 : i32 to index
      %swap3A_128 = tpu.vector_load %arg15[%swap3A] {strides = array<i32>} : memref<10240xf32, #tpu.memory_space<vmem>>, vector<16xf32>,
      tpu.vector_store %arg15[%swap3A], %broadcast_in_dim3A_45 {strides = array<i32>} : memref<10240xf32, #tpu.memory_space<vmem>>, vector<16xf32>,
      %scan3A_129 = arith.constant 0 : i32
      scf.yield %scan3A_129 : i32
    }
    %scan3A_52 = arith.constant 640 : i32
    %broadcast_in_dim3A_53 = arith.constant 0.000000e+00 : f32
    %broadcast_in_dim3A_54 = vector.broadcast %broadcast_in_dim3A_53 : f32 to vector<16xf32>
    %scan3A_55 = arith.constant 0 : i32
    %scan3A_56 = arith.constant 0 : i32
    %scan3A_57 = arith.constant 640 : i32
    %scan3A_58 = arith.addi %scan3A_56, %scan3A_57 : i32
    %scan3A_59 = arith.constant 1 : i32
    %scan3A_60 = scf.for %scan3A_124 = %scan3A_56 to %scan3A_58 step %scan3A_59 iter_args(%scan3A_125 = %scan3A_55) -> (i32)  : i32 {
      %mul3A_126 = arith.constant 16 : i32
      %mul3A_127 = arith.muli %scan3A_124, %mul3A_126 : i32
      %swap3A = arith.index_cast %mul3A_127 : i32 to index
      %swap3A_128 = tpu.vector_load %arg16[%swap3A] {strides = array<i32>} : memref<10240xf32, #tpu.memory_space<vmem>>, vector<16xf32>,
      tpu.vector_store %arg16[%swap3A], %broadcast_in_dim3A_54 {strides = array<i32>} : memref<10240xf32, #tpu.memory_space<vmem>>, vector<16xf32>,
      %scan3A_129 = arith.constant 0 : i32
      scf.yield %scan3A_129 : i32
    }
    %scan3A_61 = arith.constant 640 : i32
    %broadcast_in_dim3A_62 = arith.constant 0.000000e+00 : f32
    %broadcast_in_dim3A_63 = vector.broadcast %broadcast_in_dim3A_62 : f32 to vector<16xf32>
    %scan3A_64 = arith.constant 0 : i32
    %scan3A_65 = arith.constant 0 : i32
    %scan3A_66 = arith.constant 640 : i32
    %scan3A_67 = arith.addi %scan3A_65, %scan3A_66 : i32
    %scan3A_68 = arith.constant 1 : i32
    %scan3A_69 = scf.for %scan3A_124 = %scan3A_65 to %scan3A_67 step %scan3A_68 iter_args(%scan3A_125 = %scan3A_64) -> (i32)  : i32 {
      %mul3A_126 = arith.constant 16 : i32
      %mul3A_127 = arith.muli %scan3A_124, %mul3A_126 : i32
      %swap3A = arith.index_cast %mul3A_127 : i32 to index
      %swap3A_128 = tpu.vector_load %arg17[%swap3A] {strides = array<i32>} : memref<10240xf32, #tpu.memory_space<vmem>>, vector<16xf32>,
      tpu.vector_store %arg17[%swap3A], %broadcast_in_dim3A_63 {strides = array<i32>} : memref<10240xf32, #tpu.memory_space<vmem>>, vector<16xf32>,
      %scan3A_129 = arith.constant 0 : i32
      scf.yield %scan3A_129 : i32
    }
    %scan3A_70 = arith.constant 640 : i32
    %broadcast_in_dim3A_71 = arith.constant 0.000000e+00 : f32
    %broadcast_in_dim3A_72 = vector.broadcast %broadcast_in_dim3A_71 : f32 to vector<16xf32>
    %scan3A_73 = arith.constant 0 : i32
    %scan3A_74 = arith.constant 0 : i32
    %scan3A_75 = arith.constant 640 : i32
    %scan3A_76 = arith.addi %scan3A_74, %scan3A_75 : i32
    %scan3A_77 = arith.constant 1 : i32
    %scan3A_78 = scf.for %scan3A_124 = %scan3A_74 to %scan3A_76 step %scan3A_77 iter_args(%scan3A_125 = %scan3A_73) -> (i32)  : i32 {
      %mul3A_126 = arith.constant 16 : i32
      %mul3A_127 = arith.muli %scan3A_124, %mul3A_126 : i32
      %swap3A = arith.index_cast %mul3A_127 : i32 to index
      %swap3A_128 = tpu.vector_load %arg18[%swap3A] {strides = array<i32>} : memref<10240xf32, #tpu.memory_space<vmem>>, vector<16xf32>,
      tpu.vector_store %arg18[%swap3A], %broadcast_in_dim3A_72 {strides = array<i32>} : memref<10240xf32, #tpu.memory_space<vmem>>, vector<16xf32>,
      %scan3A_129 = arith.constant 0 : i32
      scf.yield %scan3A_129 : i32
    }
    %scan3A_79 = arith.constant 640 : i32
    %broadcast_in_dim3A_80 = arith.constant 0.000000e+00 : f32
    %broadcast_in_dim3A_81 = vector.broadcast %broadcast_in_dim3A_80 : f32 to vector<16xf32>
    %scan3A_82 = arith.constant 0 : i32
    %scan3A_83 = arith.constant 0 : i32
    %scan3A_84 = arith.constant 640 : i32
    %scan3A_85 = arith.addi %scan3A_83, %scan3A_84 : i32
    %scan3A_86 = arith.constant 1 : i32
    %scan3A_87 = scf.for %scan3A_124 = %scan3A_83 to %scan3A_85 step %scan3A_86 iter_args(%scan3A_125 = %scan3A_82) -> (i32)  : i32 {
      %mul3A_126 = arith.constant 16 : i32
      %mul3A_127 = arith.muli %scan3A_124, %mul3A_126 : i32
      %swap3A = arith.index_cast %mul3A_127 : i32 to index
      %swap3A_128 = tpu.vector_load %arg19[%swap3A] {strides = array<i32>} : memref<10240xf32, #tpu.memory_space<vmem>>, vector<16xf32>,
      tpu.vector_store %arg19[%swap3A], %broadcast_in_dim3A_81 {strides = array<i32>} : memref<10240xf32, #tpu.memory_space<vmem>>, vector<16xf32>,
      %scan3A_129 = arith.constant 0 : i32
      scf.yield %scan3A_129 : i32
    }
    %scan3A_88 = arith.constant 640 : i32
    %scan3A_89 = arith.constant 0 : i32
    %scan3A_90 = arith.constant 0 : i32
    %scan3A_91 = arith.constant 125 : i32
    %scan3A_92 = arith.addi %scan3A_90, %scan3A_91 : i32
    %scan3A_93 = arith.constant 1 : i32
    %scan3A_94 = scf.for %scan3A_124 = %scan3A_90 to %scan3A_92 step %scan3A_93 iter_args(%scan3A_125 = %scan3A_89) -> (i32)  : i32 {
      %mul3A_126 = arith.constant 2560 : i32
      %mul3A_127 = arith.muli %scan3A_124, %mul3A_126 : i32
      "tpu.region"() ({
        %run_scoped3A_175 = tpu.sem_alloc : memref<!tpu.dma_semaphore, #tpu.memory_space<semaphore_mem>>
        %dma_start3A = tpu.memref_slice %arg6[%mul3A_127] : memref<320000xi32, #tpu.memory_space<hbm>> -> memref<2560xi32, #tpu.memory_space<hbm>>
        %dma_start3A_176 = tpu.memref_slice %arg6[%mul3A_127] : memref<320000xi32, #tpu.memory_space<hbm>> -> memref<2560xi32, #tpu.memory_space<hbm>>
        tpu.enqueue_dma source(%dma_start3A_176 : memref<2560xi32, #tpu.memory_space<hbm>>) target(%arg21 : memref<2560xi32, #tpu.memory_space<vmem>>) target_semaphore(%run_scoped3A_175 : memref<!tpu.dma_semaphore, #tpu.memory_space<semaphore_mem>>)
        %dma_wait3A = tpu.memref_slice %arg6[%mul3A_127] : memref<320000xi32, #tpu.memory_space<hbm>> -> memref<2560xi32, #tpu.memory_space<hbm>>
        %dma_wait3A_177 = tpu.memref_slice %arg6[%mul3A_127] : memref<320000xi32, #tpu.memory_space<hbm>> -> memref<2560xi32, #tpu.memory_space<hbm>>
        tpu.wait_dma2 semaphore(%run_scoped3A_175 : memref<!tpu.dma_semaphore, #tpu.memory_space<semaphore_mem>>) src(%dma_wait3A_177 : memref<2560xi32, #tpu.memory_space<hbm>>) dst(%arg21 : memref<2560xi32, #tpu.memory_space<vmem>>)
        tpu.yield
      }) : () -> ()
      "tpu.region"() ({
        %run_scoped3A_175 = tpu.sem_alloc : memref<!tpu.dma_semaphore, #tpu.memory_space<semaphore_mem>>
        %dma_start3A = tpu.memref_slice %arg7[%mul3A_127] : memref<320000xi32, #tpu.memory_space<hbm>> -> memref<2560xi32, #tpu.memory_space<hbm>>
        %dma_start3A_176 = tpu.memref_slice %arg7[%mul3A_127] : memref<320000xi32, #tpu.memory_space<hbm>> -> memref<2560xi32, #tpu.memory_space<hbm>>
        tpu.enqueue_dma source(%dma_start3A_176 : memref<2560xi32, #tpu.memory_space<hbm>>) target(%arg22 : memref<2560xi32, #tpu.memory_space<vmem>>) target_semaphore(%run_scoped3A_175 : memref<!tpu.dma_semaphore, #tpu.memory_space<semaphore_mem>>)
        %dma_wait3A = tpu.memref_slice %arg7[%mul3A_127] : memref<320000xi32, #tpu.memory_space<hbm>> -> memref<2560xi32, #tpu.memory_space<hbm>>
        %dma_wait3A_177 = tpu.memref_slice %arg7[%mul3A_127] : memref<320000xi32, #tpu.memory_space<hbm>> -> memref<2560xi32, #tpu.memory_space<hbm>>
        tpu.wait_dma2 semaphore(%run_scoped3A_175 : memref<!tpu.dma_semaphore, #tpu.memory_space<semaphore_mem>>) src(%dma_wait3A_177 : memref<2560xi32, #tpu.memory_space<hbm>>) dst(%arg22 : memref<2560xi32, #tpu.memory_space<vmem>>)
        tpu.yield
      }) : () -> ()
      %run_scoped3A_128 = arith.constant 0 : i32
      "tpu.region"() ({
        %run_scoped3A_175 = tpu.sem_alloc : memref<!tpu.dma_semaphore, #tpu.memory_space<semaphore_mem>>
        %dma_start3A = tpu.memref_slice %arg4[%select_n3A, %run_scoped3A_128, %mul3A_127] : memref<4x1x320000xf32, #tpu.memory_space<hbm>> -> memref<1x1x2560xf32, #tpu.memory_space<hbm>>
        %dma_start3A_176 = tpu.memref_squeeze %dma_start3A : memref<1x1x2560xf32, #tpu.memory_space<hbm>> -> memref<2560xf32, #tpu.memory_space<hbm>>
        %dma_start3A_177 = tpu.memref_slice %arg4[%select_n3A, %run_scoped3A_128, %mul3A_127] : memref<4x1x320000xf32, #tpu.memory_space<hbm>> -> memref<1x1x2560xf32, #tpu.memory_space<hbm>>
        %dma_start3A_178 = tpu.memref_squeeze %dma_start3A_177 : memref<1x1x2560xf32, #tpu.memory_space<hbm>> -> memref<2560xf32, #tpu.memory_space<hbm>>
        tpu.enqueue_dma source(%dma_start3A_178 : memref<2560xf32, #tpu.memory_space<hbm>>) target(%arg23 : memref<2560xf32, #tpu.memory_space<vmem>>) target_semaphore(%run_scoped3A_175 : memref<!tpu.dma_semaphore, #tpu.memory_space<semaphore_mem>>)
        %dma_wait3A = tpu.memref_slice %arg4[%select_n3A, %run_scoped3A_128, %mul3A_127] : memref<4x1x320000xf32, #tpu.memory_space<hbm>> -> memref<1x1x2560xf32, #tpu.memory_space<hbm>>
        %dma_wait3A_179 = tpu.memref_squeeze %dma_wait3A : memref<1x1x2560xf32, #tpu.memory_space<hbm>> -> memref<2560xf32, #tpu.memory_space<hbm>>
        %dma_wait3A_180 = tpu.memref_slice %arg4[%select_n3A, %run_scoped3A_128, %mul3A_127] : memref<4x1x320000xf32, #tpu.memory_space<hbm>> -> memref<1x1x2560xf32, #tpu.memory_space<hbm>>
        %dma_wait3A_181 = tpu.memref_squeeze %dma_wait3A_180 : memref<1x1x2560xf32, #tpu.memory_space<hbm>> -> memref<2560xf32, #tpu.memory_space<hbm>>
        tpu.wait_dma2 semaphore(%run_scoped3A_175 : memref<!tpu.dma_semaphore, #tpu.memory_space<semaphore_mem>>) src(%dma_wait3A_181 : memref<2560xf32, #tpu.memory_space<hbm>>) dst(%arg23 : memref<2560xf32, #tpu.memory_space<vmem>>)
        tpu.yield
      }) : () -> ()
      %jit3A_129 = arith.constant 8 : i32
      %eq3A = arith.constant 0 : i32
      %eq3A_130 = arith.cmpi eq, %jit3A_129, %eq3A : i32
      %jit3A_131 = arith.constant 1 : i32
      %select_n3A_132 = arith.select %eq3A_130, %jit3A_131, %jit3A_129 : i32
      %rem3A_133 = arith.remsi %add3A, %select_n3A_132 : i32
      %ne3A_134 = arith.constant 0 : i32
      %ne3A_135 = arith.cmpi ne, %rem3A_133, %ne3A_134 : i32
      %lt3A = arith.constant 0 : i32
      %lt3A_136 = arith.cmpi slt, %rem3A_133, %lt3A : i32
      %lt3A_137 = arith.constant 0 : i32
      %lt3A_138 = arith.cmpi slt, %select_n3A_132, %lt3A_137 : i32
      %ne3A_139 = arith.xori %lt3A_136, %lt3A_138 : i1
      %and3A_140 = arith.andi %ne3A_139, %ne3A_135 : i1
      %add3A_141 = arith.addi %rem3A_133, %select_n3A_132 : i32
      %select_n3A_142 = arith.select %and3A_140, %add3A_141, %rem3A_133 : i32
      %mul3A_143 = arith.constant 2 : i32
      %mul3A_144 = arith.muli %mul3A_143, %select_n3A_142 : i32
      %run_scoped3A_145 = arith.constant 0 : i32
      "tpu.region"() ({
        %run_scoped3A_175 = tpu.sem_alloc : memref<!tpu.dma_semaphore, #tpu.memory_space<semaphore_mem>>
        %dma_start3A = tpu.memref_slice %arg3[%mul3A_144, %run_scoped3A_145, %mul3A_127] : memref<16x1x320000xf32, #tpu.memory_space<hbm>> -> memref<1x1x2560xf32, #tpu.memory_space<hbm>>
        %dma_start3A_176 = tpu.memref_squeeze %dma_start3A : memref<1x1x2560xf32, #tpu.memory_space<hbm>> -> memref<2560xf32, #tpu.memory_space<hbm>>
        %dma_start3A_177 = tpu.memref_slice %arg3[%mul3A_144, %run_scoped3A_145, %mul3A_127] : memref<16x1x320000xf32, #tpu.memory_space<hbm>> -> memref<1x1x2560xf32, #tpu.memory_space<hbm>>
        %dma_start3A_178 = tpu.memref_squeeze %dma_start3A_177 : memref<1x1x2560xf32, #tpu.memory_space<hbm>> -> memref<2560xf32, #tpu.memory_space<hbm>>
        tpu.enqueue_dma source(%dma_start3A_178 : memref<2560xf32, #tpu.memory_space<hbm>>) target(%arg24 : memref<2560xf32, #tpu.memory_space<vmem>>) target_semaphore(%run_scoped3A_175 : memref<!tpu.dma_semaphore, #tpu.memory_space<semaphore_mem>>)
        %dma_wait3A = tpu.memref_slice %arg3[%mul3A_144, %run_scoped3A_145, %mul3A_127] : memref<16x1x320000xf32, #tpu.memory_space<hbm>> -> memref<1x1x2560xf32, #tpu.memory_space<hbm>>
        %dma_wait3A_179 = tpu.memref_squeeze %dma_wait3A : memref<1x1x2560xf32, #tpu.memory_space<hbm>> -> memref<2560xf32, #tpu.memory_space<hbm>>
        %dma_wait3A_180 = tpu.memref_slice %arg3[%mul3A_144, %run_scoped3A_145, %mul3A_127] : memref<16x1x320000xf32, #tpu.memory_space<hbm>> -> memref<1x1x2560xf32, #tpu.memory_space<hbm>>
        %dma_wait3A_181 = tpu.memref_squeeze %dma_wait3A_180 : memref<1x1x2560xf32, #tpu.memory_space<hbm>> -> memref<2560xf32, #tpu.memory_space<hbm>>
        tpu.wait_dma2 semaphore(%run_scoped3A_175 : memref<!tpu.dma_semaphore, #tpu.memory_space<semaphore_mem>>) src(%dma_wait3A_181 : memref<2560xf32, #tpu.memory_space<hbm>>) dst(%arg24 : memref<2560xf32, #tpu.memory_space<vmem>>)
        tpu.yield
      }) : () -> ()
      %jit3A_146 = arith.constant 8 : i32
      %eq3A_147 = arith.constant 0 : i32
      %eq3A_148 = arith.cmpi eq, %jit3A_146, %eq3A_147 : i32
      %jit3A_149 = arith.constant 1 : i32
      %select_n3A_150 = arith.select %eq3A_148, %jit3A_149, %jit3A_146 : i32
      %rem3A_151 = arith.remsi %add3A, %select_n3A_150 : i32
      %ne3A_152 = arith.constant 0 : i32
      %ne3A_153 = arith.cmpi ne, %rem3A_151, %ne3A_152 : i32
      %lt3A_154 = arith.constant 0 : i32
      %lt3A_155 = arith.cmpi slt, %rem3A_151, %lt3A_154 : i32
      %lt3A_156 = arith.constant 0 : i32
      %lt3A_157 = arith.cmpi slt, %select_n3A_150, %lt3A_156 : i32
      %ne3A_158 = arith.xori %lt3A_155, %lt3A_157 : i1
      %and3A_159 = arith.andi %ne3A_158, %ne3A_153 : i1
      %add3A_160 = arith.addi %rem3A_151, %select_n3A_150 : i32
      %select_n3A_161 = arith.select %and3A_159, %add3A_160, %rem3A_151 : i32
      %mul3A_162 = arith.constant 2 : i32
      %mul3A_163 = arith.muli %mul3A_162, %select_n3A_161 : i32
      %add3A_164 = arith.constant 1 : i32
      %add3A_165 = arith.addi %mul3A_163, %add3A_164 : i32
      %run_scoped3A_166 = arith.constant 0 : i32
      "tpu.region"() ({
        %run_scoped3A_175 = tpu.sem_alloc : memref<!tpu.dma_semaphore, #tpu.memory_space<semaphore_mem>>
        %dma_start3A = tpu.memref_slice %arg3[%add3A_165, %run_scoped3A_166, %mul3A_127] : memref<16x1x320000xf32, #tpu.memory_space<hbm>> -> memref<1x1x2560xf32, #tpu.memory_space<hbm>>
        %dma_start3A_176 = tpu.memref_squeeze %dma_start3A : memref<1x1x2560xf32, #tpu.memory_space<hbm>> -> memref<2560xf32, #tpu.memory_space<hbm>>
        %dma_start3A_177 = tpu.memref_slice %arg3[%add3A_165, %run_scoped3A_166, %mul3A_127] : memref<16x1x320000xf32, #tpu.memory_space<hbm>> -> memref<1x1x2560xf32, #tpu.memory_space<hbm>>
        %dma_start3A_178 = tpu.memref_squeeze %dma_start3A_177 : memref<1x1x2560xf32, #tpu.memory_space<hbm>> -> memref<2560xf32, #tpu.memory_space<hbm>>
        tpu.enqueue_dma source(%dma_start3A_178 : memref<2560xf32, #tpu.memory_space<hbm>>) target(%arg25 : memref<2560xf32, #tpu.memory_space<vmem>>) target_semaphore(%run_scoped3A_175 : memref<!tpu.dma_semaphore, #tpu.memory_space<semaphore_mem>>)
        %dma_wait3A = tpu.memref_slice %arg3[%add3A_165, %run_scoped3A_166, %mul3A_127] : memref<16x1x320000xf32, #tpu.memory_space<hbm>> -> memref<1x1x2560xf32, #tpu.memory_space<hbm>>
        %dma_wait3A_179 = tpu.memref_squeeze %dma_wait3A : memref<1x1x2560xf32, #tpu.memory_space<hbm>> -> memref<2560xf32, #tpu.memory_space<hbm>>
        %dma_wait3A_180 = tpu.memref_slice %arg3[%add3A_165, %run_scoped3A_166, %mul3A_127] : memref<16x1x320000xf32, #tpu.memory_space<hbm>> -> memref<1x1x2560xf32, #tpu.memory_space<hbm>>
        %dma_wait3A_181 = tpu.memref_squeeze %dma_wait3A_180 : memref<1x1x2560xf32, #tpu.memory_space<hbm>> -> memref<2560xf32, #tpu.memory_space<hbm>>
        tpu.wait_dma2 semaphore(%run_scoped3A_175 : memref<!tpu.dma_semaphore, #tpu.memory_space<semaphore_mem>>) src(%dma_wait3A_181 : memref<2560xf32, #tpu.memory_space<hbm>>) dst(%arg25 : memref<2560xf32, #tpu.memory_space<vmem>>)
        tpu.yield
      }) : () -> ()
      %scan3A_167 = arith.constant 0 : i32
      %scan3A_168 = arith.constant 0 : i32
      %scan3A_169 = arith.constant 160 : i32
      %scan3A_170 = arith.addi %scan3A_168, %scan3A_169 : i32
      %scan3A_171 = arith.constant 1 : i32
      %scan3A_172 = scf.for %scan3A_175 = %scan3A_168 to %scan3A_170 step %scan3A_171 iter_args(%scan3A_176 = %scan3A_167) -> (i32)  : i32 {
        %mul3A_177 = arith.constant 16 : i32
        %mul3A_178 = arith.muli %scan3A_175, %mul3A_177 : i32
        %get3A = arith.index_cast %mul3A_178 : i32 to index
        %get3A_179 = tpu.vector_load %arg21[%get3A] {strides = array<i32>} : memref<2560xi32, #tpu.memory_space<vmem>>, vector<16xi32>,
        %get3A_180 = arith.index_cast %mul3A_178 : i32 to index
        %get3A_181 = tpu.vector_load %arg22[%get3A_180] {strides = array<i32>} : memref<2560xi32, #tpu.memory_space<vmem>>, vector<16xi32>,
        %get3A_182 = arith.index_cast %mul3A_178 : i32 to index
        %get3A_183 = tpu.vector_load %arg23[%get3A_182] {strides = array<i32>} : memref<2560xf32, #tpu.memory_space<vmem>>, vector<16xf32>,
        %gather3A = tpu.vector_load_idx %arg20[%get3A_181] : memref<10240xf32, #tpu.memory_space<vmem>>[vector<16xi32>], vector<16xf32>,
        %mul3A_184 = arith.mulf %get3A_183, %gather3A : vector<16xf32>
        %gather3A_185 = tpu.vector_load_idx %arg10[%get3A_179] : memref<10240xf32, #tpu.memory_space<vmem>>[vector<16xi32>], vector<16xf32>,
        %mul3A_186 = arith.mulf %mul3A_184, %gather3A_185 : vector<16xf32>
        tpu.vector_store_idx %arg14[%get3A_181], %mul3A_186 {add = true} : memref<10240xf32, #tpu.memory_space<vmem>>[vector<16xi32>], vector<16xf32>,
        %gather3A_187 = tpu.vector_load_idx %arg11[%get3A_179] : memref<10240xf32, #tpu.memory_space<vmem>>[vector<16xi32>], vector<16xf32>,
        %mul3A_188 = arith.mulf %mul3A_184, %gather3A_187 : vector<16xf32>
        tpu.vector_store_idx %arg15[%get3A_181], %mul3A_188 {add = true} : memref<10240xf32, #tpu.memory_space<vmem>>[vector<16xi32>], vector<16xf32>,
        %gather3A_189 = tpu.vector_load_idx %arg12[%get3A_179] : memref<10240xf32, #tpu.memory_space<vmem>>[vector<16xi32>], vector<16xf32>,
        %mul3A_190 = arith.mulf %mul3A_184, %gather3A_189 : vector<16xf32>
        tpu.vector_store_idx %arg16[%get3A_181], %mul3A_190 {add = true} : memref<10240xf32, #tpu.memory_space<vmem>>[vector<16xi32>], vector<16xf32>,
        %gather3A_191 = tpu.vector_load_idx %arg13[%get3A_179] : memref<10240xf32, #tpu.memory_space<vmem>>[vector<16xi32>], vector<16xf32>,
        %mul3A_192 = arith.mulf %mul3A_184, %gather3A_191 : vector<16xf32>
        tpu.vector_store_idx %arg17[%get3A_181], %mul3A_192 {add = true} : memref<10240xf32, #tpu.memory_space<vmem>>[vector<16xi32>], vector<16xf32>,
        %get3A_193 = arith.index_cast %mul3A_178 : i32 to index
        %get3A_194 = tpu.vector_load %arg24[%get3A_193] {strides = array<i32>} : memref<2560xf32, #tpu.memory_space<vmem>>, vector<16xf32>,
        %mul3A_195 = arith.mulf %mul3A_184, %get3A_194 : vector<16xf32>
        tpu.vector_store_idx %arg18[%get3A_181], %mul3A_195 {add = true} : memref<10240xf32, #tpu.memory_space<vmem>>[vector<16xi32>], vector<16xf32>,
        %get3A_196 = arith.index_cast %mul3A_178 : i32 to index
        %get3A_197 = tpu.vector_load %arg25[%get3A_196] {strides = array<i32>} : memref<2560xf32, #tpu.memory_space<vmem>>, vector<16xf32>,
        %mul3A_198 = arith.mulf %mul3A_184, %get3A_197 : vector<16xf32>
        tpu.vector_store_idx %arg19[%get3A_181], %mul3A_198 {add = true} : memref<10240xf32, #tpu.memory_space<vmem>>[vector<16xi32>], vector<16xf32>,
        %scan3A_199 = arith.constant 0 : i32
        scf.yield %scan3A_199 : i32
      }
      %scan3A_173 = arith.constant 160 : i32
      %scan3A_174 = arith.constant 0 : i32
      scf.yield %scan3A_174 : i32
    }
    %scan3A_95 = arith.constant 125 : i32
    %mul3A_96 = arith.constant 4 : i32
    %mul3A_97 = arith.muli %mul3A_96, %add3A : i32
    %add3A_98 = arith.constant 0 : i32
    %add3A_99 = arith.addi %mul3A_97, %add3A_98 : i32
    %run_scoped3A_100 = arith.constant 0 : i32
    "tpu.region"() ({
      %run_scoped3A_124 = tpu.sem_alloc : memref<!tpu.dma_semaphore, #tpu.memory_space<semaphore_mem>>
      %dma_start3A = arith.constant 0 : i32
      %dma_start3A_125 = tpu.memref_slice %arg8[%add3A_99, %run_scoped3A_100, %dma_start3A] : memref<128x1x10240xf32, #tpu.memory_space<hbm>> -> memref<1x1x10240xf32, #tpu.memory_space<hbm>>
      %dma_start3A_126 = tpu.memref_squeeze %dma_start3A_125 : memref<1x1x10240xf32, #tpu.memory_space<hbm>> -> memref<10240xf32, #tpu.memory_space<hbm>>
      %dma_start3A_127 = arith.constant 0 : i32
      %dma_start3A_128 = tpu.memref_slice %arg8[%add3A_99, %run_scoped3A_100, %dma_start3A_127] : memref<128x1x10240xf32, #tpu.memory_space<hbm>> -> memref<1x1x10240xf32, #tpu.memory_space<hbm>>
      %dma_start3A_129 = tpu.memref_squeeze %dma_start3A_128 : memref<1x1x10240xf32, #tpu.memory_space<hbm>> -> memref<10240xf32, #tpu.memory_space<hbm>>
      tpu.enqueue_dma source(%arg14 : memref<10240xf32, #tpu.memory_space<vmem>>) target(%dma_start3A_129 : memref<10240xf32, #tpu.memory_space<hbm>>) target_semaphore(%run_scoped3A_124 : memref<!tpu.dma_semaphore, #tpu.memory_space<semaphore_mem>>)
      %dma_wait3A = arith.constant 0 : i32
      %dma_wait3A_130 = tpu.memref_slice %arg8[%add3A_99, %run_scoped3A_100, %dma_wait3A] : memref<128x1x10240xf32, #tpu.memory_space<hbm>> -> memref<1x1x10240xf32, #tpu.memory_space<hbm>>
      %dma_wait3A_131 = tpu.memref_squeeze %dma_wait3A_130 : memref<1x1x10240xf32, #tpu.memory_space<hbm>> -> memref<10240xf32, #tpu.memory_space<hbm>>
      %dma_wait3A_132 = arith.constant 0 : i32
      %dma_wait3A_133 = tpu.memref_slice %arg8[%add3A_99, %run_scoped3A_100, %dma_wait3A_132] : memref<128x1x10240xf32, #tpu.memory_space<hbm>> -> memref<1x1x10240xf32, #tpu.memory_space<hbm>>
      %dma_wait3A_134 = tpu.memref_squeeze %dma_wait3A_133 : memref<1x1x10240xf32, #tpu.memory_space<hbm>> -> memref<10240xf32, #tpu.memory_space<hbm>>
      tpu.wait_dma2 semaphore(%run_scoped3A_124 : memref<!tpu.dma_semaphore, #tpu.memory_space<semaphore_mem>>) src(%arg14 : memref<10240xf32, #tpu.memory_space<vmem>>) dst(%dma_wait3A_134 : memref<10240xf32, #tpu.memory_space<hbm>>)
      tpu.yield
    }) : () -> ()
    %mul3A_101 = arith.constant 4 : i32
    %mul3A_102 = arith.muli %mul3A_101, %add3A : i32
    %add3A_103 = arith.constant 1 : i32
    %add3A_104 = arith.addi %mul3A_102, %add3A_103 : i32
    %run_scoped3A_105 = arith.constant 0 : i32
    "tpu.region"() ({
      %run_scoped3A_124 = tpu.sem_alloc : memref<!tpu.dma_semaphore, #tpu.memory_space<semaphore_mem>>
      %dma_start3A = arith.constant 0 : i32
      %dma_start3A_125 = tpu.memref_slice %arg8[%add3A_104, %run_scoped3A_105, %dma_start3A] : memref<128x1x10240xf32, #tpu.memory_space<hbm>> -> memref<1x1x10240xf32, #tpu.memory_space<hbm>>
      %dma_start3A_126 = tpu.memref_squeeze %dma_start3A_125 : memref<1x1x10240xf32, #tpu.memory_space<hbm>> -> memref<10240xf32, #tpu.memory_space<hbm>>
      %dma_start3A_127 = arith.constant 0 : i32
      %dma_start3A_128 = tpu.memref_slice %arg8[%add3A_104, %run_scoped3A_105, %dma_start3A_127] : memref<128x1x10240xf32, #tpu.memory_space<hbm>> -> memref<1x1x10240xf32, #tpu.memory_space<hbm>>
      %dma_start3A_129 = tpu.memref_squeeze %dma_start3A_128 : memref<1x1x10240xf32, #tpu.memory_space<hbm>> -> memref<10240xf32, #tpu.memory_space<hbm>>
      tpu.enqueue_dma source(%arg15 : memref<10240xf32, #tpu.memory_space<vmem>>) target(%dma_start3A_129 : memref<10240xf32, #tpu.memory_space<hbm>>) target_semaphore(%run_scoped3A_124 : memref<!tpu.dma_semaphore, #tpu.memory_space<semaphore_mem>>)
      %dma_wait3A = arith.constant 0 : i32
      %dma_wait3A_130 = tpu.memref_slice %arg8[%add3A_104, %run_scoped3A_105, %dma_wait3A] : memref<128x1x10240xf32, #tpu.memory_space<hbm>> -> memref<1x1x10240xf32, #tpu.memory_space<hbm>>
      %dma_wait3A_131 = tpu.memref_squeeze %dma_wait3A_130 : memref<1x1x10240xf32, #tpu.memory_space<hbm>> -> memref<10240xf32, #tpu.memory_space<hbm>>
      %dma_wait3A_132 = arith.constant 0 : i32
      %dma_wait3A_133 = tpu.memref_slice %arg8[%add3A_104, %run_scoped3A_105, %dma_wait3A_132] : memref<128x1x10240xf32, #tpu.memory_space<hbm>> -> memref<1x1x10240xf32, #tpu.memory_space<hbm>>
      %dma_wait3A_134 = tpu.memref_squeeze %dma_wait3A_133 : memref<1x1x10240xf32, #tpu.memory_space<hbm>> -> memref<10240xf32, #tpu.memory_space<hbm>>
      tpu.wait_dma2 semaphore(%run_scoped3A_124 : memref<!tpu.dma_semaphore, #tpu.memory_space<semaphore_mem>>) src(%arg15 : memref<10240xf32, #tpu.memory_space<vmem>>) dst(%dma_wait3A_134 : memref<10240xf32, #tpu.memory_space<hbm>>)
      tpu.yield
    }) : () -> ()
    %mul3A_106 = arith.constant 4 : i32
    %mul3A_107 = arith.muli %mul3A_106, %add3A : i32
    %add3A_108 = arith.constant 2 : i32
    %add3A_109 = arith.addi %mul3A_107, %add3A_108 : i32
    %run_scoped3A_110 = arith.constant 0 : i32
    "tpu.region"() ({
      %run_scoped3A_124 = tpu.sem_alloc : memref<!tpu.dma_semaphore, #tpu.memory_space<semaphore_mem>>
      %dma_start3A = arith.constant 0 : i32
      %dma_start3A_125 = tpu.memref_slice %arg8[%add3A_109, %run_scoped3A_110, %dma_start3A] : memref<128x1x10240xf32, #tpu.memory_space<hbm>> -> memref<1x1x10240xf32, #tpu.memory_space<hbm>>
      %dma_start3A_126 = tpu.memref_squeeze %dma_start3A_125 : memref<1x1x10240xf32, #tpu.memory_space<hbm>> -> memref<10240xf32, #tpu.memory_space<hbm>>
      %dma_start3A_127 = arith.constant 0 : i32
      %dma_start3A_128 = tpu.memref_slice %arg8[%add3A_109, %run_scoped3A_110, %dma_start3A_127] : memref<128x1x10240xf32, #tpu.memory_space<hbm>> -> memref<1x1x10240xf32, #tpu.memory_space<hbm>>
      %dma_start3A_129 = tpu.memref_squeeze %dma_start3A_128 : memref<1x1x10240xf32, #tpu.memory_space<hbm>> -> memref<10240xf32, #tpu.memory_space<hbm>>
      tpu.enqueue_dma source(%arg16 : memref<10240xf32, #tpu.memory_space<vmem>>) target(%dma_start3A_129 : memref<10240xf32, #tpu.memory_space<hbm>>) target_semaphore(%run_scoped3A_124 : memref<!tpu.dma_semaphore, #tpu.memory_space<semaphore_mem>>)
      %dma_wait3A = arith.constant 0 : i32
      %dma_wait3A_130 = tpu.memref_slice %arg8[%add3A_109, %run_scoped3A_110, %dma_wait3A] : memref<128x1x10240xf32, #tpu.memory_space<hbm>> -> memref<1x1x10240xf32, #tpu.memory_space<hbm>>
      %dma_wait3A_131 = tpu.memref_squeeze %dma_wait3A_130 : memref<1x1x10240xf32, #tpu.memory_space<hbm>> -> memref<10240xf32, #tpu.memory_space<hbm>>
      %dma_wait3A_132 = arith.constant 0 : i32
      %dma_wait3A_133 = tpu.memref_slice %arg8[%add3A_109, %run_scoped3A_110, %dma_wait3A_132] : memref<128x1x10240xf32, #tpu.memory_space<hbm>> -> memref<1x1x10240xf32, #tpu.memory_space<hbm>>
      %dma_wait3A_134 = tpu.memref_squeeze %dma_wait3A_133 : memref<1x1x10240xf32, #tpu.memory_space<hbm>> -> memref<10240xf32, #tpu.memory_space<hbm>>
      tpu.wait_dma2 semaphore(%run_scoped3A_124 : memref<!tpu.dma_semaphore, #tpu.memory_space<semaphore_mem>>) src(%arg16 : memref<10240xf32, #tpu.memory_space<vmem>>) dst(%dma_wait3A_134 : memref<10240xf32, #tpu.memory_space<hbm>>)
      tpu.yield
    }) : () -> ()
    %mul3A_111 = arith.constant 4 : i32
    %mul3A_112 = arith.muli %mul3A_111, %add3A : i32
    %add3A_113 = arith.constant 3 : i32
    %add3A_114 = arith.addi %mul3A_112, %add3A_113 : i32
    %run_scoped3A_115 = arith.constant 0 : i32
    "tpu.region"() ({
      %run_scoped3A_124 = tpu.sem_alloc : memref<!tpu.dma_semaphore, #tpu.memory_space<semaphore_mem>>
      %dma_start3A = arith.constant 0 : i32
      %dma_start3A_125 = tpu.memref_slice %arg8[%add3A_114, %run_scoped3A_115, %dma_start3A] : memref<128x1x10240xf32, #tpu.memory_space<hbm>> -> memref<1x1x10240xf32, #tpu.memory_space<hbm>>
      %dma_start3A_126 = tpu.memref_squeeze %dma_start3A_125 : memref<1x1x10240xf32, #tpu.memory_space<hbm>> -> memref<10240xf32, #tpu.memory_space<hbm>>
      %dma_start3A_127 = arith.constant 0 : i32
      %dma_start3A_128 = tpu.memref_slice %arg8[%add3A_114, %run_scoped3A_115, %dma_start3A_127] : memref<128x1x10240xf32, #tpu.memory_space<hbm>> -> memref<1x1x10240xf32, #tpu.memory_space<hbm>>
      %dma_start3A_129 = tpu.memref_squeeze %dma_start3A_128 : memref<1x1x10240xf32, #tpu.memory_space<hbm>> -> memref<10240xf32, #tpu.memory_space<hbm>>
      tpu.enqueue_dma source(%arg17 : memref<10240xf32, #tpu.memory_space<vmem>>) target(%dma_start3A_129 : memref<10240xf32, #tpu.memory_space<hbm>>) target_semaphore(%run_scoped3A_124 : memref<!tpu.dma_semaphore, #tpu.memory_space<semaphore_mem>>)
      %dma_wait3A = arith.constant 0 : i32
      %dma_wait3A_130 = tpu.memref_slice %arg8[%add3A_114, %run_scoped3A_115, %dma_wait3A] : memref<128x1x10240xf32, #tpu.memory_space<hbm>> -> memref<1x1x10240xf32, #tpu.memory_space<hbm>>
      %dma_wait3A_131 = tpu.memref_squeeze %dma_wait3A_130 : memref<1x1x10240xf32, #tpu.memory_space<hbm>> -> memref<10240xf32, #tpu.memory_space<hbm>>
      %dma_wait3A_132 = arith.constant 0 : i32
      %dma_wait3A_133 = tpu.memref_slice %arg8[%add3A_114, %run_scoped3A_115, %dma_wait3A_132] : memref<128x1x10240xf32, #tpu.memory_space<hbm>> -> memref<1x1x10240xf32, #tpu.memory_space<hbm>>
      %dma_wait3A_134 = tpu.memref_squeeze %dma_wait3A_133 : memref<1x1x10240xf32, #tpu.memory_space<hbm>> -> memref<10240xf32, #tpu.memory_space<hbm>>
      tpu.wait_dma2 semaphore(%run_scoped3A_124 : memref<!tpu.dma_semaphore, #tpu.memory_space<semaphore_mem>>) src(%arg17 : memref<10240xf32, #tpu.memory_space<vmem>>) dst(%dma_wait3A_134 : memref<10240xf32, #tpu.memory_space<hbm>>)
      tpu.yield
    }) : () -> ()
    %mul3A_116 = arith.constant 2 : i32
    %mul3A_117 = arith.muli %mul3A_116, %add3A : i32
    %run_scoped3A_118 = arith.constant 0 : i32
    "tpu.region"() ({
      %run_scoped3A_124 = tpu.sem_alloc : memref<!tpu.dma_semaphore, #tpu.memory_space<semaphore_mem>>
      %dma_start3A = arith.constant 0 : i32
      %dma_start3A_125 = tpu.memref_slice %arg9[%mul3A_117, %run_scoped3A_118, %dma_start3A] : memref<64x1x10240xf32, #tpu.memory_space<hbm>> -> memref<1x1x10240xf32, #tpu.memory_space<hbm>>
      %dma_start3A_126 = tpu.memref_squeeze %dma_start3A_125 : memref<1x1x10240xf32, #tpu.memory_space<hbm>> -> memref<10240xf32, #tpu.memory_space<hbm>>
      %dma_start3A_127 = arith.constant 0 : i32
      %dma_start3A_128 = tpu.memref_slice %arg9[%mul3A_117, %run_scoped3A_118, %dma_start3A_127] : memref<64x1x10240xf32, #tpu.memory_space<hbm>> -> memref<1x1x10240xf32, #tpu.memory_space<hbm>>
      %dma_start3A_129 = tpu.memref_squeeze %dma_start3A_128 : memref<1x1x10240xf32, #tpu.memory_space<hbm>> -> memref<10240xf32, #tpu.memory_space<hbm>>
      tpu.enqueue_dma source(%arg18 : memref<10240xf32, #tpu.memory_space<vmem>>) target(%dma_start3A_129 : memref<10240xf32, #tpu.memory_space<hbm>>) target_semaphore(%run_scoped3A_124 : memref<!tpu.dma_semaphore, #tpu.memory_space<semaphore_mem>>)
      %dma_wait3A = arith.constant 0 : i32
      %dma_wait3A_130 = tpu.memref_slice %arg9[%mul3A_117, %run_scoped3A_118, %dma_wait3A] : memref<64x1x10240xf32, #tpu.memory_space<hbm>> -> memref<1x1x10240xf32, #tpu.memory_space<hbm>>
      %dma_wait3A_131 = tpu.memref_squeeze %dma_wait3A_130 : memref<1x1x10240xf32, #tpu.memory_space<hbm>> -> memref<10240xf32, #tpu.memory_space<hbm>>
      %dma_wait3A_132 = arith.constant 0 : i32
      %dma_wait3A_133 = tpu.memref_slice %arg9[%mul3A_117, %run_scoped3A_118, %dma_wait3A_132] : memref<64x1x10240xf32, #tpu.memory_space<hbm>> -> memref<1x1x10240xf32, #tpu.memory_space<hbm>>
      %dma_wait3A_134 = tpu.memref_squeeze %dma_wait3A_133 : memref<1x1x10240xf32, #tpu.memory_space<hbm>> -> memref<10240xf32, #tpu.memory_space<hbm>>
      tpu.wait_dma2 semaphore(%run_scoped3A_124 : memref<!tpu.dma_semaphore, #tpu.memory_space<semaphore_mem>>) src(%arg18 : memref<10240xf32, #tpu.memory_space<vmem>>) dst(%dma_wait3A_134 : memref<10240xf32, #tpu.memory_space<hbm>>)
      tpu.yield
    }) : () -> ()
    %mul3A_119 = arith.constant 2 : i32
    %mul3A_120 = arith.muli %mul3A_119, %add3A : i32
    %add3A_121 = arith.constant 1 : i32
    %add3A_122 = arith.addi %mul3A_120, %add3A_121 : i32
    %run_scoped3A_123 = arith.constant 0 : i32
    "tpu.region"() ({
      %run_scoped3A_124 = tpu.sem_alloc : memref<!tpu.dma_semaphore, #tpu.memory_space<semaphore_mem>>
      %dma_start3A = arith.constant 0 : i32
      %dma_start3A_125 = tpu.memref_slice %arg9[%add3A_122, %run_scoped3A_123, %dma_start3A] : memref<64x1x10240xf32, #tpu.memory_space<hbm>> -> memref<1x1x10240xf32, #tpu.memory_space<hbm>>
      %dma_start3A_126 = tpu.memref_squeeze %dma_start3A_125 : memref<1x1x10240xf32, #tpu.memory_space<hbm>> -> memref<10240xf32, #tpu.memory_space<hbm>>
      %dma_start3A_127 = arith.constant 0 : i32
      %dma_start3A_128 = tpu.memref_slice %arg9[%add3A_122, %run_scoped3A_123, %dma_start3A_127] : memref<64x1x10240xf32, #tpu.memory_space<hbm>> -> memref<1x1x10240xf32, #tpu.memory_space<hbm>>
      %dma_start3A_129 = tpu.memref_squeeze %dma_start3A_128 : memref<1x1x10240xf32, #tpu.memory_space<hbm>> -> memref<10240xf32, #tpu.memory_space<hbm>>
      tpu.enqueue_dma source(%arg19 : memref<10240xf32, #tpu.memory_space<vmem>>) target(%dma_start3A_129 : memref<10240xf32, #tpu.memory_space<hbm>>) target_semaphore(%run_scoped3A_124 : memref<!tpu.dma_semaphore, #tpu.memory_space<semaphore_mem>>)
      %dma_wait3A = arith.constant 0 : i32
      %dma_wait3A_130 = tpu.memref_slice %arg9[%add3A_122, %run_scoped3A_123, %dma_wait3A] : memref<64x1x10240xf32, #tpu.memory_space<hbm>> -> memref<1x1x10240xf32, #tpu.memory_space<hbm>>
      %dma_wait3A_131 = tpu.memref_squeeze %dma_wait3A_130 : memref<1x1x10240xf32, #tpu.memory_space<hbm>> -> memref<10240xf32, #tpu.memory_space<hbm>>
      %dma_wait3A_132 = arith.constant 0 : i32
      %dma_wait3A_133 = tpu.memref_slice %arg9[%add3A_122, %run_scoped3A_123, %dma_wait3A_132] : memref<64x1x10240xf32, #tpu.memory_space<hbm>> -> memref<1x1x10240xf32, #tpu.memory_space<hbm>>
      %dma_wait3A_134 = tpu.memref_squeeze %dma_wait3A_133 : memref<1x1x10240xf32, #tpu.memory_space<hbm>> -> memref<10240xf32, #tpu.memory_space<hbm>>
      tpu.wait_dma2 semaphore(%run_scoped3A_124 : memref<!tpu.dma_semaphore, #tpu.memory_space<semaphore_mem>>) src(%arg19 : memref<10240xf32, #tpu.memory_space<vmem>>) dst(%dma_wait3A_134 : memref<10240xf32, #tpu.memory_space<hbm>>)
      tpu.yield
    }) : () -> ()
    return
  }
}

module attributes {stable_mosaic.version = 14 : i64} {
  func.func @_node0_body(%arg0: memref<128x10240xf32, #tpu.memory_space<vmem>>, %arg1: memref<128x128xf32, #tpu.memory_space<vmem>>, %arg2: memref<8x128xf32, #tpu.memory_space<vmem>>, %arg3: memref<128x10240xf32, #tpu.memory_space<vmem>>, %arg4: memref<8x10240xf32, #tpu.memory_space<vmem>>) attributes {dimension_semantics = [], scalar_prefetch = 0 : i64, scratch_operands = 0 : i64, tpu.core_type = #tpu.core_type<tc>} {
    %get3A = arith.constant 0 : index
    %get3A_0 = arith.constant 0 : index
    %get3A_1 = vector.load %arg1[%get3A, %get3A_0] : memref<128x128xf32, #tpu.memory_space<vmem>>, vector<128x128xf32>
    %get3A_2 = arith.constant 0 : index
    %get3A_3 = arith.constant 0 : index
    %get3A_4 = vector.load %arg0[%get3A_2, %get3A_3] : memref<128x10240xf32, #tpu.memory_space<vmem>>, vector<128x10240xf32>
    %dot_general3A = arith.constant dense<0.000000e+00> : vector<128x10240xf32>
    %dot_general3A_5 = tpu.matmul %get3A_1, %get3A_4, %dot_general3A {dimension_numbers = #tpu.dot_dimension_numbers<[1], [0], [0], [1], [0, 0, 1, 1], [], []>, transpose_lhs_hint = false} : vector<128x128xf32>, vector<128x10240xf32>, vector<128x10240xf32> -> vector<128x10240xf32>
    %swap3A = arith.constant 0 : index
    %swap3A_6 = arith.constant 0 : index
    %swap3A_7 = vector.load %arg3[%swap3A, %swap3A_6] : memref<128x10240xf32, #tpu.memory_space<vmem>>, vector<128x10240xf32>
    tpu.vector_store %arg3[%swap3A, %swap3A_6], %dot_general3A_5 {strides = array<i32>} : memref<128x10240xf32, #tpu.memory_space<vmem>>, vector<128x10240xf32>,
    %get3A_8 = arith.constant 0 : index
    %get3A_9 = arith.constant 0 : index
    %get3A_10 = vector.load %arg2[%get3A_8, %get3A_9] : memref<8x128xf32, #tpu.memory_space<vmem>>, vector<8x128xf32>
    %dot_general3A_11 = arith.constant dense<0.000000e+00> : vector<8x10240xf32>
    %dot_general3A_12 = tpu.matmul %get3A_10, %dot_general3A_5, %dot_general3A_11 {dimension_numbers = #tpu.dot_dimension_numbers<[1], [0], [0], [1], [0, 0, 1, 1], [], []>, transpose_lhs_hint = false} : vector<8x128xf32>, vector<128x10240xf32>, vector<8x10240xf32> -> vector<8x10240xf32>
    %swap3A_13 = arith.constant 0 : index
    %swap3A_14 = arith.constant 0 : index
    %swap3A_15 = vector.load %arg4[%swap3A_13, %swap3A_14] : memref<8x10240xf32, #tpu.memory_space<vmem>>, vector<8x10240xf32>
    tpu.vector_store %arg4[%swap3A_13, %swap3A_14], %dot_general3A_12 {strides = array<i32>} : memref<8x10240xf32, #tpu.memory_space<vmem>>, vector<8x10240xf32>,
    return
  }
}

module attributes {stable_mosaic.version = 14 : i64} {
  func.func @_ale_body(%arg0: i32, %arg1: memref<16x32000xf32, #tpu.memory_space<vmem>>, %arg2: memref<16x16xf32, #tpu.memory_space<vmem>>, %arg3: memref<16x32000xf32, #tpu.memory_space<vmem>>) attributes {dimension_semantics = [#tpu.dimension_semantics<arbitrary>], iteration_bounds = array<i64: 10>, scalar_prefetch = 0 : i64, scratch_operands = 0 : i64, tpu.core_type = #tpu.core_type<tc>, window_params = [{transform_indices = @transform_0, window_bounds = array<i64: 16, 32000>}, {pipeline_mode = #tpu.pipeline_mode<synchronous>, transform_indices = @transform_1, window_bounds = array<i64: 16, 16>}, {transform_indices = @transform_2, window_bounds = array<i64: 16, 32000>}]} {
    %get3A = arith.constant 0 : index
    %get3A_0 = arith.constant 0 : index
    %get3A_1 = vector.load %arg2[%get3A, %get3A_0] : memref<16x16xf32, #tpu.memory_space<vmem>>, vector<16x16xf32>
    %get3A_2 = arith.constant 0 : index
    %get3A_3 = arith.constant 0 : index
    %get3A_4 = vector.load %arg1[%get3A_2, %get3A_3] : memref<16x32000xf32, #tpu.memory_space<vmem>>, vector<16x32000xf32>
    %dot_general3A = arith.constant dense<0.000000e+00> : vector<16x32000xf32>
    %dot_general3A_5 = tpu.matmul %get3A_1, %get3A_4, %dot_general3A {dimension_numbers = #tpu.dot_dimension_numbers<[1], [0], [0], [1], [0, 0, 1, 1], [], []>, transpose_lhs_hint = false} : vector<16x16xf32>, vector<16x32000xf32>, vector<16x32000xf32> -> vector<16x32000xf32>
    %swap3A = arith.constant 0 : index
    %swap3A_6 = arith.constant 0 : index
    %swap3A_7 = vector.load %arg3[%swap3A, %swap3A_6] : memref<16x32000xf32, #tpu.memory_space<vmem>>, vector<16x32000xf32>
    tpu.vector_store %arg3[%swap3A, %swap3A_6], %dot_general3A_5 {strides = array<i32>} : memref<16x32000xf32, #tpu.memory_space<vmem>>, vector<16x32000xf32>,
    return
  }
  func.func @transform_0(%arg0: i32) -> (i32, i32) {
    %c0_i32 = arith.constant 0 : i32
    %c0_i32_0 = arith.constant 0 : i32
    return %c0_i32, %arg0 : i32, i32
  }
  func.func @transform_1(%arg0: i32) -> (i32, i32) {
    %c0_i32 = arith.constant 0 : i32
    %c0_i32_0 = arith.constant 0 : i32
    %c0_i32_1 = arith.constant 0 : i32
    return %c0_i32, %c0_i32_0 : i32, i32
  }
  func.func @transform_2(%arg0: i32) -> (i32, i32) {
    %c0_i32 = arith.constant 0 : i32
    %c0_i32_0 = arith.constant 0 : i32
    return %c0_i32, %arg0 : i32, i32
  }
}

module attributes {stable_mosaic.version = 14 : i64} {
  func.func @_node_body(%arg0: memref<128x10240xf32, #tpu.memory_space<vmem>>, %arg1: memref<64x10240xf32, #tpu.memory_space<vmem>>, %arg2: memref<128x64xf32, #tpu.memory_space<vmem>>, %arg3: memref<128x1xf32, #tpu.memory_space<vmem>>, %arg4: memref<128x128xf32, #tpu.memory_space<vmem>>, %arg5: memref<8x128xf32, #tpu.memory_space<vmem>>, %arg6: memref<128x10240xf32, #tpu.memory_space<vmem>>, %arg7: memref<8x10240xf32, #tpu.memory_space<vmem>>) attributes {dimension_semantics = [], scalar_prefetch = 0 : i64, scratch_operands = 0 : i64, tpu.core_type = #tpu.core_type<tc>} {
    %get3A = arith.constant 0 : index
    %get3A_0 = arith.constant 0 : index
    %get3A_1 = vector.load %arg0[%get3A, %get3A_0] : memref<128x10240xf32, #tpu.memory_space<vmem>>, vector<128x10240xf32>
    %get3A_2 = arith.constant 0 : index
    %get3A_3 = arith.constant 0 : index
    %get3A_4 = vector.load %arg2[%get3A_2, %get3A_3] : memref<128x64xf32, #tpu.memory_space<vmem>>, vector<128x64xf32>
    %get3A_5 = arith.constant 0 : index
    %get3A_6 = arith.constant 0 : index
    %get3A_7 = vector.load %arg1[%get3A_5, %get3A_6] : memref<64x10240xf32, #tpu.memory_space<vmem>>, vector<64x10240xf32>
    %dot_general3A = arith.constant dense<0.000000e+00> : vector<128x10240xf32>
    %dot_general3A_8 = tpu.matmul %get3A_4, %get3A_7, %dot_general3A {dimension_numbers = #tpu.dot_dimension_numbers<[1], [0], [0], [1], [0, 0, 1, 1], [], []>, transpose_lhs_hint = false} : vector<128x64xf32>, vector<64x10240xf32>, vector<128x10240xf32> -> vector<128x10240xf32>
    %add3A = arith.addf %get3A_1, %dot_general3A_8 : vector<128x10240xf32>
    %get3A_9 = arith.constant 0 : index
    %get3A_10 = arith.constant 0 : index
    %get3A_11 = vector.load %arg3[%get3A_9, %get3A_10] : memref<128x1xf32, #tpu.memory_space<vmem>>, vector<128x1xf32>
    %add3A_12 = vector.broadcast %get3A_11 : vector<128x1xf32> to vector<128x10240xf32>
    %add3A_13 = arith.addf %add3A, %add3A_12 : vector<128x10240xf32>
    %gt3A = arith.constant 0.000000e+00 : f32
    %gt3A_14 = vector.broadcast %gt3A : f32 to vector<128x10240xf32>
    %gt3A_15 = arith.cmpf ogt, %add3A_13, %gt3A_14 : vector<128x10240xf32>
    %exp3A = math.exp %add3A_13 : vector<128x10240xf32>
    %sub3A = arith.constant 1.000000e+00 : f32
    %sub3A_16 = vector.broadcast %sub3A : f32 to vector<128x10240xf32>
    %sub3A_17 = arith.subf %exp3A, %sub3A_16 : vector<128x10240xf32>
    %select_n3A = arith.select %gt3A_15, %add3A_13, %sub3A_17 : vector<128x10240xi1>, vector<128x10240xf32>
    %get3A_18 = arith.constant 0 : index
    %get3A_19 = arith.constant 0 : index
    %get3A_20 = vector.load %arg4[%get3A_18, %get3A_19] : memref<128x128xf32, #tpu.memory_space<vmem>>, vector<128x128xf32>
    %dot_general3A_21 = arith.constant dense<0.000000e+00> : vector<128x10240xf32>
    %dot_general3A_22 = tpu.matmul %get3A_20, %select_n3A, %dot_general3A_21 {dimension_numbers = #tpu.dot_dimension_numbers<[1], [0], [0], [1], [0, 0, 1, 1], [], []>, transpose_lhs_hint = false} : vector<128x128xf32>, vector<128x10240xf32>, vector<128x10240xf32> -> vector<128x10240xf32>
    %swap3A = arith.constant 0 : index
    %swap3A_23 = arith.constant 0 : index
    %swap3A_24 = vector.load %arg6[%swap3A, %swap3A_23] : memref<128x10240xf32, #tpu.memory_space<vmem>>, vector<128x10240xf32>
    tpu.vector_store %arg6[%swap3A, %swap3A_23], %dot_general3A_22 {strides = array<i32>} : memref<128x10240xf32, #tpu.memory_space<vmem>>, vector<128x10240xf32>,
    %get3A_25 = arith.constant 0 : index
    %get3A_26 = arith.constant 0 : index
    %get3A_27 = vector.load %arg5[%get3A_25, %get3A_26] : memref<8x128xf32, #tpu.memory_space<vmem>>, vector<8x128xf32>
    %dot_general3A_28 = arith.constant dense<0.000000e+00> : vector<8x10240xf32>
    %dot_general3A_29 = tpu.matmul %get3A_27, %dot_general3A_22, %dot_general3A_28 {dimension_numbers = #tpu.dot_dimension_numbers<[1], [0], [0], [1], [0, 0, 1, 1], [], []>, transpose_lhs_hint = false} : vector<8x128xf32>, vector<128x10240xf32>, vector<8x10240xf32> -> vector<8x10240xf32>
    %swap3A_30 = arith.constant 0 : index
    %swap3A_31 = arith.constant 0 : index
    %swap3A_32 = vector.load %arg7[%swap3A_30, %swap3A_31] : memref<8x10240xf32, #tpu.memory_space<vmem>>, vector<8x10240xf32>
    tpu.vector_store %arg7[%swap3A_30, %swap3A_31], %dot_general3A_29 {strides = array<i32>} : memref<8x10240xf32, #tpu.memory_space<vmem>>, vector<8x10240xf32>,
    return
  }
}

module attributes {stable_mosaic.version = 14 : i64} {
  func.func @_final_body(%arg0: memref<128x10240xf32, #tpu.memory_space<vmem>>, %arg1: memref<64x10240xf32, #tpu.memory_space<vmem>>, %arg2: memref<128x64xf32, #tpu.memory_space<vmem>>, %arg3: memref<128x1xf32, #tpu.memory_space<vmem>>, %arg4: memref<1x10240xi32, #tpu.memory_space<vmem>>, %arg5: memref<8x128xf32, #tpu.memory_space<vmem>>, %arg6: memref<8x1xf32, #tpu.memory_space<vmem>>, %arg7: memref<8x128xf32, #tpu.memory_space<vmem>>, %arg8: memref<8x8xf32, #tpu.memory_space<vmem>>, %arg9: memref<8x1xf32, #tpu.memory_space<vmem>>, %arg10: memref<8x8xf32, #tpu.memory_space<vmem>>, %arg11: memref<8x1xf32, #tpu.memory_space<vmem>>, %arg12: memref<8x8xf32, #tpu.memory_space<vmem>>, %arg13: memref<8x8xf32, #tpu.memory_space<vmem>>, %arg14: memref<8x1xf32, #tpu.memory_space<vmem>>, %arg15: memref<8x8xf32, #tpu.memory_space<vmem>>, %arg16: memref<8x1xf32, #tpu.memory_space<vmem>>, %arg17: memref<8x128xf32, #tpu.memory_space<vmem>>) attributes {dimension_semantics = [], scalar_prefetch = 0 : i64, scratch_operands = 0 : i64, tpu.core_type = #tpu.core_type<tc>} {
    %get3A = arith.constant 0 : index
    %get3A_0 = arith.constant 0 : index
    %get3A_1 = vector.load %arg0[%get3A, %get3A_0] : memref<128x10240xf32, #tpu.memory_space<vmem>>, vector<128x10240xf32>
    %get3A_2 = arith.constant 0 : index
    %get3A_3 = arith.constant 0 : index
    %get3A_4 = vector.load %arg2[%get3A_2, %get3A_3] : memref<128x64xf32, #tpu.memory_space<vmem>>, vector<128x64xf32>
    %get3A_5 = arith.constant 0 : index
    %get3A_6 = arith.constant 0 : index
    %get3A_7 = vector.load %arg1[%get3A_5, %get3A_6] : memref<64x10240xf32, #tpu.memory_space<vmem>>, vector<64x10240xf32>
    %dot_general3A = arith.constant dense<0.000000e+00> : vector<128x10240xf32>
    %dot_general3A_8 = tpu.matmul %get3A_4, %get3A_7, %dot_general3A {dimension_numbers = #tpu.dot_dimension_numbers<[1], [0], [0], [1], [0, 0, 1, 1], [], []>, transpose_lhs_hint = false} : vector<128x64xf32>, vector<64x10240xf32>, vector<128x10240xf32> -> vector<128x10240xf32>
    %add3A = arith.addf %get3A_1, %dot_general3A_8 : vector<128x10240xf32>
    %get3A_9 = arith.constant 0 : index
    %get3A_10 = arith.constant 0 : index
    %get3A_11 = vector.load %arg3[%get3A_9, %get3A_10] : memref<128x1xf32, #tpu.memory_space<vmem>>, vector<128x1xf32>
    %add3A_12 = vector.broadcast %get3A_11 : vector<128x1xf32> to vector<128x10240xf32>
    %add3A_13 = arith.addf %add3A, %add3A_12 : vector<128x10240xf32>
    %gt3A = arith.constant 0.000000e+00 : f32
    %gt3A_14 = vector.broadcast %gt3A : f32 to vector<128x10240xf32>
    %gt3A_15 = arith.cmpf ogt, %add3A_13, %gt3A_14 : vector<128x10240xf32>
    %exp3A = math.exp %add3A_13 : vector<128x10240xf32>
    %sub3A = arith.constant 1.000000e+00 : f32
    %sub3A_16 = vector.broadcast %sub3A : f32 to vector<128x10240xf32>
    %sub3A_17 = arith.subf %exp3A, %sub3A_16 : vector<128x10240xf32>
    %select_n3A = arith.select %gt3A_15, %add3A_13, %sub3A_17 : vector<128x10240xi1>, vector<128x10240xf32>
    %iota3A = tpu.iota {dimensions = array<i32: 0>} : vector<128x10240xi32>
    %get3A_18 = arith.constant 0 : index
    %get3A_19 = arith.constant 0 : index
    %get3A_20 = vector.load %arg4[%get3A_18, %get3A_19] : memref<1x10240xi32, #tpu.memory_space<vmem>>, vector<1x10240xi32>
    %eq3A = vector.broadcast %get3A_20 : vector<1x10240xi32> to vector<128x10240xi32>
    %eq3A_21 = arith.cmpi eq, %eq3A, %iota3A : vector<128x10240xi32>
    %convert_element_type3A = arith.extui %eq3A_21 : vector<128x10240xi1> to vector<128x10240xi32>
    %convert_element_type3A_22 = arith.sitofp %convert_element_type3A : vector<128x10240xi32> to vector<128x10240xf32>
    %dot_general3A_23 = arith.constant dense<0.000000e+00> : vector<128x128xf32>
    %dot_general3A_24 = tpu.matmul %select_n3A, %convert_element_type3A_22, %dot_general3A_23 {dimension_numbers = #tpu.dot_dimension_numbers<[1], [1], [0], [0], [0, 0, 1, 0], [], []>, transpose_lhs_hint = false} : vector<128x10240xf32>, vector<128x10240xf32>, vector<128x128xf32> -> vector<128x128xf32>
    %reduce_sum3A = arith.constant dense<0.000000e+00> : vector<128xf32>
    %reduce_sum3A_25 = vector.multi_reduction <add>, %convert_element_type3A_22, %reduce_sum3A [1] : vector<128x10240xf32> to vector<128xf32>
    %broadcast_in_dim3A = vector.shape_cast %reduce_sum3A_25 : vector<128xf32> to vector<1x128xf32>
    %max3A = arith.constant 1.000000e+00 : f32
    %max3A_26 = vector.broadcast %max3A : f32 to vector<1x128xf32>
    %max3A_27 = arith.maximumf %broadcast_in_dim3A, %max3A_26 : vector<1x128xf32>
    %div3A = vector.broadcast %max3A_27 : vector<1x128xf32> to vector<128x128xf32>
    %div3A_28 = arith.divf %dot_general3A_24, %div3A : vector<128x128xf32>
    %get3A_29 = arith.constant 0 : index
    %get3A_30 = arith.constant 0 : index
    %get3A_31 = vector.load %arg5[%get3A_29, %get3A_30] : memref<8x128xf32, #tpu.memory_space<vmem>>, vector<8x128xf32>
    %dot_general3A_32 = arith.constant dense<0.000000e+00> : vector<8x128xf32>
    %dot_general3A_33 = tpu.matmul %get3A_31, %div3A_28, %dot_general3A_32 {dimension_numbers = #tpu.dot_dimension_numbers<[1], [0], [0], [1], [0, 0, 1, 1], [], []>, transpose_lhs_hint = false} : vector<8x128xf32>, vector<128x128xf32>, vector<8x128xf32> -> vector<8x128xf32>
    %get3A_34 = arith.constant 0 : index
    %get3A_35 = arith.constant 0 : index
    %get3A_36 = vector.load %arg6[%get3A_34, %get3A_35] : memref<8x1xf32, #tpu.memory_space<vmem>>, vector<8x1xf32>
    %add3A_37 = vector.broadcast %get3A_36 : vector<8x1xf32> to vector<8x128xf32>
    %add3A_38 = arith.addf %dot_general3A_33, %add3A_37 : vector<8x128xf32>
    %get3A_39 = arith.constant 0 : index
    %get3A_40 = arith.constant 0 : index
    %get3A_41 = vector.load %arg8[%get3A_39, %get3A_40] : memref<8x8xf32, #tpu.memory_space<vmem>>, vector<8x8xf32>
    %get3A_42 = arith.constant 0 : index
    %get3A_43 = arith.constant 0 : index
    %get3A_44 = vector.load %arg7[%get3A_42, %get3A_43] : memref<8x128xf32, #tpu.memory_space<vmem>>, vector<8x128xf32>
    %dot_general3A_45 = arith.constant dense<0.000000e+00> : vector<8x128xf32>
    %dot_general3A_46 = tpu.matmul %get3A_41, %get3A_44, %dot_general3A_45 {dimension_numbers = #tpu.dot_dimension_numbers<[1], [0], [0], [1], [0, 0, 1, 1], [], []>, transpose_lhs_hint = false} : vector<8x8xf32>, vector<8x128xf32>, vector<8x128xf32> -> vector<8x128xf32>
    %get3A_47 = arith.constant 0 : index
    %get3A_48 = arith.constant 0 : index
    %get3A_49 = vector.load %arg9[%get3A_47, %get3A_48] : memref<8x1xf32, #tpu.memory_space<vmem>>, vector<8x1xf32>
    %add3A_50 = vector.broadcast %get3A_49 : vector<8x1xf32> to vector<8x128xf32>
    %add3A_51 = arith.addf %dot_general3A_46, %add3A_50 : vector<8x128xf32>
    %max3A_52 = arith.constant 0.000000e+00 : f32
    %max3A_53 = vector.broadcast %max3A_52 : f32 to vector<8x128xf32>
    %max3A_54 = arith.maximumf %add3A_51, %max3A_53 : vector<8x128xf32>
    %get3A_55 = arith.constant 0 : index
    %get3A_56 = arith.constant 0 : index
    %get3A_57 = vector.load %arg10[%get3A_55, %get3A_56] : memref<8x8xf32, #tpu.memory_space<vmem>>, vector<8x8xf32>
    %dot_general3A_58 = arith.constant dense<0.000000e+00> : vector<8x128xf32>
    %dot_general3A_59 = tpu.matmul %get3A_57, %max3A_54, %dot_general3A_58 {dimension_numbers = #tpu.dot_dimension_numbers<[1], [0], [0], [1], [0, 0, 1, 1], [], []>, transpose_lhs_hint = false} : vector<8x8xf32>, vector<8x128xf32>, vector<8x128xf32> -> vector<8x128xf32>
    %get3A_60 = arith.constant 0 : index
    %get3A_61 = arith.constant 0 : index
    %get3A_62 = vector.load %arg11[%get3A_60, %get3A_61] : memref<8x1xf32, #tpu.memory_space<vmem>>, vector<8x1xf32>
    %add3A_63 = vector.broadcast %get3A_62 : vector<8x1xf32> to vector<8x128xf32>
    %add3A_64 = arith.addf %dot_general3A_59, %add3A_63 : vector<8x128xf32>
    %get3A_65 = arith.constant 0 : index
    %get3A_66 = arith.constant 0 : index
    %get3A_67 = vector.load %arg12[%get3A_65, %get3A_66] : memref<8x8xf32, #tpu.memory_space<vmem>>, vector<8x8xf32>
    %dot_general3A_68 = arith.constant dense<0.000000e+00> : vector<8x128xf32>
    %dot_general3A_69 = tpu.matmul %get3A_67, %add3A_38, %dot_general3A_68 {dimension_numbers = #tpu.dot_dimension_numbers<[1], [0], [0], [1], [0, 0, 1, 1], [], []>, transpose_lhs_hint = false} : vector<8x8xf32>, vector<8x128xf32>, vector<8x128xf32> -> vector<8x128xf32>
    %get3A_70 = arith.constant 0 : index
    %get3A_71 = arith.constant 0 : index
    %get3A_72 = vector.load %arg13[%get3A_70, %get3A_71] : memref<8x8xf32, #tpu.memory_space<vmem>>, vector<8x8xf32>
    %dot_general3A_73 = arith.constant dense<0.000000e+00> : vector<8x128xf32>
    %dot_general3A_74 = tpu.matmul %get3A_72, %add3A_64, %dot_general3A_73 {dimension_numbers = #tpu.dot_dimension_numbers<[1], [0], [0], [1], [0, 0, 1, 1], [], []>, transpose_lhs_hint = false} : vector<8x8xf32>, vector<8x128xf32>, vector<8x128xf32> -> vector<8x128xf32>
    %add3A_75 = arith.addf %dot_general3A_69, %dot_general3A_74 : vector<8x128xf32>
    %get3A_76 = arith.constant 0 : index
    %get3A_77 = arith.constant 0 : index
    %get3A_78 = vector.load %arg14[%get3A_76, %get3A_77] : memref<8x1xf32, #tpu.memory_space<vmem>>, vector<8x1xf32>
    %add3A_79 = vector.broadcast %get3A_78 : vector<8x1xf32> to vector<8x128xf32>
    %add3A_80 = arith.addf %add3A_75, %add3A_79 : vector<8x128xf32>
    %max3A_81 = arith.constant 0.000000e+00 : f32
    %max3A_82 = vector.broadcast %max3A_81 : f32 to vector<8x128xf32>
    %max3A_83 = arith.maximumf %add3A_80, %max3A_82 : vector<8x128xf32>
    %get3A_84 = arith.constant 0 : index
    %get3A_85 = arith.constant 0 : index
    %get3A_86 = vector.load %arg15[%get3A_84, %get3A_85] : memref<8x8xf32, #tpu.memory_space<vmem>>, vector<8x8xf32>
    %dot_general3A_87 = arith.constant dense<0.000000e+00> : vector<8x128xf32>
    %dot_general3A_88 = tpu.matmul %get3A_86, %max3A_83, %dot_general3A_87 {dimension_numbers = #tpu.dot_dimension_numbers<[1], [0], [0], [1], [0, 0, 1, 1], [], []>, transpose_lhs_hint = false} : vector<8x8xf32>, vector<8x128xf32>, vector<8x128xf32> -> vector<8x128xf32>
    %get3A_89 = arith.constant 0 : index
    %get3A_90 = arith.constant 0 : index
    %get3A_91 = vector.load %arg16[%get3A_89, %get3A_90] : memref<8x1xf32, #tpu.memory_space<vmem>>, vector<8x1xf32>
    %add3A_92 = vector.broadcast %get3A_91 : vector<8x1xf32> to vector<8x128xf32>
    %add3A_93 = arith.addf %dot_general3A_88, %add3A_92 : vector<8x128xf32>
    %swap3A = arith.constant 0 : index
    %swap3A_94 = arith.constant 0 : index
    %swap3A_95 = vector.load %arg17[%swap3A, %swap3A_94] : memref<8x128xf32, #tpu.memory_space<vmem>>, vector<8x128xf32>
    tpu.vector_store %arg17[%swap3A, %swap3A_94], %add3A_93 {strides = array<i32>} : memref<8x128xf32, #tpu.memory_space<vmem>>, vector<8x128xf32>,
    return
  }
}

</mosaic_0001>

<sc_bundles>
// kernel: kernel.13.cloned.1.call-start
scs
__scs_entry_jumppad:
0x0: {  	(pc) =	sbr.rel $0x88, $3  }
0x1: {  	(tag) =	ssettag $0x0;
	lr =	simm.s32 $0x1  }
0x2: {  	[smem:$0x3F8C] =	sst lr;
	_ =	strace $0xD0000000  }
0x3: {  	_ = 	snop  }
0x4: {  	_ = 	snop  }
0x5: {  	_ = 	snop  }
0x6: {  	_ = 	snop  }
0x7: {  	_ = 	snop  }
__scs_overlays_trampoline_lowered:
0x8: {  	[smem:$0x3F9B] =	sst s0  }
0x9: {  	[smem:$0x3F9C] =	sst s1  }
0xa: {  	[smem:$0x3F9D] =	sst s2  }
0xb: {  	[smem:$0x3F9E] =	sst s3  }
0xc: {  	[smem:$0x3F9F] =	sst s4  }
0xd: {  	[smem:$0x3FA0] =	sst s5  }
0xe: {  	[smem:$0x3FA1] =	sst s6  }
0xf: {  	[smem:$0x3FA2] =	sst s7  }
0x10: {  	[smem:$0x3FA3] =	sst s8  }
0x11: {  	[smem:$0x3FA4] =	sst s9;
	s0 =	simm.s32 @!p0 $0x0  }
0x12: {  	s1 =	sld [smem:$0x3F8A];
	s0 =	simm.s32 @p0 $0x1  }
0x13: {  	[smem:$0x3FA5] =	sst s0;
	s0 =	simm.s32 @!p1 $0x0  }
0x14: {  	s2 =	sld [smem:$0x3F89];
	s0 =	simm.s32 @p1 $0x1  }
0x15: {  	[smem:$0x3FA6] =	sst s0;
	s0 =	simm.s32 @!p2 $0x0  }
0x16: {  	s3 =	sld [smem:$0x3FDB];
	s0 =	simm.s32 @p2 $0x1  }
0x17: {  	s4 =	simm.s32 $0x1BF5;
	[smem:$0x3FA8] =	sst s0  }
0x18: {  	s0 =	sld [smem:$0x3F8B];
	_ =	swait.ge [sflag:s4], $0x0  }
0x19: {  	s7 =	sld [smem:$0x3F8C]  }
0x1a: {  	s8 =	sadd.s32 $0xFFFFE003, lr  }
0x1b: {  	s9 =	sadd.s32 $0xFFFFFEF7, lr;
	s5 =	simm.s32 $0xFFFFFFFF;
	p2 =	slt.u32 s8, $0xFFFFF086  }
0x1c: {  	p1 =	slt.u32 s9, $0xF7A;
	s5 =	simm.s32 @!p2 $0x0  }
0x1d: {  	s5 =	simm.s32 @p1 $0x1;
	p0 =	seq.s32 s7, s2  }
0x1e: {  	s7 =	smul.u32 @!p0 $0xF7A, s2;
	p2 =	seq.s32 @!p0 s5, $0x0  }
0x1f: {  	s9 =	smul.u32 $0xF7A, s1;
	s8 =	simm.s32 @!p0 $0x1BF5;
	p2 =	por !p2, p0  }
0x20: {  	[sflag:s8] =	ssyncset.s32 @!p0 $0xFFFFF086;
	s6 =	sadd.s32 @!p0 s3, s7;
	s7 =	simm.s32 @!p0 $0x108  }
0x21: {  	s3 =	sadd.s32 s3, s9;
	s6 =	sadd.s32 @!p0 $0x88, s6;
	s7 =	simm.s32 @p2 $0x1082  }
0x22: {  	[simem:s7], [sflag:s8] =	dma.local @!p0 [hbm:s6], $0xF7A  }
0x23: {  	s9 =	sor.u32 $0xD0000000, s2;
	s6 =	simm.s32 $0x108;
	_ =	swait.ge @!p0 [sflag:s8], $0x0  }
0x24: {  	s3 =	sadd.s32 $0x88, s3;
	s6 =	simm.s32 @!p1 $0x1082;
	[sflag:s4] =	ssyncset.s32 $0xFFFFF086  }
0x25: {  	[simem:s6], [sflag:s4] =	dma.local [hbm:s3], $0xF7A  }
0x26: {  	[smem:$0x3F8C] =	sst s1;
	(tag) =	ssettag s2;
	_ =	strace s9  }
0x27: {  	s1 =	sld [smem:$0x3F9C]  }
0x28: {  	s2 =	sld [smem:$0x3F9D]  }
0x29: {  	s4 =	sld [smem:$0x3F9F]  }
0x2a: {  	p0 =	seq.s32 s5, $0x0;
	s5 =	sld [smem:$0x3FA0]  }
0x2b: {  	s6 =	sld [smem:$0x3FA1]  }
0x2c: {  	s7 =	sld [smem:$0x3FA2]  }
0x2d: {  	s3 =	simm.s32 $0x108;
	s8 =	sld [smem:$0x3FA3]  }
0x2e: {  	s3 =	simm.s32 @!p0 $0x1082;
	s9 =	sld [smem:$0x3FA4]  }
0x2f: {  	lr =	sadd.s32 s0, s3;
	s0 =	sld [smem:$0x3F9B]  }
0x30: {  	s3 =	sld [smem:$0x3F9E]  }
0x31: {  	[smem:$0x3FA7] =	sst s10  }
0x32: {  	s10 =	sld [smem:$0x3FA5];
	_ =	sdelay $0x3  }
0x33: {  	p0 =	seq.s32 s10, $0x1;
	s10 =	sld [smem:$0x3FA7];
	_ =	sdelay $0x3  }
0x34: {  	[smem:$0x3FA7] =	sst s10  }
0x35: {  	s10 =	sld [smem:$0x3FA6];
	_ =	sdelay $0x3  }
0x36: {  	p1 =	seq.s32 s10, $0x1;
	s10 =	sld [smem:$0x3FA7];
	_ =	sdelay $0x3  }
0x37: {  	[smem:$0x3FA7] =	sst s10  }
0x38: {  	s10 =	sld [smem:$0x3FA8]  }
0x39: {  	_ = 	snop;
	(pc) =	sbr.ind lr, $3  }
0x3a: {  	_ = 	snop  }
0x3b: {  	_ = 	snop  }
0x3c: {  	p2 =	seq.s32 s10, $0x1;
	s10 =	sld [smem:$0x3FA7]  }
0x3d: {  	_ =	shalt  }
0x3e: {  	_ =	shalt  }
0x3f: {  	_ =	shalt  }
0x40: {  	_ =	shalt  }
0x41: {  	_ =	shalt  }
0x42: {  	_ =	shalt  }
0x43: {  	_ =	shalt  }
0x44: {  	_ =	shalt  }
0x45: {  	_ =	shalt  }
0x46: {  	_ =	shalt  }
0x47: {  	_ =	shalt  }
0x48: {  	_ =	shalt  }
0x49: {  	_ =	shalt  }
0x4a: {  	_ =	shalt  }
0x4b: {  	_ =	shalt  }
0x4c: {  	_ =	shalt  }
0x4d: {  	_ =	shalt  }
0x4e: {  	_ =	shalt  }
0x4f: {  	_ =	shalt  }
0x50: {  	_ =	shalt  }
0x51: {  	_ =	shalt  }
0x52: {  	_ =	shalt  }
0x53: {  	_ =	shalt  }
0x54: {  	_ =	shalt  }
0x55: {  	_ =	shalt  }
0x56: {  	_ =	shalt  }
0x57: {  	_ =	shalt  }
0x58: {  	_ =	shalt  }
0x59: {  	_ =	shalt  }
0x5a: {  	_ =	shalt  }
0x5b: {  	_ =	shalt  }
0x5c: {  	_ =	shalt  }
0x5d: {  	_ =	shalt  }
0x5e: {  	_ =	shalt  }
0x5f: {  	_ =	shalt  }
0x60: {  	_ =	shalt  }
0x61: {  	_ =	shalt  }
0x62: {  	_ =	shalt  }
0x63: {  	_ =	shalt  }
0x64: {  	_ =	shalt  }
0x65: {  	_ =	shalt  }
0x66: {  	_ =	shalt  }
0x67: {  	_ =	shalt  }
0x68: {  	_ =	shalt  }
0x69: {  	_ =	shalt  }
0x6a: {  	_ =	shalt  }
0x6b: {  	_ =	shalt  }
0x6c: {  	_ =	shalt  }
0x6d: {  	_ =	shalt  }
0x6e: {  	_ =	shalt  }
0x6f: {  	_ =	shalt  }
0x70: {  	_ =	shalt  }
0x71: {  	_ =	shalt  }
0x72: {  	_ =	shalt  }
0x73: {  	_ =	shalt  }
0x74: {  	_ =	shalt  }
0x75: {  	_ =	shalt  }
0x76: {  	_ =	shalt  }
0x77: {  	_ =	shalt  }
0x78: {  	_ =	shalt  }
0x79: {  	_ =	shalt  }
0x7a: {  	_ =	shalt  }
0x7b: {  	_ =	shalt  }
0x7c: {  	_ =	shalt  }
0x7d: {  	_ =	shalt  }
0x7e: {  	_ =	shalt  }
0x7f: {  	_ =	shalt  }
0x80: {  	_ =	shalt  }
0x81: {  	_ =	shalt  }
0x82: {  	_ =	shalt  }
0x83: {  	_ =	shalt  }
0x84: {  	_ =	shalt  }
0x85: {  	_ =	shalt  }
0x86: {  	_ =	shalt  }
0x87: {  	_ =	shalt  }
.Lfunc_end0:
.L_simem_size_0:
called_computation_lowered:
.L_overlay_start_0:
0x88: {  	s2 =	sld [smem:$0x3FD9]  }
0x89: {  	s3 =	sld [smem:$0x3FFE];
	_ =	sdelay $0x1  }
0x8a: {  	s1 =	srdreg.scid  }
0x8b: {  	s0 =	sand.u32 $0x1, s1  }
0x8c: {  	s16 =	sshll.u32 s0, $0xA;
	s2 =	sadd.s32 s3, s2  }
0x8d: {  	s2 =	sadd.s32 s2, s16  }
0x8e: {  	[smem:$0x3FB3] =	sst s2  }
0x8f: {  	_ = 	snop  }
0x90: {  	(tm) =	ssettm $0x1  }
0x91: {  	s17 =	sld [smem:$0x3FFB];
	_ =	sdelay $0x3  }
0x92: {  	_ =	strace s17  }
0x93: {  	s2 =	sld [smem:$0x3FFC];
	_ =	sdelay $0x3  }
0x94: {  	_ =	strace s2  }
0x95: {  	s2 =	sld [smem:$0x3FFD];
	_ =	sdelay $0x3  }
0x96: {  	_ =	strace s2  }
0x97: {  	_ =	strace $0x8FFFFFFF  }
0x98: {  	s18 =	sld [smem:$0x3FDB];
	_ =	sdelay $0x1  }
0x99: {  	s19 =	simm.s32 $_scs_section_size  }
0x9a: {  	s4 =	simm.s32 $_size__tile_overlayer_lowered;
	s5 =	simm.s32 $_tile_overlayer_lowered  }
0x9b: {  	s22 =	simm.s32 $0x1BFF;
	s21 =	sshll.u32 s5, $0x1;
	s2 =	sadd.s32 s19, s18  }
0x9c: {  	s6 =	simm.s32 $0x0;
	s20 =	sshll.u32 s4, $0x1;
	s4 =	sadd.s32 s21, s2  }
0x9d: {  	[timem:s6], [sflag:s22] =	dma.local [hbm:s4], s20  }
0x9e: {  	_ =	swait.ge [sflag:s22], s20  }
0x9f: {  	s3 =	ssub.s32 $0x0, s20;
	[sflag:s22] =	ssyncset.done $0x0  }
0xa0: {  	[sflag:s22] =	ssyncadd.s32 s3;
	_ =	sdelay $0x1  }
0xa1: {  	s23 =	simm.s32 $0x1B8B  }
0xa2: {  	_ =	swait.ge [sflag:s23], $0x1  }
0xa3: {  	[sflag:s23] =	ssyncset.done $0x0  }
0xa4: {  	s25 =	simm.s32 $0x1B8E;
	s24 =	sld [smem:$0x3FFE];
	[sflag:s23] =	ssyncadd.s32 $0xFFFFFFFF  }
0xa5: {  	s26 =	simm.s32 $execute0_lowered;
	[smem:$0x3FD2] =	sst s25  }
0xa6: {  	s4 =	sshll.u32 s26, $0x1;
	_ =	strace $0x80000046;
	[dreg:$0x1] =	wrdreg $0xFFFFFFFF  }
0xa7: {  	s28 =	simm.s32 $_size_execute0_lowered;
	s2 =	sadd.s32 s2, s4;
	[dreg:$0x0] =	wrdreg $0x0  }
0xa8: {  	s4 =	sshll.u32 s28, $0x1;
	[dreg:$0x2] =	wrdreg s2  }
0xa9: {  	[dreg:$0x3] =	wrdreg s4  }
0xaa: {  	[dreg:$0x4] =	wrdreg $0xC0  }
0xab: {  	_ =	task [dreg:s6], $0x5FFFF  }
0xac: {  	[dreg:$0x1] =	wrdreg $0xFFFFFFFF  }
0xad: {  	[dreg:$0x0] =	wrdreg $0x60  }
0xae: {  	[dreg:$0x2] =	wrdreg s24  }
0xaf: {  	[dreg:$0x3] =	wrdreg $0xCD000  }
0xb0: {  	[dreg:$0x4] =	wrdreg $0x9  }
0xb1: {  	_ =	task.clear_ibuf [dreg:s6], $0x5FFFF;
	_ =	strace $0x90000046  }
0xb2: {  	s29 =	simm.s32 $0x9;
	_ =	strace $0x80000048  }
0xb3: {  	_ =	swait.ge [sflag:s29], $0x1  }
0xb4: {  	[sflag:s29] =	ssyncadd.s32 $0xFFFFFFFF  }
0xb5: {  	_ =	strace $0x90000048  }
0xb6: {  	_ =	sfence  }
0xb7: {  	s30 =	sld [smem:$0x0];
	_ =	sdelay $0x2  }
0xb8: {  	s31 =	sshll.u32 s1, $0xD;
	s1 =	sshrl.u32 s1, $0x2  }
0xb9: {  	s3 =	sand.u32 $0x4000, s31;
	s1 =	sadd.s32 s1, s30  }
0xba: {  	s0 =	sor.u32 s3, s0;
	s1 =	sshll.u32 s1, $0x11  }
0xbb: {  	s0 =	sor.u32 s1, s0  }
0xbc: {  	s0 =	sadd.s32 $0x8F2B, s0  }
0xbd: {  	[sflag:s0] =	ssyncadd.remote.s32 $0x1  }
0xbe: {  	_ =	sfence.sel $0xFFFF  }
0xbf: {  	[dreg:$0x0] =	wrdreg $0xFFFFFFFF;
	(pc) =	sbr.abs _section_cstart, $3  }
0xc0: {  	[dreg:$0x1] =	wrdreg $0xFFFFFFFF  }
0xc1: {  	_ =	task.clear_ibuf [dreg:s6], $0x2FFFF;
	_ =	strace $0x9FFFFFFF  }
0xc2: {  	(tm) =	ssettm $0x7FFFFFFF  }
0xc3: {  	_ =	shalt  }
tec
execute0_lowered:
.L_overlay_start_1:
0x0: {  	(tag) =	ssettag $0x1  }
0x1: {  	s0 =	srdreg.scid  }
0x2: {  	s15 =	stileid.u32;
	s9 =	rddreg [dreg:$0x0]  }
0x3: {  	s12 =	rddreg [dreg:$0x1];
	s2 =	simm.s32 $0x0;
	s28 =	simm.s32 $0x7800  }
0x4: {  	s29 =	simm.s32 $0x2;
	s30 =	simm.s32 $0x8200;
	s31 =	simm.s32 $0x8C00  }
0x5: {  	s0 =	sand.u32 $0x1, s0;
	s8 =	sshrl.u32 s15, $0x3;
	[smem:$0x7FF] =	sst s2  }
0x6: {  	s3 =	sand.u32 $0x7, s15;
	s5 =	sadd.s32 $0x13600, s9;
	s6 =	sadd.s32 $0x9800, s9  }
0x7: {  	s7 =	sadd.s32 $0x1D400, s9;
	s15 =	smul.u32 $0xA000, s15;
	s1 =	sshll.u32 s0, $0x1  }
0x8: {  	_ =	strace $0x80000047;
	s13 =	smul.u32 $0x500, s3;
	s0 =	ssub.s32 $0x2, s0  }
0x9: {  	s20 =	ssub.s32 $0x84, s3;
	s1 =	sor.u32 s8, s1;
	s8 =	smul.u32 $0x50000, s8  }
0xa: {  	s14 =	sshrl.u32 s0, $0x1;
	s21 =	sshrl.u32 s15, $0x2;
	s10 =	smul.u32 $0x2800, s1  }
0xb: {  	s0 =	ssub.s32 s0, s14;
	s22 =	sadd.s32 s21, s12;
	s8 =	sshrl.u32 s8, $0x2  }
0xc: {  	[dreg:$0x5] =	wrdreg s22;
	s0 =	smax.u32 s0, $0x1;
	s4 =	sshrl.u32 s10, $0x3  }
0xd: {  	s10 =	sadd.s32 s13, s10;
	s23 =	sadd.s32 s8, s12;
	[dreg:$0x7] =	wrdreg s0  }
0xe: {  	s0 =	simm.s32 $0x9600;
	s8 =	simm.s32 $0x80;
	s11 =	sadd.s32 s4, s9  }
0xf: {  	s4 =	sadd.s32 $0x6B800, s9;
	s10 =	sshrl.u32 s10, $0x3;
	s13 =	sadd.s32 s13, s23  }
0x10: {  	s9 =	sadd.s32 s10, s9;
	s18 =	sadd.s32 $0x7000, s11;
	s19 =	sadd.s32 $0x8400, s11  }
0x11: {  	s10 =	sshrl.u32 s20, $0x3;
	s11 =	smul.u32 $0x4E200, s1;
	s25 =	sadd.s32 $0x80, s13  }
0x12: {  	s26 =	sadd.s32 $0x100, s13;
	s20 =	sadd.s32 $0x280, s13;
	[dreg:$0x3] =	wrdreg s18  }
0x13: {  	s21 =	sadd.s32 $0x300, s13;
	s22 =	sadd.s32 $0x380, s13;
	[dreg:$0x4] =	wrdreg s19  }
0x14: {  	s23 =	sadd.s32 $0x400, s13;
	s1 =	simm.s32 $0x5000;
	[dreg:$0x8] =	wrdreg s25  }
0x15: {  	s24 =	sadd.s32 $0x92A00, s9;
	[dreg:$0x9] =	wrdreg s26;
	s18 =	sadd.s32 $0x180, s13  }
0x16: {  	s19 =	sadd.s32 $0x200, s13;
	s25 =	simm.s32 $0x1;
	s26 =	simm.s32 $0x2800  }
0x17: {  	v0 =	vimm.f32 $0.0e+00;
	s9 =	simm.s32 $0x0;
	[dreg:$0x6] =	wrdreg s24;
	s24 =	sadd.s32 $0x480, s13  }
.LBB2_1:
0x18: {  	s12 =	rddreg [dreg:$0x3]  }
0x19: {  	[tilespmem:s2], [sflag:$0x1] =	stream.linear.gather [hbm4b:s12+s2], $0x2800, $0x38;
	[tilespmem:$0xF500] =	vst v63  }
0x1a: {  	_ =	swait.ge [sflag:s25], $0x2800  }
0x1b: {  	[sflag:s25] =	ssyncset.done $0x0  }
0x1c: {  	s17 =	rddreg [dreg:$0x4];
	[sflag:s25] =	ssyncadd.s32 $0xFFFFD800  }
0x1d: {  	[tilespmem:s26], [sflag:$0x1] =	stream.linear.gather [hbm4b:s17+s2], $0x2800, $0x38;
	[tilespmem:$0xF500] =	vst v63  }
0x1e: {  	_ =	swait.ge [sflag:s25], $0x2800  }
0x1f: {  	[sflag:s25] =	ssyncset.done $0x0  }
0x20: {  	s12 =	simm.s32 $0x0;
	[sflag:s25] =	ssyncadd.s32 $0xFFFFD800  }
.LBB2_2:
0x21: {  	p0 =	sne.s32 s12, $0x9FC0  }
.Ltmp0:
0x22: {  	_ = 	snop;
	(pc) =	sbr.rel @p0 .LBB2_2-.Ltmp0, $3  }
0x23: {  	_ =	sdelay $0x1  }
0x24: {  	s14 =	sshra.s32 s12, $0x2  }
0x25: {  	s12 =	sadd.s32 $0x40, s12;
	[tilespmem:s14+$0x5000] =	vst v0  }
.Ltmp1:
0x26: {  	(pc) =	sbr.rel .LBB2_4-.Ltmp1, $2  }
0x27: {  	_ =	sdelay $0x2  }
0x28: {  	s12 =	simm.s32 $0x0  }
.LBB2_8:
0x29: {  	s12 =	sadd.s32 $0x1, s12  }
0x2a: {  	p0 =	sne.s32 s12, $0x10  }
.Ltmp2:
0x2b: {  	_ = 	snop;
	(pc) =	sbr.rel @!p0 .LBB2_9-.Ltmp2, $1  }
0x2c: {  	_ =	sdelay $0x3  }
.LBB2_4:
0x2d: {  	p0 =	sge.u32 s12, s10  }
.Ltmp3:
0x2e: {  	_ = 	snop;
	(pc) =	sbr.rel @p0 .LBB2_8-.Ltmp3, $1  }
0x2f: {  	_ =	sdelay $0x3  }
0x30: {  	s14 =	sshll.u32 s12, $0x3  }
0x31: {  	s14 =	sor.u32 s3, s14  }
0x32: {  	s14 =	smul.u32 $0xA00, s14;
	_ =	sdelay $0x1  }
0x33: {  	s15 =	sshrl.u32 s14, $0x3  }
0x34: {  	s17 =	simm.s32 $0x0;
	s16 =	sadd.s32 s5, s15  }
0x35: {  	[tilespmem:s28], [sflag:$0x2] =	stream.linear.gather [hbm4b:s16+s17], $0xA00, $0x38;
	[tilespmem:$0xF500] =	vst v63  }
0x36: {  	_ =	swait.ge [sflag:s29], $0xA00  }
0x37: {  	[sflag:s29] =	ssyncset.done $0x0  }
0x38: {  	s15 =	sadd.s32 s6, s15;
	[sflag:s29] =	ssyncadd.s32 $0xFFFFF600  }
0x39: {  	[tilespmem:s30], [sflag:$0x2] =	stream.linear.gather [hbm4b:s15+s17], $0xA00, $0x38;
	[tilespmem:$0xF500] =	vst v63  }
0x3a: {  	s14 =	sadd.s32 s11, s14;
	_ =	swait.ge [sflag:s29], $0xA00  }
0x3b: {  	s14 =	sshrl.u32 s14, $0x3;
	[sflag:s29] =	ssyncset.done $0x0  }
0x3c: {  	s16 =	sadd.s32 s4, s14;
	[sflag:s29] =	ssyncadd.s32 $0xFFFFF600  }
0x3d: {  	[tilespmem:s31], [sflag:$0x2] =	stream.linear.gather [hbm4b:s16+s17], $0xA00, $0x38;
	[tilespmem:$0xF500] =	vst v63  }
0x3e: {  	_ =	swait.ge [sflag:s29], $0xA00  }
0x3f: {  	[sflag:s29] =	ssyncset.done $0x0  }
0x40: {  	s15 =	simm.s32 $0x0;
	[sflag:s29] =	ssyncadd.s32 $0xFFFFF600  }
0x41: {  	v2 =	vld [tilespmem:s15+$0x7800]  }
0x42: {  	s16 =	simm.s32 $0x40;
	v1 =	vld [tilespmem:s15+$0x8200]  }
.LBB2_6:
0x43: {  	p0 =	sne.s32 s16, $0x27C0;
	_ =	sdelay $0x5  }
0x44: {  	v2 =	vld.idx.msk [tilespmem:v2+s2+$0x0], $0xffff  }
0x45: {  	v3 =	vld.idx.msk [tilespmem:v1+s26+$0x0], $0xffff;
	_ =	sdelay $0x2  }
0x46: {  	v4 =	vld [tilespmem:s15+$0x8C00];
	_ =	sdelay $0x2  }
0x47: {  	v2 =	vadd.f32 v3, v2;
	_ =	sdelay $0x1  }
0x48: {  	v2 =	vadd.f32 v4, v2;
	_ =	sdelay $0x1  }
0x49: {  	v3 =	vmul.f32 $2.000000030e-01, v2;
	_ =	sdelay $0x1  }
0x4a: {  	v2 =	vmax.f32 v2, v3  }
0x4b: {  	v2 =	vmul.f32 $1.442695020e+00, v2;
	_ =	sdelay $0x1  }
0x4c: {  	(erf) = vpow2.f32 v2;
	_ =	sdelay $0x8  }
.Ltmp4:
0x4d: {  	v2 =	vpop (erf);
	(pc) =	sbr.rel @p0 .LBB2_6-.Ltmp4, $4  }
0x4e: {  	[tilespmem:s15+$0x9600] =	vst v2  }
0x4f: {  	s15 =	sshra.s32 s16, $0x2;
	[tilespmem:v1+s1+$0x0] =	vst.idx.add.f32.msk $0xffff, v2  }
0x50: {  	v2 =	vld [tilespmem:s15+$0x7800]  }
0x51: {  	s16 =	sadd.s32 $0x40, s16;
	v1 =	vld [tilespmem:s15+$0x8200]  }
0x52: {  	_ =	sdelay $0x6  }
0x53: {  	v2 =	vld.idx.msk [tilespmem:v2+s2+$0x0], $0xffff  }
0x54: {  	v3 =	vld.idx.msk [tilespmem:v1+s26+$0x0], $0xffff;
	_ =	sdelay $0x1  }
0x55: {  	v4 =	vld [tilespmem:s15+$0x8C00];
	_ =	sdelay $0x2  }
0x56: {  	v2 =	vadd.f32 v3, v2;
	_ =	sdelay $0x1  }
0x57: {  	v2 =	vadd.f32 v4, v2;
	_ =	sdelay $0x1  }
0x58: {  	v3 =	vmul.f32 $2.000000030e-01, v2;
	_ =	sdelay $0x1  }
0x59: {  	v2 =	vmax.f32 v2, v3  }
0x5a: {  	v2 =	vmul.f32 $1.442695020e+00, v2;
	_ =	sdelay $0x1  }
0x5b: {  	(erf) = vpow2.f32 v2;
	_ =	sdelay $0x8  }
0x5c: {  	v2 =	vpop (erf)  }
0x5d: {  	[tilespmem:s15+$0x9600] =	vst v2  }
.Ltmp5:
0x5e: {  	s14 =	sadd.s32 s7, s14;
	[tilespmem:v1+s1+$0x0] =	vst.idx.add.f32.msk $0xffff, v2;
	(pc) =	sbr.rel .LBB2_8-.Ltmp5, $4  }
0x5f: {  	[hbm4b:s14+s2] =	stream.linear.scatter [tilespmem:s0], [sflag:$0x1], $0xA00, $0x38;
	[tilespmem:$0xF500] =	vst v63  }
0x60: {  	_ =	swait.ge [sflag:s25], $0xA00  }
0x61: {  	[sflag:s25] =	ssyncset.done $0x0  }
0x62: {  	[sflag:s25] =	ssyncadd.s32 $0xFFFFF600  }
.LBB2_9:
0x63: {  	s12 =	rddreg [dreg:$0x5]  }
0x64: {  	[spmem:s12] =	stream.linear.scatter [tilespmem:s1], [sflag:$0x1], $0x2800, $0x38;
	[tilespmem:$0xF500] =	vst v63  }
0x65: {  	_ =	swait.ge [sflag:s25], $0x2800  }
0x66: {  	[sflag:s25] =	ssyncset.done $0x0  }
0x67: {  	[sflag:s25] =	ssyncadd.s32 $0xFFFFD800  }
0x68: {  	s16 =	simm.s32 $0xA000;
	[bflag:$0x0] =	sbarrier.arrive $0xFFFF  }
0x69: {  	[tilespmem:s16], [sflag:$0x1] =	stream.strided.gather [spmem:s13], $0x400, s26, s8, $0x38;
	[tilespmem:$0xF500] =	vst v63  }
0x6a: {  	s14 =	simm.s32 $0xA400;
	s17 =	rddreg [dreg:$0x8]  }
0x6b: {  	[tilespmem:s14], [sflag:$0x1] =	stream.strided.gather [spmem:s17], $0x400, s26, s8, $0x38;
	[tilespmem:$0xF500] =	vst v63  }
0x6c: {  	s15 =	rddreg [dreg:$0x9];
	s16 =	simm.s32 $0xA800  }
0x6d: {  	[tilespmem:s16], [sflag:$0x1] =	stream.strided.gather [spmem:s15], $0x400, s26, s8, $0x38;
	[tilespmem:$0xF500] =	vst v63  }
0x6e: {  	s17 =	simm.s32 $0xAC00  }
0x6f: {  	[tilespmem:s17], [sflag:$0x1] =	stream.strided.gather [spmem:s18], $0x400, s26, s8, $0x38;
	[tilespmem:$0xF500] =	vst v63  }
0x70: {  	s14 =	simm.s32 $0xB000  }
0x71: {  	[tilespmem:s14], [sflag:$0x1] =	stream.strided.gather [spmem:s19], $0x400, s26, s8, $0x38;
	[tilespmem:$0xF500] =	vst v63  }
0x72: {  	s15 =	simm.s32 $0xB400  }
0x73: {  	[tilespmem:s15], [sflag:$0x1] =	stream.strided.gather [spmem:s20], $0x400, s26, s8, $0x38;
	[tilespmem:$0xF500] =	vst v63  }
0x74: {  	s16 =	simm.s32 $0xB800  }
0x75: {  	[tilespmem:s16], [sflag:$0x1] =	stream.strided.gather [spmem:s21], $0x400, s26, s8, $0x38;
	[tilespmem:$0xF500] =	vst v63  }
0x76: {  	s17 =	simm.s32 $0xBC00  }
0x77: {  	[tilespmem:s17], [sflag:$0x1] =	stream.strided.gather [spmem:s22], $0x400, s26, s8, $0x38;
	[tilespmem:$0xF500] =	vst v63  }
0x78: {  	s14 =	simm.s32 $0xC000  }
0x79: {  	[tilespmem:s14], [sflag:$0x1] =	stream.strided.gather [spmem:s23], $0x400, s26, s8, $0x38;
	[tilespmem:$0xF500] =	vst v63  }
0x7a: {  	s15 =	simm.s32 $0xC400  }
0x7b: {  	[tilespmem:s15], [sflag:$0x1] =	stream.strided.gather [spmem:s24], $0x400, s26, s8, $0x38;
	[tilespmem:$0xF500] =	vst v63  }
0x7c: {  	s16 =	simm.s32 $0x0;
	_ =	swait.ge [sflag:s25], $0x2800  }
0x7d: {  	s12 =	sand.u32 $0x3C00, s16;
	s17 =	sand.u32 $0x70, s16;
	[sflag:s25] =	ssyncset.done $0x0  }
0x7e: {  	s12 =	sor.u32 s17, s12;
	[sflag:s25] =	ssyncadd.s32 $0xFFFFD800  }
0x7f: {  	v1 =	vld [tilespmem:s12+$0xA080]  }
0x80: {  	v2 =	vld [tilespmem:s12+$0xA000];
	_ =	sdelay $0x1  }
0x81: {  	v3 =	vld [tilespmem:s12+$0xA100];
	_ =	sdelay $0x1  }
0x82: {  	v4 =	vld [tilespmem:s12+$0xA180]  }
0x83: {  	v1 =	vadd.f32 v1, v2  }
0x84: {  	v2 =	vld [tilespmem:s12+$0xA200]  }
0x85: {  	v1 =	vadd.f32 v3, v1  }
0x86: {  	v3 =	vld [tilespmem:s12+$0xA280]  }
0x87: {  	v1 =	vadd.f32 v4, v1  }
0x88: {  	v63 =	vld [tilespmem:s12+$0xA300]  }
0x89: {  	v1 =	vadd.f32 v2, v1  }
0x8a: {  	v2 =	vld [tilespmem:s12+$0xA380]  }
0x8b: {  	v1 =	vadd.f32 v3, v1;
	_ =	sdelay $0x1  }
0x8c: {  	v1 =	vadd.f32 v63, v1;
	_ =	sdelay $0x1  }
0x8d: {  	v1 =	vadd.f32 v2, v1;
	_ =	sdelay $0x1  }
0x8e: {  	v1 =	vadd.f32 $1.000000020e-16, v1;
	_ =	sdelay $0x1  }
0x8f: {  	(erf) = vrcp.f32 v1;
	_ =	sdelay $0x7  }
0x90: {  	s14 =	simm.s32 $0x80;
	s15 =	simm.s32 $0x10  }
0x91: {  	s16 =	sand.u32 $0x3C00, s14;
	s15 =	sand.u32 $0x70, s15;
	s12 =	simm.s32 $0xC800;
	v1 =	vpop (erf)  }
0x92: {  	s16 =	sor.u32 s15, s16;
	s15 =	simm.s32 $0x20;
	[tilespmem:s12+$0x0] =	vst v1  }
.LBB2_10:
0x93: {  	p0 =	sne.s32 s15, $0x4F0;
	v1 =	vld [tilespmem:s16+$0xA080]  }
0x94: {  	v2 =	vld [tilespmem:s16+$0xA000];
	_ =	sdelay $0x1  }
0x95: {  	v3 =	vld [tilespmem:s16+$0xA100];
	_ =	sdelay $0x1  }
0x96: {  	v4 =	vld [tilespmem:s16+$0xA180]  }
0x97: {  	v1 =	vadd.f32 v1, v2  }
0x98: {  	v2 =	vld [tilespmem:s16+$0xA200]  }
0x99: {  	v1 =	vadd.f32 v3, v1  }
0x9a: {  	v3 =	vld [tilespmem:s16+$0xA280]  }
0x9b: {  	v1 =	vadd.f32 v4, v1  }
0x9c: {  	v4 =	vld [tilespmem:s16+$0xA300]  }
0x9d: {  	v1 =	vadd.f32 v2, v1  }
0x9e: {  	v2 =	vld [tilespmem:s16+$0xA380]  }
0x9f: {  	v1 =	vadd.f32 v3, v1;
	_ =	sdelay $0x1  }
0xa0: {  	v1 =	vadd.f32 v4, v1;
	_ =	sdelay $0x1  }
0xa1: {  	v1 =	vadd.f32 v2, v1;
	_ =	sdelay $0x1  }
0xa2: {  	v1 =	vadd.f32 $1.000000020e-16, v1;
	_ =	sdelay $0x1  }
0xa3: {  	(erf) = vrcp.f32 v1;
	_ =	sdelay $0x5  }
.Ltmp6:
0xa4: {  	(pc) =	sbr.rel @p0 .LBB2_10-.Ltmp6, $4  }
0xa5: {  	_ = 	snop  }
0xa6: {  	s14 =	sadd.s32 $0x80, s14  }
0xa7: {  	s12 =	sadd.s32 $0x10, s12;
	s17 =	sand.u32 $0x3C00, s14;
	s16 =	sand.u32 $0x70, s15;
	v1 =	vpop (erf)  }
0xa8: {  	s15 =	sadd.s32 $0x10, s15;
	s16 =	sor.u32 s16, s17;
	[tilespmem:s12+$0x0] =	vst v1  }
0xa9: {  	v1 =	vld [tilespmem:s16+$0xA080]  }
0xaa: {  	v2 =	vld [tilespmem:s16+$0xA000];
	_ =	sdelay $0x1  }
0xab: {  	v3 =	vld [tilespmem:s16+$0xA100];
	_ =	sdelay $0x1  }
0xac: {  	v4 =	vld [tilespmem:s16+$0xA180]  }
0xad: {  	v1 =	vadd.f32 v1, v2  }
0xae: {  	v2 =	vld [tilespmem:s16+$0xA200]  }
0xaf: {  	v1 =	vadd.f32 v3, v1  }
0xb0: {  	v3 =	vld [tilespmem:s16+$0xA280]  }
0xb1: {  	v1 =	vadd.f32 v4, v1  }
0xb2: {  	v63 =	vld [tilespmem:s16+$0xA300]  }
0xb3: {  	v1 =	vadd.f32 v2, v1  }
0xb4: {  	v2 =	vld [tilespmem:s16+$0xA380]  }
0xb5: {  	v1 =	vadd.f32 v3, v1;
	_ =	sdelay $0x1  }
0xb6: {  	v1 =	vadd.f32 v63, v1;
	_ =	sdelay $0x1  }
0xb7: {  	v1 =	vadd.f32 v2, v1;
	_ =	sdelay $0x1  }
0xb8: {  	v1 =	vadd.f32 $1.000000020e-16, v1;
	_ =	sdelay $0x1  }
0xb9: {  	(erf) = vrcp.f32 v1;
	_ =	sdelay $0x8  }
0xba: {  	s12 =	sadd.s32 $0x10, s12;
	v1 =	vpop (erf)  }
0xbb: {  	s14 =	simm.s32 $0xC800;
	s16 =	rddreg [dreg:$0x6];
	[tilespmem:s12+$0x0] =	vst v1  }
0xbc: {  	[hbm4b:s16+s2] =	stream.linear.scatter [tilespmem:s14], [sflag:$0x1], $0x500, $0x38;
	[tilespmem:$0xF500] =	vst v63  }
0xbd: {  	_ =	swait.ge [sflag:s25], $0x500  }
0xbe: {  	s9 =	sadd.s32 $0x1, s9;
	s17 =	rddreg [dreg:$0x7]  }
0xbf: {  	p0 =	sne.s32 s9, s17  }
.Ltmp7:
0xc0: {  	_ = 	snop;
	(pc) =	sbr.rel @p0 .LBB2_1-.Ltmp7, $3  }
0xc1: {  	_ =	sdelay $0x1  }
0xc2: {  	[sflag:s25] =	ssyncset.done $0x0  }
0xc3: {  	[sflag:s25] =	ssyncadd.s32 $0xFFFFFB00  }
0xc4: {  	_ =	sfence.sel $0x180000  }
0xc5: {  	[bflag:$0x0] =	sbarrier.arrive $0xFFFF  }
0xc6: {  	_ =	strace $0x90000047  }
0xc7: {  	s0 =	stileid.u32;
	[bflag:$0x2] =	sbarrier.arrive $0xFFFF  }
0xc8: {  	p0 =	sne.s32 s0, $0x0;
	s0 =	rddreg [dreg:$0x2]  }
0xc9: {  	s0 =	sadd.s32 @!p0 $0x100000, s0  }
0xca: {  	[sflag:s0] =	ssyncadd.tile.s32 @!p0 $0x1;
	_ =	shalt  }
.Lfunc_end2:
_tile_overlayer_lowered:
.L_overlay_start_2:
0xcb: {  	(tag) =	ssettag $0x2  }
0xcc: {  	s0 =	rddreg [dreg:$0x0];
	s2 =	stileid.u32  }
0xcd: {  	s1 =	rddreg [dreg:$0x1];
	p0 =	sne.s32 s2, $0x0  }
0xce: {  	s3 =	rddreg [dreg:$0x2];
	[bflag:$0x3] =	sbarrier.arrive $0xFFFF;
	s2 =	simm.s32 @!p0 $0x1C01  }
0xcf: {  	[timem:s3], [sflag:s2] =	dma.local @!p0 [hbm:s0], s1  }
0xd0: {  	s0 =	simm.s32 @!p0 $0x1  }
0xd1: {  	_ =	swait.ge @!p0 [sflag:s0], s1  }
0xd2: {  	s1 =	ssub.s32 @!p0 $0x0, s1;
	[sflag:s0] =	ssyncset.done @!p0 $0x0  }
0xd3: {  	[sflag:s0] =	ssyncadd.s32 @!p0 s1  }
0xd4: {  	[bflag:$0x3] =	sbarrier.arrive $0xFFFF  }
0xd5: {  	_ =	shalt  }

// kernel: kernel.16.cloned.1.call-start
scs
__scs_entry_jumppad:
0x0: {  	(pc) =	sbr.rel $0x88, $3  }
0x1: {  	(tag) =	ssettag $0x0;
	lr =	simm.s32 $0x1  }
0x2: {  	[smem:$0x3F8C] =	sst lr;
	_ =	strace $0xD0000000  }
0x3: {  	_ = 	snop  }
0x4: {  	_ = 	snop  }
0x5: {  	_ = 	snop  }
0x6: {  	_ = 	snop  }
0x7: {  	_ = 	snop  }
__scs_overlays_trampoline_lowered:
0x8: {  	[smem:$0x3F9B] =	sst s0  }
0x9: {  	[smem:$0x3F9C] =	sst s1  }
0xa: {  	[smem:$0x3F9D] =	sst s2  }
0xb: {  	[smem:$0x3F9E] =	sst s3  }
0xc: {  	[smem:$0x3F9F] =	sst s4  }
0xd: {  	[smem:$0x3FA0] =	sst s5  }
0xe: {  	[smem:$0x3FA1] =	sst s6  }
0xf: {  	[smem:$0x3FA2] =	sst s7  }
0x10: {  	[smem:$0x3FA3] =	sst s8  }
0x11: {  	[smem:$0x3FA4] =	sst s9;
	s0 =	simm.s32 @!p0 $0x0  }
0x12: {  	s1 =	sld [smem:$0x3F8A];
	s0 =	simm.s32 @p0 $0x1  }
0x13: {  	[smem:$0x3FA5] =	sst s0;
	s0 =	simm.s32 @!p1 $0x0  }
0x14: {  	s2 =	sld [smem:$0x3F89];
	s0 =	simm.s32 @p1 $0x1  }
0x15: {  	[smem:$0x3FA6] =	sst s0;
	s0 =	simm.s32 @!p2 $0x0  }
0x16: {  	s3 =	sld [smem:$0x3FDB];
	s0 =	simm.s32 @p2 $0x1  }
0x17: {  	s4 =	simm.s32 $0x1BF5;
	[smem:$0x3FA8] =	sst s0  }
0x18: {  	s0 =	sld [smem:$0x3F8B];
	_ =	swait.ge [sflag:s4], $0x0  }
0x19: {  	s7 =	sld [smem:$0x3F8C]  }
0x1a: {  	s8 =	sadd.s32 $0xFFFFE003, lr  }
0x1b: {  	s9 =	sadd.s32 $0xFFFFFEF7, lr;
	s5 =	simm.s32 $0xFFFFFFFF;
	p2 =	slt.u32 s8, $0xFFFFF086  }
0x1c: {  	p1 =	slt.u32 s9, $0xF7A;
	s5 =	simm.s32 @!p2 $0x0  }
0x1d: {  	s5 =	simm.s32 @p1 $0x1;
	p0 =	seq.s32 s7, s2  }
0x1e: {  	s7 =	smul.u32 @!p0 $0xF7A, s2;
	p2 =	seq.s32 @!p0 s5, $0x0  }
0x1f: {  	s9 =	smul.u32 $0xF7A, s1;
	s8 =	simm.s32 @!p0 $0x1BF5;
	p2 =	por !p2, p0  }
0x20: {  	[sflag:s8] =	ssyncset.s32 @!p0 $0xFFFFF086;
	s6 =	sadd.s32 @!p0 s3, s7;
	s7 =	simm.s32 @!p0 $0x108  }
0x21: {  	s3 =	sadd.s32 s3, s9;
	s6 =	sadd.s32 @!p0 $0x88, s6;
	s7 =	simm.s32 @p2 $0x1082  }
0x22: {  	[simem:s7], [sflag:s8] =	dma.local @!p0 [hbm:s6], $0xF7A  }
0x23: {  	s9 =	sor.u32 $0xD0000000, s2;
	s6 =	simm.s32 $0x108;
	_ =	swait.ge @!p0 [sflag:s8], $0x0  }
0x24: {  	s3 =	sadd.s32 $0x88, s3;
	s6 =	simm.s32 @!p1 $0x1082;
	[sflag:s4] =	ssyncset.s32 $0xFFFFF086  }
0x25: {  	[simem:s6], [sflag:s4] =	dma.local [hbm:s3], $0xF7A  }
0x26: {  	[smem:$0x3F8C] =	sst s1;
	(tag) =	ssettag s2;
	_ =	strace s9  }
0x27: {  	s1 =	sld [smem:$0x3F9C]  }
0x28: {  	s2 =	sld [smem:$0x3F9D]  }
0x29: {  	s4 =	sld [smem:$0x3F9F]  }
0x2a: {  	p0 =	seq.s32 s5, $0x0;
	s5 =	sld [smem:$0x3FA0]  }
0x2b: {  	s6 =	sld [smem:$0x3FA1]  }
0x2c: {  	s7 =	sld [smem:$0x3FA2]  }
0x2d: {  	s3 =	simm.s32 $0x108;
	s8 =	sld [smem:$0x3FA3]  }
0x2e: {  	s3 =	simm.s32 @!p0 $0x1082;
	s9 =	sld [smem:$0x3FA4]  }
0x2f: {  	lr =	sadd.s32 s0, s3;
	s0 =	sld [smem:$0x3F9B]  }
0x30: {  	s3 =	sld [smem:$0x3F9E]  }
0x31: {  	[smem:$0x3FA7] =	sst s10  }
0x32: {  	s10 =	sld [smem:$0x3FA5];
	_ =	sdelay $0x3  }
0x33: {  	p0 =	seq.s32 s10, $0x1;
	s10 =	sld [smem:$0x3FA7];
	_ =	sdelay $0x3  }
0x34: {  	[smem:$0x3FA7] =	sst s10  }
0x35: {  	s10 =	sld [smem:$0x3FA6];
	_ =	sdelay $0x3  }
0x36: {  	p1 =	seq.s32 s10, $0x1;
	s10 =	sld [smem:$0x3FA7];
	_ =	sdelay $0x3  }
0x37: {  	[smem:$0x3FA7] =	sst s10  }
0x38: {  	s10 =	sld [smem:$0x3FA8]  }
0x39: {  	_ = 	snop;
	(pc) =	sbr.ind lr, $3  }
0x3a: {  	_ = 	snop  }
0x3b: {  	_ = 	snop  }
0x3c: {  	p2 =	seq.s32 s10, $0x1;
	s10 =	sld [smem:$0x3FA7]  }
0x3d: {  	_ =	shalt  }
0x3e: {  	_ =	shalt  }
0x3f: {  	_ =	shalt  }
0x40: {  	_ =	shalt  }
0x41: {  	_ =	shalt  }
0x42: {  	_ =	shalt  }
0x43: {  	_ =	shalt  }
0x44: {  	_ =	shalt  }
0x45: {  	_ =	shalt  }
0x46: {  	_ =	shalt  }
0x47: {  	_ =	shalt  }
0x48: {  	_ =	shalt  }
0x49: {  	_ =	shalt  }
0x4a: {  	_ =	shalt  }
0x4b: {  	_ =	shalt  }
0x4c: {  	_ =	shalt  }
0x4d: {  	_ =	shalt  }
0x4e: {  	_ =	shalt  }
0x4f: {  	_ =	shalt  }
0x50: {  	_ =	shalt  }
0x51: {  	_ =	shalt  }
0x52: {  	_ =	shalt  }
0x53: {  	_ =	shalt  }
0x54: {  	_ =	shalt  }
0x55: {  	_ =	shalt  }
0x56: {  	_ =	shalt  }
0x57: {  	_ =	shalt  }
0x58: {  	_ =	shalt  }
0x59: {  	_ =	shalt  }
0x5a: {  	_ =	shalt  }
0x5b: {  	_ =	shalt  }
0x5c: {  	_ =	shalt  }
0x5d: {  	_ =	shalt  }
0x5e: {  	_ =	shalt  }
0x5f: {  	_ =	shalt  }
0x60: {  	_ =	shalt  }
0x61: {  	_ =	shalt  }
0x62: {  	_ =	shalt  }
0x63: {  	_ =	shalt  }
0x64: {  	_ =	shalt  }
0x65: {  	_ =	shalt  }
0x66: {  	_ =	shalt  }
0x67: {  	_ =	shalt  }
0x68: {  	_ =	shalt  }
0x69: {  	_ =	shalt  }
0x6a: {  	_ =	shalt  }
0x6b: {  	_ =	shalt  }
0x6c: {  	_ =	shalt  }
0x6d: {  	_ =	shalt  }
0x6e: {  	_ =	shalt  }
0x6f: {  	_ =	shalt  }
0x70: {  	_ =	shalt  }
0x71: {  	_ =	shalt  }
0x72: {  	_ =	shalt  }
0x73: {  	_ =	shalt  }
0x74: {  	_ =	shalt  }
0x75: {  	_ =	shalt  }
0x76: {  	_ =	shalt  }
0x77: {  	_ =	shalt  }
0x78: {  	_ =	shalt  }
0x79: {  	_ =	shalt  }
0x7a: {  	_ =	shalt  }
0x7b: {  	_ =	shalt  }
0x7c: {  	_ =	shalt  }
0x7d: {  	_ =	shalt  }
0x7e: {  	_ =	shalt  }
0x7f: {  	_ =	shalt  }
0x80: {  	_ =	shalt  }
0x81: {  	_ =	shalt  }
0x82: {  	_ =	shalt  }
0x83: {  	_ =	shalt  }
0x84: {  	_ =	shalt  }
0x85: {  	_ =	shalt  }
0x86: {  	_ =	shalt  }
0x87: {  	_ =	shalt  }
.Lfunc_end0:
.L_simem_size_0:
called_computation.1_lowered:
.L_overlay_start_0:
0x88: {  	s2 =	sld [smem:$0x3FD9]  }
0x89: {  	s3 =	sld [smem:$0x3FFE];
	_ =	sdelay $0x1  }
0x8a: {  	s1 =	srdreg.scid  }
0x8b: {  	s0 =	sand.u32 $0x1, s1  }
0x8c: {  	s16 =	sshll.u32 s0, $0xA;
	s2 =	sadd.s32 s3, s2  }
0x8d: {  	s2 =	sadd.s32 s2, s16  }
0x8e: {  	[smem:$0x3FB3] =	sst s2  }
0x8f: {  	_ = 	snop  }
0x90: {  	(tm) =	ssettm $0x1  }
0x91: {  	s17 =	sld [smem:$0x3FFB];
	_ =	sdelay $0x3  }
0x92: {  	_ =	strace s17  }
0x93: {  	s2 =	sld [smem:$0x3FFC];
	_ =	sdelay $0x3  }
0x94: {  	_ =	strace s2  }
0x95: {  	s2 =	sld [smem:$0x3FFD];
	_ =	sdelay $0x3  }
0x96: {  	_ =	strace s2  }
0x97: {  	_ =	strace $0x8FFFFFFF  }
0x98: {  	s18 =	sld [smem:$0x3FDB];
	_ =	sdelay $0x1  }
0x99: {  	s19 =	simm.s32 $_scs_section_size  }
0x9a: {  	s4 =	simm.s32 $_size__tile_overlayer_lowered;
	s5 =	simm.s32 $_tile_overlayer_lowered  }
0x9b: {  	s22 =	simm.s32 $0x1BFF;
	s21 =	sshll.u32 s5, $0x1;
	s2 =	sadd.s32 s19, s18  }
0x9c: {  	s6 =	simm.s32 $0x0;
	s20 =	sshll.u32 s4, $0x1;
	s4 =	sadd.s32 s21, s2  }
0x9d: {  	[timem:s6], [sflag:s22] =	dma.local [hbm:s4], s20  }
0x9e: {  	_ =	swait.ge [sflag:s22], s20  }
0x9f: {  	s3 =	ssub.s32 $0x0, s20;
	[sflag:s22] =	ssyncset.done $0x0  }
0xa0: {  	[sflag:s22] =	ssyncadd.s32 s3;
	_ =	sdelay $0x1  }
0xa1: {  	s23 =	simm.s32 $0x1B8B  }
0xa2: {  	_ =	swait.ge [sflag:s23], $0x1  }
0xa3: {  	[sflag:s23] =	ssyncset.done $0x0  }
0xa4: {  	s25 =	simm.s32 $0x1B8E;
	s24 =	sld [smem:$0x3FFE];
	[sflag:s23] =	ssyncadd.s32 $0xFFFFFFFF  }
0xa5: {  	s26 =	simm.s32 $execute0_lowered;
	[smem:$0x3FD2] =	sst s25  }
0xa6: {  	s4 =	sshll.u32 s26, $0x1;
	_ =	strace $0x80000049;
	[dreg:$0x1] =	wrdreg $0xFFFFFFFF  }
0xa7: {  	s28 =	simm.s32 $_size_execute0_lowered;
	s2 =	sadd.s32 s2, s4;
	[dreg:$0x0] =	wrdreg $0x0  }
0xa8: {  	s4 =	sshll.u32 s28, $0x1;
	[dreg:$0x2] =	wrdreg s2  }
0xa9: {  	[dreg:$0x3] =	wrdreg s4  }
0xaa: {  	[dreg:$0x4] =	wrdreg $0xC0  }
0xab: {  	_ =	task [dreg:s6], $0x5FFFF  }
0xac: {  	[dreg:$0x1] =	wrdreg $0xFFFFFFFF  }
0xad: {  	[dreg:$0x0] =	wrdreg $0x60  }
0xae: {  	[dreg:$0x2] =	wrdreg s24  }
0xaf: {  	[dreg:$0x3] =	wrdreg $0x9  }
0xb0: {  	_ =	task.clear_ibuf [dreg:s6], $0x4FFFF;
	_ =	strace $0x90000049  }
0xb1: {  	s29 =	simm.s32 $0x9;
	_ =	strace $0x8000004B  }
0xb2: {  	_ =	swait.ge [sflag:s29], $0x1  }
0xb3: {  	[sflag:s29] =	ssyncadd.s32 $0xFFFFFFFF  }
0xb4: {  	_ =	strace $0x9000004B  }
0xb5: {  	_ =	sfence  }
0xb6: {  	s30 =	sld [smem:$0x0];
	_ =	sdelay $0x2  }
0xb7: {  	s31 =	sshll.u32 s1, $0xD;
	s1 =	sshrl.u32 s1, $0x2  }
0xb8: {  	s3 =	sand.u32 $0x4000, s31;
	s1 =	sadd.s32 s1, s30  }
0xb9: {  	s0 =	sor.u32 s3, s0;
	s1 =	sshll.u32 s1, $0x11  }
0xba: {  	s0 =	sor.u32 s1, s0  }
0xbb: {  	s0 =	sadd.s32 $0x8F2B, s0  }
0xbc: {  	[sflag:s0] =	ssyncadd.remote.s32 $0x1  }
0xbd: {  	_ =	sfence.sel $0xFFFF  }
0xbe: {  	[dreg:$0x0] =	wrdreg $0xFFFFFFFF;
	(pc) =	sbr.abs _section_cstart, $3  }
0xbf: {  	[dreg:$0x1] =	wrdreg $0xFFFFFFFF  }
0xc0: {  	_ =	task.clear_ibuf [dreg:s6], $0x2FFFF;
	_ =	strace $0x9FFFFFFF  }
0xc1: {  	(tm) =	ssettm $0x7FFFFFFF  }
tec
execute0_lowered:
.L_overlay_start_1:
0x0: {  	(tag) =	ssettag $0x1  }
0x1: {  	s0 =	srdreg.scid  }
0x2: {  	s18 =	stileid.u32;
	s8 =	rddreg [dreg:$0x0]  }
0x3: {  	s3 =	simm.s32 $0x1;
	s5 =	simm.s32 $0x1;
	s28 =	simm.s32 $0x1B800  }
0x4: {  	s29 =	simm.s32 $0x1C200;
	s30 =	simm.s32 $0x1CC00;
	s31 =	simm.s32 $0x1D600  }
0x5: {  	s0 =	sand.u32 $0x1, s0;
	s2 =	sand.u32 $0x7, s18;
	s11 =	sadd.s32 $0x130200, s8  }
0x6: {  	s7 =	sadd.s32 $0x9800, s8;
	s14 =	sadd.s32 $0x158200, s8;
	s23 =	sshll.u32 s18, $0x1  }
0x7: {  	s1 =	sshll.u32 s0, $0x4;
	p1 =	sne.s32 s2, $0x0;
	s2 =	simm.s32 $0x0  }
0x8: {  	s0 =	ssub.s32 $0x2, s0;
	s25 =	sand.u32 $0xE, s23;
	s1 =	sor.u32 s18, s1  }
0x9: {  	[smem:$0x7FF] =	sst s2;
	s12 =	sshrl.u32 s0, $0x1;
	p0 =	seq.s32 s1, $0x0  }
0xa: {  	s4 =	sshrl.u32 s1, $0x3;
	_ =	strace $0x8000004A;
	s10 =	smul.u32 $0xA000, s1  }
0xb: {  	s16 =	smul.u32 $0x1400, s1;
	s0 =	ssub.s32 s0, s12;
	p0 =	por !p1, !p0  }
0xc: {  	s12 =	smul.u32 $0x4E200, s25;
	p0 =	por !p0, !p0;
	s15 =	sshrl.u32 s10, $0x3  }
0xd: {  	s21 =	sadd.s32 s11, s16;
	s3 =	simm.s32 @!p0 $0x0;
	s17 =	sadd.s32 $0x500, s15  }
0xe: {  	[dreg:$0x2] =	wrdreg s21;
	s24 =	sadd.s32 $0xA00, s15;
	s21 =	smul.u32 $0x5000, s1  }
0xf: {  	s19 =	sadd.s32 $0xF00, s15;
	s1 =	smul.u32 $0xA00, s1;
	s9 =	ssub.s32 s4, s3  }
0x10: {  	s3 =	sadd.s32 $0x93E00, s8;
	s4 =	sadd.s32 $0x1D400, s8;
	s22 =	sadd.s32 s11, s17  }
0x11: {  	s26 =	sadd.s32 s11, s24;
	s15 =	sadd.s32 s11, s19;
	[dreg:$0x3] =	wrdreg s22  }
0x12: {  	s23 =	sadd.s32 s14, s17;
	s24 =	sadd.s32 s14, s24;
	[dreg:$0x4] =	wrdreg s26  }
0x13: {  	s25 =	sadd.s32 s14, s19;
	s6 =	smul.u32 $0x2800, s9;
	[dreg:$0x5] =	wrdreg s15  }
0x14: {  	s11 =	simm.s32 $0x11800;
	s10 =	smul.u32 $0x4E200, s9;
	[dreg:$0x8] =	wrdreg s23  }
0x15: {  	s15 =	sadd.s32 $0x4E200, s12;
	s22 =	sadd.s32 s14, s16;
	[dreg:$0x9] =	wrdreg s24  }
0x16: {  	s9 =	sshrl.u32 s21, $0x3;
	[dreg:$0xa] =	wrdreg s25;
	s23 =	simm.s32 $0x2800  }
0x17: {  	s24 =	simm.s32 $0x5000;
	s25 =	simm.s32 $0x7800;
	s14 =	simm.s32 $0x16800  }
0x18: {  	s16 =	simm.s32 $0x0;
	s21 =	simm.s32 $0x0;
	[dreg:$0x7] =	wrdreg s22  }
0x19: {  	s22 =	smax.u32 s0, $0x1;
	s0 =	simm.s32 $0xA000;
	s6 =	sshrl.u32 s6, $0x3  }
0x1a: {  	s13 =	sadd.s32 s6, s8;
	s6 =	sadd.s32 $0x13600, s8;
	s8 =	sadd.s32 $0x6B800, s8  }
0x1b: {  	s20 =	sadd.s32 $0x92A00, s13;
	s1 =	sadd.s32 s8, s1;
	s26 =	sadd.s32 s8, s9  }
0x1c: {  	s8 =	simm.s32 $0xC800;
	s9 =	simm.s32 $0xF000;
	[dreg:$0x6] =	wrdreg s20  }
0x1d: {  	s13 =	simm.s32 $0x14000;
	[dreg:$0xb] =	wrdreg s1;
	s1 =	sadd.s32 $0x500, s26  }
0x1e: {  	v0 =	vimm.f32 $0.0e+00;
	s26 =	simm.s32 $0x19000;
	[dreg:$0xc] =	wrdreg s1;
	s1 =	simm.s32 $0x1E000  }
.LBB2_1:
0x1f: {  	s17 =	rddreg [dreg:$0x2]  }
0x20: {  	[tilespmem:s2], [sflag:$0x1] =	stream.linear.gather [hbm4b:s17+s2], $0x2800, $0x38;
	[tilespmem:$0x1EA00] =	vst v63  }
0x21: {  	_ =	swait.ge [sflag:s5], $0x2800  }
0x22: {  	[sflag:s5] =	ssyncset.done $0x0  }
0x23: {  	s20 =	rddreg [dreg:$0x3];
	[sflag:s5] =	ssyncadd.s32 $0xFFFFD800  }
0x24: {  	[tilespmem:s23], [sflag:$0x1] =	stream.linear.gather [hbm4b:s20+s2], $0x2800, $0x38;
	[tilespmem:$0x1EA00] =	vst v63  }
0x25: {  	_ =	swait.ge [sflag:s5], $0x2800  }
0x26: {  	[sflag:s5] =	ssyncset.done $0x0  }
0x27: {  	s18 =	rddreg [dreg:$0x4];
	[sflag:s5] =	ssyncadd.s32 $0xFFFFD800  }
0x28: {  	[tilespmem:s24], [sflag:$0x1] =	stream.linear.gather [hbm4b:s18+s2], $0x2800, $0x38;
	[tilespmem:$0x1EA00] =	vst v63  }
0x29: {  	_ =	swait.ge [sflag:s5], $0x2800  }
0x2a: {  	[sflag:s5] =	ssyncset.done $0x0  }
0x2b: {  	s19 =	rddreg [dreg:$0x5];
	[sflag:s5] =	ssyncadd.s32 $0xFFFFD800  }
0x2c: {  	[tilespmem:s25], [sflag:$0x1] =	stream.linear.gather [hbm4b:s19+s2], $0x2800, $0x38;
	[tilespmem:$0x1EA00] =	vst v63  }
0x2d: {  	_ =	swait.ge [sflag:s5], $0x2800  }
0x2e: {  	[sflag:s5] =	ssyncset.done $0x0  }
0x2f: {  	s20 =	rddreg [dreg:$0x6];
	[sflag:s5] =	ssyncadd.s32 $0xFFFFD800  }
0x30: {  	[tilespmem:s26], [sflag:$0x1] =	stream.linear.gather [hbm4b:s20+s2], $0x2800, $0x38;
	[tilespmem:$0x1EA00] =	vst v63  }
0x31: {  	_ =	swait.ge [sflag:s5], $0x2800  }
0x32: {  	[sflag:s5] =	ssyncset.done $0x0  }
0x33: {  	s17 =	simm.s32 $0x40;
	s18 =	simm.s32 $0x0;
	[sflag:s5] =	ssyncadd.s32 $0xFFFFD800  }
.LBB2_2:
0x34: {  	p0 =	sne.s32 s17, $0x9FC0;
	[tilespmem:s18+$0xA000] =	vst v0;
	s18 =	smov.u32 s17;
	s17 =	sadd.s32 $0x40, s17  }
.Ltmp0:
0x35: {  	(pc) =	sbr.rel @p0 .LBB2_2-.Ltmp0, $2  }
0x36: {  	_ =	sdelay $0x2  }
0x37: {  	s18 =	sshra.s32 s18, $0x2  }
0x38: {  	[tilespmem:s18+$0xA000] =	vst v0;
	s17 =	simm.s32 $0x40;
	s18 =	simm.s32 $0x0  }
.LBB2_4:
0x39: {  	p0 =	sne.s32 s17, $0x9FC0;
	[tilespmem:s18+$0xC800] =	vst v0;
	s18 =	smov.u32 s17;
	s17 =	sadd.s32 $0x40, s17  }
.Ltmp1:
0x3a: {  	(pc) =	sbr.rel @p0 .LBB2_4-.Ltmp1, $2  }
0x3b: {  	_ =	sdelay $0x2  }
0x3c: {  	s18 =	sshra.s32 s18, $0x2  }
0x3d: {  	[tilespmem:s18+$0xC800] =	vst v0;
	s17 =	simm.s32 $0x40;
	s18 =	simm.s32 $0x0  }
.LBB2_6:
0x3e: {  	p0 =	sne.s32 s17, $0x9FC0;
	[tilespmem:s18+$0xF000] =	vst v0;
	s18 =	smov.u32 s17;
	s17 =	sadd.s32 $0x40, s17  }
.Ltmp2:
0x3f: {  	(pc) =	sbr.rel @p0 .LBB2_6-.Ltmp2, $2  }
0x40: {  	_ =	sdelay $0x2  }
0x41: {  	s18 =	sshra.s32 s18, $0x2  }
0x42: {  	[tilespmem:s18+$0xF000] =	vst v0;
	s17 =	simm.s32 $0x40;
	s18 =	simm.s32 $0x0  }
.LBB2_8:
0x43: {  	p0 =	sne.s32 s17, $0x9FC0;
	[tilespmem:s18+$0x11800] =	vst v0;
	s18 =	smov.u32 s17;
	s17 =	sadd.s32 $0x40, s17  }
.Ltmp3:
0x44: {  	(pc) =	sbr.rel @p0 .LBB2_8-.Ltmp3, $2  }
0x45: {  	_ =	sdelay $0x2  }
0x46: {  	s18 =	sshra.s32 s18, $0x2  }
0x47: {  	[tilespmem:s18+$0x11800] =	vst v0;
	s17 =	simm.s32 $0x40;
	s18 =	simm.s32 $0x0  }
.LBB2_10:
0x48: {  	p0 =	sne.s32 s17, $0x9FC0;
	[tilespmem:s18+$0x14000] =	vst v0;
	s18 =	smov.u32 s17;
	s17 =	sadd.s32 $0x40, s17  }
.Ltmp4:
0x49: {  	(pc) =	sbr.rel @p0 .LBB2_10-.Ltmp4, $2  }
0x4a: {  	_ =	sdelay $0x2  }
0x4b: {  	s18 =	sshra.s32 s18, $0x2  }
0x4c: {  	[tilespmem:s18+$0x14000] =	vst v0;
	s17 =	simm.s32 $0x0;
	s18 =	simm.s32 $0x40;
	s19 =	simm.s32 $0x0  }
.LBB2_12:
0x4d: {  	p0 =	sne.s32 s18, $0x9FC0;
	[tilespmem:s19+$0x16800] =	vst v0;
	s19 =	smov.u32 s18;
	s18 =	sadd.s32 $0x40, s18  }
.Ltmp5:
0x4e: {  	(pc) =	sbr.rel @p0 .LBB2_12-.Ltmp5, $2  }
0x4f: {  	_ =	sdelay $0x2  }
0x50: {  	s19 =	sshra.s32 s19, $0x2  }
0x51: {  	[tilespmem:s19+$0x16800] =	vst v0  }
.LBB2_14:
0x52: {  	s18 =	smul.u32 $0xA00, s17;
	_ =	sdelay $0x1  }
0x53: {  	s19 =	sshrl.u32 s18, $0x3  }
0x54: {  	s20 =	sadd.s32 s6, s19  }
0x55: {  	[tilespmem:s28], [sflag:$0x1] =	stream.linear.gather [hbm4b:s20+s21], $0xA00, $0x38;
	[tilespmem:$0x1EA00] =	vst v63  }
0x56: {  	_ =	swait.ge [sflag:s5], $0xA00  }
0x57: {  	[sflag:s5] =	ssyncset.done $0x0  }
0x58: {  	s19 =	sadd.s32 s7, s19;
	[sflag:s5] =	ssyncadd.s32 $0xFFFFF600  }
0x59: {  	[tilespmem:s29], [sflag:$0x1] =	stream.linear.gather [hbm4b:s19+s21], $0xA00, $0x38;
	[tilespmem:$0x1EA00] =	vst v63  }
0x5a: {  	s20 =	sadd.s32 s10, s18;
	_ =	swait.ge [sflag:s5], $0xA00  }
0x5b: {  	s19 =	sshrl.u32 s20, $0x3;
	[sflag:s5] =	ssyncset.done $0x0  }
0x5c: {  	s19 =	sadd.s32 s4, s19;
	[sflag:s5] =	ssyncadd.s32 $0xFFFFF600  }
0x5d: {  	[tilespmem:s30], [sflag:$0x1] =	stream.linear.gather [hbm4b:s19+s21], $0xA00, $0x38;
	[tilespmem:$0x1EA00] =	vst v63  }
0x5e: {  	s20 =	sadd.s32 s12, s18;
	_ =	swait.ge [sflag:s5], $0xA00  }
0x5f: {  	s19 =	sshrl.u32 s20, $0x3;
	[sflag:s5] =	ssyncset.done $0x0  }
0x60: {  	s19 =	sadd.s32 s3, s19;
	[sflag:s5] =	ssyncadd.s32 $0xFFFFF600  }
0x61: {  	[tilespmem:s31], [sflag:$0x1] =	stream.linear.gather [hbm4b:s19+s21], $0xA00, $0x38;
	[tilespmem:$0x1EA00] =	vst v63  }
0x62: {  	s18 =	sadd.s32 s15, s18;
	_ =	swait.ge [sflag:s5], $0xA00  }
0x63: {  	s18 =	sshrl.u32 s18, $0x3;
	[sflag:s5] =	ssyncset.done $0x0  }
0x64: {  	s18 =	sadd.s32 s3, s18;
	[sflag:s5] =	ssyncadd.s32 $0xFFFFF600  }
0x65: {  	[tilespmem:s1], [sflag:$0x1] =	stream.linear.gather [hbm4b:s18+s21], $0xA00, $0x38;
	[tilespmem:$0x1EA00] =	vst v63  }
0x66: {  	_ =	swait.ge [sflag:s5], $0xA00  }
0x67: {  	[sflag:s5] =	ssyncset.done $0x0  }
0x68: {  	s20 =	simm.s32 $0x0;
	[sflag:s5] =	ssyncadd.s32 $0xFFFFF600  }
0x69: {  	v1 =	vld [tilespmem:s20+$0x1C200];
	_ =	sdelay $0x1  }
0x6a: {  	v2 =	vld [tilespmem:s20+$0x1B800];
	_ =	sdelay $0x4  }
0x6b: {  	v4 =	vld [tilespmem:s20+$0x1CC00]  }
0x6c: {  	v3 =	vld.idx.msk [tilespmem:v1+s26+$0x0], $0xffff;
	_ =	sdelay $0x1  }
0x6d: {  	v5 =	vld.idx.msk [tilespmem:v2+s2+$0x0], $0xffff;
	_ =	sdelay $0x2  }
0x6e: {  	v3 =	vmul.f32 v3, v4;
	_ =	sdelay $0x1  }
0x6f: {  	v4 =	vmul.f32 v5, v3;
	_ =	sdelay $0x1  }
0x70: {  	[tilespmem:v1+s0+$0x0] =	vst.idx.add.f32.msk $0xffff, v4  }
0x71: {  	v4 =	vld.idx.msk [tilespmem:v2+s23+$0x0], $0xffff;
	_ =	sdelay $0x4  }
0x72: {  	v4 =	vmul.f32 v4, v3;
	_ =	sdelay $0x1  }
0x73: {  	[tilespmem:v1+s8+$0x0] =	vst.idx.add.f32.msk $0xffff, v4  }
0x74: {  	v4 =	vld.idx.msk [tilespmem:v2+s24+$0x0], $0xffff;
	_ =	sdelay $0x4  }
0x75: {  	v4 =	vmul.f32 v4, v3;
	_ =	sdelay $0x1  }
0x76: {  	[tilespmem:v1+s9+$0x0] =	vst.idx.add.f32.msk $0xffff, v4  }
0x77: {  	v2 =	vld.idx.msk [tilespmem:v2+s25+$0x0], $0xffff;
	_ =	sdelay $0x4  }
0x78: {  	v2 =	vmul.f32 v2, v3;
	_ =	sdelay $0x1  }
0x79: {  	[tilespmem:v1+s11+$0x0] =	vst.idx.add.f32.msk $0xffff, v2  }
0x7a: {  	v2 =	vld [tilespmem:s20+$0x1D600];
	_ =	sdelay $0x4  }
0x7b: {  	v2 =	vmul.f32 v2, v3;
	_ =	sdelay $0x1  }
0x7c: {  	[tilespmem:v1+s13+$0x0] =	vst.idx.add.f32.msk $0xffff, v2  }
0x7d: {  	v2 =	vld [tilespmem:s20+$0x1E000];
	_ =	sdelay $0x4  }
0x7e: {  	s19 =	simm.s32 $0x80;
	s18 =	simm.s32 $0x40;
	v2 =	vmul.f32 v2, v3  }
.LBB2_15:
0x7f: {  	p0 =	sne.s32 s19, $0x27C0  }
0x80: {  	s20 =	sshra.s32 s18, $0x2;
	s18 =	smov.u32 s19;
	s19 =	sadd.s32 $0x40, s19;
	[tilespmem:v1+s14+$0x0] =	vst.idx.add.f32.msk $0xffff, v2  }
0x81: {  	v1 =	vld [tilespmem:s20+$0x1C200];
	_ =	sdelay $0x1  }
0x82: {  	v2 =	vld [tilespmem:s20+$0x1B800];
	_ =	sdelay $0x5  }
0x83: {  	v3 =	vld.idx.msk [tilespmem:v1+s26+$0x0], $0xffff  }
0x84: {  	v4 =	vld [tilespmem:s20+$0x1CC00]  }
0x85: {  	v5 =	vld.idx.msk [tilespmem:v2+s2+$0x0], $0xffff;
	_ =	sdelay $0x3  }
0x86: {  	v3 =	vmul.f32 v3, v4;
	_ =	sdelay $0x1  }
0x87: {  	v4 =	vmul.f32 v5, v3;
	_ =	sdelay $0x1  }
0x88: {  	[tilespmem:v1+s0+$0x0] =	vst.idx.add.f32.msk $0xffff, v4  }
0x89: {  	v4 =	vld.idx.msk [tilespmem:v2+s23+$0x0], $0xffff;
	_ =	sdelay $0x5  }
0x8a: {  	v4 =	vmul.f32 v4, v3;
	_ =	sdelay $0x1  }
0x8b: {  	[tilespmem:v1+s8+$0x0] =	vst.idx.add.f32.msk $0xffff, v4  }
0x8c: {  	v4 =	vld.idx.msk [tilespmem:v2+s24+$0x0], $0xffff;
	_ =	sdelay $0x5  }
0x8d: {  	v4 =	vmul.f32 v4, v3;
	_ =	sdelay $0x1  }
0x8e: {  	[tilespmem:v1+s9+$0x0] =	vst.idx.add.f32.msk $0xffff, v4  }
0x8f: {  	v2 =	vld.idx.msk [tilespmem:v2+s25+$0x0], $0xffff;
	_ =	sdelay $0x5  }
0x90: {  	v2 =	vmul.f32 v2, v3;
	_ =	sdelay $0x1  }
0x91: {  	[tilespmem:v1+s11+$0x0] =	vst.idx.add.f32.msk $0xffff, v2  }
0x92: {  	v2 =	vld [tilespmem:s20+$0x1D600];
	_ =	sdelay $0x4  }
0x93: {  	v2 =	vmul.f32 v2, v3;
	_ =	sdelay $0x1  }
0x94: {  	[tilespmem:v1+s13+$0x0] =	vst.idx.add.f32.msk $0xffff, v2  }
0x95: {  	v2 =	vld [tilespmem:s20+$0x1E000]  }
.Ltmp6:
0x96: {  	(pc) =	sbr.rel @p0 .LBB2_15-.Ltmp6, $2  }
0x97: {  	_ =	sdelay $0x2  }
0x98: {  	v2 =	vmul.f32 v2, v3  }
0x99: {  	_ =	sdelay $0x3  }
0x9a: {  	s18 =	sshra.s32 s18, $0x2;
	[tilespmem:v1+s14+$0x0] =	vst.idx.add.f32.msk $0xffff, v2  }
0x9b: {  	v1 =	vld [tilespmem:s18+$0x1C200];
	_ =	sdelay $0x1  }
0x9c: {  	v2 =	vld [tilespmem:s18+$0x1B800];
	_ =	sdelay $0x4  }
0x9d: {  	v4 =	vld [tilespmem:s18+$0x1CC00]  }
0x9e: {  	v3 =	vld.idx.msk [tilespmem:v1+s26+$0x0], $0xffff;
	_ =	sdelay $0x1  }
0x9f: {  	v5 =	vld.idx.msk [tilespmem:v2+s2+$0x0], $0xffff;
	_ =	sdelay $0x2  }
0xa0: {  	v3 =	vmul.f32 v3, v4;
	_ =	sdelay $0x1  }
0xa1: {  	v4 =	vmul.f32 v5, v3;
	_ =	sdelay $0x1  }
0xa2: {  	[tilespmem:v1+s0+$0x0] =	vst.idx.add.f32.msk $0xffff, v4  }
0xa3: {  	v4 =	vld.idx.msk [tilespmem:v2+s23+$0x0], $0xffff;
	_ =	sdelay $0x4  }
0xa4: {  	v4 =	vmul.f32 v4, v3;
	_ =	sdelay $0x1  }
0xa5: {  	[tilespmem:v1+s8+$0x0] =	vst.idx.add.f32.msk $0xffff, v4  }
0xa6: {  	v4 =	vld.idx.msk [tilespmem:v2+s24+$0x0], $0xffff;
	_ =	sdelay $0x4  }
0xa7: {  	v4 =	vmul.f32 v4, v3;
	_ =	sdelay $0x1  }
0xa8: {  	[tilespmem:v1+s9+$0x0] =	vst.idx.add.f32.msk $0xffff, v4  }
0xa9: {  	v2 =	vld.idx.msk [tilespmem:v2+s25+$0x0], $0xffff;
	_ =	sdelay $0x4  }
0xaa: {  	v2 =	vmul.f32 v2, v3;
	_ =	sdelay $0x1  }
0xab: {  	[tilespmem:v1+s11+$0x0] =	vst.idx.add.f32.msk $0xffff, v2  }
0xac: {  	v2 =	vld [tilespmem:s18+$0x1D600];
	_ =	sdelay $0x4  }
0xad: {  	v2 =	vmul.f32 v2, v3;
	_ =	sdelay $0x1  }
0xae: {  	[tilespmem:v1+s13+$0x0] =	vst.idx.add.f32.msk $0xffff, v2  }
0xaf: {  	v2 =	vld [tilespmem:s18+$0x1E000]  }
0xb0: {  	s17 =	sadd.s32 $0x1, s17  }
0xb1: {  	p0 =	sne.s32 s17, $0x7D  }
.Ltmp7:
0xb2: {  	_ = 	snop;
	(pc) =	sbr.rel @p0 .LBB2_14-.Ltmp7, $3  }
0xb3: {  	_ = 	snop  }
0xb4: {  	v2 =	vmul.f32 v2, v3;
	_ =	sdelay $0x1  }
0xb5: {  	[tilespmem:v1+s14+$0x0] =	vst.idx.add.f32.msk $0xffff, v2  }
0xb6: {  	s17 =	rddreg [dreg:$0x7]  }
0xb7: {  	[hbm4b:s17+s2] =	stream.linear.scatter [tilespmem:s0], [sflag:$0x1], $0x2800, $0x38;
	[tilespmem:$0x1EA00] =	vst v63  }
0xb8: {  	_ =	swait.ge [sflag:s5], $0x2800  }
0xb9: {  	[sflag:s5] =	ssyncset.done $0x0  }
0xba: {  	s19 =	rddreg [dreg:$0x8];
	[sflag:s5] =	ssyncadd.s32 $0xFFFFD800  }
0xbb: {  	[hbm4b:s19+s2] =	stream.linear.scatter [tilespmem:s8], [sflag:$0x1], $0x2800, $0x38;
	[tilespmem:$0x1EA00] =	vst v63  }
0xbc: {  	_ =	swait.ge [sflag:s5], $0x2800  }
0xbd: {  	[sflag:s5] =	ssyncset.done $0x0  }
0xbe: {  	s20 =	rddreg [dreg:$0x9];
	[sflag:s5] =	ssyncadd.s32 $0xFFFFD800  }
0xbf: {  	[hbm4b:s20+s2] =	stream.linear.scatter [tilespmem:s9], [sflag:$0x1], $0x2800, $0x38;
	[tilespmem:$0x1EA00] =	vst v63  }
0xc0: {  	_ =	swait.ge [sflag:s5], $0x2800  }
0xc1: {  	[sflag:s5] =	ssyncset.done $0x0  }
0xc2: {  	s18 =	rddreg [dreg:$0xa];
	[sflag:s5] =	ssyncadd.s32 $0xFFFFD800  }
0xc3: {  	[hbm4b:s18+s2] =	stream.linear.scatter [tilespmem:s11], [sflag:$0x1], $0x2800, $0x38;
	[tilespmem:$0x1EA00] =	vst v63  }
0xc4: {  	_ =	swait.ge [sflag:s5], $0x2800  }
0xc5: {  	[sflag:s5] =	ssyncset.done $0x0  }
0xc6: {  	s19 =	rddreg [dreg:$0xb];
	[sflag:s5] =	ssyncadd.s32 $0xFFFFD800  }
0xc7: {  	[hbm4b:s19+s2] =	stream.linear.scatter [tilespmem:s13], [sflag:$0x1], $0x2800, $0x38;
	[tilespmem:$0x1EA00] =	vst v63  }
0xc8: {  	s16 =	sadd.s32 $0x1, s16;
	_ =	swait.ge [sflag:s5], $0x2800  }
0xc9: {  	p0 =	sne.s32 s16, s22;
	[sflag:s5] =	ssyncset.done $0x0  }
.Ltmp8:
0xca: {  	s20 =	rddreg [dreg:$0xc];
	[sflag:s5] =	ssyncadd.s32 $0xFFFFD800;
	(pc) =	sbr.rel @p0 .LBB2_1-.Ltmp8, $4  }
0xcb: {  	[hbm4b:s20+s2] =	stream.linear.scatter [tilespmem:s14], [sflag:$0x1], $0x2800, $0x38;
	[tilespmem:$0x1EA00] =	vst v63  }
0xcc: {  	_ =	swait.ge [sflag:s5], $0x2800  }
0xcd: {  	[sflag:s5] =	ssyncset.done $0x0  }
0xce: {  	[sflag:s5] =	ssyncadd.s32 $0xFFFFD800  }
0xcf: {  	_ =	sfence.sel $0x180000  }
0xd0: {  	[bflag:$0x0] =	sbarrier.arrive $0xFFFF  }
0xd1: {  	_ =	strace $0x9000004A  }
0xd2: {  	s0 =	stileid.u32;
	[bflag:$0x2] =	sbarrier.arrive $0xFFFF  }
0xd3: {  	p0 =	sne.s32 s0, $0x0;
	s0 =	rddreg [dreg:$0x1]  }
0xd4: {  	s0 =	sadd.s32 @!p0 $0x100000, s0  }
0xd5: {  	[sflag:s0] =	ssyncadd.tile.s32 @!p0 $0x1;
	_ =	shalt  }
.Lfunc_end2:
_tile_overlayer_lowered:
.L_overlay_start_2:
0xd6: {  	(tag) =	ssettag $0x2  }
0xd7: {  	s0 =	rddreg [dreg:$0x0];
	s2 =	stileid.u32  }
0xd8: {  	s1 =	rddreg [dreg:$0x1];
	p0 =	sne.s32 s2, $0x0  }
0xd9: {  	s3 =	rddreg [dreg:$0x2];
	[bflag:$0x3] =	sbarrier.arrive $0xFFFF;
	s2 =	simm.s32 @!p0 $0x1C01  }
0xda: {  	[timem:s3], [sflag:s2] =	dma.local @!p0 [hbm:s0], s1  }
0xdb: {  	s0 =	simm.s32 @!p0 $0x1  }
0xdc: {  	_ =	swait.ge @!p0 [sflag:s0], s1  }
0xdd: {  	s1 =	ssub.s32 @!p0 $0x0, s1;
	[sflag:s0] =	ssyncset.done @!p0 $0x0  }
0xde: {  	[sflag:s0] =	ssyncadd.s32 @!p0 s1  }
0xdf: {  	[bflag:$0x3] =	sbarrier.arrive $0xFFFF  }
0xe0: {  	_ =	shalt  }

// kernel: kernel.19.cloned.1.call-start
scs
__scs_entry_jumppad:
0x0: {  	(pc) =	sbr.rel $0x88, $3  }
0x1: {  	(tag) =	ssettag $0x0;
	lr =	simm.s32 $0x1  }
0x2: {  	[smem:$0x3F8C] =	sst lr;
	_ =	strace $0xD0000000  }
0x3: {  	_ = 	snop  }
0x4: {  	_ = 	snop  }
0x5: {  	_ = 	snop  }
0x6: {  	_ = 	snop  }
0x7: {  	_ = 	snop  }
__scs_overlays_trampoline_lowered:
0x8: {  	[smem:$0x3F9B] =	sst s0  }
0x9: {  	[smem:$0x3F9C] =	sst s1  }
0xa: {  	[smem:$0x3F9D] =	sst s2  }
0xb: {  	[smem:$0x3F9E] =	sst s3  }
0xc: {  	[smem:$0x3F9F] =	sst s4  }
0xd: {  	[smem:$0x3FA0] =	sst s5  }
0xe: {  	[smem:$0x3FA1] =	sst s6  }
0xf: {  	[smem:$0x3FA2] =	sst s7  }
0x10: {  	[smem:$0x3FA3] =	sst s8  }
0x11: {  	[smem:$0x3FA4] =	sst s9;
	s0 =	simm.s32 @!p0 $0x0  }
0x12: {  	s1 =	sld [smem:$0x3F8A];
	s0 =	simm.s32 @p0 $0x1  }
0x13: {  	[smem:$0x3FA5] =	sst s0;
	s0 =	simm.s32 @!p1 $0x0  }
0x14: {  	s2 =	sld [smem:$0x3F89];
	s0 =	simm.s32 @p1 $0x1  }
0x15: {  	[smem:$0x3FA6] =	sst s0;
	s0 =	simm.s32 @!p2 $0x0  }
0x16: {  	s3 =	sld [smem:$0x3FDB];
	s0 =	simm.s32 @p2 $0x1  }
0x17: {  	s4 =	simm.s32 $0x1BF5;
	[smem:$0x3FA8] =	sst s0  }
0x18: {  	s0 =	sld [smem:$0x3F8B];
	_ =	swait.ge [sflag:s4], $0x0  }
0x19: {  	s7 =	sld [smem:$0x3F8C]  }
0x1a: {  	s8 =	sadd.s32 $0xFFFFE003, lr  }
0x1b: {  	s9 =	sadd.s32 $0xFFFFFEF7, lr;
	s5 =	simm.s32 $0xFFFFFFFF;
	p2 =	slt.u32 s8, $0xFFFFF086  }
0x1c: {  	p1 =	slt.u32 s9, $0xF7A;
	s5 =	simm.s32 @!p2 $0x0  }
0x1d: {  	s5 =	simm.s32 @p1 $0x1;
	p0 =	seq.s32 s7, s2  }
0x1e: {  	s7 =	smul.u32 @!p0 $0xF7A, s2;
	p2 =	seq.s32 @!p0 s5, $0x0  }
0x1f: {  	s9 =	smul.u32 $0xF7A, s1;
	s8 =	simm.s32 @!p0 $0x1BF5;
	p2 =	por !p2, p0  }
0x20: {  	[sflag:s8] =	ssyncset.s32 @!p0 $0xFFFFF086;
	s6 =	sadd.s32 @!p0 s3, s7;
	s7 =	simm.s32 @!p0 $0x108  }
0x21: {  	s3 =	sadd.s32 s3, s9;
	s6 =	sadd.s32 @!p0 $0x88, s6;
	s7 =	simm.s32 @p2 $0x1082  }
0x22: {  	[simem:s7], [sflag:s8] =	dma.local @!p0 [hbm:s6], $0xF7A  }
0x23: {  	s9 =	sor.u32 $0xD0000000, s2;
	s6 =	simm.s32 $0x108;
	_ =	swait.ge @!p0 [sflag:s8], $0x0  }
0x24: {  	s3 =	sadd.s32 $0x88, s3;
	s6 =	simm.s32 @!p1 $0x1082;
	[sflag:s4] =	ssyncset.s32 $0xFFFFF086  }
0x25: {  	[simem:s6], [sflag:s4] =	dma.local [hbm:s3], $0xF7A  }
0x26: {  	[smem:$0x3F8C] =	sst s1;
	(tag) =	ssettag s2;
	_ =	strace s9  }
0x27: {  	s1 =	sld [smem:$0x3F9C]  }
0x28: {  	s2 =	sld [smem:$0x3F9D]  }
0x29: {  	s4 =	sld [smem:$0x3F9F]  }
0x2a: {  	p0 =	seq.s32 s5, $0x0;
	s5 =	sld [smem:$0x3FA0]  }
0x2b: {  	s6 =	sld [smem:$0x3FA1]  }
0x2c: {  	s7 =	sld [smem:$0x3FA2]  }
0x2d: {  	s3 =	simm.s32 $0x108;
	s8 =	sld [smem:$0x3FA3]  }
0x2e: {  	s3 =	simm.s32 @!p0 $0x1082;
	s9 =	sld [smem:$0x3FA4]  }
0x2f: {  	lr =	sadd.s32 s0, s3;
	s0 =	sld [smem:$0x3F9B]  }
0x30: {  	s3 =	sld [smem:$0x3F9E]  }
0x31: {  	[smem:$0x3FA7] =	sst s10  }
0x32: {  	s10 =	sld [smem:$0x3FA5];
	_ =	sdelay $0x3  }
0x33: {  	p0 =	seq.s32 s10, $0x1;
	s10 =	sld [smem:$0x3FA7];
	_ =	sdelay $0x3  }
0x34: {  	[smem:$0x3FA7] =	sst s10  }
0x35: {  	s10 =	sld [smem:$0x3FA6];
	_ =	sdelay $0x3  }
0x36: {  	p1 =	seq.s32 s10, $0x1;
	s10 =	sld [smem:$0x3FA7];
	_ =	sdelay $0x3  }
0x37: {  	[smem:$0x3FA7] =	sst s10  }
0x38: {  	s10 =	sld [smem:$0x3FA8]  }
0x39: {  	_ = 	snop;
	(pc) =	sbr.ind lr, $3  }
0x3a: {  	_ = 	snop  }
0x3b: {  	_ = 	snop  }
0x3c: {  	p2 =	seq.s32 s10, $0x1;
	s10 =	sld [smem:$0x3FA7]  }
0x3d: {  	_ =	shalt  }
0x3e: {  	_ =	shalt  }
0x3f: {  	_ =	shalt  }
0x40: {  	_ =	shalt  }
0x41: {  	_ =	shalt  }
0x42: {  	_ =	shalt  }
0x43: {  	_ =	shalt  }
0x44: {  	_ =	shalt  }
0x45: {  	_ =	shalt  }
0x46: {  	_ =	shalt  }
0x47: {  	_ =	shalt  }
0x48: {  	_ =	shalt  }
0x49: {  	_ =	shalt  }
0x4a: {  	_ =	shalt  }
0x4b: {  	_ =	shalt  }
0x4c: {  	_ =	shalt  }
0x4d: {  	_ =	shalt  }
0x4e: {  	_ =	shalt  }
0x4f: {  	_ =	shalt  }
0x50: {  	_ =	shalt  }
0x51: {  	_ =	shalt  }
0x52: {  	_ =	shalt  }
0x53: {  	_ =	shalt  }
0x54: {  	_ =	shalt  }
0x55: {  	_ =	shalt  }
0x56: {  	_ =	shalt  }
0x57: {  	_ =	shalt  }
0x58: {  	_ =	shalt  }
0x59: {  	_ =	shalt  }
0x5a: {  	_ =	shalt  }
0x5b: {  	_ =	shalt  }
0x5c: {  	_ =	shalt  }
0x5d: {  	_ =	shalt  }
0x5e: {  	_ =	shalt  }
0x5f: {  	_ =	shalt  }
0x60: {  	_ =	shalt  }
0x61: {  	_ =	shalt  }
0x62: {  	_ =	shalt  }
0x63: {  	_ =	shalt  }
0x64: {  	_ =	shalt  }
0x65: {  	_ =	shalt  }
0x66: {  	_ =	shalt  }
0x67: {  	_ =	shalt  }
0x68: {  	_ =	shalt  }
0x69: {  	_ =	shalt  }
0x6a: {  	_ =	shalt  }
0x6b: {  	_ =	shalt  }
0x6c: {  	_ =	shalt  }
0x6d: {  	_ =	shalt  }
0x6e: {  	_ =	shalt  }
0x6f: {  	_ =	shalt  }
0x70: {  	_ =	shalt  }
0x71: {  	_ =	shalt  }
0x72: {  	_ =	shalt  }
0x73: {  	_ =	shalt  }
0x74: {  	_ =	shalt  }
0x75: {  	_ =	shalt  }
0x76: {  	_ =	shalt  }
0x77: {  	_ =	shalt  }
0x78: {  	_ =	shalt  }
0x79: {  	_ =	shalt  }
0x7a: {  	_ =	shalt  }
0x7b: {  	_ =	shalt  }
0x7c: {  	_ =	shalt  }
0x7d: {  	_ =	shalt  }
0x7e: {  	_ =	shalt  }
0x7f: {  	_ =	shalt  }
0x80: {  	_ =	shalt  }
0x81: {  	_ =	shalt  }
0x82: {  	_ =	shalt  }
0x83: {  	_ =	shalt  }
0x84: {  	_ =	shalt  }
0x85: {  	_ =	shalt  }
0x86: {  	_ =	shalt  }
0x87: {  	_ =	shalt  }
.Lfunc_end0:
.L_simem_size_0:
called_computation.2_lowered:
.L_overlay_start_0:
0x88: {  	s2 =	sld [smem:$0x3FD9]  }
0x89: {  	s3 =	sld [smem:$0x3FFE];
	_ =	sdelay $0x1  }
0x8a: {  	s1 =	srdreg.scid  }
0x8b: {  	s0 =	sand.u32 $0x1, s1  }
0x8c: {  	s16 =	sshll.u32 s0, $0xA;
	s2 =	sadd.s32 s3, s2  }
0x8d: {  	s2 =	sadd.s32 s2, s16  }
0x8e: {  	[smem:$0x3FB3] =	sst s2  }
0x8f: {  	_ = 	snop  }
0x90: {  	(tm) =	ssettm $0x1  }
0x91: {  	s17 =	sld [smem:$0x3FFB];
	_ =	sdelay $0x3  }
0x92: {  	_ =	strace s17  }
0x93: {  	s2 =	sld [smem:$0x3FFC];
	_ =	sdelay $0x3  }
0x94: {  	_ =	strace s2  }
0x95: {  	s2 =	sld [smem:$0x3FFD];
	_ =	sdelay $0x3  }
0x96: {  	_ =	strace s2  }
0x97: {  	_ =	strace $0x8FFFFFFF  }
0x98: {  	s18 =	sld [smem:$0x3FDB];
	_ =	sdelay $0x1  }
0x99: {  	s19 =	simm.s32 $_scs_section_size  }
0x9a: {  	s4 =	simm.s32 $_size__tile_overlayer_lowered;
	s5 =	simm.s32 $_tile_overlayer_lowered  }
0x9b: {  	s22 =	simm.s32 $0x1BFF;
	s21 =	sshll.u32 s5, $0x1;
	s2 =	sadd.s32 s19, s18  }
0x9c: {  	s6 =	simm.s32 $0x0;
	s20 =	sshll.u32 s4, $0x1;
	s4 =	sadd.s32 s21, s2  }
0x9d: {  	[timem:s6], [sflag:s22] =	dma.local [hbm:s4], s20  }
0x9e: {  	_ =	swait.ge [sflag:s22], s20  }
0x9f: {  	s3 =	ssub.s32 $0x0, s20;
	[sflag:s22] =	ssyncset.done $0x0  }
0xa0: {  	[sflag:s22] =	ssyncadd.s32 s3;
	_ =	sdelay $0x1  }
0xa1: {  	s23 =	simm.s32 $0x1B8B  }
0xa2: {  	_ =	swait.ge [sflag:s23], $0x1  }
0xa3: {  	[sflag:s23] =	ssyncset.done $0x0  }
0xa4: {  	s25 =	simm.s32 $0x1B8E;
	s24 =	sld [smem:$0x3FFE];
	[sflag:s23] =	ssyncadd.s32 $0xFFFFFFFF  }
0xa5: {  	s26 =	simm.s32 $execute0_lowered;
	[smem:$0x3FD2] =	sst s25  }
0xa6: {  	s4 =	sshll.u32 s26, $0x1;
	_ =	strace $0x8000004C;
	[dreg:$0x1] =	wrdreg $0xFFFFFFFF  }
0xa7: {  	s28 =	simm.s32 $_size_execute0_lowered;
	s2 =	sadd.s32 s2, s4;
	[dreg:$0x0] =	wrdreg $0x0  }
0xa8: {  	s4 =	sshll.u32 s28, $0x1;
	[dreg:$0x2] =	wrdreg s2  }
0xa9: {  	[dreg:$0x3] =	wrdreg s4  }
0xaa: {  	[dreg:$0x4] =	wrdreg $0xC0  }
0xab: {  	_ =	task [dreg:s6], $0x5FFFF  }
0xac: {  	[dreg:$0x1] =	wrdreg $0xFFFFFFFF  }
0xad: {  	[dreg:$0x0] =	wrdreg $0x60  }
0xae: {  	[dreg:$0x2] =	wrdreg s24  }
0xaf: {  	[dreg:$0x3] =	wrdreg $0xCD000  }
0xb0: {  	[dreg:$0x4] =	wrdreg $0x9  }
0xb1: {  	_ =	task.clear_ibuf [dreg:s6], $0x5FFFF;
	_ =	strace $0x9000004C  }
0xb2: {  	s29 =	simm.s32 $0x9;
	_ =	strace $0x8000004E  }
0xb3: {  	_ =	swait.ge [sflag:s29], $0x1  }
0xb4: {  	[sflag:s29] =	ssyncadd.s32 $0xFFFFFFFF  }
0xb5: {  	_ =	strace $0x9000004E  }
0xb6: {  	_ =	sfence  }
0xb7: {  	s30 =	sld [smem:$0x0];
	_ =	sdelay $0x2  }
0xb8: {  	s31 =	sshll.u32 s1, $0xD;
	s1 =	sshrl.u32 s1, $0x2  }
0xb9: {  	s3 =	sand.u32 $0x4000, s31;
	s1 =	sadd.s32 s1, s30  }
0xba: {  	s0 =	sor.u32 s3, s0;
	s1 =	sshll.u32 s1, $0x11  }
0xbb: {  	s0 =	sor.u32 s1, s0  }
0xbc: {  	s0 =	sadd.s32 $0x8F2B, s0  }
0xbd: {  	[sflag:s0] =	ssyncadd.remote.s32 $0x1  }
0xbe: {  	_ =	sfence.sel $0xFFFF  }
0xbf: {  	[dreg:$0x0] =	wrdreg $0xFFFFFFFF;
	(pc) =	sbr.abs _section_cstart, $3  }
0xc0: {  	[dreg:$0x1] =	wrdreg $0xFFFFFFFF  }
0xc1: {  	_ =	task.clear_ibuf [dreg:s6], $0x2FFFF;
	_ =	strace $0x9FFFFFFF  }
0xc2: {  	(tm) =	ssettm $0x7FFFFFFF  }
0xc3: {  	_ =	shalt  }
tec
execute0_lowered:
.L_overlay_start_1:
0x0: {  	(tag) =	ssettag $0x1  }
0x1: {  	s0 =	srdreg.scid  }
0x2: {  	s15 =	stileid.u32;
	s9 =	rddreg [dreg:$0x0]  }
0x3: {  	s12 =	rddreg [dreg:$0x1];
	s2 =	simm.s32 $0x0;
	s28 =	simm.s32 $0x7800  }
0x4: {  	s29 =	simm.s32 $0x2;
	s30 =	simm.s32 $0x8200;
	s31 =	simm.s32 $0x8C00  }
0x5: {  	s0 =	sand.u32 $0x1, s0;
	s8 =	sshrl.u32 s15, $0x3;
	[smem:$0x7FF] =	sst s2  }
0x6: {  	s3 =	sand.u32 $0x7, s15;
	s5 =	sadd.s32 $0x13600, s9;
	s6 =	sadd.s32 $0x9800, s9  }
0x7: {  	s7 =	sadd.s32 $0x1D400, s9;
	s15 =	smul.u32 $0xA000, s15;
	s1 =	sshll.u32 s0, $0x1  }
0x8: {  	_ =	strace $0x8000004D;
	s13 =	smul.u32 $0x500, s3;
	s0 =	ssub.s32 $0x2, s0  }
0x9: {  	s20 =	ssub.s32 $0x84, s3;
	s1 =	sor.u32 s8, s1;
	s8 =	smul.u32 $0x50000, s8  }
0xa: {  	s14 =	sshrl.u32 s0, $0x1;
	s21 =	sshrl.u32 s15, $0x2;
	s10 =	smul.u32 $0x2800, s1  }
0xb: {  	s0 =	ssub.s32 s0, s14;
	s22 =	sadd.s32 s21, s12;
	s8 =	sshrl.u32 s8, $0x2  }
0xc: {  	[dreg:$0x5] =	wrdreg s22;
	s0 =	smax.u32 s0, $0x1;
	s4 =	sshrl.u32 s10, $0x3  }
0xd: {  	s10 =	sadd.s32 s13, s10;
	s23 =	sadd.s32 s8, s12;
	[dreg:$0x7] =	wrdreg s0  }
0xe: {  	s0 =	simm.s32 $0x9600;
	s8 =	simm.s32 $0x80;
	s11 =	sadd.s32 s4, s9  }
0xf: {  	s4 =	sadd.s32 $0x44600, s9;
	s10 =	sshrl.u32 s10, $0x3;
	s13 =	sadd.s32 s13, s23  }
0x10: {  	s9 =	sadd.s32 s10, s9;
	s18 =	sadd.s32 $0x7000, s11;
	s19 =	sadd.s32 $0x8400, s11  }
0x11: {  	s10 =	sshrl.u32 s20, $0x3;
	s11 =	smul.u32 $0x4E200, s1;
	s25 =	sadd.s32 $0x80, s13  }
0x12: {  	s26 =	sadd.s32 $0x100, s13;
	s20 =	sadd.s32 $0x280, s13;
	[dreg:$0x3] =	wrdreg s18  }
0x13: {  	s21 =	sadd.s32 $0x300, s13;
	s22 =	sadd.s32 $0x380, s13;
	[dreg:$0x4] =	wrdreg s19  }
0x14: {  	s23 =	sadd.s32 $0x400, s13;
	s1 =	simm.s32 $0x5000;
	[dreg:$0x8] =	wrdreg s25  }
0x15: {  	s24 =	sadd.s32 $0x6B800, s9;
	[dreg:$0x9] =	wrdreg s26;
	s18 =	sadd.s32 $0x180, s13  }
0x16: {  	s19 =	sadd.s32 $0x200, s13;
	s25 =	simm.s32 $0x1;
	s26 =	simm.s32 $0x2800  }
0x17: {  	v0 =	vimm.f32 $0.0e+00;
	s9 =	simm.s32 $0x0;
	[dreg:$0x6] =	wrdreg s24;
	s24 =	sadd.s32 $0x480, s13  }
.LBB2_1:
0x18: {  	s12 =	rddreg [dreg:$0x3]  }
0x19: {  	[tilespmem:s2], [sflag:$0x1] =	stream.linear.gather [hbm4b:s12+s2], $0x2800, $0x38;
	[tilespmem:$0xF500] =	vst v63  }
0x1a: {  	_ =	swait.ge [sflag:s25], $0x2800  }
0x1b: {  	[sflag:s25] =	ssyncset.done $0x0  }
0x1c: {  	s17 =	rddreg [dreg:$0x4];
	[sflag:s25] =	ssyncadd.s32 $0xFFFFD800  }
0x1d: {  	[tilespmem:s26], [sflag:$0x1] =	stream.linear.gather [hbm4b:s17+s2], $0x2800, $0x38;
	[tilespmem:$0xF500] =	vst v63  }
0x1e: {  	_ =	swait.ge [sflag:s25], $0x2800  }
0x1f: {  	[sflag:s25] =	ssyncset.done $0x0  }
0x20: {  	s12 =	simm.s32 $0x0;
	[sflag:s25] =	ssyncadd.s32 $0xFFFFD800  }
.LBB2_2:
0x21: {  	p0 =	sne.s32 s12, $0x9FC0  }
.Ltmp0:
0x22: {  	_ = 	snop;
	(pc) =	sbr.rel @p0 .LBB2_2-.Ltmp0, $3  }
0x23: {  	_ =	sdelay $0x1  }
0x24: {  	s14 =	sshra.s32 s12, $0x2  }
0x25: {  	s12 =	sadd.s32 $0x40, s12;
	[tilespmem:s14+$0x5000] =	vst v0  }
.Ltmp1:
0x26: {  	(pc) =	sbr.rel .LBB2_4-.Ltmp1, $2  }
0x27: {  	_ =	sdelay $0x2  }
0x28: {  	s12 =	simm.s32 $0x0  }
.LBB2_8:
0x29: {  	s12 =	sadd.s32 $0x1, s12  }
0x2a: {  	p0 =	sne.s32 s12, $0x10  }
.Ltmp2:
0x2b: {  	_ = 	snop;
	(pc) =	sbr.rel @!p0 .LBB2_9-.Ltmp2, $1  }
0x2c: {  	_ =	sdelay $0x3  }
.LBB2_4:
0x2d: {  	p0 =	sge.u32 s12, s10  }
.Ltmp3:
0x2e: {  	_ = 	snop;
	(pc) =	sbr.rel @p0 .LBB2_8-.Ltmp3, $1  }
0x2f: {  	_ =	sdelay $0x3  }
0x30: {  	s14 =	sshll.u32 s12, $0x3  }
0x31: {  	s14 =	sor.u32 s3, s14  }
0x32: {  	s14 =	smul.u32 $0xA00, s14;
	_ =	sdelay $0x1  }
0x33: {  	s15 =	sshrl.u32 s14, $0x3  }
0x34: {  	s17 =	simm.s32 $0x0;
	s16 =	sadd.s32 s5, s15  }
0x35: {  	[tilespmem:s28], [sflag:$0x2] =	stream.linear.gather [hbm4b:s16+s17], $0xA00, $0x38;
	[tilespmem:$0xF500] =	vst v63  }
0x36: {  	_ =	swait.ge [sflag:s29], $0xA00  }
0x37: {  	[sflag:s29] =	ssyncset.done $0x0  }
0x38: {  	s15 =	sadd.s32 s6, s15;
	[sflag:s29] =	ssyncadd.s32 $0xFFFFF600  }
0x39: {  	[tilespmem:s30], [sflag:$0x2] =	stream.linear.gather [hbm4b:s15+s17], $0xA00, $0x38;
	[tilespmem:$0xF500] =	vst v63  }
0x3a: {  	s14 =	sadd.s32 s11, s14;
	_ =	swait.ge [sflag:s29], $0xA00  }
0x3b: {  	s14 =	sshrl.u32 s14, $0x3;
	[sflag:s29] =	ssyncset.done $0x0  }
0x3c: {  	s16 =	sadd.s32 s4, s14;
	[sflag:s29] =	ssyncadd.s32 $0xFFFFF600  }
0x3d: {  	[tilespmem:s31], [sflag:$0x2] =	stream.linear.gather [hbm4b:s16+s17], $0xA00, $0x38;
	[tilespmem:$0xF500] =	vst v63  }
0x3e: {  	_ =	swait.ge [sflag:s29], $0xA00  }
0x3f: {  	[sflag:s29] =	ssyncset.done $0x0  }
0x40: {  	s15 =	simm.s32 $0x0;
	[sflag:s29] =	ssyncadd.s32 $0xFFFFF600  }
0x41: {  	v2 =	vld [tilespmem:s15+$0x7800]  }
0x42: {  	s16 =	simm.s32 $0x40;
	v1 =	vld [tilespmem:s15+$0x8200]  }
.LBB2_6:
0x43: {  	p0 =	sne.s32 s16, $0x27C0;
	_ =	sdelay $0x5  }
0x44: {  	v2 =	vld.idx.msk [tilespmem:v2+s2+$0x0], $0xffff  }
0x45: {  	v3 =	vld.idx.msk [tilespmem:v1+s26+$0x0], $0xffff;
	_ =	sdelay $0x2  }
0x46: {  	v4 =	vld [tilespmem:s15+$0x8C00];
	_ =	sdelay $0x2  }
0x47: {  	v2 =	vadd.f32 v3, v2;
	_ =	sdelay $0x1  }
0x48: {  	v2 =	vadd.f32 v4, v2;
	_ =	sdelay $0x1  }
0x49: {  	v3 =	vmul.f32 $2.000000030e-01, v2;
	_ =	sdelay $0x1  }
0x4a: {  	v2 =	vmax.f32 v2, v3  }
0x4b: {  	v2 =	vmul.f32 $1.442695020e+00, v2;
	_ =	sdelay $0x1  }
0x4c: {  	(erf) = vpow2.f32 v2;
	_ =	sdelay $0x8  }
.Ltmp4:
0x4d: {  	v2 =	vpop (erf);
	(pc) =	sbr.rel @p0 .LBB2_6-.Ltmp4, $4  }
0x4e: {  	[tilespmem:s15+$0x9600] =	vst v2  }
0x4f: {  	s15 =	sshra.s32 s16, $0x2;
	[tilespmem:v1+s1+$0x0] =	vst.idx.add.f32.msk $0xffff, v2  }
0x50: {  	v2 =	vld [tilespmem:s15+$0x7800]  }
0x51: {  	s16 =	sadd.s32 $0x40, s16;
	v1 =	vld [tilespmem:s15+$0x8200]  }
0x52: {  	_ =	sdelay $0x6  }
0x53: {  	v2 =	vld.idx.msk [tilespmem:v2+s2+$0x0], $0xffff  }
0x54: {  	v3 =	vld.idx.msk [tilespmem:v1+s26+$0x0], $0xffff;
	_ =	sdelay $0x1  }
0x55: {  	v4 =	vld [tilespmem:s15+$0x8C00];
	_ =	sdelay $0x2  }
0x56: {  	v2 =	vadd.f32 v3, v2;
	_ =	sdelay $0x1  }
0x57: {  	v2 =	vadd.f32 v4, v2;
	_ =	sdelay $0x1  }
0x58: {  	v3 =	vmul.f32 $2.000000030e-01, v2;
	_ =	sdelay $0x1  }
0x59: {  	v2 =	vmax.f32 v2, v3  }
0x5a: {  	v2 =	vmul.f32 $1.442695020e+00, v2;
	_ =	sdelay $0x1  }
0x5b: {  	(erf) = vpow2.f32 v2;
	_ =	sdelay $0x8  }
0x5c: {  	v2 =	vpop (erf)  }
0x5d: {  	[tilespmem:s15+$0x9600] =	vst v2  }
.Ltmp5:
0x5e: {  	s14 =	sadd.s32 s7, s14;
	[tilespmem:v1+s1+$0x0] =	vst.idx.add.f32.msk $0xffff, v2;
	(pc) =	sbr.rel .LBB2_8-.Ltmp5, $4  }
0x5f: {  	[hbm4b:s14+s2] =	stream.linear.scatter [tilespmem:s0], [sflag:$0x1], $0xA00, $0x38;
	[tilespmem:$0xF500] =	vst v63  }
0x60: {  	_ =	swait.ge [sflag:s25], $0xA00  }
0x61: {  	[sflag:s25] =	ssyncset.done $0x0  }
0x62: {  	[sflag:s25] =	ssyncadd.s32 $0xFFFFF600  }
.LBB2_9:
0x63: {  	s12 =	rddreg [dreg:$0x5]  }
0x64: {  	[spmem:s12] =	stream.linear.scatter [tilespmem:s1], [sflag:$0x1], $0x2800, $0x38;
	[tilespmem:$0xF500] =	vst v63  }
0x65: {  	_ =	swait.ge [sflag:s25], $0x2800  }
0x66: {  	[sflag:s25] =	ssyncset.done $0x0  }
0x67: {  	[sflag:s25] =	ssyncadd.s32 $0xFFFFD800  }
0x68: {  	s16 =	simm.s32 $0xA000;
	[bflag:$0x0] =	sbarrier.arrive $0xFFFF  }
0x69: {  	[tilespmem:s16], [sflag:$0x1] =	stream.strided.gather [spmem:s13], $0x400, s26, s8, $0x38;
	[tilespmem:$0xF500] =	vst v63  }
0x6a: {  	s14 =	simm.s32 $0xA400;
	s17 =	rddreg [dreg:$0x8]  }
0x6b: {  	[tilespmem:s14], [sflag:$0x1] =	stream.strided.gather [spmem:s17], $0x400, s26, s8, $0x38;
	[tilespmem:$0xF500] =	vst v63  }
0x6c: {  	s15 =	rddreg [dreg:$0x9];
	s16 =	simm.s32 $0xA800  }
0x6d: {  	[tilespmem:s16], [sflag:$0x1] =	stream.strided.gather [spmem:s15], $0x400, s26, s8, $0x38;
	[tilespmem:$0xF500] =	vst v63  }
0x6e: {  	s17 =	simm.s32 $0xAC00  }
0x6f: {  	[tilespmem:s17], [sflag:$0x1] =	stream.strided.gather [spmem:s18], $0x400, s26, s8, $0x38;
	[tilespmem:$0xF500] =	vst v63  }
0x70: {  	s14 =	simm.s32 $0xB000  }
0x71: {  	[tilespmem:s14], [sflag:$0x1] =	stream.strided.gather [spmem:s19], $0x400, s26, s8, $0x38;
	[tilespmem:$0xF500] =	vst v63  }
0x72: {  	s15 =	simm.s32 $0xB400  }
0x73: {  	[tilespmem:s15], [sflag:$0x1] =	stream.strided.gather [spmem:s20], $0x400, s26, s8, $0x38;
	[tilespmem:$0xF500] =	vst v63  }
0x74: {  	s16 =	simm.s32 $0xB800  }
0x75: {  	[tilespmem:s16], [sflag:$0x1] =	stream.strided.gather [spmem:s21], $0x400, s26, s8, $0x38;
	[tilespmem:$0xF500] =	vst v63  }
0x76: {  	s17 =	simm.s32 $0xBC00  }
0x77: {  	[tilespmem:s17], [sflag:$0x1] =	stream.strided.gather [spmem:s22], $0x400, s26, s8, $0x38;
	[tilespmem:$0xF500] =	vst v63  }
0x78: {  	s14 =	simm.s32 $0xC000  }
0x79: {  	[tilespmem:s14], [sflag:$0x1] =	stream.strided.gather [spmem:s23], $0x400, s26, s8, $0x38;
	[tilespmem:$0xF500] =	vst v63  }
0x7a: {  	s15 =	simm.s32 $0xC400  }
0x7b: {  	[tilespmem:s15], [sflag:$0x1] =	stream.strided.gather [spmem:s24], $0x400, s26, s8, $0x38;
	[tilespmem:$0xF500] =	vst v63  }
0x7c: {  	s16 =	simm.s32 $0x0;
	_ =	swait.ge [sflag:s25], $0x2800  }
0x7d: {  	s12 =	sand.u32 $0x3C00, s16;
	s17 =	sand.u32 $0x70, s16;
	[sflag:s25] =	ssyncset.done $0x0  }
0x7e: {  	s12 =	sor.u32 s17, s12;
	[sflag:s25] =	ssyncadd.s32 $0xFFFFD800  }
0x7f: {  	v1 =	vld [tilespmem:s12+$0xA080]  }
0x80: {  	v2 =	vld [tilespmem:s12+$0xA000];
	_ =	sdelay $0x1  }
0x81: {  	v3 =	vld [tilespmem:s12+$0xA100];
	_ =	sdelay $0x1  }
0x82: {  	v4 =	vld [tilespmem:s12+$0xA180]  }
0x83: {  	v1 =	vadd.f32 v1, v2  }
0x84: {  	v2 =	vld [tilespmem:s12+$0xA200]  }
0x85: {  	v1 =	vadd.f32 v3, v1  }
0x86: {  	v3 =	vld [tilespmem:s12+$0xA280]  }
0x87: {  	v1 =	vadd.f32 v4, v1  }
0x88: {  	v63 =	vld [tilespmem:s12+$0xA300]  }
0x89: {  	v1 =	vadd.f32 v2, v1  }
0x8a: {  	v2 =	vld [tilespmem:s12+$0xA380]  }
0x8b: {  	v1 =	vadd.f32 v3, v1;
	_ =	sdelay $0x1  }
0x8c: {  	v1 =	vadd.f32 v63, v1;
	_ =	sdelay $0x1  }
0x8d: {  	v1 =	vadd.f32 v2, v1;
	_ =	sdelay $0x1  }
0x8e: {  	v1 =	vadd.f32 $1.000000020e-16, v1;
	_ =	sdelay $0x1  }
0x8f: {  	(erf) = vrcp.f32 v1;
	_ =	sdelay $0x7  }
0x90: {  	s14 =	simm.s32 $0x80;
	s15 =	simm.s32 $0x10  }
0x91: {  	s16 =	sand.u32 $0x3C00, s14;
	s15 =	sand.u32 $0x70, s15;
	s12 =	simm.s32 $0xC800;
	v1 =	vpop (erf)  }
0x92: {  	s16 =	sor.u32 s15, s16;
	s15 =	simm.s32 $0x20;
	[tilespmem:s12+$0x0] =	vst v1  }
.LBB2_10:
0x93: {  	p0 =	sne.s32 s15, $0x4F0;
	v1 =	vld [tilespmem:s16+$0xA080]  }
0x94: {  	v2 =	vld [tilespmem:s16+$0xA000];
	_ =	sdelay $0x1  }
0x95: {  	v3 =	vld [tilespmem:s16+$0xA100];
	_ =	sdelay $0x1  }
0x96: {  	v4 =	vld [tilespmem:s16+$0xA180]  }
0x97: {  	v1 =	vadd.f32 v1, v2  }
0x98: {  	v2 =	vld [tilespmem:s16+$0xA200]  }
0x99: {  	v1 =	vadd.f32 v3, v1  }
0x9a: {  	v3 =	vld [tilespmem:s16+$0xA280]  }
0x9b: {  	v1 =	vadd.f32 v4, v1  }
0x9c: {  	v4 =	vld [tilespmem:s16+$0xA300]  }
0x9d: {  	v1 =	vadd.f32 v2, v1  }
0x9e: {  	v2 =	vld [tilespmem:s16+$0xA380]  }
0x9f: {  	v1 =	vadd.f32 v3, v1;
	_ =	sdelay $0x1  }
0xa0: {  	v1 =	vadd.f32 v4, v1;
	_ =	sdelay $0x1  }
0xa1: {  	v1 =	vadd.f32 v2, v1;
	_ =	sdelay $0x1  }
0xa2: {  	v1 =	vadd.f32 $1.000000020e-16, v1;
	_ =	sdelay $0x1  }
0xa3: {  	(erf) = vrcp.f32 v1;
	_ =	sdelay $0x5  }
.Ltmp6:
0xa4: {  	(pc) =	sbr.rel @p0 .LBB2_10-.Ltmp6, $4  }
0xa5: {  	_ = 	snop  }
0xa6: {  	s14 =	sadd.s32 $0x80, s14  }
0xa7: {  	s12 =	sadd.s32 $0x10, s12;
	s17 =	sand.u32 $0x3C00, s14;
	s16 =	sand.u32 $0x70, s15;
	v1 =	vpop (erf)  }
0xa8: {  	s15 =	sadd.s32 $0x10, s15;
	s16 =	sor.u32 s16, s17;
	[tilespmem:s12+$0x0] =	vst v1  }
0xa9: {  	v1 =	vld [tilespmem:s16+$0xA080]  }
0xaa: {  	v2 =	vld [tilespmem:s16+$0xA000];
	_ =	sdelay $0x1  }
0xab: {  	v3 =	vld [tilespmem:s16+$0xA100];
	_ =	sdelay $0x1  }
0xac: {  	v4 =	vld [tilespmem:s16+$0xA180]  }
0xad: {  	v1 =	vadd.f32 v1, v2  }
0xae: {  	v2 =	vld [tilespmem:s16+$0xA200]  }
0xaf: {  	v1 =	vadd.f32 v3, v1  }
0xb0: {  	v3 =	vld [tilespmem:s16+$0xA280]  }
0xb1: {  	v1 =	vadd.f32 v4, v1  }
0xb2: {  	v63 =	vld [tilespmem:s16+$0xA300]  }
0xb3: {  	v1 =	vadd.f32 v2, v1  }
0xb4: {  	v2 =	vld [tilespmem:s16+$0xA380]  }
0xb5: {  	v1 =	vadd.f32 v3, v1;
	_ =	sdelay $0x1  }
0xb6: {  	v1 =	vadd.f32 v63, v1;
	_ =	sdelay $0x1  }
0xb7: {  	v1 =	vadd.f32 v2, v1;
	_ =	sdelay $0x1  }
0xb8: {  	v1 =	vadd.f32 $1.000000020e-16, v1;
	_ =	sdelay $0x1  }
0xb9: {  	(erf) = vrcp.f32 v1;
	_ =	sdelay $0x8  }
0xba: {  	s12 =	sadd.s32 $0x10, s12;
	v1 =	vpop (erf)  }
0xbb: {  	s14 =	simm.s32 $0xC800;
	s16 =	rddreg [dreg:$0x6];
	[tilespmem:s12+$0x0] =	vst v1  }
0xbc: {  	[hbm4b:s16+s2] =	stream.linear.scatter [tilespmem:s14], [sflag:$0x1], $0x500, $0x38;
	[tilespmem:$0xF500] =	vst v63  }
0xbd: {  	_ =	swait.ge [sflag:s25], $0x500  }
0xbe: {  	s9 =	sadd.s32 $0x1, s9;
	s17 =	rddreg [dreg:$0x7]  }
0xbf: {  	p0 =	sne.s32 s9, s17  }
.Ltmp7:
0xc0: {  	_ = 	snop;
	(pc) =	sbr.rel @p0 .LBB2_1-.Ltmp7, $3  }
0xc1: {  	_ =	sdelay $0x1  }
0xc2: {  	[sflag:s25] =	ssyncset.done $0x0  }
0xc3: {  	[sflag:s25] =	ssyncadd.s32 $0xFFFFFB00  }
0xc4: {  	_ =	sfence.sel $0x180000  }
0xc5: {  	[bflag:$0x0] =	sbarrier.arrive $0xFFFF  }
0xc6: {  	_ =	strace $0x9000004D  }
0xc7: {  	s0 =	stileid.u32;
	[bflag:$0x2] =	sbarrier.arrive $0xFFFF  }
0xc8: {  	p0 =	sne.s32 s0, $0x0;
	s0 =	rddreg [dreg:$0x2]  }
0xc9: {  	s0 =	sadd.s32 @!p0 $0x100000, s0  }
0xca: {  	[sflag:s0] =	ssyncadd.tile.s32 @!p0 $0x1;
	_ =	shalt  }
.Lfunc_end2:
_tile_overlayer_lowered:
.L_overlay_start_2:
0xcb: {  	(tag) =	ssettag $0x2  }
0xcc: {  	s0 =	rddreg [dreg:$0x0];
	s2 =	stileid.u32  }
0xcd: {  	s1 =	rddreg [dreg:$0x1];
	p0 =	sne.s32 s2, $0x0  }
0xce: {  	s3 =	rddreg [dreg:$0x2];
	[bflag:$0x3] =	sbarrier.arrive $0xFFFF;
	s2 =	simm.s32 @!p0 $0x1C01  }
0xcf: {  	[timem:s3], [sflag:s2] =	dma.local @!p0 [hbm:s0], s1  }
0xd0: {  	s0 =	simm.s32 @!p0 $0x1  }
0xd1: {  	_ =	swait.ge @!p0 [sflag:s0], s1  }
0xd2: {  	s1 =	ssub.s32 @!p0 $0x0, s1;
	[sflag:s0] =	ssyncset.done @!p0 $0x0  }
0xd3: {  	[sflag:s0] =	ssyncadd.s32 @!p0 s1  }
0xd4: {  	[bflag:$0x3] =	sbarrier.arrive $0xFFFF  }
0xd5: {  	_ =	shalt  }

// kernel: kernel.22.cloned.1.call-start
scs
__scs_entry_jumppad:
0x0: {  	(pc) =	sbr.rel $0x88, $3  }
0x1: {  	(tag) =	ssettag $0x0;
	lr =	simm.s32 $0x1  }
0x2: {  	[smem:$0x3F8C] =	sst lr;
	_ =	strace $0xD0000000  }
0x3: {  	_ = 	snop  }
0x4: {  	_ = 	snop  }
0x5: {  	_ = 	snop  }
0x6: {  	_ = 	snop  }
0x7: {  	_ = 	snop  }
__scs_overlays_trampoline_lowered:
0x8: {  	[smem:$0x3F9B] =	sst s0  }
0x9: {  	[smem:$0x3F9C] =	sst s1  }
0xa: {  	[smem:$0x3F9D] =	sst s2  }
0xb: {  	[smem:$0x3F9E] =	sst s3  }
0xc: {  	[smem:$0x3F9F] =	sst s4  }
0xd: {  	[smem:$0x3FA0] =	sst s5  }
0xe: {  	[smem:$0x3FA1] =	sst s6  }
0xf: {  	[smem:$0x3FA2] =	sst s7  }
0x10: {  	[smem:$0x3FA3] =	sst s8  }
0x11: {  	[smem:$0x3FA4] =	sst s9;
	s0 =	simm.s32 @!p0 $0x0  }
0x12: {  	s1 =	sld [smem:$0x3F8A];
	s0 =	simm.s32 @p0 $0x1  }
0x13: {  	[smem:$0x3FA5] =	sst s0;
	s0 =	simm.s32 @!p1 $0x0  }
0x14: {  	s2 =	sld [smem:$0x3F89];
	s0 =	simm.s32 @p1 $0x1  }
0x15: {  	[smem:$0x3FA6] =	sst s0;
	s0 =	simm.s32 @!p2 $0x0  }
0x16: {  	s3 =	sld [smem:$0x3FDB];
	s0 =	simm.s32 @p2 $0x1  }
0x17: {  	s4 =	simm.s32 $0x1BF5;
	[smem:$0x3FA8] =	sst s0  }
0x18: {  	s0 =	sld [smem:$0x3F8B];
	_ =	swait.ge [sflag:s4], $0x0  }
0x19: {  	s7 =	sld [smem:$0x3F8C]  }
0x1a: {  	s8 =	sadd.s32 $0xFFFFE003, lr  }
0x1b: {  	s9 =	sadd.s32 $0xFFFFFEF7, lr;
	s5 =	simm.s32 $0xFFFFFFFF;
	p2 =	slt.u32 s8, $0xFFFFF086  }
0x1c: {  	p1 =	slt.u32 s9, $0xF7A;
	s5 =	simm.s32 @!p2 $0x0  }
0x1d: {  	s5 =	simm.s32 @p1 $0x1;
	p0 =	seq.s32 s7, s2  }
0x1e: {  	s7 =	smul.u32 @!p0 $0xF7A, s2;
	p2 =	seq.s32 @!p0 s5, $0x0  }
0x1f: {  	s9 =	smul.u32 $0xF7A, s1;
	s8 =	simm.s32 @!p0 $0x1BF5;
	p2 =	por !p2, p0  }
0x20: {  	[sflag:s8] =	ssyncset.s32 @!p0 $0xFFFFF086;
	s6 =	sadd.s32 @!p0 s3, s7;
	s7 =	simm.s32 @!p0 $0x108  }
0x21: {  	s3 =	sadd.s32 s3, s9;
	s6 =	sadd.s32 @!p0 $0x88, s6;
	s7 =	simm.s32 @p2 $0x1082  }
0x22: {  	[simem:s7], [sflag:s8] =	dma.local @!p0 [hbm:s6], $0xF7A  }
0x23: {  	s9 =	sor.u32 $0xD0000000, s2;
	s6 =	simm.s32 $0x108;
	_ =	swait.ge @!p0 [sflag:s8], $0x0  }
0x24: {  	s3 =	sadd.s32 $0x88, s3;
	s6 =	simm.s32 @!p1 $0x1082;
	[sflag:s4] =	ssyncset.s32 $0xFFFFF086  }
0x25: {  	[simem:s6], [sflag:s4] =	dma.local [hbm:s3], $0xF7A  }
0x26: {  	[smem:$0x3F8C] =	sst s1;
	(tag) =	ssettag s2;
	_ =	strace s9  }
0x27: {  	s1 =	sld [smem:$0x3F9C]  }
0x28: {  	s2 =	sld [smem:$0x3F9D]  }
0x29: {  	s4 =	sld [smem:$0x3F9F]  }
0x2a: {  	p0 =	seq.s32 s5, $0x0;
	s5 =	sld [smem:$0x3FA0]  }
0x2b: {  	s6 =	sld [smem:$0x3FA1]  }
0x2c: {  	s7 =	sld [smem:$0x3FA2]  }
0x2d: {  	s3 =	simm.s32 $0x108;
	s8 =	sld [smem:$0x3FA3]  }
0x2e: {  	s3 =	simm.s32 @!p0 $0x1082;
	s9 =	sld [smem:$0x3FA4]  }
0x2f: {  	lr =	sadd.s32 s0, s3;
	s0 =	sld [smem:$0x3F9B]  }
0x30: {  	s3 =	sld [smem:$0x3F9E]  }
0x31: {  	[smem:$0x3FA7] =	sst s10  }
0x32: {  	s10 =	sld [smem:$0x3FA5];
	_ =	sdelay $0x3  }
0x33: {  	p0 =	seq.s32 s10, $0x1;
	s10 =	sld [smem:$0x3FA7];
	_ =	sdelay $0x3  }
0x34: {  	[smem:$0x3FA7] =	sst s10  }
0x35: {  	s10 =	sld [smem:$0x3FA6];
	_ =	sdelay $0x3  }
0x36: {  	p1 =	seq.s32 s10, $0x1;
	s10 =	sld [smem:$0x3FA7];
	_ =	sdelay $0x3  }
0x37: {  	[smem:$0x3FA7] =	sst s10  }
0x38: {  	s10 =	sld [smem:$0x3FA8]  }
0x39: {  	_ = 	snop;
	(pc) =	sbr.ind lr, $3  }
0x3a: {  	_ = 	snop  }
0x3b: {  	_ = 	snop  }
0x3c: {  	p2 =	seq.s32 s10, $0x1;
	s10 =	sld [smem:$0x3FA7]  }
0x3d: {  	_ =	shalt  }
0x3e: {  	_ =	shalt  }
0x3f: {  	_ =	shalt  }
0x40: {  	_ =	shalt  }
0x41: {  	_ =	shalt  }
0x42: {  	_ =	shalt  }
0x43: {  	_ =	shalt  }
0x44: {  	_ =	shalt  }
0x45: {  	_ =	shalt  }
0x46: {  	_ =	shalt  }
0x47: {  	_ =	shalt  }
0x48: {  	_ =	shalt  }
0x49: {  	_ =	shalt  }
0x4a: {  	_ =	shalt  }
0x4b: {  	_ =	shalt  }
0x4c: {  	_ =	shalt  }
0x4d: {  	_ =	shalt  }
0x4e: {  	_ =	shalt  }
0x4f: {  	_ =	shalt  }
0x50: {  	_ =	shalt  }
0x51: {  	_ =	shalt  }
0x52: {  	_ =	shalt  }
0x53: {  	_ =	shalt  }
0x54: {  	_ =	shalt  }
0x55: {  	_ =	shalt  }
0x56: {  	_ =	shalt  }
0x57: {  	_ =	shalt  }
0x58: {  	_ =	shalt  }
0x59: {  	_ =	shalt  }
0x5a: {  	_ =	shalt  }
0x5b: {  	_ =	shalt  }
0x5c: {  	_ =	shalt  }
0x5d: {  	_ =	shalt  }
0x5e: {  	_ =	shalt  }
0x5f: {  	_ =	shalt  }
0x60: {  	_ =	shalt  }
0x61: {  	_ =	shalt  }
0x62: {  	_ =	shalt  }
0x63: {  	_ =	shalt  }
0x64: {  	_ =	shalt  }
0x65: {  	_ =	shalt  }
0x66: {  	_ =	shalt  }
0x67: {  	_ =	shalt  }
0x68: {  	_ =	shalt  }
0x69: {  	_ =	shalt  }
0x6a: {  	_ =	shalt  }
0x6b: {  	_ =	shalt  }
0x6c: {  	_ =	shalt  }
0x6d: {  	_ =	shalt  }
0x6e: {  	_ =	shalt  }
0x6f: {  	_ =	shalt  }
0x70: {  	_ =	shalt  }
0x71: {  	_ =	shalt  }
0x72: {  	_ =	shalt  }
0x73: {  	_ =	shalt  }
0x74: {  	_ =	shalt  }
0x75: {  	_ =	shalt  }
0x76: {  	_ =	shalt  }
0x77: {  	_ =	shalt  }
0x78: {  	_ =	shalt  }
0x79: {  	_ =	shalt  }
0x7a: {  	_ =	shalt  }
0x7b: {  	_ =	shalt  }
0x7c: {  	_ =	shalt  }
0x7d: {  	_ =	shalt  }
0x7e: {  	_ =	shalt  }
0x7f: {  	_ =	shalt  }
0x80: {  	_ =	shalt  }
0x81: {  	_ =	shalt  }
0x82: {  	_ =	shalt  }
0x83: {  	_ =	shalt  }
0x84: {  	_ =	shalt  }
0x85: {  	_ =	shalt  }
0x86: {  	_ =	shalt  }
0x87: {  	_ =	shalt  }
.Lfunc_end0:
.L_simem_size_0:
called_computation.3_lowered:
.L_overlay_start_0:
0x88: {  	s2 =	sld [smem:$0x3FD9]  }
0x89: {  	s3 =	sld [smem:$0x3FFE];
	_ =	sdelay $0x1  }
0x8a: {  	s1 =	srdreg.scid  }
0x8b: {  	s0 =	sand.u32 $0x1, s1  }
0x8c: {  	s16 =	sshll.u32 s0, $0xA;
	s2 =	sadd.s32 s3, s2  }
0x8d: {  	s2 =	sadd.s32 s2, s16  }
0x8e: {  	[smem:$0x3FB3] =	sst s2  }
0x8f: {  	_ = 	snop  }
0x90: {  	(tm) =	ssettm $0x1  }
0x91: {  	s17 =	sld [smem:$0x3FFB];
	_ =	sdelay $0x3  }
0x92: {  	_ =	strace s17  }
0x93: {  	s2 =	sld [smem:$0x3FFC];
	_ =	sdelay $0x3  }
0x94: {  	_ =	strace s2  }
0x95: {  	s2 =	sld [smem:$0x3FFD];
	_ =	sdelay $0x3  }
0x96: {  	_ =	strace s2  }
0x97: {  	_ =	strace $0x8FFFFFFF  }
0x98: {  	s18 =	sld [smem:$0x3FDB];
	_ =	sdelay $0x1  }
0x99: {  	s19 =	simm.s32 $_scs_section_size  }
0x9a: {  	s4 =	simm.s32 $_size__tile_overlayer_lowered;
	s5 =	simm.s32 $_tile_overlayer_lowered  }
0x9b: {  	s22 =	simm.s32 $0x1BFF;
	s21 =	sshll.u32 s5, $0x1;
	s2 =	sadd.s32 s19, s18  }
0x9c: {  	s6 =	simm.s32 $0x0;
	s20 =	sshll.u32 s4, $0x1;
	s4 =	sadd.s32 s21, s2  }
0x9d: {  	[timem:s6], [sflag:s22] =	dma.local [hbm:s4], s20  }
0x9e: {  	_ =	swait.ge [sflag:s22], s20  }
0x9f: {  	s3 =	ssub.s32 $0x0, s20;
	[sflag:s22] =	ssyncset.done $0x0  }
0xa0: {  	[sflag:s22] =	ssyncadd.s32 s3;
	_ =	sdelay $0x1  }
0xa1: {  	s23 =	simm.s32 $0x1B8B  }
0xa2: {  	_ =	swait.ge [sflag:s23], $0x1  }
0xa3: {  	[sflag:s23] =	ssyncset.done $0x0  }
0xa4: {  	s25 =	simm.s32 $0x1B8E;
	s24 =	sld [smem:$0x3FFE];
	[sflag:s23] =	ssyncadd.s32 $0xFFFFFFFF  }
0xa5: {  	s26 =	simm.s32 $execute0_lowered;
	[smem:$0x3FD2] =	sst s25  }
0xa6: {  	s4 =	sshll.u32 s26, $0x1;
	_ =	strace $0x8000004F;
	[dreg:$0x1] =	wrdreg $0xFFFFFFFF  }
0xa7: {  	s28 =	simm.s32 $_size_execute0_lowered;
	s2 =	sadd.s32 s2, s4;
	[dreg:$0x0] =	wrdreg $0x0  }
0xa8: {  	s4 =	sshll.u32 s28, $0x1;
	[dreg:$0x2] =	wrdreg s2  }
0xa9: {  	[dreg:$0x3] =	wrdreg s4  }
0xaa: {  	[dreg:$0x4] =	wrdreg $0xC0  }
0xab: {  	_ =	task [dreg:s6], $0x5FFFF  }
0xac: {  	[dreg:$0x1] =	wrdreg $0xFFFFFFFF  }
0xad: {  	[dreg:$0x0] =	wrdreg $0x60  }
0xae: {  	[dreg:$0x2] =	wrdreg s24  }
0xaf: {  	[dreg:$0x3] =	wrdreg $0x9  }
0xb0: {  	_ =	task.clear_ibuf [dreg:s6], $0x4FFFF;
	_ =	strace $0x9000004F  }
0xb1: {  	s29 =	simm.s32 $0x9;
	_ =	strace $0x80000051  }
0xb2: {  	_ =	swait.ge [sflag:s29], $0x1  }
0xb3: {  	[sflag:s29] =	ssyncadd.s32 $0xFFFFFFFF  }
0xb4: {  	_ =	strace $0x90000051  }
0xb5: {  	_ =	sfence  }
0xb6: {  	s30 =	sld [smem:$0x0];
	_ =	sdelay $0x2  }
0xb7: {  	s31 =	sshll.u32 s1, $0xD;
	s1 =	sshrl.u32 s1, $0x2  }
0xb8: {  	s3 =	sand.u32 $0x4000, s31;
	s1 =	sadd.s32 s1, s30  }
0xb9: {  	s0 =	sor.u32 s3, s0;
	s1 =	sshll.u32 s1, $0x11  }
0xba: {  	s0 =	sor.u32 s1, s0  }
0xbb: {  	s0 =	sadd.s32 $0x8F2B, s0  }
0xbc: {  	[sflag:s0] =	ssyncadd.remote.s32 $0x1  }
0xbd: {  	_ =	sfence.sel $0xFFFF  }
0xbe: {  	[dreg:$0x0] =	wrdreg $0xFFFFFFFF;
	(pc) =	sbr.abs _section_cstart, $3  }
0xbf: {  	[dreg:$0x1] =	wrdreg $0xFFFFFFFF  }
0xc0: {  	_ =	task.clear_ibuf [dreg:s6], $0x2FFFF;
	_ =	strace $0x9FFFFFFF  }
0xc1: {  	(tm) =	ssettm $0x7FFFFFFF  }
tec
execute0_lowered:
.L_overlay_start_1:
0x0: {  	(tag) =	ssettag $0x1  }
0x1: {  	s0 =	srdreg.scid  }
0x2: {  	s18 =	stileid.u32;
	s8 =	rddreg [dreg:$0x0]  }
0x3: {  	s3 =	simm.s32 $0x1;
	s5 =	simm.s32 $0x1;
	s28 =	simm.s32 $0x1B800  }
0x4: {  	s29 =	simm.s32 $0x1C200;
	s30 =	simm.s32 $0x1CC00;
	s31 =	simm.s32 $0x1D600  }
0x5: {  	s0 =	sand.u32 $0x1, s0;
	s2 =	sand.u32 $0x7, s18;
	s11 =	sadd.s32 $0x130200, s8  }
0x6: {  	s7 =	sadd.s32 $0x9800, s8;
	s14 =	sadd.s32 $0x158200, s8;
	s23 =	sshll.u32 s18, $0x1  }
0x7: {  	s1 =	sshll.u32 s0, $0x4;
	p1 =	sne.s32 s2, $0x0;
	s2 =	simm.s32 $0x0  }
0x8: {  	s0 =	ssub.s32 $0x2, s0;
	s25 =	sand.u32 $0xE, s23;
	s1 =	sor.u32 s18, s1  }
0x9: {  	[smem:$0x7FF] =	sst s2;
	s12 =	sshrl.u32 s0, $0x1;
	p0 =	seq.s32 s1, $0x0  }
0xa: {  	s4 =	sshrl.u32 s1, $0x3;
	_ =	strace $0x80000050;
	s10 =	smul.u32 $0xA000, s1  }
0xb: {  	s16 =	smul.u32 $0x1400, s1;
	s0 =	ssub.s32 s0, s12;
	p0 =	por !p1, !p0  }
0xc: {  	s12 =	smul.u32 $0x4E200, s25;
	p0 =	por !p0, !p0;
	s15 =	sshrl.u32 s10, $0x3  }
0xd: {  	s21 =	sadd.s32 s11, s16;
	s3 =	simm.s32 @!p0 $0x0;
	s17 =	sadd.s32 $0x500, s15  }
0xe: {  	[dreg:$0x2] =	wrdreg s21;
	s24 =	sadd.s32 $0xA00, s15;
	s21 =	smul.u32 $0x5000, s1  }
0xf: {  	s19 =	sadd.s32 $0xF00, s15;
	s1 =	smul.u32 $0xA00, s1;
	s9 =	ssub.s32 s4, s3  }
0x10: {  	s3 =	sadd.s32 $0x93E00, s8;
	s4 =	sadd.s32 $0x1D400, s8;
	s22 =	sadd.s32 s11, s17  }
0x11: {  	s26 =	sadd.s32 s11, s24;
	s15 =	sadd.s32 s11, s19;
	[dreg:$0x3] =	wrdreg s22  }
0x12: {  	s23 =	sadd.s32 s14, s17;
	s24 =	sadd.s32 s14, s24;
	[dreg:$0x4] =	wrdreg s26  }
0x13: {  	s25 =	sadd.s32 s14, s19;
	s6 =	smul.u32 $0x2800, s9;
	[dreg:$0x5] =	wrdreg s15  }
0x14: {  	s11 =	simm.s32 $0x11800;
	s10 =	smul.u32 $0x4E200, s9;
	[dreg:$0x8] =	wrdreg s23  }
0x15: {  	s15 =	sadd.s32 $0x4E200, s12;
	s22 =	sadd.s32 s14, s16;
	[dreg:$0x9] =	wrdreg s24  }
0x16: {  	s9 =	sshrl.u32 s21, $0x3;
	[dreg:$0xa] =	wrdreg s25;
	s23 =	simm.s32 $0x2800  }
0x17: {  	s24 =	simm.s32 $0x5000;
	s25 =	simm.s32 $0x7800;
	s14 =	simm.s32 $0x16800  }
0x18: {  	s16 =	simm.s32 $0x0;
	s21 =	simm.s32 $0x0;
	[dreg:$0x7] =	wrdreg s22  }
0x19: {  	s22 =	smax.u32 s0, $0x1;
	s0 =	simm.s32 $0xA000;
	s6 =	sshrl.u32 s6, $0x3  }
0x1a: {  	s13 =	sadd.s32 s6, s8;
	s6 =	sadd.s32 $0x13600, s8;
	s8 =	sadd.s32 $0x44600, s8  }
0x1b: {  	s20 =	sadd.s32 $0x6B800, s13;
	s1 =	sadd.s32 s8, s1;
	s26 =	sadd.s32 s8, s9  }
0x1c: {  	s8 =	simm.s32 $0xC800;
	s9 =	simm.s32 $0xF000;
	[dreg:$0x6] =	wrdreg s20  }
0x1d: {  	s13 =	simm.s32 $0x14000;
	[dreg:$0xb] =	wrdreg s1;
	s1 =	sadd.s32 $0x500, s26  }
0x1e: {  	v0 =	vimm.f32 $0.0e+00;
	s26 =	simm.s32 $0x19000;
	[dreg:$0xc] =	wrdreg s1;
	s1 =	simm.s32 $0x1E000  }
.LBB2_1:
0x1f: {  	s17 =	rddreg [dreg:$0x2]  }
0x20: {  	[tilespmem:s2], [sflag:$0x1] =	stream.linear.gather [hbm4b:s17+s2], $0x2800, $0x38;
	[tilespmem:$0x1EA00] =	vst v63  }
0x21: {  	_ =	swait.ge [sflag:s5], $0x2800  }
0x22: {  	[sflag:s5] =	ssyncset.done $0x0  }
0x23: {  	s20 =	rddreg [dreg:$0x3];
	[sflag:s5] =	ssyncadd.s32 $0xFFFFD800  }
0x24: {  	[tilespmem:s23], [sflag:$0x1] =	stream.linear.gather [hbm4b:s20+s2], $0x2800, $0x38;
	[tilespmem:$0x1EA00] =	vst v63  }
0x25: {  	_ =	swait.ge [sflag:s5], $0x2800  }
0x26: {  	[sflag:s5] =	ssyncset.done $0x0  }
0x27: {  	s18 =	rddreg [dreg:$0x4];
	[sflag:s5] =	ssyncadd.s32 $0xFFFFD800  }
0x28: {  	[tilespmem:s24], [sflag:$0x1] =	stream.linear.gather [hbm4b:s18+s2], $0x2800, $0x38;
	[tilespmem:$0x1EA00] =	vst v63  }
0x29: {  	_ =	swait.ge [sflag:s5], $0x2800  }
0x2a: {  	[sflag:s5] =	ssyncset.done $0x0  }
0x2b: {  	s19 =	rddreg [dreg:$0x5];
	[sflag:s5] =	ssyncadd.s32 $0xFFFFD800  }
0x2c: {  	[tilespmem:s25], [sflag:$0x1] =	stream.linear.gather [hbm4b:s19+s2], $0x2800, $0x38;
	[tilespmem:$0x1EA00] =	vst v63  }
0x2d: {  	_ =	swait.ge [sflag:s5], $0x2800  }
0x2e: {  	[sflag:s5] =	ssyncset.done $0x0  }
0x2f: {  	s20 =	rddreg [dreg:$0x6];
	[sflag:s5] =	ssyncadd.s32 $0xFFFFD800  }
0x30: {  	[tilespmem:s26], [sflag:$0x1] =	stream.linear.gather [hbm4b:s20+s2], $0x2800, $0x38;
	[tilespmem:$0x1EA00] =	vst v63  }
0x31: {  	_ =	swait.ge [sflag:s5], $0x2800  }
0x32: {  	[sflag:s5] =	ssyncset.done $0x0  }
0x33: {  	s17 =	simm.s32 $0x40;
	s18 =	simm.s32 $0x0;
	[sflag:s5] =	ssyncadd.s32 $0xFFFFD800  }
.LBB2_2:
0x34: {  	p0 =	sne.s32 s17, $0x9FC0;
	[tilespmem:s18+$0xA000] =	vst v0;
	s18 =	smov.u32 s17;
	s17 =	sadd.s32 $0x40, s17  }
.Ltmp0:
0x35: {  	(pc) =	sbr.rel @p0 .LBB2_2-.Ltmp0, $2  }
0x36: {  	_ =	sdelay $0x2  }
0x37: {  	s18 =	sshra.s32 s18, $0x2  }
0x38: {  	[tilespmem:s18+$0xA000] =	vst v0;
	s17 =	simm.s32 $0x40;
	s18 =	simm.s32 $0x0  }
.LBB2_4:
0x39: {  	p0 =	sne.s32 s17, $0x9FC0;
	[tilespmem:s18+$0xC800] =	vst v0;
	s18 =	smov.u32 s17;
	s17 =	sadd.s32 $0x40, s17  }
.Ltmp1:
0x3a: {  	(pc) =	sbr.rel @p0 .LBB2_4-.Ltmp1, $2  }
0x3b: {  	_ =	sdelay $0x2  }
0x3c: {  	s18 =	sshra.s32 s18, $0x2  }
0x3d: {  	[tilespmem:s18+$0xC800] =	vst v0;
	s17 =	simm.s32 $0x40;
	s18 =	simm.s32 $0x0  }
.LBB2_6:
0x3e: {  	p0 =	sne.s32 s17, $0x9FC0;
	[tilespmem:s18+$0xF000] =	vst v0;
	s18 =	smov.u32 s17;
	s17 =	sadd.s32 $0x40, s17  }
.Ltmp2:
0x3f: {  	(pc) =	sbr.rel @p0 .LBB2_6-.Ltmp2, $2  }
0x40: {  	_ =	sdelay $0x2  }
0x41: {  	s18 =	sshra.s32 s18, $0x2  }
0x42: {  	[tilespmem:s18+$0xF000] =	vst v0;
	s17 =	simm.s32 $0x40;
	s18 =	simm.s32 $0x0  }
.LBB2_8:
0x43: {  	p0 =	sne.s32 s17, $0x9FC0;
	[tilespmem:s18+$0x11800] =	vst v0;
	s18 =	smov.u32 s17;
	s17 =	sadd.s32 $0x40, s17  }
.Ltmp3:
0x44: {  	(pc) =	sbr.rel @p0 .LBB2_8-.Ltmp3, $2  }
0x45: {  	_ =	sdelay $0x2  }
0x46: {  	s18 =	sshra.s32 s18, $0x2  }
0x47: {  	[tilespmem:s18+$0x11800] =	vst v0;
	s17 =	simm.s32 $0x40;
	s18 =	simm.s32 $0x0  }
.LBB2_10:
0x48: {  	p0 =	sne.s32 s17, $0x9FC0;
	[tilespmem:s18+$0x14000] =	vst v0;
	s18 =	smov.u32 s17;
	s17 =	sadd.s32 $0x40, s17  }
.Ltmp4:
0x49: {  	(pc) =	sbr.rel @p0 .LBB2_10-.Ltmp4, $2  }
0x4a: {  	_ =	sdelay $0x2  }
0x4b: {  	s18 =	sshra.s32 s18, $0x2  }
0x4c: {  	[tilespmem:s18+$0x14000] =	vst v0;
	s17 =	simm.s32 $0x0;
	s18 =	simm.s32 $0x40;
	s19 =	simm.s32 $0x0  }
.LBB2_12:
0x4d: {  	p0 =	sne.s32 s18, $0x9FC0;
	[tilespmem:s19+$0x16800] =	vst v0;
	s19 =	smov.u32 s18;
	s18 =	sadd.s32 $0x40, s18  }
.Ltmp5:
0x4e: {  	(pc) =	sbr.rel @p0 .LBB2_12-.Ltmp5, $2  }
0x4f: {  	_ =	sdelay $0x2  }
0x50: {  	s19 =	sshra.s32 s19, $0x2  }
0x51: {  	[tilespmem:s19+$0x16800] =	vst v0  }
.LBB2_14:
0x52: {  	s18 =	smul.u32 $0xA00, s17;
	_ =	sdelay $0x1  }
0x53: {  	s19 =	sshrl.u32 s18, $0x3  }
0x54: {  	s20 =	sadd.s32 s6, s19  }
0x55: {  	[tilespmem:s28], [sflag:$0x1] =	stream.linear.gather [hbm4b:s20+s21], $0xA00, $0x38;
	[tilespmem:$0x1EA00] =	vst v63  }
0x56: {  	_ =	swait.ge [sflag:s5], $0xA00  }
0x57: {  	[sflag:s5] =	ssyncset.done $0x0  }
0x58: {  	s19 =	sadd.s32 s7, s19;
	[sflag:s5] =	ssyncadd.s32 $0xFFFFF600  }
0x59: {  	[tilespmem:s29], [sflag:$0x1] =	stream.linear.gather [hbm4b:s19+s21], $0xA00, $0x38;
	[tilespmem:$0x1EA00] =	vst v63  }
0x5a: {  	s20 =	sadd.s32 s10, s18;
	_ =	swait.ge [sflag:s5], $0xA00  }
0x5b: {  	s19 =	sshrl.u32 s20, $0x3;
	[sflag:s5] =	ssyncset.done $0x0  }
0x5c: {  	s19 =	sadd.s32 s4, s19;
	[sflag:s5] =	ssyncadd.s32 $0xFFFFF600  }
0x5d: {  	[tilespmem:s30], [sflag:$0x1] =	stream.linear.gather [hbm4b:s19+s21], $0xA00, $0x38;
	[tilespmem:$0x1EA00] =	vst v63  }
0x5e: {  	s20 =	sadd.s32 s12, s18;
	_ =	swait.ge [sflag:s5], $0xA00  }
0x5f: {  	s19 =	sshrl.u32 s20, $0x3;
	[sflag:s5] =	ssyncset.done $0x0  }
0x60: {  	s19 =	sadd.s32 s3, s19;
	[sflag:s5] =	ssyncadd.s32 $0xFFFFF600  }
0x61: {  	[tilespmem:s31], [sflag:$0x1] =	stream.linear.gather [hbm4b:s19+s21], $0xA00, $0x38;
	[tilespmem:$0x1EA00] =	vst v63  }
0x62: {  	s18 =	sadd.s32 s15, s18;
	_ =	swait.ge [sflag:s5], $0xA00  }
0x63: {  	s18 =	sshrl.u32 s18, $0x3;
	[sflag:s5] =	ssyncset.done $0x0  }
0x64: {  	s18 =	sadd.s32 s3, s18;
	[sflag:s5] =	ssyncadd.s32 $0xFFFFF600  }
0x65: {  	[tilespmem:s1], [sflag:$0x1] =	stream.linear.gather [hbm4b:s18+s21], $0xA00, $0x38;
	[tilespmem:$0x1EA00] =	vst v63  }
0x66: {  	_ =	swait.ge [sflag:s5], $0xA00  }
0x67: {  	[sflag:s5] =	ssyncset.done $0x0  }
0x68: {  	s20 =	simm.s32 $0x0;
	[sflag:s5] =	ssyncadd.s32 $0xFFFFF600  }
0x69: {  	v1 =	vld [tilespmem:s20+$0x1C200];
	_ =	sdelay $0x1  }
0x6a: {  	v2 =	vld [tilespmem:s20+$0x1B800];
	_ =	sdelay $0x4  }
0x6b: {  	v4 =	vld [tilespmem:s20+$0x1CC00]  }
0x6c: {  	v3 =	vld.idx.msk [tilespmem:v1+s26+$0x0], $0xffff;
	_ =	sdelay $0x1  }
0x6d: {  	v5 =	vld.idx.msk [tilespmem:v2+s2+$0x0], $0xffff;
	_ =	sdelay $0x2  }
0x6e: {  	v3 =	vmul.f32 v3, v4;
	_ =	sdelay $0x1  }
0x6f: {  	v4 =	vmul.f32 v5, v3;
	_ =	sdelay $0x1  }
0x70: {  	[tilespmem:v1+s0+$0x0] =	vst.idx.add.f32.msk $0xffff, v4  }
0x71: {  	v4 =	vld.idx.msk [tilespmem:v2+s23+$0x0], $0xffff;
	_ =	sdelay $0x4  }
0x72: {  	v4 =	vmul.f32 v4, v3;
	_ =	sdelay $0x1  }
0x73: {  	[tilespmem:v1+s8+$0x0] =	vst.idx.add.f32.msk $0xffff, v4  }
0x74: {  	v4 =	vld.idx.msk [tilespmem:v2+s24+$0x0], $0xffff;
	_ =	sdelay $0x4  }
0x75: {  	v4 =	vmul.f32 v4, v3;
	_ =	sdelay $0x1  }
0x76: {  	[tilespmem:v1+s9+$0x0] =	vst.idx.add.f32.msk $0xffff, v4  }
0x77: {  	v2 =	vld.idx.msk [tilespmem:v2+s25+$0x0], $0xffff;
	_ =	sdelay $0x4  }
0x78: {  	v2 =	vmul.f32 v2, v3;
	_ =	sdelay $0x1  }
0x79: {  	[tilespmem:v1+s11+$0x0] =	vst.idx.add.f32.msk $0xffff, v2  }
0x7a: {  	v2 =	vld [tilespmem:s20+$0x1D600];
	_ =	sdelay $0x4  }
0x7b: {  	v2 =	vmul.f32 v2, v3;
	_ =	sdelay $0x1  }
0x7c: {  	[tilespmem:v1+s13+$0x0] =	vst.idx.add.f32.msk $0xffff, v2  }
0x7d: {  	v2 =	vld [tilespmem:s20+$0x1E000];
	_ =	sdelay $0x4  }
0x7e: {  	s19 =	simm.s32 $0x80;
	s18 =	simm.s32 $0x40;
	v2 =	vmul.f32 v2, v3  }
.LBB2_15:
0x7f: {  	p0 =	sne.s32 s19, $0x27C0  }
0x80: {  	s20 =	sshra.s32 s18, $0x2;
	s18 =	smov.u32 s19;
	s19 =	sadd.s32 $0x40, s19;
	[tilespmem:v1+s14+$0x0] =	vst.idx.add.f32.msk $0xffff, v2  }
0x81: {  	v1 =	vld [tilespmem:s20+$0x1C200];
	_ =	sdelay $0x1  }
0x82: {  	v2 =	vld [tilespmem:s20+$0x1B800];
	_ =	sdelay $0x5  }
0x83: {  	v3 =	vld.idx.msk [tilespmem:v1+s26+$0x0], $0xffff  }
0x84: {  	v4 =	vld [tilespmem:s20+$0x1CC00]  }
0x85: {  	v5 =	vld.idx.msk [tilespmem:v2+s2+$0x0], $0xffff;
	_ =	sdelay $0x3  }
0x86: {  	v3 =	vmul.f32 v3, v4;
	_ =	sdelay $0x1  }
0x87: {  	v4 =	vmul.f32 v5, v3;
	_ =	sdelay $0x1  }
0x88: {  	[tilespmem:v1+s0+$0x0] =	vst.idx.add.f32.msk $0xffff, v4  }
0x89: {  	v4 =	vld.idx.msk [tilespmem:v2+s23+$0x0], $0xffff;
	_ =	sdelay $0x5  }
0x8a: {  	v4 =	vmul.f32 v4, v3;
	_ =	sdelay $0x1  }
0x8b: {  	[tilespmem:v1+s8+$0x0] =	vst.idx.add.f32.msk $0xffff, v4  }
0x8c: {  	v4 =	vld.idx.msk [tilespmem:v2+s24+$0x0], $0xffff;
	_ =	sdelay $0x5  }
0x8d: {  	v4 =	vmul.f32 v4, v3;
	_ =	sdelay $0x1  }
0x8e: {  	[tilespmem:v1+s9+$0x0] =	vst.idx.add.f32.msk $0xffff, v4  }
0x8f: {  	v2 =	vld.idx.msk [tilespmem:v2+s25+$0x0], $0xffff;
	_ =	sdelay $0x5  }
0x90: {  	v2 =	vmul.f32 v2, v3;
	_ =	sdelay $0x1  }
0x91: {  	[tilespmem:v1+s11+$0x0] =	vst.idx.add.f32.msk $0xffff, v2  }
0x92: {  	v2 =	vld [tilespmem:s20+$0x1D600];
	_ =	sdelay $0x4  }
0x93: {  	v2 =	vmul.f32 v2, v3;
	_ =	sdelay $0x1  }
0x94: {  	[tilespmem:v1+s13+$0x0] =	vst.idx.add.f32.msk $0xffff, v2  }
0x95: {  	v2 =	vld [tilespmem:s20+$0x1E000]  }
.Ltmp6:
0x96: {  	(pc) =	sbr.rel @p0 .LBB2_15-.Ltmp6, $2  }
0x97: {  	_ =	sdelay $0x2  }
0x98: {  	v2 =	vmul.f32 v2, v3  }
0x99: {  	_ =	sdelay $0x3  }
0x9a: {  	s18 =	sshra.s32 s18, $0x2;
	[tilespmem:v1+s14+$0x0] =	vst.idx.add.f32.msk $0xffff, v2  }
0x9b: {  	v1 =	vld [tilespmem:s18+$0x1C200];
	_ =	sdelay $0x1  }
0x9c: {  	v2 =	vld [tilespmem:s18+$0x1B800];
	_ =	sdelay $0x4  }
0x9d: {  	v4 =	vld [tilespmem:s18+$0x1CC00]  }
0x9e: {  	v3 =	vld.idx.msk [tilespmem:v1+s26+$0x0], $0xffff;
	_ =	sdelay $0x1  }
0x9f: {  	v5 =	vld.idx.msk [tilespmem:v2+s2+$0x0], $0xffff;
	_ =	sdelay $0x2  }
0xa0: {  	v3 =	vmul.f32 v3, v4;
	_ =	sdelay $0x1  }
0xa1: {  	v4 =	vmul.f32 v5, v3;
	_ =	sdelay $0x1  }
0xa2: {  	[tilespmem:v1+s0+$0x0] =	vst.idx.add.f32.msk $0xffff, v4  }
0xa3: {  	v4 =	vld.idx.msk [tilespmem:v2+s23+$0x0], $0xffff;
	_ =	sdelay $0x4  }
0xa4: {  	v4 =	vmul.f32 v4, v3;
	_ =	sdelay $0x1  }
0xa5: {  	[tilespmem:v1+s8+$0x0] =	vst.idx.add.f32.msk $0xffff, v4  }
0xa6: {  	v4 =	vld.idx.msk [tilespmem:v2+s24+$0x0], $0xffff;
	_ =	sdelay $0x4  }
0xa7: {  	v4 =	vmul.f32 v4, v3;
	_ =	sdelay $0x1  }
0xa8: {  	[tilespmem:v1+s9+$0x0] =	vst.idx.add.f32.msk $0xffff, v4  }
0xa9: {  	v2 =	vld.idx.msk [tilespmem:v2+s25+$0x0], $0xffff;
	_ =	sdelay $0x4  }
0xaa: {  	v2 =	vmul.f32 v2, v3;
	_ =	sdelay $0x1  }
0xab: {  	[tilespmem:v1+s11+$0x0] =	vst.idx.add.f32.msk $0xffff, v2  }
0xac: {  	v2 =	vld [tilespmem:s18+$0x1D600];
	_ =	sdelay $0x4  }
0xad: {  	v2 =	vmul.f32 v2, v3;
	_ =	sdelay $0x1  }
0xae: {  	[tilespmem:v1+s13+$0x0] =	vst.idx.add.f32.msk $0xffff, v2  }
0xaf: {  	v2 =	vld [tilespmem:s18+$0x1E000]  }
0xb0: {  	s17 =	sadd.s32 $0x1, s17  }
0xb1: {  	p0 =	sne.s32 s17, $0x7D  }
.Ltmp7:
0xb2: {  	_ = 	snop;
	(pc) =	sbr.rel @p0 .LBB2_14-.Ltmp7, $3  }
0xb3: {  	_ = 	snop  }
0xb4: {  	v2 =	vmul.f32 v2, v3;
	_ =	sdelay $0x1  }
0xb5: {  	[tilespmem:v1+s14+$0x0] =	vst.idx.add.f32.msk $0xffff, v2  }
0xb6: {  	s17 =	rddreg [dreg:$0x7]  }
0xb7: {  	[hbm4b:s17+s2] =	stream.linear.scatter [tilespmem:s0], [sflag:$0x1], $0x2800, $0x38;
	[tilespmem:$0x1EA00] =	vst v63  }
0xb8: {  	_ =	swait.ge [sflag:s5], $0x2800  }
0xb9: {  	[sflag:s5] =	ssyncset.done $0x0  }
0xba: {  	s19 =	rddreg [dreg:$0x8];
	[sflag:s5] =	ssyncadd.s32 $0xFFFFD800  }
0xbb: {  	[hbm4b:s19+s2] =	stream.linear.scatter [tilespmem:s8], [sflag:$0x1], $0x2800, $0x38;
	[tilespmem:$0x1EA00] =	vst v63  }
0xbc: {  	_ =	swait.ge [sflag:s5], $0x2800  }
0xbd: {  	[sflag:s5] =	ssyncset.done $0x0  }
0xbe: {  	s20 =	rddreg [dreg:$0x9];
	[sflag:s5] =	ssyncadd.s32 $0xFFFFD800  }
0xbf: {  	[hbm4b:s20+s2] =	stream.linear.scatter [tilespmem:s9], [sflag:$0x1], $0x2800, $0x38;
	[tilespmem:$0x1EA00] =	vst v63  }
0xc0: {  	_ =	swait.ge [sflag:s5], $0x2800  }
0xc1: {  	[sflag:s5] =	ssyncset.done $0x0  }
0xc2: {  	s18 =	rddreg [dreg:$0xa];
	[sflag:s5] =	ssyncadd.s32 $0xFFFFD800  }
0xc3: {  	[hbm4b:s18+s2] =	stream.linear.scatter [tilespmem:s11], [sflag:$0x1], $0x2800, $0x38;
	[tilespmem:$0x1EA00] =	vst v63  }
0xc4: {  	_ =	swait.ge [sflag:s5], $0x2800  }
0xc5: {  	[sflag:s5] =	ssyncset.done $0x0  }
0xc6: {  	s19 =	rddreg [dreg:$0xb];
	[sflag:s5] =	ssyncadd.s32 $0xFFFFD800  }
0xc7: {  	[hbm4b:s19+s2] =	stream.linear.scatter [tilespmem:s13], [sflag:$0x1], $0x2800, $0x38;
	[tilespmem:$0x1EA00] =	vst v63  }
0xc8: {  	s16 =	sadd.s32 $0x1, s16;
	_ =	swait.ge [sflag:s5], $0x2800  }
0xc9: {  	p0 =	sne.s32 s16, s22;
	[sflag:s5] =	ssyncset.done $0x0  }
.Ltmp8:
0xca: {  	s20 =	rddreg [dreg:$0xc];
	[sflag:s5] =	ssyncadd.s32 $0xFFFFD800;
	(pc) =	sbr.rel @p0 .LBB2_1-.Ltmp8, $4  }
0xcb: {  	[hbm4b:s20+s2] =	stream.linear.scatter [tilespmem:s14], [sflag:$0x1], $0x2800, $0x38;
	[tilespmem:$0x1EA00] =	vst v63  }
0xcc: {  	_ =	swait.ge [sflag:s5], $0x2800  }
0xcd: {  	[sflag:s5] =	ssyncset.done $0x0  }
0xce: {  	[sflag:s5] =	ssyncadd.s32 $0xFFFFD800  }
0xcf: {  	_ =	sfence.sel $0x180000  }
0xd0: {  	[bflag:$0x0] =	sbarrier.arrive $0xFFFF  }
0xd1: {  	_ =	strace $0x90000050  }
0xd2: {  	s0 =	stileid.u32;
	[bflag:$0x2] =	sbarrier.arrive $0xFFFF  }
0xd3: {  	p0 =	sne.s32 s0, $0x0;
	s0 =	rddreg [dreg:$0x1]  }
0xd4: {  	s0 =	sadd.s32 @!p0 $0x100000, s0  }
0xd5: {  	[sflag:s0] =	ssyncadd.tile.s32 @!p0 $0x1;
	_ =	shalt  }
.Lfunc_end2:
_tile_overlayer_lowered:
.L_overlay_start_2:
0xd6: {  	(tag) =	ssettag $0x2  }
0xd7: {  	s0 =	rddreg [dreg:$0x0];
	s2 =	stileid.u32  }
0xd8: {  	s1 =	rddreg [dreg:$0x1];
	p0 =	sne.s32 s2, $0x0  }
0xd9: {  	s3 =	rddreg [dreg:$0x2];
	[bflag:$0x3] =	sbarrier.arrive $0xFFFF;
	s2 =	simm.s32 @!p0 $0x1C01  }
0xda: {  	[timem:s3], [sflag:s2] =	dma.local @!p0 [hbm:s0], s1  }
0xdb: {  	s0 =	simm.s32 @!p0 $0x1  }
0xdc: {  	_ =	swait.ge @!p0 [sflag:s0], s1  }
0xdd: {  	s1 =	ssub.s32 @!p0 $0x0, s1;
	[sflag:s0] =	ssyncset.done @!p0 $0x0  }
0xde: {  	[sflag:s0] =	ssyncadd.s32 @!p0 s1  }
0xdf: {  	[bflag:$0x3] =	sbarrier.arrive $0xFFFF  }
0xe0: {  	_ =	shalt  }

// kernel: kernel.25.cloned.1.call-start
scs
__scs_entry_jumppad:
0x0: {  	(pc) =	sbr.rel $0x88, $3  }
0x1: {  	(tag) =	ssettag $0x0;
	lr =	simm.s32 $0x1  }
0x2: {  	[smem:$0x3F8C] =	sst lr;
	_ =	strace $0xD0000000  }
0x3: {  	_ = 	snop  }
0x4: {  	_ = 	snop  }
0x5: {  	_ = 	snop  }
0x6: {  	_ = 	snop  }
0x7: {  	_ = 	snop  }
__scs_overlays_trampoline_lowered:
0x8: {  	[smem:$0x3F9B] =	sst s0  }
0x9: {  	[smem:$0x3F9C] =	sst s1  }
0xa: {  	[smem:$0x3F9D] =	sst s2  }
0xb: {  	[smem:$0x3F9E] =	sst s3  }
0xc: {  	[smem:$0x3F9F] =	sst s4  }
0xd: {  	[smem:$0x3FA0] =	sst s5  }
0xe: {  	[smem:$0x3FA1] =	sst s6  }
0xf: {  	[smem:$0x3FA2] =	sst s7  }
0x10: {  	[smem:$0x3FA3] =	sst s8  }
0x11: {  	[smem:$0x3FA4] =	sst s9;
	s0 =	simm.s32 @!p0 $0x0  }
0x12: {  	s1 =	sld [smem:$0x3F8A];
	s0 =	simm.s32 @p0 $0x1  }
0x13: {  	[smem:$0x3FA5] =	sst s0;
	s0 =	simm.s32 @!p1 $0x0  }
0x14: {  	s2 =	sld [smem:$0x3F89];
	s0 =	simm.s32 @p1 $0x1  }
0x15: {  	[smem:$0x3FA6] =	sst s0;
	s0 =	simm.s32 @!p2 $0x0  }
0x16: {  	s3 =	sld [smem:$0x3FDB];
	s0 =	simm.s32 @p2 $0x1  }
0x17: {  	s4 =	simm.s32 $0x1BF5;
	[smem:$0x3FA8] =	sst s0  }
0x18: {  	s0 =	sld [smem:$0x3F8B];
	_ =	swait.ge [sflag:s4], $0x0  }
0x19: {  	s7 =	sld [smem:$0x3F8C]  }
0x1a: {  	s8 =	sadd.s32 $0xFFFFE003, lr  }
0x1b: {  	s9 =	sadd.s32 $0xFFFFFEF7, lr;
	s5 =	simm.s32 $0xFFFFFFFF;
	p2 =	slt.u32 s8, $0xFFFFF086  }
0x1c: {  	p1 =	slt.u32 s9, $0xF7A;
	s5 =	simm.s32 @!p2 $0x0  }
0x1d: {  	s5 =	simm.s32 @p1 $0x1;
	p0 =	seq.s32 s7, s2  }
0x1e: {  	s7 =	smul.u32 @!p0 $0xF7A, s2;
	p2 =	seq.s32 @!p0 s5, $0x0  }
0x1f: {  	s9 =	smul.u32 $0xF7A, s1;
	s8 =	simm.s32 @!p0 $0x1BF5;
	p2 =	por !p2, p0  }
0x20: {  	[sflag:s8] =	ssyncset.s32 @!p0 $0xFFFFF086;
	s6 =	sadd.s32 @!p0 s3, s7;
	s7 =	simm.s32 @!p0 $0x108  }
0x21: {  	s3 =	sadd.s32 s3, s9;
	s6 =	sadd.s32 @!p0 $0x88, s6;
	s7 =	simm.s32 @p2 $0x1082  }
0x22: {  	[simem:s7], [sflag:s8] =	dma.local @!p0 [hbm:s6], $0xF7A  }
0x23: {  	s9 =	sor.u32 $0xD0000000, s2;
	s6 =	simm.s32 $0x108;
	_ =	swait.ge @!p0 [sflag:s8], $0x0  }
0x24: {  	s3 =	sadd.s32 $0x88, s3;
	s6 =	simm.s32 @!p1 $0x1082;
	[sflag:s4] =	ssyncset.s32 $0xFFFFF086  }
0x25: {  	[simem:s6], [sflag:s4] =	dma.local [hbm:s3], $0xF7A  }
0x26: {  	[smem:$0x3F8C] =	sst s1;
	(tag) =	ssettag s2;
	_ =	strace s9  }
0x27: {  	s1 =	sld [smem:$0x3F9C]  }
0x28: {  	s2 =	sld [smem:$0x3F9D]  }
0x29: {  	s4 =	sld [smem:$0x3F9F]  }
0x2a: {  	p0 =	seq.s32 s5, $0x0;
	s5 =	sld [smem:$0x3FA0]  }
0x2b: {  	s6 =	sld [smem:$0x3FA1]  }
0x2c: {  	s7 =	sld [smem:$0x3FA2]  }
0x2d: {  	s3 =	simm.s32 $0x108;
	s8 =	sld [smem:$0x3FA3]  }
0x2e: {  	s3 =	simm.s32 @!p0 $0x1082;
	s9 =	sld [smem:$0x3FA4]  }
0x2f: {  	lr =	sadd.s32 s0, s3;
	s0 =	sld [smem:$0x3F9B]  }
0x30: {  	s3 =	sld [smem:$0x3F9E]  }
0x31: {  	[smem:$0x3FA7] =	sst s10  }
0x32: {  	s10 =	sld [smem:$0x3FA5];
	_ =	sdelay $0x3  }
0x33: {  	p0 =	seq.s32 s10, $0x1;
	s10 =	sld [smem:$0x3FA7];
	_ =	sdelay $0x3  }
0x34: {  	[smem:$0x3FA7] =	sst s10  }
0x35: {  	s10 =	sld [smem:$0x3FA6];
	_ =	sdelay $0x3  }
0x36: {  	p1 =	seq.s32 s10, $0x1;
	s10 =	sld [smem:$0x3FA7];
	_ =	sdelay $0x3  }
0x37: {  	[smem:$0x3FA7] =	sst s10  }
0x38: {  	s10 =	sld [smem:$0x3FA8]  }
0x39: {  	_ = 	snop;
	(pc) =	sbr.ind lr, $3  }
0x3a: {  	_ = 	snop  }
0x3b: {  	_ = 	snop  }
0x3c: {  	p2 =	seq.s32 s10, $0x1;
	s10 =	sld [smem:$0x3FA7]  }
0x3d: {  	_ =	shalt  }
0x3e: {  	_ =	shalt  }
0x3f: {  	_ =	shalt  }
0x40: {  	_ =	shalt  }
0x41: {  	_ =	shalt  }
0x42: {  	_ =	shalt  }
0x43: {  	_ =	shalt  }
0x44: {  	_ =	shalt  }
0x45: {  	_ =	shalt  }
0x46: {  	_ =	shalt  }
0x47: {  	_ =	shalt  }
0x48: {  	_ =	shalt  }
0x49: {  	_ =	shalt  }
0x4a: {  	_ =	shalt  }
0x4b: {  	_ =	shalt  }
0x4c: {  	_ =	shalt  }
0x4d: {  	_ =	shalt  }
0x4e: {  	_ =	shalt  }
0x4f: {  	_ =	shalt  }
0x50: {  	_ =	shalt  }
0x51: {  	_ =	shalt  }
0x52: {  	_ =	shalt  }
0x53: {  	_ =	shalt  }
0x54: {  	_ =	shalt  }
0x55: {  	_ =	shalt  }
0x56: {  	_ =	shalt  }
0x57: {  	_ =	shalt  }
0x58: {  	_ =	shalt  }
0x59: {  	_ =	shalt  }
0x5a: {  	_ =	shalt  }
0x5b: {  	_ =	shalt  }
0x5c: {  	_ =	shalt  }
0x5d: {  	_ =	shalt  }
0x5e: {  	_ =	shalt  }
0x5f: {  	_ =	shalt  }
0x60: {  	_ =	shalt  }
0x61: {  	_ =	shalt  }
0x62: {  	_ =	shalt  }
0x63: {  	_ =	shalt  }
0x64: {  	_ =	shalt  }
0x65: {  	_ =	shalt  }
0x66: {  	_ =	shalt  }
0x67: {  	_ =	shalt  }
0x68: {  	_ =	shalt  }
0x69: {  	_ =	shalt  }
0x6a: {  	_ =	shalt  }
0x6b: {  	_ =	shalt  }
0x6c: {  	_ =	shalt  }
0x6d: {  	_ =	shalt  }
0x6e: {  	_ =	shalt  }
0x6f: {  	_ =	shalt  }
0x70: {  	_ =	shalt  }
0x71: {  	_ =	shalt  }
0x72: {  	_ =	shalt  }
0x73: {  	_ =	shalt  }
0x74: {  	_ =	shalt  }
0x75: {  	_ =	shalt  }
0x76: {  	_ =	shalt  }
0x77: {  	_ =	shalt  }
0x78: {  	_ =	shalt  }
0x79: {  	_ =	shalt  }
0x7a: {  	_ =	shalt  }
0x7b: {  	_ =	shalt  }
0x7c: {  	_ =	shalt  }
0x7d: {  	_ =	shalt  }
0x7e: {  	_ =	shalt  }
0x7f: {  	_ =	shalt  }
0x80: {  	_ =	shalt  }
0x81: {  	_ =	shalt  }
0x82: {  	_ =	shalt  }
0x83: {  	_ =	shalt  }
0x84: {  	_ =	shalt  }
0x85: {  	_ =	shalt  }
0x86: {  	_ =	shalt  }
0x87: {  	_ =	shalt  }
.Lfunc_end0:
.L_simem_size_0:
called_computation.4_lowered:
.L_overlay_start_0:
0x88: {  	s2 =	sld [smem:$0x3FD9]  }
0x89: {  	s3 =	sld [smem:$0x3FFE];
	_ =	sdelay $0x1  }
0x8a: {  	s1 =	srdreg.scid  }
0x8b: {  	s0 =	sand.u32 $0x1, s1  }
0x8c: {  	s16 =	sshll.u32 s0, $0xA;
	s2 =	sadd.s32 s3, s2  }
0x8d: {  	s2 =	sadd.s32 s2, s16  }
0x8e: {  	[smem:$0x3FB3] =	sst s2  }
0x8f: {  	_ = 	snop  }
0x90: {  	(tm) =	ssettm $0x1  }
0x91: {  	s17 =	sld [smem:$0x3FFB];
	_ =	sdelay $0x3  }
0x92: {  	_ =	strace s17  }
0x93: {  	s2 =	sld [smem:$0x3FFC];
	_ =	sdelay $0x3  }
0x94: {  	_ =	strace s2  }
0x95: {  	s2 =	sld [smem:$0x3FFD];
	_ =	sdelay $0x3  }
0x96: {  	_ =	strace s2  }
0x97: {  	_ =	strace $0x8FFFFFFF  }
0x98: {  	s18 =	sld [smem:$0x3FDB];
	_ =	sdelay $0x1  }
0x99: {  	s19 =	simm.s32 $_scs_section_size  }
0x9a: {  	s4 =	simm.s32 $_size__tile_overlayer_lowered;
	s5 =	simm.s32 $_tile_overlayer_lowered  }
0x9b: {  	s22 =	simm.s32 $0x1BFF;
	s21 =	sshll.u32 s5, $0x1;
	s2 =	sadd.s32 s19, s18  }
0x9c: {  	s6 =	simm.s32 $0x0;
	s20 =	sshll.u32 s4, $0x1;
	s4 =	sadd.s32 s21, s2  }
0x9d: {  	[timem:s6], [sflag:s22] =	dma.local [hbm:s4], s20  }
0x9e: {  	_ =	swait.ge [sflag:s22], s20  }
0x9f: {  	s3 =	ssub.s32 $0x0, s20;
	[sflag:s22] =	ssyncset.done $0x0  }
0xa0: {  	[sflag:s22] =	ssyncadd.s32 s3;
	_ =	sdelay $0x1  }
0xa1: {  	s23 =	simm.s32 $0x1B8B  }
0xa2: {  	_ =	swait.ge [sflag:s23], $0x1  }
0xa3: {  	[sflag:s23] =	ssyncset.done $0x0  }
0xa4: {  	s25 =	simm.s32 $0x1B8E;
	s24 =	sld [smem:$0x3FFE];
	[sflag:s23] =	ssyncadd.s32 $0xFFFFFFFF  }
0xa5: {  	s26 =	simm.s32 $execute0_lowered;
	[smem:$0x3FD2] =	sst s25  }
0xa6: {  	s4 =	sshll.u32 s26, $0x1;
	_ =	strace $0x80000052;
	[dreg:$0x1] =	wrdreg $0xFFFFFFFF  }
0xa7: {  	s28 =	simm.s32 $_size_execute0_lowered;
	s2 =	sadd.s32 s2, s4;
	[dreg:$0x0] =	wrdreg $0x0  }
0xa8: {  	s4 =	sshll.u32 s28, $0x1;
	[dreg:$0x2] =	wrdreg s2  }
0xa9: {  	[dreg:$0x3] =	wrdreg s4  }
0xaa: {  	[dreg:$0x4] =	wrdreg $0xC0  }
0xab: {  	_ =	task [dreg:s6], $0x5FFFF  }
0xac: {  	[dreg:$0x1] =	wrdreg $0xFFFFFFFF  }
0xad: {  	[dreg:$0x0] =	wrdreg $0x60  }
0xae: {  	[dreg:$0x2] =	wrdreg s24  }
0xaf: {  	[dreg:$0x3] =	wrdreg $0xCD000  }
0xb0: {  	[dreg:$0x4] =	wrdreg $0x9  }
0xb1: {  	_ =	task.clear_ibuf [dreg:s6], $0x5FFFF;
	_ =	strace $0x90000052  }
0xb2: {  	s29 =	simm.s32 $0x9;
	_ =	strace $0x80000054  }
0xb3: {  	_ =	swait.ge [sflag:s29], $0x1  }
0xb4: {  	[sflag:s29] =	ssyncadd.s32 $0xFFFFFFFF  }
0xb5: {  	_ =	strace $0x90000054  }
0xb6: {  	_ =	sfence  }
0xb7: {  	s30 =	sld [smem:$0x0];
	_ =	sdelay $0x2  }
0xb8: {  	s31 =	sshll.u32 s1, $0xD;
	s1 =	sshrl.u32 s1, $0x2  }
0xb9: {  	s3 =	sand.u32 $0x4000, s31;
	s1 =	sadd.s32 s1, s30  }
0xba: {  	s0 =	sor.u32 s3, s0;
	s1 =	sshll.u32 s1, $0x11  }
0xbb: {  	s0 =	sor.u32 s1, s0  }
0xbc: {  	s0 =	sadd.s32 $0x8F2B, s0  }
0xbd: {  	[sflag:s0] =	ssyncadd.remote.s32 $0x1  }
0xbe: {  	_ =	sfence.sel $0xFFFF  }
0xbf: {  	[dreg:$0x0] =	wrdreg $0xFFFFFFFF;
	(pc) =	sbr.abs _section_cstart, $3  }
0xc0: {  	[dreg:$0x1] =	wrdreg $0xFFFFFFFF  }
0xc1: {  	_ =	task.clear_ibuf [dreg:s6], $0x2FFFF;
	_ =	strace $0x9FFFFFFF  }
0xc2: {  	(tm) =	ssettm $0x7FFFFFFF  }
0xc3: {  	_ =	shalt  }
tec
execute0_lowered:
.L_overlay_start_1:
0x0: {  	(tag) =	ssettag $0x1  }
0x1: {  	s0 =	srdreg.scid  }
0x2: {  	s15 =	stileid.u32;
	s9 =	rddreg [dreg:$0x0]  }
0x3: {  	s12 =	rddreg [dreg:$0x1];
	s2 =	simm.s32 $0x0;
	s28 =	simm.s32 $0x7800  }
0x4: {  	s29 =	simm.s32 $0x2;
	s30 =	simm.s32 $0x8200;
	s31 =	simm.s32 $0x8C00  }
0x5: {  	s0 =	sand.u32 $0x1, s0;
	s8 =	sshrl.u32 s15, $0x3;
	[smem:$0x7FF] =	sst s2  }
0x6: {  	s3 =	sand.u32 $0x7, s15;
	s5 =	sadd.s32 $0x13600, s9;
	s6 =	sadd.s32 $0x9800, s9  }
0x7: {  	s7 =	sadd.s32 $0x1D400, s9;
	s15 =	smul.u32 $0xA000, s15;
	s1 =	sshll.u32 s0, $0x1  }
0x8: {  	_ =	strace $0x80000053;
	s13 =	smul.u32 $0x500, s3;
	s0 =	ssub.s32 $0x2, s0  }
0x9: {  	s20 =	ssub.s32 $0x84, s3;
	s1 =	sor.u32 s8, s1;
	s8 =	smul.u32 $0x50000, s8  }
0xa: {  	s14 =	sshrl.u32 s0, $0x1;
	s21 =	sshrl.u32 s15, $0x2;
	s10 =	smul.u32 $0x2800, s1  }
0xb: {  	s0 =	ssub.s32 s0, s14;
	s22 =	sadd.s32 s21, s12;
	s8 =	sshrl.u32 s8, $0x2  }
0xc: {  	[dreg:$0x5] =	wrdreg s22;
	s0 =	smax.u32 s0, $0x1;
	s4 =	sshrl.u32 s10, $0x3  }
0xd: {  	s10 =	sadd.s32 s13, s10;
	s23 =	sadd.s32 s8, s12;
	[dreg:$0x7] =	wrdreg s0  }
0xe: {  	s0 =	simm.s32 $0x9600;
	s8 =	simm.s32 $0x80;
	s11 =	sadd.s32 s4, s9  }
0xf: {  	s4 =	sadd.s32 $0x6CC00, s9;
	s10 =	sshrl.u32 s10, $0x3;
	s13 =	sadd.s32 s13, s23  }
0x10: {  	s9 =	sadd.s32 s10, s9;
	s18 =	sadd.s32 $0x7000, s11;
	s19 =	sadd.s32 $0x8400, s11  }
0x11: {  	s10 =	sshrl.u32 s20, $0x3;
	s11 =	smul.u32 $0x4E200, s1;
	s25 =	sadd.s32 $0x80, s13  }
0x12: {  	s26 =	sadd.s32 $0x100, s13;
	s20 =	sadd.s32 $0x280, s13;
	[dreg:$0x3] =	wrdreg s18  }
0x13: {  	s21 =	sadd.s32 $0x300, s13;
	s22 =	sadd.s32 $0x380, s13;
	[dreg:$0x4] =	wrdreg s19  }
0x14: {  	s23 =	sadd.s32 $0x400, s13;
	s1 =	simm.s32 $0x5000;
	[dreg:$0x8] =	wrdreg s25  }
0x15: {  	s24 =	sadd.s32 $0x44600, s9;
	[dreg:$0x9] =	wrdreg s26;
	s18 =	sadd.s32 $0x180, s13  }
0x16: {  	s19 =	sadd.s32 $0x200, s13;
	s25 =	simm.s32 $0x1;
	s26 =	simm.s32 $0x2800  }
0x17: {  	v0 =	vimm.f32 $0.0e+00;
	s9 =	simm.s32 $0x0;
	[dreg:$0x6] =	wrdreg s24;
	s24 =	sadd.s32 $0x480, s13  }
.LBB2_1:
0x18: {  	s12 =	rddreg [dreg:$0x3]  }
0x19: {  	[tilespmem:s2], [sflag:$0x1] =	stream.linear.gather [hbm4b:s12+s2], $0x2800, $0x38;
	[tilespmem:$0xF500] =	vst v63  }
0x1a: {  	_ =	swait.ge [sflag:s25], $0x2800  }
0x1b: {  	[sflag:s25] =	ssyncset.done $0x0  }
0x1c: {  	s17 =	rddreg [dreg:$0x4];
	[sflag:s25] =	ssyncadd.s32 $0xFFFFD800  }
0x1d: {  	[tilespmem:s26], [sflag:$0x1] =	stream.linear.gather [hbm4b:s17+s2], $0x2800, $0x38;
	[tilespmem:$0xF500] =	vst v63  }
0x1e: {  	_ =	swait.ge [sflag:s25], $0x2800  }
0x1f: {  	[sflag:s25] =	ssyncset.done $0x0  }
0x20: {  	s12 =	simm.s32 $0x0;
	[sflag:s25] =	ssyncadd.s32 $0xFFFFD800  }
.LBB2_2:
0x21: {  	p0 =	sne.s32 s12, $0x9FC0  }
.Ltmp0:
0x22: {  	_ = 	snop;
	(pc) =	sbr.rel @p0 .LBB2_2-.Ltmp0, $3  }
0x23: {  	_ =	sdelay $0x1  }
0x24: {  	s14 =	sshra.s32 s12, $0x2  }
0x25: {  	s12 =	sadd.s32 $0x40, s12;
	[tilespmem:s14+$0x5000] =	vst v0  }
.Ltmp1:
0x26: {  	(pc) =	sbr.rel .LBB2_4-.Ltmp1, $2  }
0x27: {  	_ =	sdelay $0x2  }
0x28: {  	s12 =	simm.s32 $0x0  }
.LBB2_8:
0x29: {  	s12 =	sadd.s32 $0x1, s12  }
0x2a: {  	p0 =	sne.s32 s12, $0x10  }
.Ltmp2:
0x2b: {  	_ = 	snop;
	(pc) =	sbr.rel @!p0 .LBB2_9-.Ltmp2, $1  }
0x2c: {  	_ =	sdelay $0x3  }
.LBB2_4:
0x2d: {  	p0 =	sge.u32 s12, s10  }
.Ltmp3:
0x2e: {  	_ = 	snop;
	(pc) =	sbr.rel @p0 .LBB2_8-.Ltmp3, $1  }
0x2f: {  	_ =	sdelay $0x3  }
0x30: {  	s14 =	sshll.u32 s12, $0x3  }
0x31: {  	s14 =	sor.u32 s3, s14  }
0x32: {  	s14 =	smul.u32 $0xA00, s14;
	_ =	sdelay $0x1  }
0x33: {  	s15 =	sshrl.u32 s14, $0x3  }
0x34: {  	s17 =	simm.s32 $0x0;
	s16 =	sadd.s32 s5, s15  }
0x35: {  	[tilespmem:s28], [sflag:$0x2] =	stream.linear.gather [hbm4b:s16+s17], $0xA00, $0x38;
	[tilespmem:$0xF500] =	vst v63  }
0x36: {  	_ =	swait.ge [sflag:s29], $0xA00  }
0x37: {  	[sflag:s29] =	ssyncset.done $0x0  }
0x38: {  	s15 =	sadd.s32 s6, s15;
	[sflag:s29] =	ssyncadd.s32 $0xFFFFF600  }
0x39: {  	[tilespmem:s30], [sflag:$0x2] =	stream.linear.gather [hbm4b:s15+s17], $0xA00, $0x38;
	[tilespmem:$0xF500] =	vst v63  }
0x3a: {  	s14 =	sadd.s32 s11, s14;
	_ =	swait.ge [sflag:s29], $0xA00  }
0x3b: {  	s14 =	sshrl.u32 s14, $0x3;
	[sflag:s29] =	ssyncset.done $0x0  }
0x3c: {  	s16 =	sadd.s32 s4, s14;
	[sflag:s29] =	ssyncadd.s32 $0xFFFFF600  }
0x3d: {  	[tilespmem:s31], [sflag:$0x2] =	stream.linear.gather [hbm4b:s16+s17], $0xA00, $0x38;
	[tilespmem:$0xF500] =	vst v63  }
0x3e: {  	_ =	swait.ge [sflag:s29], $0xA00  }
0x3f: {  	[sflag:s29] =	ssyncset.done $0x0  }
0x40: {  	s15 =	simm.s32 $0x0;
	[sflag:s29] =	ssyncadd.s32 $0xFFFFF600  }
0x41: {  	v2 =	vld [tilespmem:s15+$0x7800]  }
0x42: {  	s16 =	simm.s32 $0x40;
	v1 =	vld [tilespmem:s15+$0x8200]  }
.LBB2_6:
0x43: {  	p0 =	sne.s32 s16, $0x27C0;
	_ =	sdelay $0x5  }
0x44: {  	v2 =	vld.idx.msk [tilespmem:v2+s2+$0x0], $0xffff  }
0x45: {  	v3 =	vld.idx.msk [tilespmem:v1+s26+$0x0], $0xffff;
	_ =	sdelay $0x2  }
0x46: {  	v4 =	vld [tilespmem:s15+$0x8C00];
	_ =	sdelay $0x2  }
0x47: {  	v2 =	vadd.f32 v3, v2;
	_ =	sdelay $0x1  }
0x48: {  	v2 =	vadd.f32 v4, v2;
	_ =	sdelay $0x1  }
0x49: {  	v3 =	vmul.f32 $2.000000030e-01, v2;
	_ =	sdelay $0x1  }
0x4a: {  	v2 =	vmax.f32 v2, v3  }
0x4b: {  	v2 =	vmul.f32 $1.442695020e+00, v2;
	_ =	sdelay $0x1  }
0x4c: {  	(erf) = vpow2.f32 v2;
	_ =	sdelay $0x8  }
.Ltmp4:
0x4d: {  	v2 =	vpop (erf);
	(pc) =	sbr.rel @p0 .LBB2_6-.Ltmp4, $4  }
0x4e: {  	[tilespmem:s15+$0x9600] =	vst v2  }
0x4f: {  	s15 =	sshra.s32 s16, $0x2;
	[tilespmem:v1+s1+$0x0] =	vst.idx.add.f32.msk $0xffff, v2  }
0x50: {  	v2 =	vld [tilespmem:s15+$0x7800]  }
0x51: {  	s16 =	sadd.s32 $0x40, s16;
	v1 =	vld [tilespmem:s15+$0x8200]  }
0x52: {  	_ =	sdelay $0x6  }
0x53: {  	v2 =	vld.idx.msk [tilespmem:v2+s2+$0x0], $0xffff  }
0x54: {  	v3 =	vld.idx.msk [tilespmem:v1+s26+$0x0], $0xffff;
	_ =	sdelay $0x1  }
0x55: {  	v4 =	vld [tilespmem:s15+$0x8C00];
	_ =	sdelay $0x2  }
0x56: {  	v2 =	vadd.f32 v3, v2;
	_ =	sdelay $0x1  }
0x57: {  	v2 =	vadd.f32 v4, v2;
	_ =	sdelay $0x1  }
0x58: {  	v3 =	vmul.f32 $2.000000030e-01, v2;
	_ =	sdelay $0x1  }
0x59: {  	v2 =	vmax.f32 v2, v3  }
0x5a: {  	v2 =	vmul.f32 $1.442695020e+00, v2;
	_ =	sdelay $0x1  }
0x5b: {  	(erf) = vpow2.f32 v2;
	_ =	sdelay $0x8  }
0x5c: {  	v2 =	vpop (erf)  }
0x5d: {  	[tilespmem:s15+$0x9600] =	vst v2  }
.Ltmp5:
0x5e: {  	s14 =	sadd.s32 s7, s14;
	[tilespmem:v1+s1+$0x0] =	vst.idx.add.f32.msk $0xffff, v2;
	(pc) =	sbr.rel .LBB2_8-.Ltmp5, $4  }
0x5f: {  	[hbm4b:s14+s2] =	stream.linear.scatter [tilespmem:s0], [sflag:$0x1], $0xA00, $0x38;
	[tilespmem:$0xF500] =	vst v63  }
0x60: {  	_ =	swait.ge [sflag:s25], $0xA00  }
0x61: {  	[sflag:s25] =	ssyncset.done $0x0  }
0x62: {  	[sflag:s25] =	ssyncadd.s32 $0xFFFFF600  }
.LBB2_9:
0x63: {  	s12 =	rddreg [dreg:$0x5]  }
0x64: {  	[spmem:s12] =	stream.linear.scatter [tilespmem:s1], [sflag:$0x1], $0x2800, $0x38;
	[tilespmem:$0xF500] =	vst v63  }
0x65: {  	_ =	swait.ge [sflag:s25], $0x2800  }
0x66: {  	[sflag:s25] =	ssyncset.done $0x0  }
0x67: {  	[sflag:s25] =	ssyncadd.s32 $0xFFFFD800  }
0x68: {  	s16 =	simm.s32 $0xA000;
	[bflag:$0x0] =	sbarrier.arrive $0xFFFF  }
0x69: {  	[tilespmem:s16], [sflag:$0x1] =	stream.strided.gather [spmem:s13], $0x400, s26, s8, $0x38;
	[tilespmem:$0xF500] =	vst v63  }
0x6a: {  	s14 =	simm.s32 $0xA400;
	s17 =	rddreg [dreg:$0x8]  }
0x6b: {  	[tilespmem:s14], [sflag:$0x1] =	stream.strided.gather [spmem:s17], $0x400, s26, s8, $0x38;
	[tilespmem:$0xF500] =	vst v63  }
0x6c: {  	s15 =	rddreg [dreg:$0x9];
	s16 =	simm.s32 $0xA800  }
0x6d: {  	[tilespmem:s16], [sflag:$0x1] =	stream.strided.gather [spmem:s15], $0x400, s26, s8, $0x38;
	[tilespmem:$0xF500] =	vst v63  }
0x6e: {  	s17 =	simm.s32 $0xAC00  }
0x6f: {  	[tilespmem:s17], [sflag:$0x1] =	stream.strided.gather [spmem:s18], $0x400, s26, s8, $0x38;
	[tilespmem:$0xF500] =	vst v63  }
0x70: {  	s14 =	simm.s32 $0xB000  }
0x71: {  	[tilespmem:s14], [sflag:$0x1] =	stream.strided.gather [spmem:s19], $0x400, s26, s8, $0x38;
	[tilespmem:$0xF500] =	vst v63  }
0x72: {  	s15 =	simm.s32 $0xB400  }
0x73: {  	[tilespmem:s15], [sflag:$0x1] =	stream.strided.gather [spmem:s20], $0x400, s26, s8, $0x38;
	[tilespmem:$0xF500] =	vst v63  }
0x74: {  	s16 =	simm.s32 $0xB800  }
0x75: {  	[tilespmem:s16], [sflag:$0x1] =	stream.strided.gather [spmem:s21], $0x400, s26, s8, $0x38;
	[tilespmem:$0xF500] =	vst v63  }
0x76: {  	s17 =	simm.s32 $0xBC00  }
0x77: {  	[tilespmem:s17], [sflag:$0x1] =	stream.strided.gather [spmem:s22], $0x400, s26, s8, $0x38;
	[tilespmem:$0xF500] =	vst v63  }
0x78: {  	s14 =	simm.s32 $0xC000  }
0x79: {  	[tilespmem:s14], [sflag:$0x1] =	stream.strided.gather [spmem:s23], $0x400, s26, s8, $0x38;
	[tilespmem:$0xF500] =	vst v63  }
0x7a: {  	s15 =	simm.s32 $0xC400  }
0x7b: {  	[tilespmem:s15], [sflag:$0x1] =	stream.strided.gather [spmem:s24], $0x400, s26, s8, $0x38;
	[tilespmem:$0xF500] =	vst v63  }
0x7c: {  	s16 =	simm.s32 $0x0;
	_ =	swait.ge [sflag:s25], $0x2800  }
0x7d: {  	s12 =	sand.u32 $0x3C00, s16;
	s17 =	sand.u32 $0x70, s16;
	[sflag:s25] =	ssyncset.done $0x0  }
0x7e: {  	s12 =	sor.u32 s17, s12;
	[sflag:s25] =	ssyncadd.s32 $0xFFFFD800  }
0x7f: {  	v1 =	vld [tilespmem:s12+$0xA080]  }
0x80: {  	v2 =	vld [tilespmem:s12+$0xA000];
	_ =	sdelay $0x1  }
0x81: {  	v3 =	vld [tilespmem:s12+$0xA100];
	_ =	sdelay $0x1  }
0x82: {  	v4 =	vld [tilespmem:s12+$0xA180]  }
0x83: {  	v1 =	vadd.f32 v1, v2  }
0x84: {  	v2 =	vld [tilespmem:s12+$0xA200]  }
0x85: {  	v1 =	vadd.f32 v3, v1  }
0x86: {  	v3 =	vld [tilespmem:s12+$0xA280]  }
0x87: {  	v1 =	vadd.f32 v4, v1  }
0x88: {  	v63 =	vld [tilespmem:s12+$0xA300]  }
0x89: {  	v1 =	vadd.f32 v2, v1  }
0x8a: {  	v2 =	vld [tilespmem:s12+$0xA380]  }
0x8b: {  	v1 =	vadd.f32 v3, v1;
	_ =	sdelay $0x1  }
0x8c: {  	v1 =	vadd.f32 v63, v1;
	_ =	sdelay $0x1  }
0x8d: {  	v1 =	vadd.f32 v2, v1;
	_ =	sdelay $0x1  }
0x8e: {  	v1 =	vadd.f32 $1.000000020e-16, v1;
	_ =	sdelay $0x1  }
0x8f: {  	(erf) = vrcp.f32 v1;
	_ =	sdelay $0x7  }
0x90: {  	s14 =	simm.s32 $0x80;
	s15 =	simm.s32 $0x10  }
0x91: {  	s16 =	sand.u32 $0x3C00, s14;
	s15 =	sand.u32 $0x70, s15;
	s12 =	simm.s32 $0xC800;
	v1 =	vpop (erf)  }
0x92: {  	s16 =	sor.u32 s15, s16;
	s15 =	simm.s32 $0x20;
	[tilespmem:s12+$0x0] =	vst v1  }
.LBB2_10:
0x93: {  	p0 =	sne.s32 s15, $0x4F0;
	v1 =	vld [tilespmem:s16+$0xA080]  }
0x94: {  	v2 =	vld [tilespmem:s16+$0xA000];
	_ =	sdelay $0x1  }
0x95: {  	v3 =	vld [tilespmem:s16+$0xA100];
	_ =	sdelay $0x1  }
0x96: {  	v4 =	vld [tilespmem:s16+$0xA180]  }
0x97: {  	v1 =	vadd.f32 v1, v2  }
0x98: {  	v2 =	vld [tilespmem:s16+$0xA200]  }
0x99: {  	v1 =	vadd.f32 v3, v1  }
0x9a: {  	v3 =	vld [tilespmem:s16+$0xA280]  }
0x9b: {  	v1 =	vadd.f32 v4, v1  }
0x9c: {  	v4 =	vld [tilespmem:s16+$0xA300]  }
0x9d: {  	v1 =	vadd.f32 v2, v1  }
0x9e: {  	v2 =	vld [tilespmem:s16+$0xA380]  }
0x9f: {  	v1 =	vadd.f32 v3, v1;
	_ =	sdelay $0x1  }
0xa0: {  	v1 =	vadd.f32 v4, v1;
	_ =	sdelay $0x1  }
0xa1: {  	v1 =	vadd.f32 v2, v1;
	_ =	sdelay $0x1  }
0xa2: {  	v1 =	vadd.f32 $1.000000020e-16, v1;
	_ =	sdelay $0x1  }
0xa3: {  	(erf) = vrcp.f32 v1;
	_ =	sdelay $0x5  }
.Ltmp6:
0xa4: {  	(pc) =	sbr.rel @p0 .LBB2_10-.Ltmp6, $4  }
0xa5: {  	_ = 	snop  }
0xa6: {  	s14 =	sadd.s32 $0x80, s14  }
0xa7: {  	s12 =	sadd.s32 $0x10, s12;
	s17 =	sand.u32 $0x3C00, s14;
	s16 =	sand.u32 $0x70, s15;
	v1 =	vpop (erf)  }
0xa8: {  	s15 =	sadd.s32 $0x10, s15;
	s16 =	sor.u32 s16, s17;
	[tilespmem:s12+$0x0] =	vst v1  }
0xa9: {  	v1 =	vld [tilespmem:s16+$0xA080]  }
0xaa: {  	v2 =	vld [tilespmem:s16+$0xA000];
	_ =	sdelay $0x1  }
0xab: {  	v3 =	vld [tilespmem:s16+$0xA100];
	_ =	sdelay $0x1  }
0xac: {  	v4 =	vld [tilespmem:s16+$0xA180]  }
0xad: {  	v1 =	vadd.f32 v1, v2  }
0xae: {  	v2 =	vld [tilespmem:s16+$0xA200]  }
0xaf: {  	v1 =	vadd.f32 v3, v1  }
0xb0: {  	v3 =	vld [tilespmem:s16+$0xA280]  }
0xb1: {  	v1 =	vadd.f32 v4, v1  }
0xb2: {  	v63 =	vld [tilespmem:s16+$0xA300]  }
0xb3: {  	v1 =	vadd.f32 v2, v1  }
0xb4: {  	v2 =	vld [tilespmem:s16+$0xA380]  }
0xb5: {  	v1 =	vadd.f32 v3, v1;
	_ =	sdelay $0x1  }
0xb6: {  	v1 =	vadd.f32 v63, v1;
	_ =	sdelay $0x1  }
0xb7: {  	v1 =	vadd.f32 v2, v1;
	_ =	sdelay $0x1  }
0xb8: {  	v1 =	vadd.f32 $1.000000020e-16, v1;
	_ =	sdelay $0x1  }
0xb9: {  	(erf) = vrcp.f32 v1;
	_ =	sdelay $0x8  }
0xba: {  	s12 =	sadd.s32 $0x10, s12;
	v1 =	vpop (erf)  }
0xbb: {  	s14 =	simm.s32 $0xC800;
	s16 =	rddreg [dreg:$0x6];
	[tilespmem:s12+$0x0] =	vst v1  }
0xbc: {  	[hbm4b:s16+s2] =	stream.linear.scatter [tilespmem:s14], [sflag:$0x1], $0x500, $0x38;
	[tilespmem:$0xF500] =	vst v63  }
0xbd: {  	_ =	swait.ge [sflag:s25], $0x500  }
0xbe: {  	s9 =	sadd.s32 $0x1, s9;
	s17 =	rddreg [dreg:$0x7]  }
0xbf: {  	p0 =	sne.s32 s9, s17  }
.Ltmp7:
0xc0: {  	_ = 	snop;
	(pc) =	sbr.rel @p0 .LBB2_1-.Ltmp7, $3  }
0xc1: {  	_ =	sdelay $0x1  }
0xc2: {  	[sflag:s25] =	ssyncset.done $0x0  }
0xc3: {  	[sflag:s25] =	ssyncadd.s32 $0xFFFFFB00  }
0xc4: {  	_ =	sfence.sel $0x180000  }
0xc5: {  	[bflag:$0x0] =	sbarrier.arrive $0xFFFF  }
0xc6: {  	_ =	strace $0x90000053  }
0xc7: {  	s0 =	stileid.u32;
	[bflag:$0x2] =	sbarrier.arrive $0xFFFF  }
0xc8: {  	p0 =	sne.s32 s0, $0x0;
	s0 =	rddreg [dreg:$0x2]  }
0xc9: {  	s0 =	sadd.s32 @!p0 $0x100000, s0  }
0xca: {  	[sflag:s0] =	ssyncadd.tile.s32 @!p0 $0x1;
	_ =	shalt  }
.Lfunc_end2:
_tile_overlayer_lowered:
.L_overlay_start_2:
0xcb: {  	(tag) =	ssettag $0x2  }
0xcc: {  	s0 =	rddreg [dreg:$0x0];
	s2 =	stileid.u32  }
0xcd: {  	s1 =	rddreg [dreg:$0x1];
	p0 =	sne.s32 s2, $0x0  }
0xce: {  	s3 =	rddreg [dreg:$0x2];
	[bflag:$0x3] =	sbarrier.arrive $0xFFFF;
	s2 =	simm.s32 @!p0 $0x1C01  }
0xcf: {  	[timem:s3], [sflag:s2] =	dma.local @!p0 [hbm:s0], s1  }
0xd0: {  	s0 =	simm.s32 @!p0 $0x1  }
0xd1: {  	_ =	swait.ge @!p0 [sflag:s0], s1  }
0xd2: {  	s1 =	ssub.s32 @!p0 $0x0, s1;
	[sflag:s0] =	ssyncset.done @!p0 $0x0  }
0xd3: {  	[sflag:s0] =	ssyncadd.s32 @!p0 s1  }
0xd4: {  	[bflag:$0x3] =	sbarrier.arrive $0xFFFF  }
0xd5: {  	_ =	shalt  }

// kernel: kernel.28.cloned.1.call-start
scs
__scs_entry_jumppad:
0x0: {  	(pc) =	sbr.rel $0x88, $3  }
0x1: {  	(tag) =	ssettag $0x0;
	lr =	simm.s32 $0x1  }
0x2: {  	[smem:$0x3F8C] =	sst lr;
	_ =	strace $0xD0000000  }
0x3: {  	_ = 	snop  }
0x4: {  	_ = 	snop  }
0x5: {  	_ = 	snop  }
0x6: {  	_ = 	snop  }
0x7: {  	_ = 	snop  }
__scs_overlays_trampoline_lowered:
0x8: {  	[smem:$0x3F9B] =	sst s0  }
0x9: {  	[smem:$0x3F9C] =	sst s1  }
0xa: {  	[smem:$0x3F9D] =	sst s2  }
0xb: {  	[smem:$0x3F9E] =	sst s3  }
0xc: {  	[smem:$0x3F9F] =	sst s4  }
0xd: {  	[smem:$0x3FA0] =	sst s5  }
0xe: {  	[smem:$0x3FA1] =	sst s6  }
0xf: {  	[smem:$0x3FA2] =	sst s7  }
0x10: {  	[smem:$0x3FA3] =	sst s8  }
0x11: {  	[smem:$0x3FA4] =	sst s9;
	s0 =	simm.s32 @!p0 $0x0  }
0x12: {  	s1 =	sld [smem:$0x3F8A];
	s0 =	simm.s32 @p0 $0x1  }
0x13: {  	[smem:$0x3FA5] =	sst s0;
	s0 =	simm.s32 @!p1 $0x0  }
0x14: {  	s2 =	sld [smem:$0x3F89];
	s0 =	simm.s32 @p1 $0x1  }
0x15: {  	[smem:$0x3FA6] =	sst s0;
	s0 =	simm.s32 @!p2 $0x0  }
0x16: {  	s3 =	sld [smem:$0x3FDB];
	s0 =	simm.s32 @p2 $0x1  }
0x17: {  	s4 =	simm.s32 $0x1BF5;
	[smem:$0x3FA8] =	sst s0  }
0x18: {  	s0 =	sld [smem:$0x3F8B];
	_ =	swait.ge [sflag:s4], $0x0  }
0x19: {  	s7 =	sld [smem:$0x3F8C]  }
0x1a: {  	s8 =	sadd.s32 $0xFFFFE003, lr  }
0x1b: {  	s9 =	sadd.s32 $0xFFFFFEF7, lr;
	s5 =	simm.s32 $0xFFFFFFFF;
	p2 =	slt.u32 s8, $0xFFFFF086  }
0x1c: {  	p1 =	slt.u32 s9, $0xF7A;
	s5 =	simm.s32 @!p2 $0x0  }
0x1d: {  	s5 =	simm.s32 @p1 $0x1;
	p0 =	seq.s32 s7, s2  }
0x1e: {  	s7 =	smul.u32 @!p0 $0xF7A, s2;
	p2 =	seq.s32 @!p0 s5, $0x0  }
0x1f: {  	s9 =	smul.u32 $0xF7A, s1;
	s8 =	simm.s32 @!p0 $0x1BF5;
	p2 =	por !p2, p0  }
0x20: {  	[sflag:s8] =	ssyncset.s32 @!p0 $0xFFFFF086;
	s6 =	sadd.s32 @!p0 s3, s7;
	s7 =	simm.s32 @!p0 $0x108  }
0x21: {  	s3 =	sadd.s32 s3, s9;
	s6 =	sadd.s32 @!p0 $0x88, s6;
	s7 =	simm.s32 @p2 $0x1082  }
0x22: {  	[simem:s7], [sflag:s8] =	dma.local @!p0 [hbm:s6], $0xF7A  }
0x23: {  	s9 =	sor.u32 $0xD0000000, s2;
	s6 =	simm.s32 $0x108;
	_ =	swait.ge @!p0 [sflag:s8], $0x0  }
0x24: {  	s3 =	sadd.s32 $0x88, s3;
	s6 =	simm.s32 @!p1 $0x1082;
	[sflag:s4] =	ssyncset.s32 $0xFFFFF086  }
0x25: {  	[simem:s6], [sflag:s4] =	dma.local [hbm:s3], $0xF7A  }
0x26: {  	[smem:$0x3F8C] =	sst s1;
	(tag) =	ssettag s2;
	_ =	strace s9  }
0x27: {  	s1 =	sld [smem:$0x3F9C]  }
0x28: {  	s2 =	sld [smem:$0x3F9D]  }
0x29: {  	s4 =	sld [smem:$0x3F9F]  }
0x2a: {  	p0 =	seq.s32 s5, $0x0;
	s5 =	sld [smem:$0x3FA0]  }
0x2b: {  	s6 =	sld [smem:$0x3FA1]  }
0x2c: {  	s7 =	sld [smem:$0x3FA2]  }
0x2d: {  	s3 =	simm.s32 $0x108;
	s8 =	sld [smem:$0x3FA3]  }
0x2e: {  	s3 =	simm.s32 @!p0 $0x1082;
	s9 =	sld [smem:$0x3FA4]  }
0x2f: {  	lr =	sadd.s32 s0, s3;
	s0 =	sld [smem:$0x3F9B]  }
0x30: {  	s3 =	sld [smem:$0x3F9E]  }
0x31: {  	[smem:$0x3FA7] =	sst s10  }
0x32: {  	s10 =	sld [smem:$0x3FA5];
	_ =	sdelay $0x3  }
0x33: {  	p0 =	seq.s32 s10, $0x1;
	s10 =	sld [smem:$0x3FA7];
	_ =	sdelay $0x3  }
0x34: {  	[smem:$0x3FA7] =	sst s10  }
0x35: {  	s10 =	sld [smem:$0x3FA6];
	_ =	sdelay $0x3  }
0x36: {  	p1 =	seq.s32 s10, $0x1;
	s10 =	sld [smem:$0x3FA7];
	_ =	sdelay $0x3  }
0x37: {  	[smem:$0x3FA7] =	sst s10  }
0x38: {  	s10 =	sld [smem:$0x3FA8]  }
0x39: {  	_ = 	snop;
	(pc) =	sbr.ind lr, $3  }
0x3a: {  	_ = 	snop  }
0x3b: {  	_ = 	snop  }
0x3c: {  	p2 =	seq.s32 s10, $0x1;
	s10 =	sld [smem:$0x3FA7]  }
0x3d: {  	_ =	shalt  }
0x3e: {  	_ =	shalt  }
0x3f: {  	_ =	shalt  }
0x40: {  	_ =	shalt  }
0x41: {  	_ =	shalt  }
0x42: {  	_ =	shalt  }
0x43: {  	_ =	shalt  }
0x44: {  	_ =	shalt  }
0x45: {  	_ =	shalt  }
0x46: {  	_ =	shalt  }
0x47: {  	_ =	shalt  }
0x48: {  	_ =	shalt  }
0x49: {  	_ =	shalt  }
0x4a: {  	_ =	shalt  }
0x4b: {  	_ =	shalt  }
0x4c: {  	_ =	shalt  }
0x4d: {  	_ =	shalt  }
0x4e: {  	_ =	shalt  }
0x4f: {  	_ =	shalt  }
0x50: {  	_ =	shalt  }
0x51: {  	_ =	shalt  }
0x52: {  	_ =	shalt  }
0x53: {  	_ =	shalt  }
0x54: {  	_ =	shalt  }
0x55: {  	_ =	shalt  }
0x56: {  	_ =	shalt  }
0x57: {  	_ =	shalt  }
0x58: {  	_ =	shalt  }
0x59: {  	_ =	shalt  }
0x5a: {  	_ =	shalt  }
0x5b: {  	_ =	shalt  }
0x5c: {  	_ =	shalt  }
0x5d: {  	_ =	shalt  }
0x5e: {  	_ =	shalt  }
0x5f: {  	_ =	shalt  }
0x60: {  	_ =	shalt  }
0x61: {  	_ =	shalt  }
0x62: {  	_ =	shalt  }
0x63: {  	_ =	shalt  }
0x64: {  	_ =	shalt  }
0x65: {  	_ =	shalt  }
0x66: {  	_ =	shalt  }
0x67: {  	_ =	shalt  }
0x68: {  	_ =	shalt  }
0x69: {  	_ =	shalt  }
0x6a: {  	_ =	shalt  }
0x6b: {  	_ =	shalt  }
0x6c: {  	_ =	shalt  }
0x6d: {  	_ =	shalt  }
0x6e: {  	_ =	shalt  }
0x6f: {  	_ =	shalt  }
0x70: {  	_ =	shalt  }
0x71: {  	_ =	shalt  }
0x72: {  	_ =	shalt  }
0x73: {  	_ =	shalt  }
0x74: {  	_ =	shalt  }
0x75: {  	_ =	shalt  }
0x76: {  	_ =	shalt  }
0x77: {  	_ =	shalt  }
0x78: {  	_ =	shalt  }
0x79: {  	_ =	shalt  }
0x7a: {  	_ =	shalt  }
0x7b: {  	_ =	shalt  }
0x7c: {  	_ =	shalt  }
0x7d: {  	_ =	shalt  }
0x7e: {  	_ =	shalt  }
0x7f: {  	_ =	shalt  }
0x80: {  	_ =	shalt  }
0x81: {  	_ =	shalt  }
0x82: {  	_ =	shalt  }
0x83: {  	_ =	shalt  }
0x84: {  	_ =	shalt  }
0x85: {  	_ =	shalt  }
0x86: {  	_ =	shalt  }
0x87: {  	_ =	shalt  }
.Lfunc_end0:
.L_simem_size_0:
called_computation.5_lowered:
.L_overlay_start_0:
0x88: {  	s2 =	sld [smem:$0x3FD9]  }
0x89: {  	s3 =	sld [smem:$0x3FFE];
	_ =	sdelay $0x1  }
0x8a: {  	s1 =	srdreg.scid  }
0x8b: {  	s0 =	sand.u32 $0x1, s1  }
0x8c: {  	s16 =	sshll.u32 s0, $0xA;
	s2 =	sadd.s32 s3, s2  }
0x8d: {  	s2 =	sadd.s32 s2, s16  }
0x8e: {  	[smem:$0x3FB3] =	sst s2  }
0x8f: {  	_ = 	snop  }
0x90: {  	(tm) =	ssettm $0x1  }
0x91: {  	s17 =	sld [smem:$0x3FFB];
	_ =	sdelay $0x3  }
0x92: {  	_ =	strace s17  }
0x93: {  	s2 =	sld [smem:$0x3FFC];
	_ =	sdelay $0x3  }
0x94: {  	_ =	strace s2  }
0x95: {  	s2 =	sld [smem:$0x3FFD];
	_ =	sdelay $0x3  }
0x96: {  	_ =	strace s2  }
0x97: {  	_ =	strace $0x8FFFFFFF  }
0x98: {  	s18 =	sld [smem:$0x3FDB];
	_ =	sdelay $0x1  }
0x99: {  	s19 =	simm.s32 $_scs_section_size  }
0x9a: {  	s4 =	simm.s32 $_size__tile_overlayer_lowered;
	s5 =	simm.s32 $_tile_overlayer_lowered  }
0x9b: {  	s22 =	simm.s32 $0x1BFF;
	s21 =	sshll.u32 s5, $0x1;
	s2 =	sadd.s32 s19, s18  }
0x9c: {  	s6 =	simm.s32 $0x0;
	s20 =	sshll.u32 s4, $0x1;
	s4 =	sadd.s32 s21, s2  }
0x9d: {  	[timem:s6], [sflag:s22] =	dma.local [hbm:s4], s20  }
0x9e: {  	_ =	swait.ge [sflag:s22], s20  }
0x9f: {  	s3 =	ssub.s32 $0x0, s20;
	[sflag:s22] =	ssyncset.done $0x0  }
0xa0: {  	[sflag:s22] =	ssyncadd.s32 s3;
	_ =	sdelay $0x1  }
0xa1: {  	s23 =	simm.s32 $0x1B8B  }
0xa2: {  	_ =	swait.ge [sflag:s23], $0x1  }
0xa3: {  	[sflag:s23] =	ssyncset.done $0x0  }
0xa4: {  	s25 =	simm.s32 $0x1B8E;
	s24 =	sld [smem:$0x3FFE];
	[sflag:s23] =	ssyncadd.s32 $0xFFFFFFFF  }
0xa5: {  	s26 =	simm.s32 $execute0_lowered;
	[smem:$0x3FD2] =	sst s25  }
0xa6: {  	s4 =	sshll.u32 s26, $0x1;
	_ =	strace $0x80000055;
	[dreg:$0x1] =	wrdreg $0xFFFFFFFF  }
0xa7: {  	s28 =	simm.s32 $_size_execute0_lowered;
	s2 =	sadd.s32 s2, s4;
	[dreg:$0x0] =	wrdreg $0x0  }
0xa8: {  	s4 =	sshll.u32 s28, $0x1;
	[dreg:$0x2] =	wrdreg s2  }
0xa9: {  	[dreg:$0x3] =	wrdreg s4  }
0xaa: {  	[dreg:$0x4] =	wrdreg $0xC0  }
0xab: {  	_ =	task [dreg:s6], $0x5FFFF  }
0xac: {  	[dreg:$0x1] =	wrdreg $0xFFFFFFFF  }
0xad: {  	[dreg:$0x0] =	wrdreg $0x60  }
0xae: {  	[dreg:$0x2] =	wrdreg s24  }
0xaf: {  	[dreg:$0x3] =	wrdreg $0x9  }
0xb0: {  	_ =	task.clear_ibuf [dreg:s6], $0x4FFFF;
	_ =	strace $0x90000055  }
0xb1: {  	s29 =	simm.s32 $0x9;
	_ =	strace $0x80000057  }
0xb2: {  	_ =	swait.ge [sflag:s29], $0x1  }
0xb3: {  	[sflag:s29] =	ssyncadd.s32 $0xFFFFFFFF  }
0xb4: {  	_ =	strace $0x90000057  }
0xb5: {  	_ =	sfence  }
0xb6: {  	s30 =	sld [smem:$0x0];
	_ =	sdelay $0x2  }
0xb7: {  	s31 =	sshll.u32 s1, $0xD;
	s1 =	sshrl.u32 s1, $0x2  }
0xb8: {  	s3 =	sand.u32 $0x4000, s31;
	s1 =	sadd.s32 s1, s30  }
0xb9: {  	s0 =	sor.u32 s3, s0;
	s1 =	sshll.u32 s1, $0x11  }
0xba: {  	s0 =	sor.u32 s1, s0  }
0xbb: {  	s0 =	sadd.s32 $0x8F2B, s0  }
0xbc: {  	[sflag:s0] =	ssyncadd.remote.s32 $0x1  }
0xbd: {  	_ =	sfence.sel $0xFFFF  }
0xbe: {  	[dreg:$0x0] =	wrdreg $0xFFFFFFFF;
	(pc) =	sbr.abs _section_cstart, $3  }
0xbf: {  	[dreg:$0x1] =	wrdreg $0xFFFFFFFF  }
0xc0: {  	_ =	task.clear_ibuf [dreg:s6], $0x2FFFF;
	_ =	strace $0x9FFFFFFF  }
0xc1: {  	(tm) =	ssettm $0x7FFFFFFF  }
tec
execute0_lowered:
.L_overlay_start_1:
0x0: {  	(tag) =	ssettag $0x1  }
0x1: {  	s0 =	srdreg.scid  }
0x2: {  	s18 =	stileid.u32;
	s8 =	rddreg [dreg:$0x0]  }
0x3: {  	s3 =	simm.s32 $0x1;
	s5 =	simm.s32 $0x1;
	s28 =	simm.s32 $0x1B800  }
0x4: {  	s29 =	simm.s32 $0x1C200;
	s30 =	simm.s32 $0x1CC00;
	s31 =	simm.s32 $0x1D600  }
0x5: {  	s0 =	sand.u32 $0x1, s0;
	s2 =	sand.u32 $0x7, s18;
	s11 =	sadd.s32 $0x130200, s8  }
0x6: {  	s7 =	sadd.s32 $0x9800, s8;
	s14 =	sadd.s32 $0x45A00, s8;
	s23 =	sshll.u32 s18, $0x1  }
0x7: {  	s1 =	sshll.u32 s0, $0x4;
	p1 =	sne.s32 s2, $0x0;
	s2 =	simm.s32 $0x0  }
0x8: {  	s0 =	ssub.s32 $0x2, s0;
	s25 =	sand.u32 $0xE, s23;
	s1 =	sor.u32 s18, s1  }
0x9: {  	[smem:$0x7FF] =	sst s2;
	s12 =	sshrl.u32 s0, $0x1;
	p0 =	seq.s32 s1, $0x0  }
0xa: {  	s4 =	sshrl.u32 s1, $0x3;
	_ =	strace $0x80000056;
	s10 =	smul.u32 $0xA000, s1  }
0xb: {  	s16 =	smul.u32 $0x1400, s1;
	s0 =	ssub.s32 s0, s12;
	p0 =	por !p1, !p0  }
0xc: {  	s12 =	smul.u32 $0x4E200, s25;
	p0 =	por !p0, !p0;
	s15 =	sshrl.u32 s10, $0x3  }
0xd: {  	s21 =	sadd.s32 s11, s16;
	s3 =	simm.s32 @!p0 $0x0;
	s17 =	sadd.s32 $0x500, s15  }
0xe: {  	[dreg:$0x2] =	wrdreg s21;
	s24 =	sadd.s32 $0xA00, s15;
	s21 =	smul.u32 $0x5000, s1  }
0xf: {  	s19 =	sadd.s32 $0xF00, s15;
	s1 =	smul.u32 $0xA00, s1;
	s9 =	ssub.s32 s4, s3  }
0x10: {  	s3 =	sadd.s32 $0x93E00, s8;
	s4 =	sadd.s32 $0x1D400, s8;
	s22 =	sadd.s32 s11, s17  }
0x11: {  	s26 =	sadd.s32 s11, s24;
	s15 =	sadd.s32 s11, s19;
	[dreg:$0x3] =	wrdreg s22  }
0x12: {  	s23 =	sadd.s32 s14, s17;
	s24 =	sadd.s32 s14, s24;
	[dreg:$0x4] =	wrdreg s26  }
0x13: {  	s25 =	sadd.s32 s14, s19;
	s6 =	smul.u32 $0x2800, s9;
	[dreg:$0x5] =	wrdreg s15  }
0x14: {  	s11 =	simm.s32 $0x11800;
	s10 =	smul.u32 $0x4E200, s9;
	[dreg:$0x8] =	wrdreg s23  }
0x15: {  	s15 =	sadd.s32 $0x4E200, s12;
	s22 =	sadd.s32 s14, s16;
	[dreg:$0x9] =	wrdreg s24  }
0x16: {  	s9 =	sshrl.u32 s21, $0x3;
	[dreg:$0xa] =	wrdreg s25;
	s23 =	simm.s32 $0x2800  }
0x17: {  	s24 =	simm.s32 $0x5000;
	s25 =	simm.s32 $0x7800;
	s14 =	simm.s32 $0x16800  }
0x18: {  	s16 =	simm.s32 $0x0;
	s21 =	simm.s32 $0x0;
	[dreg:$0x7] =	wrdreg s22  }
0x19: {  	s22 =	smax.u32 s0, $0x1;
	s0 =	simm.s32 $0xA000;
	s6 =	sshrl.u32 s6, $0x3  }
0x1a: {  	s13 =	sadd.s32 s6, s8;
	s6 =	sadd.s32 $0x13600, s8;
	s8 =	sadd.s32 $0x6DA00, s8  }
0x1b: {  	s20 =	sadd.s32 $0x44600, s13;
	s1 =	sadd.s32 s8, s1;
	s26 =	sadd.s32 s8, s9  }
0x1c: {  	s8 =	simm.s32 $0xC800;
	s9 =	simm.s32 $0xF000;
	[dreg:$0x6] =	wrdreg s20  }
0x1d: {  	s13 =	simm.s32 $0x14000;
	[dreg:$0xb] =	wrdreg s1;
	s1 =	sadd.s32 $0x500, s26  }
0x1e: {  	v0 =	vimm.f32 $0.0e+00;
	s26 =	simm.s32 $0x19000;
	[dreg:$0xc] =	wrdreg s1;
	s1 =	simm.s32 $0x1E000  }
.LBB2_1:
0x1f: {  	s17 =	rddreg [dreg:$0x2]  }
0x20: {  	[tilespmem:s2], [sflag:$0x1] =	stream.linear.gather [hbm4b:s17+s2], $0x2800, $0x38;
	[tilespmem:$0x1EA00] =	vst v63  }
0x21: {  	_ =	swait.ge [sflag:s5], $0x2800  }
0x22: {  	[sflag:s5] =	ssyncset.done $0x0  }
0x23: {  	s20 =	rddreg [dreg:$0x3];
	[sflag:s5] =	ssyncadd.s32 $0xFFFFD800  }
0x24: {  	[tilespmem:s23], [sflag:$0x1] =	stream.linear.gather [hbm4b:s20+s2], $0x2800, $0x38;
	[tilespmem:$0x1EA00] =	vst v63  }
0x25: {  	_ =	swait.ge [sflag:s5], $0x2800  }
0x26: {  	[sflag:s5] =	ssyncset.done $0x0  }
0x27: {  	s18 =	rddreg [dreg:$0x4];
	[sflag:s5] =	ssyncadd.s32 $0xFFFFD800  }
0x28: {  	[tilespmem:s24], [sflag:$0x1] =	stream.linear.gather [hbm4b:s18+s2], $0x2800, $0x38;
	[tilespmem:$0x1EA00] =	vst v63  }
0x29: {  	_ =	swait.ge [sflag:s5], $0x2800  }
0x2a: {  	[sflag:s5] =	ssyncset.done $0x0  }
0x2b: {  	s19 =	rddreg [dreg:$0x5];
	[sflag:s5] =	ssyncadd.s32 $0xFFFFD800  }
0x2c: {  	[tilespmem:s25], [sflag:$0x1] =	stream.linear.gather [hbm4b:s19+s2], $0x2800, $0x38;
	[tilespmem:$0x1EA00] =	vst v63  }
0x2d: {  	_ =	swait.ge [sflag:s5], $0x2800  }
0x2e: {  	[sflag:s5] =	ssyncset.done $0x0  }
0x2f: {  	s20 =	rddreg [dreg:$0x6];
	[sflag:s5] =	ssyncadd.s32 $0xFFFFD800  }
0x30: {  	[tilespmem:s26], [sflag:$0x1] =	stream.linear.gather [hbm4b:s20+s2], $0x2800, $0x38;
	[tilespmem:$0x1EA00] =	vst v63  }
0x31: {  	_ =	swait.ge [sflag:s5], $0x2800  }
0x32: {  	[sflag:s5] =	ssyncset.done $0x0  }
0x33: {  	s17 =	simm.s32 $0x40;
	s18 =	simm.s32 $0x0;
	[sflag:s5] =	ssyncadd.s32 $0xFFFFD800  }
.LBB2_2:
0x34: {  	p0 =	sne.s32 s17, $0x9FC0;
	[tilespmem:s18+$0xA000] =	vst v0;
	s18 =	smov.u32 s17;
	s17 =	sadd.s32 $0x40, s17  }
.Ltmp0:
0x35: {  	(pc) =	sbr.rel @p0 .LBB2_2-.Ltmp0, $2  }
0x36: {  	_ =	sdelay $0x2  }
0x37: {  	s18 =	sshra.s32 s18, $0x2  }
0x38: {  	[tilespmem:s18+$0xA000] =	vst v0;
	s17 =	simm.s32 $0x40;
	s18 =	simm.s32 $0x0  }
.LBB2_4:
0x39: {  	p0 =	sne.s32 s17, $0x9FC0;
	[tilespmem:s18+$0xC800] =	vst v0;
	s18 =	smov.u32 s17;
	s17 =	sadd.s32 $0x40, s17  }
.Ltmp1:
0x3a: {  	(pc) =	sbr.rel @p0 .LBB2_4-.Ltmp1, $2  }
0x3b: {  	_ =	sdelay $0x2  }
0x3c: {  	s18 =	sshra.s32 s18, $0x2  }
0x3d: {  	[tilespmem:s18+$0xC800] =	vst v0;
	s17 =	simm.s32 $0x40;
	s18 =	simm.s32 $0x0  }
.LBB2_6:
0x3e: {  	p0 =	sne.s32 s17, $0x9FC0;
	[tilespmem:s18+$0xF000] =	vst v0;
	s18 =	smov.u32 s17;
	s17 =	sadd.s32 $0x40, s17  }
.Ltmp2:
0x3f: {  	(pc) =	sbr.rel @p0 .LBB2_6-.Ltmp2, $2  }
0x40: {  	_ =	sdelay $0x2  }
0x41: {  	s18 =	sshra.s32 s18, $0x2  }
0x42: {  	[tilespmem:s18+$0xF000] =	vst v0;
	s17 =	simm.s32 $0x40;
	s18 =	simm.s32 $0x0  }
.LBB2_8:
0x43: {  	p0 =	sne.s32 s17, $0x9FC0;
	[tilespmem:s18+$0x11800] =	vst v0;
	s18 =	smov.u32 s17;
	s17 =	sadd.s32 $0x40, s17  }
.Ltmp3:
0x44: {  	(pc) =	sbr.rel @p0 .LBB2_8-.Ltmp3, $2  }
0x45: {  	_ =	sdelay $0x2  }
0x46: {  	s18 =	sshra.s32 s18, $0x2  }
0x47: {  	[tilespmem:s18+$0x11800] =	vst v0;
	s17 =	simm.s32 $0x40;
	s18 =	simm.s32 $0x0  }
.LBB2_10:
0x48: {  	p0 =	sne.s32 s17, $0x9FC0;
	[tilespmem:s18+$0x14000] =	vst v0;
	s18 =	smov.u32 s17;
	s17 =	sadd.s32 $0x40, s17  }
.Ltmp4:
0x49: {  	(pc) =	sbr.rel @p0 .LBB2_10-.Ltmp4, $2  }
0x4a: {  	_ =	sdelay $0x2  }
0x4b: {  	s18 =	sshra.s32 s18, $0x2  }
0x4c: {  	[tilespmem:s18+$0x14000] =	vst v0;
	s17 =	simm.s32 $0x0;
	s18 =	simm.s32 $0x40;
	s19 =	simm.s32 $0x0  }
.LBB2_12:
0x4d: {  	p0 =	sne.s32 s18, $0x9FC0;
	[tilespmem:s19+$0x16800] =	vst v0;
	s19 =	smov.u32 s18;
	s18 =	sadd.s32 $0x40, s18  }
.Ltmp5:
0x4e: {  	(pc) =	sbr.rel @p0 .LBB2_12-.Ltmp5, $2  }
0x4f: {  	_ =	sdelay $0x2  }
0x50: {  	s19 =	sshra.s32 s19, $0x2  }
0x51: {  	[tilespmem:s19+$0x16800] =	vst v0  }
.LBB2_14:
0x52: {  	s18 =	smul.u32 $0xA00, s17;
	_ =	sdelay $0x1  }
0x53: {  	s19 =	sshrl.u32 s18, $0x3  }
0x54: {  	s20 =	sadd.s32 s6, s19  }
0x55: {  	[tilespmem:s28], [sflag:$0x1] =	stream.linear.gather [hbm4b:s20+s21], $0xA00, $0x38;
	[tilespmem:$0x1EA00] =	vst v63  }
0x56: {  	_ =	swait.ge [sflag:s5], $0xA00  }
0x57: {  	[sflag:s5] =	ssyncset.done $0x0  }
0x58: {  	s19 =	sadd.s32 s7, s19;
	[sflag:s5] =	ssyncadd.s32 $0xFFFFF600  }
0x59: {  	[tilespmem:s29], [sflag:$0x1] =	stream.linear.gather [hbm4b:s19+s21], $0xA00, $0x38;
	[tilespmem:$0x1EA00] =	vst v63  }
0x5a: {  	s20 =	sadd.s32 s10, s18;
	_ =	swait.ge [sflag:s5], $0xA00  }
0x5b: {  	s19 =	sshrl.u32 s20, $0x3;
	[sflag:s5] =	ssyncset.done $0x0  }
0x5c: {  	s19 =	sadd.s32 s4, s19;
	[sflag:s5] =	ssyncadd.s32 $0xFFFFF600  }
0x5d: {  	[tilespmem:s30], [sflag:$0x1] =	stream.linear.gather [hbm4b:s19+s21], $0xA00, $0x38;
	[tilespmem:$0x1EA00] =	vst v63  }
0x5e: {  	s20 =	sadd.s32 s12, s18;
	_ =	swait.ge [sflag:s5], $0xA00  }
0x5f: {  	s19 =	sshrl.u32 s20, $0x3;
	[sflag:s5] =	ssyncset.done $0x0  }
0x60: {  	s19 =	sadd.s32 s3, s19;
	[sflag:s5] =	ssyncadd.s32 $0xFFFFF600  }
0x61: {  	[tilespmem:s31], [sflag:$0x1] =	stream.linear.gather [hbm4b:s19+s21], $0xA00, $0x38;
	[tilespmem:$0x1EA00] =	vst v63  }
0x62: {  	s18 =	sadd.s32 s15, s18;
	_ =	swait.ge [sflag:s5], $0xA00  }
0x63: {  	s18 =	sshrl.u32 s18, $0x3;
	[sflag:s5] =	ssyncset.done $0x0  }
0x64: {  	s18 =	sadd.s32 s3, s18;
	[sflag:s5] =	ssyncadd.s32 $0xFFFFF600  }
0x65: {  	[tilespmem:s1], [sflag:$0x1] =	stream.linear.gather [hbm4b:s18+s21], $0xA00, $0x38;
	[tilespmem:$0x1EA00] =	vst v63  }
0x66: {  	_ =	swait.ge [sflag:s5], $0xA00  }
0x67: {  	[sflag:s5] =	ssyncset.done $0x0  }
0x68: {  	s20 =	simm.s32 $0x0;
	[sflag:s5] =	ssyncadd.s32 $0xFFFFF600  }
0x69: {  	v1 =	vld [tilespmem:s20+$0x1C200];
	_ =	sdelay $0x1  }
0x6a: {  	v2 =	vld [tilespmem:s20+$0x1B800];
	_ =	sdelay $0x4  }
0x6b: {  	v4 =	vld [tilespmem:s20+$0x1CC00]  }
0x6c: {  	v3 =	vld.idx.msk [tilespmem:v1+s26+$0x0], $0xffff;
	_ =	sdelay $0x1  }
0x6d: {  	v5 =	vld.idx.msk [tilespmem:v2+s2+$0x0], $0xffff;
	_ =	sdelay $0x2  }
0x6e: {  	v3 =	vmul.f32 v3, v4;
	_ =	sdelay $0x1  }
0x6f: {  	v4 =	vmul.f32 v5, v3;
	_ =	sdelay $0x1  }
0x70: {  	[tilespmem:v1+s0+$0x0] =	vst.idx.add.f32.msk $0xffff, v4  }
0x71: {  	v4 =	vld.idx.msk [tilespmem:v2+s23+$0x0], $0xffff;
	_ =	sdelay $0x4  }
0x72: {  	v4 =	vmul.f32 v4, v3;
	_ =	sdelay $0x1  }
0x73: {  	[tilespmem:v1+s8+$0x0] =	vst.idx.add.f32.msk $0xffff, v4  }
0x74: {  	v4 =	vld.idx.msk [tilespmem:v2+s24+$0x0], $0xffff;
	_ =	sdelay $0x4  }
0x75: {  	v4 =	vmul.f32 v4, v3;
	_ =	sdelay $0x1  }
0x76: {  	[tilespmem:v1+s9+$0x0] =	vst.idx.add.f32.msk $0xffff, v4  }
0x77: {  	v2 =	vld.idx.msk [tilespmem:v2+s25+$0x0], $0xffff;
	_ =	sdelay $0x4  }
0x78: {  	v2 =	vmul.f32 v2, v3;
	_ =	sdelay $0x1  }
0x79: {  	[tilespmem:v1+s11+$0x0] =	vst.idx.add.f32.msk $0xffff, v2  }
0x7a: {  	v2 =	vld [tilespmem:s20+$0x1D600];
	_ =	sdelay $0x4  }
0x7b: {  	v2 =	vmul.f32 v2, v3;
	_ =	sdelay $0x1  }
0x7c: {  	[tilespmem:v1+s13+$0x0] =	vst.idx.add.f32.msk $0xffff, v2  }
0x7d: {  	v2 =	vld [tilespmem:s20+$0x1E000];
	_ =	sdelay $0x4  }
0x7e: {  	s19 =	simm.s32 $0x80;
	s18 =	simm.s32 $0x40;
	v2 =	vmul.f32 v2, v3  }
.LBB2_15:
0x7f: {  	p0 =	sne.s32 s19, $0x27C0  }
0x80: {  	s20 =	sshra.s32 s18, $0x2;
	s18 =	smov.u32 s19;
	s19 =	sadd.s32 $0x40, s19;
	[tilespmem:v1+s14+$0x0] =	vst.idx.add.f32.msk $0xffff, v2  }
0x81: {  	v1 =	vld [tilespmem:s20+$0x1C200];
	_ =	sdelay $0x1  }
0x82: {  	v2 =	vld [tilespmem:s20+$0x1B800];
	_ =	sdelay $0x5  }
0x83: {  	v3 =	vld.idx.msk [tilespmem:v1+s26+$0x0], $0xffff  }
0x84: {  	v4 =	vld [tilespmem:s20+$0x1CC00]  }
0x85: {  	v5 =	vld.idx.msk [tilespmem:v2+s2+$0x0], $0xffff;
	_ =	sdelay $0x3  }
0x86: {  	v3 =	vmul.f32 v3, v4;
	_ =	sdelay $0x1  }
0x87: {  	v4 =	vmul.f32 v5, v3;
	_ =	sdelay $0x1  }
0x88: {  	[tilespmem:v1+s0+$0x0] =	vst.idx.add.f32.msk $0xffff, v4  }
0x89: {  	v4 =	vld.idx.msk [tilespmem:v2+s23+$0x0], $0xffff;
	_ =	sdelay $0x5  }
0x8a: {  	v4 =	vmul.f32 v4, v3;
	_ =	sdelay $0x1  }
0x8b: {  	[tilespmem:v1+s8+$0x0] =	vst.idx.add.f32.msk $0xffff, v4  }
0x8c: {  	v4 =	vld.idx.msk [tilespmem:v2+s24+$0x0], $0xffff;
	_ =	sdelay $0x5  }
0x8d: {  	v4 =	vmul.f32 v4, v3;
	_ =	sdelay $0x1  }
0x8e: {  	[tilespmem:v1+s9+$0x0] =	vst.idx.add.f32.msk $0xffff, v4  }
0x8f: {  	v2 =	vld.idx.msk [tilespmem:v2+s25+$0x0], $0xffff;
	_ =	sdelay $0x5  }
0x90: {  	v2 =	vmul.f32 v2, v3;
	_ =	sdelay $0x1  }
0x91: {  	[tilespmem:v1+s11+$0x0] =	vst.idx.add.f32.msk $0xffff, v2  }
0x92: {  	v2 =	vld [tilespmem:s20+$0x1D600];
	_ =	sdelay $0x4  }
0x93: {  	v2 =	vmul.f32 v2, v3;
	_ =	sdelay $0x1  }
0x94: {  	[tilespmem:v1+s13+$0x0] =	vst.idx.add.f32.msk $0xffff, v2  }
0x95: {  	v2 =	vld [tilespmem:s20+$0x1E000]  }
.Ltmp6:
0x96: {  	(pc) =	sbr.rel @p0 .LBB2_15-.Ltmp6, $2  }
0x97: {  	_ =	sdelay $0x2  }
0x98: {  	v2 =	vmul.f32 v2, v3  }
0x99: {  	_ =	sdelay $0x3  }
0x9a: {  	s18 =	sshra.s32 s18, $0x2;
	[tilespmem:v1+s14+$0x0] =	vst.idx.add.f32.msk $0xffff, v2  }
0x9b: {  	v1 =	vld [tilespmem:s18+$0x1C200];
	_ =	sdelay $0x1  }
0x9c: {  	v2 =	vld [tilespmem:s18+$0x1B800];
	_ =	sdelay $0x4  }
0x9d: {  	v4 =	vld [tilespmem:s18+$0x1CC00]  }
0x9e: {  	v3 =	vld.idx.msk [tilespmem:v1+s26+$0x0], $0xffff;
	_ =	sdelay $0x1  }
0x9f: {  	v5 =	vld.idx.msk [tilespmem:v2+s2+$0x0], $0xffff;
	_ =	sdelay $0x2  }
0xa0: {  	v3 =	vmul.f32 v3, v4;
	_ =	sdelay $0x1  }
0xa1: {  	v4 =	vmul.f32 v5, v3;
	_ =	sdelay $0x1  }
0xa2: {  	[tilespmem:v1+s0+$0x0] =	vst.idx.add.f32.msk $0xffff, v4  }
0xa3: {  	v4 =	vld.idx.msk [tilespmem:v2+s23+$0x0], $0xffff;
	_ =	sdelay $0x4  }
0xa4: {  	v4 =	vmul.f32 v4, v3;
	_ =	sdelay $0x1  }
0xa5: {  	[tilespmem:v1+s8+$0x0] =	vst.idx.add.f32.msk $0xffff, v4  }
0xa6: {  	v4 =	vld.idx.msk [tilespmem:v2+s24+$0x0], $0xffff;
	_ =	sdelay $0x4  }
0xa7: {  	v4 =	vmul.f32 v4, v3;
	_ =	sdelay $0x1  }
0xa8: {  	[tilespmem:v1+s9+$0x0] =	vst.idx.add.f32.msk $0xffff, v4  }
0xa9: {  	v2 =	vld.idx.msk [tilespmem:v2+s25+$0x0], $0xffff;
	_ =	sdelay $0x4  }
0xaa: {  	v2 =	vmul.f32 v2, v3;
	_ =	sdelay $0x1  }
0xab: {  	[tilespmem:v1+s11+$0x0] =	vst.idx.add.f32.msk $0xffff, v2  }
0xac: {  	v2 =	vld [tilespmem:s18+$0x1D600];
	_ =	sdelay $0x4  }
0xad: {  	v2 =	vmul.f32 v2, v3;
	_ =	sdelay $0x1  }
0xae: {  	[tilespmem:v1+s13+$0x0] =	vst.idx.add.f32.msk $0xffff, v2  }
0xaf: {  	v2 =	vld [tilespmem:s18+$0x1E000]  }
0xb0: {  	s17 =	sadd.s32 $0x1, s17  }
0xb1: {  	p0 =	sne.s32 s17, $0x7D  }
.Ltmp7:
0xb2: {  	_ = 	snop;
	(pc) =	sbr.rel @p0 .LBB2_14-.Ltmp7, $3  }
0xb3: {  	_ = 	snop  }
0xb4: {  	v2 =	vmul.f32 v2, v3;
	_ =	sdelay $0x1  }
0xb5: {  	[tilespmem:v1+s14+$0x0] =	vst.idx.add.f32.msk $0xffff, v2  }
0xb6: {  	s17 =	rddreg [dreg:$0x7]  }
0xb7: {  	[hbm4b:s17+s2] =	stream.linear.scatter [tilespmem:s0], [sflag:$0x1], $0x2800, $0x38;
	[tilespmem:$0x1EA00] =	vst v63  }
0xb8: {  	_ =	swait.ge [sflag:s5], $0x2800  }
0xb9: {  	[sflag:s5] =	ssyncset.done $0x0  }
0xba: {  	s19 =	rddreg [dreg:$0x8];
	[sflag:s5] =	ssyncadd.s32 $0xFFFFD800  }
0xbb: {  	[hbm4b:s19+s2] =	stream.linear.scatter [tilespmem:s8], [sflag:$0x1], $0x2800, $0x38;
	[tilespmem:$0x1EA00] =	vst v63  }
0xbc: {  	_ =	swait.ge [sflag:s5], $0x2800  }
0xbd: {  	[sflag:s5] =	ssyncset.done $0x0  }
0xbe: {  	s20 =	rddreg [dreg:$0x9];
	[sflag:s5] =	ssyncadd.s32 $0xFFFFD800  }
0xbf: {  	[hbm4b:s20+s2] =	stream.linear.scatter [tilespmem:s9], [sflag:$0x1], $0x2800, $0x38;
	[tilespmem:$0x1EA00] =	vst v63  }
0xc0: {  	_ =	swait.ge [sflag:s5], $0x2800  }
0xc1: {  	[sflag:s5] =	ssyncset.done $0x0  }
0xc2: {  	s18 =	rddreg [dreg:$0xa];
	[sflag:s5] =	ssyncadd.s32 $0xFFFFD800  }
0xc3: {  	[hbm4b:s18+s2] =	stream.linear.scatter [tilespmem:s11], [sflag:$0x1], $0x2800, $0x38;
	[tilespmem:$0x1EA00] =	vst v63  }
0xc4: {  	_ =	swait.ge [sflag:s5], $0x2800  }
0xc5: {  	[sflag:s5] =	ssyncset.done $0x0  }
0xc6: {  	s19 =	rddreg [dreg:$0xb];
	[sflag:s5] =	ssyncadd.s32 $0xFFFFD800  }
0xc7: {  	[hbm4b:s19+s2] =	stream.linear.scatter [tilespmem:s13], [sflag:$0x1], $0x2800, $0x38;
	[tilespmem:$0x1EA00] =	vst v63  }
0xc8: {  	s16 =	sadd.s32 $0x1, s16;
	_ =	swait.ge [sflag:s5], $0x2800  }
0xc9: {  	p0 =	sne.s32 s16, s22;
	[sflag:s5] =	ssyncset.done $0x0  }
.Ltmp8:
0xca: {  	s20 =	rddreg [dreg:$0xc];
	[sflag:s5] =	ssyncadd.s32 $0xFFFFD800;
	(pc) =	sbr.rel @p0 .LBB2_1-.Ltmp8, $4  }
0xcb: {  	[hbm4b:s20+s2] =	stream.linear.scatter [tilespmem:s14], [sflag:$0x1], $0x2800, $0x38;
	[tilespmem:$0x1EA00] =	vst v63  }
0xcc: {  	_ =	swait.ge [sflag:s5], $0x2800  }
0xcd: {  	[sflag:s5] =	ssyncset.done $0x0  }
0xce: {  	[sflag:s5] =	ssyncadd.s32 $0xFFFFD800  }
0xcf: {  	_ =	sfence.sel $0x180000  }
0xd0: {  	[bflag:$0x0] =	sbarrier.arrive $0xFFFF  }
0xd1: {  	_ =	strace $0x90000056  }
0xd2: {  	s0 =	stileid.u32;
	[bflag:$0x2] =	sbarrier.arrive $0xFFFF  }
0xd3: {  	p0 =	sne.s32 s0, $0x0;
	s0 =	rddreg [dreg:$0x1]  }
0xd4: {  	s0 =	sadd.s32 @!p0 $0x100000, s0  }
0xd5: {  	[sflag:s0] =	ssyncadd.tile.s32 @!p0 $0x1;
	_ =	shalt  }
.Lfunc_end2:
_tile_overlayer_lowered:
.L_overlay_start_2:
0xd6: {  	(tag) =	ssettag $0x2  }
0xd7: {  	s0 =	rddreg [dreg:$0x0];
	s2 =	stileid.u32  }
0xd8: {  	s1 =	rddreg [dreg:$0x1];
	p0 =	sne.s32 s2, $0x0  }
0xd9: {  	s3 =	rddreg [dreg:$0x2];
	[bflag:$0x3] =	sbarrier.arrive $0xFFFF;
	s2 =	simm.s32 @!p0 $0x1C01  }
0xda: {  	[timem:s3], [sflag:s2] =	dma.local @!p0 [hbm:s0], s1  }
0xdb: {  	s0 =	simm.s32 @!p0 $0x1  }
0xdc: {  	_ =	swait.ge @!p0 [sflag:s0], s1  }
0xdd: {  	s1 =	ssub.s32 @!p0 $0x0, s1;
	[sflag:s0] =	ssyncset.done @!p0 $0x0  }
0xde: {  	[sflag:s0] =	ssyncadd.s32 @!p0 s1  }
0xdf: {  	[bflag:$0x3] =	sbarrier.arrive $0xFFFF  }
0xe0: {  	_ =	shalt  }

</sc_bundles>
